<compile_context>
chip_gen: v7x
topology: tpu7x:2x2x1
jax: 0.10.2.dev20260603
libtpu: 0.0.44.dev20260713+nightly
codegen_flags: <defaults>
</compile_context>

<pallas_src>
import dataclasses
import functools

import jax
import jax.numpy as jnp
from jax import lax
from jax.experimental import pallas as pl
from jax.experimental.pallas import tpu as pltpu
from jax.experimental.pallas import tpu_sc as plsc

N = 10000
E = 320000
HP = 256
QN = 80
BM = 1000
NT = 16
CHUNK = 128
NGRP = 5
GCHUNK = 32
NCHUNK = NGRP * GCHUNK
EPT_PAD = NCHUNK * CHUNK
ZROWS = 632
NROWS_PAD = NT * ZROWS
OPT = 624


def _sc_compiler_params():
    cp = pltpu.CompilerParams()
    if "needs_layout_passes" in pltpu.CompilerParams.__dataclass_fields__:
        cp = dataclasses.replace(cp, needs_layout_passes=False)
    return cp



def _prep_body(x_ref, w_ref, cnt_ref, u_ref, hw_ref):
    hw = jnp.dot(x_ref[...], w_ref[...], preferred_element_type=jnp.float32)
    dinv = lax.rsqrt(jnp.maximum(cnt_ref[...] + 1.0, 1.0))
    u_ref[0] = hw * dinv
    hw_ref[...] = hw


def _prep(x, w1p, cnt_col):
    return pl.pallas_call(
        _prep_body,
        grid=(N // BM, 2),
        in_specs=[
            pl.BlockSpec((BM, 128), lambda i, j: (i, 0)),
            pl.BlockSpec((128, 128), lambda i, j: (0, j)),
            pl.BlockSpec((BM, 1), lambda i, j: (i, 0)),
        ],
        out_specs=[
            pl.BlockSpec((1, BM, 128), lambda i, j: (j, i, 0)),
            pl.BlockSpec((BM, 128), lambda i, j: (i, j)),
        ],
        out_shape=[
            jax.ShapeDtypeStruct((2, N, 128), jnp.float32),
            jax.ShapeDtypeStruct((N, HP), jnp.float32),
        ],
    )(x, w1p, cnt_col)


def _mid_body(part_ref, hw_ref, cnt_ref, b_ref, w2_ref, u2_ref, hw2_ref):
    dinv = lax.rsqrt(jnp.maximum(cnt_ref[...] + 1.0, 1.0))
    agg = jnp.concatenate([part_ref[0], part_ref[1]], axis=1)
    h = jax.nn.relu(dinv * agg + (dinv * dinv) * hw_ref[...] + b_ref[...])
    hw2 = jnp.dot(h, w2_ref[...], preferred_element_type=jnp.float32)
    u2_ref[0] = hw2 * dinv
    hw2_ref[...] = hw2


def _mid(part, hw1, cnt_col, b1p, w2p):
    return pl.pallas_call(
        _mid_body,
        grid=(N // BM, 2),
        in_specs=[
            pl.BlockSpec((2, BM, 128), lambda i, j: (0, i, 0)),
            pl.BlockSpec((BM, HP), lambda i, j: (i, 0)),
            pl.BlockSpec((BM, 1), lambda i, j: (i, 0)),
            pl.BlockSpec((1, HP), lambda i, j: (0, 0)),
            pl.BlockSpec((HP, 128), lambda i, j: (0, j)),
        ],
        out_specs=[
            pl.BlockSpec((1, BM, 128), lambda i, j: (j, i, 0)),
            pl.BlockSpec((BM, 128), lambda i, j: (i, j)),
        ],
        out_shape=[
            jax.ShapeDtypeStruct((2, N, 128), jnp.float32),
            jax.ShapeDtypeStruct((N, HP), jnp.float32),
        ],
    )(part, hw1, cnt_col, b1p, w2p)


def _final_body(part_ref, hw_ref, cnt_ref, b_ref, wl_ref, bl_ref, out_ref):
    i = pl.program_id(0)
    dinv = lax.rsqrt(jnp.maximum(cnt_ref[...] + 1.0, 1.0))
    agg = jnp.concatenate([part_ref[0], part_ref[1]], axis=1)
    h = jax.nn.relu(dinv * agg + (dinv * dinv) * hw_ref[...] + b_ref[...])
    drug = jnp.dot(h, wl_ref[...], preferred_element_type=jnp.float32)
    s = jnp.sum(drug, axis=0, keepdims=True) * (1.0 / N)

    @pl.when(i == 0)
    def _():
        out_ref[...] = bl_ref[...] + s

    @pl.when(i > 0)
    def _():
        out_ref[...] += s


def _final(part, hw2, cnt_col, b2p, wlp, bl_row):
    return pl.pallas_call(
        _final_body,
        grid=(N // BM,),
        in_specs=[
            pl.BlockSpec((2, BM, 128), lambda i: (0, i, 0)),
            pl.BlockSpec((BM, HP), lambda i: (i, 0)),
            pl.BlockSpec((BM, 1), lambda i: (i, 0)),
            pl.BlockSpec((1, HP), lambda i: (0, 0)),
            pl.BlockSpec((HP, 128), lambda i: (0, 0)),
            pl.BlockSpec((1, 128), lambda i: (0, 0)),
        ],
        out_specs=pl.BlockSpec((1, 128), lambda i: (0, 0)),
        out_shape=jax.ShapeDtypeStruct((1, 128), jnp.float32),
    )(part, hw2, cnt_col, b2p, wlp, bl_row)



def _sc_hist(dstidx, rowids, zrows):
    mesh = plsc.VectorSubcoreMesh(core_axis_name="c", subcore_axis_name="s")
    hchunk = NCHUNK // 2

    @functools.partial(
        pl.kernel,
        out_type=jax.ShapeDtypeStruct((2, QN, 128), jnp.float32),
        mesh=mesh,
        compiler_params=_sc_compiler_params(),
        scratch_types=[
            pltpu.VMEM((hchunk, CHUNK), jnp.int32),
            pltpu.VMEM((QN, 128), jnp.float32),
            pltpu.VMEM((1, QN), jnp.int32),
            pltpu.VMEM_SHARED((QN, 128), jnp.float32),
            pltpu.SemaphoreType.DMA,
        ],
    )
    def k(dst_hbm, row_hbm, z_hbm, out_hbm, dstv, lh, rids, sh, sem):
        c = lax.axis_index("c")
        s = lax.axis_index("s")
        ones = jnp.ones((16,), jnp.float32)

        @pl.loop(0, QN)
        def _(i):
            for kk in range(8):
                lh[i, pl.ds(16 * kk, 16)] = jnp.zeros((16,), jnp.float32)

        tile = c * 8 + s // 2
        half = s % 2
        pltpu.sync_copy(dst_hbm.at[tile, pl.ds(half * hchunk, hchunk)], dstv)
        pltpu.sync_copy(row_hbm, rids)

        @pl.when(s == 0)
        def _():
            pltpu.sync_copy(z_hbm.at[pl.ds(0, QN)], sh)

        @pl.loop(0, hchunk)
        def _(t):
            for kk in range(8):
                idx = dstv[t, pl.ds(16 * kk, 16)]
                plsc.addupdate_scatter(lh, [idx >> 7, idx & 127], ones)

        plsc.subcore_barrier()
        pltpu.sync_copy(lh, sh.at[rids.at[0]], add=True)
        plsc.subcore_barrier()

        @pl.when(s == 0)
        def _():
            pltpu.sync_copy(sh, out_hbm.at[c])

    return k(dstidx, rowids, zrows)



def _sc_agg(u2d, srcidx, dstidx, zrows):
    mesh = plsc.VectorSubcoreMesh(core_axis_name="c", subcore_axis_name="s")

    @functools.partial(
        pl.kernel,
        out_type=jax.ShapeDtypeStruct((2, N, 128), jnp.float32),
        mesh=mesh,
        compiler_params=_sc_compiler_params(),
        scratch_types=[
            pltpu.VMEM((GCHUNK, CHUNK), jnp.int32),
            pltpu.VMEM((GCHUNK, CHUNK), jnp.int32),
            pltpu.VMEM((GCHUNK, CHUNK), jnp.int32),
            pltpu.VMEM((GCHUNK, CHUNK), jnp.int32),
            pltpu.VMEM((CHUNK, 128), jnp.float32),
            pltpu.VMEM((CHUNK, 128), jnp.float32),
            pltpu.VMEM_SHARED((NROWS_PAD, 128), jnp.float32),
            pltpu.SemaphoreType.DMA,
            pltpu.SemaphoreType.DMA,
            pltpu.SemaphoreType.DMA,
        ],
    )
    def k(u_hbm, src_hbm, dst_hbm, z_hbm, out_hbm,
          srcv0, dstv0, srcv1, dstv1, buf0, buf1, acc, sem0, sem1, isem):
        c = lax.axis_index("c")
        s = lax.axis_index("s")
        pltpu.sync_copy(z_hbm, acc.at[pl.ds(s * ZROWS, ZROWS)])
        plsc.subcore_barrier()
        uc = u_hbm.at[c]

        sv = [srcv0, srcv1]
        dv = [dstv0, dstv1]
        pltpu.sync_copy(src_hbm.at[s, pl.ds(0, GCHUNK)], srcv0)
        pltpu.sync_copy(dst_hbm.at[s, pl.ds(0, GCHUNK)], dstv0)

        for g in range(NGRP):
            srcv = sv[g % 2]
            dstv = dv[g % 2]
            if g + 1 < NGRP:
                pltpu.async_copy(
                    src_hbm.at[s, pl.ds((g + 1) * GCHUNK, GCHUNK)],
                    sv[(g + 1) % 2], isem)
                pltpu.async_copy(
                    dst_hbm.at[s, pl.ds((g + 1) * GCHUNK, GCHUNK)],
                    dv[(g + 1) % 2], isem)

            pltpu.async_copy(uc.at[srcv.at[0]], buf0, sem0)

            @pl.loop(0, GCHUNK, step=2)
            def _(t):
                pltpu.async_copy(uc.at[srcv.at[t + 1]], buf1, sem1)
                pltpu.make_async_copy(uc.at[srcv.at[t]], buf0, sem0).wait()
                pltpu.sync_copy(buf0, acc.at[dstv.at[t]], add=True)

                @pl.when(t + 2 < GCHUNK)
                def _():
                    pltpu.async_copy(uc.at[srcv.at[t + 2]], buf0, sem0)

                pltpu.make_async_copy(uc.at[srcv.at[t + 1]], buf1, sem1).wait()
                pltpu.sync_copy(buf1, acc.at[dstv.at[t + 1]], add=True)

            if g + 1 < NGRP:
                pltpu.make_async_copy(
                    src_hbm.at[s, pl.ds((g + 1) * GCHUNK, GCHUNK)],
                    sv[(g + 1) % 2], isem).wait()
                pltpu.make_async_copy(
                    dst_hbm.at[s, pl.ds((g + 1) * GCHUNK, GCHUNK)],
                    dv[(g + 1) % 2], isem).wait()

        plsc.subcore_barrier()
        pltpu.sync_copy(acc.at[pl.ds(s * OPT, OPT)],
                        out_hbm.at[c].at[pl.ds(s * OPT, OPT)])

        @pl.when(s == 0)
        def _():
            pltpu.sync_copy(acc.at[pl.ds(NT * OPT, N - NT * OPT)],
                            out_hbm.at[c].at[pl.ds(NT * OPT, N - NT * OPT)])

    return k(u2d, srcidx, dstidx, zrows)



def kernel(train_cll, x, edge_index, W1, b1, W2, b2, Wl, bl):
    f32 = jnp.float32
    src = edge_index[0]
    dst = edge_index[1]

    pad = EPT_PAD * NT - E
    src_p = jnp.concatenate([src, jnp.zeros((pad,), jnp.int32)])
    dst_p = jnp.concatenate([dst, jnp.full((pad,), N, jnp.int32)])
    srcidx = src_p.reshape(NT, NCHUNK, CHUNK)
    dstidx = dst_p.reshape(NT, NCHUNK, CHUNK)
    zrows = jnp.zeros((ZROWS, 128), f32)
    rowids = jnp.arange(QN, dtype=jnp.int32).reshape(1, QN)

    w1p = jnp.zeros((128, HP), f32).at[:, :200].set(W1)
    w2p = jnp.zeros((HP, HP), f32).at[:200, :200].set(W2)
    wlp = jnp.zeros((HP, 128), f32).at[:200, :].set(Wl)
    b1p = jnp.zeros((1, HP), f32).at[0, :200].set(b1)
    b2p = jnp.zeros((1, HP), f32).at[0, :200].set(b2)
    bl_row = bl.reshape(1, 128)

    cnt2 = _sc_hist(dstidx, rowids, zrows)
    cnt_col = (cnt2[0] + cnt2[1]).reshape(QN * 128)[:N].reshape(N, 1)

    u1, hw1 = _prep(x, w1p, cnt_col)
    part1 = _sc_agg(u1, srcidx, dstidx, zrows)

    u2, hw2 = _mid(part1, hw1, cnt_col, b1p, w2p)
    part2 = _sc_agg(u2, srcidx, dstidx, zrows)

    pooled = _final(part2, hw2, cnt_col, b2p, wlp, bl_row)

    return jnp.concatenate([train_cll, pooled], axis=1)

# --- scband reference (transcript-rebuilt; emitter-appended) ---
"""Pipeline reference for scband-gcnmol-45878840655958 (READ-ONLY COPY).

The authoritative reference and input builder live on the scoring server;
editing this copy changes nothing except your own understanding.
"""

import jax, jax.numpy as jnp
import numpy as np

N = 10000
E = 320000
D_DRUG = 128
D_CLL = 1024
HID = 200
LAST = 128


def setup_inputs(seed: int = 0) -> dict:
    key = jax.random.key(seed)
    ks = jax.random.split(key, 10)
    x = jax.random.normal(ks[0], (N, D_DRUG), dtype=jnp.float32)
    train_cll = jax.random.normal(ks[1], (1, D_CLL), dtype=jnp.float32)
    edge_index = jax.random.randint(ks[2], (2, E), 0, N, dtype=jnp.int32)
    W1 = jax.random.normal(ks[3], (D_DRUG, HID), dtype=jnp.float32) * (1.0 / np.sqrt(D_DRUG))
    b1 = jnp.zeros((HID,), dtype=jnp.float32)
    W2 = jax.random.normal(ks[4], (HID, HID), dtype=jnp.float32) * (1.0 / np.sqrt(HID))
    b2 = jnp.zeros((HID,), dtype=jnp.float32)
    Wl = jax.random.normal(ks[5], (HID, LAST), dtype=jnp.float32) * (1.0 / np.sqrt(HID))
    bl = jnp.zeros((LAST,), dtype=jnp.float32)
    return {"train_cll": train_cll, "x": x, "edge_index": edge_index,
            "W1": W1, "b1": b1, "W2": W2, "b2": b2, "Wl": Wl, "bl": bl}


def _gcn_conv(h, src, dst, dinv, W, b, n):
    # PyG GCNConv (default symmetric normalization, self-loops already in src/dst)
    hw = h @ W
    norm = dinv[src] * dinv[dst]
    msg = hw[src] * norm[:, None]
    out = jax.ops.segment_sum(msg, dst, num_segments=n)
    return out + b


def reference(train_cll, x, edge_index, W1, b1, W2, b2, Wl, bl):
    loop = jnp.arange(N, dtype=edge_index.dtype)
    src = jnp.concatenate([edge_index[0], loop])
    dst = jnp.concatenate([edge_index[1], loop])
    deg = jax.ops.segment_sum(jnp.ones_like(dst, dtype=jnp.float32), dst, num_segments=N)
    dinv = jax.lax.rsqrt(jnp.clip(deg, 1.0))
    h = jax.nn.relu(_gcn_conv(x, src, dst, dinv, W1, b1, N))
    h = jax.nn.relu(_gcn_conv(h, src, dst, dinv, W2, b2, N))
    drug = h @ Wl + bl
    drug_pooled = jnp.mean(drug, axis=0, keepdims=True)
    concat_data = jnp.concatenate([train_cll, drug_pooled], axis=1)
    return concat_data

if __name__ == "__main__":
    import jax
    _d = setup_inputs()
    print(jax.jit(kernel)(*tuple(_d.values())))

</pallas_src>

<mosaic_0001>
#map = affine_map<(d0, d1) -> (0, 0, 0)>
#map1 = affine_map<(d0, d1) -> (0, 0)>
module attributes {stable_mosaic.version = 14 : i64} {
  func.func @k(%arg0: i32, %arg1: i32, %arg2: memref<2x10000x128xf32, #tpu.memory_space<hbm>>, %arg3: memref<16x160x128xi32, #tpu.memory_space<hbm>>, %arg4: memref<16x160x128xi32, #tpu.memory_space<hbm>>, %arg5: memref<632x128xf32, #tpu.memory_space<hbm>>, %arg6: memref<2x10000x128xf32, #tpu.memory_space<hbm>>, %arg7: memref<32x128xi32, #tpu.memory_space<vmem>>, %arg8: memref<32x128xi32, #tpu.memory_space<vmem>>, %arg9: memref<32x128xi32, #tpu.memory_space<vmem>>, %arg10: memref<32x128xi32, #tpu.memory_space<vmem>>, %arg11: memref<128x128xf32, #tpu.memory_space<vmem>>, %arg12: memref<128x128xf32, #tpu.memory_space<vmem>>, %arg13: memref<10112x128xf32, #tpu.memory_space<vmem_shared>>, %arg14: memref<!tpu.dma_semaphore, #tpu.memory_space<semaphore_mem>>, %arg15: memref<!tpu.dma_semaphore, #tpu.memory_space<semaphore_mem>>, %arg16: memref<!tpu.dma_semaphore, #tpu.memory_space<semaphore_mem>>) attributes {dimension_semantics = [#tpu.dimension_semantics<core_parallel>, #tpu.dimension_semantics<subcore_parallel>], iteration_bounds = array<i64: 2, 16>, scalar_prefetch = 0 : i64, scratch_operands = 10 : i64, tpu.core_type = #tpu.core_type<sc_vector_subcore>, window_params = [{transform_indices = #map}, {transform_indices = #map}, {transform_indices = #map}, {transform_indices = #map1}, {transform_indices = #map}]} {
    %mul3A = arith.constant 632 : i32
    %mul3A_0 = arith.muli %arg1, %mul3A : i32
    "tpu.region"() ({
      %run_scoped3A = tpu.sem_alloc : memref<!tpu.dma_semaphore, #tpu.memory_space<semaphore_mem>>
      %dma_start3A_213 = arith.constant 0 : i32
      %dma_start3A_214 = tpu.memref_slice %arg13[%mul3A_0, %dma_start3A_213] : memref<10112x128xf32, #tpu.memory_space<vmem_shared>> -> memref<632x128xf32, #tpu.memory_space<vmem_shared>>
      tpu.enqueue_dma source(%arg5 : memref<632x128xf32, #tpu.memory_space<hbm>>) target(%dma_start3A_214 : memref<632x128xf32, #tpu.memory_space<vmem_shared>>) target_semaphore(%run_scoped3A : memref<!tpu.dma_semaphore, #tpu.memory_space<semaphore_mem>>)
      %dma_wait3A_215 = arith.constant 0 : i32
      %dma_wait3A_216 = tpu.memref_slice %arg13[%mul3A_0, %dma_wait3A_215] : memref<10112x128xf32, #tpu.memory_space<vmem_shared>> -> memref<632x128xf32, #tpu.memory_space<vmem_shared>>
      tpu.wait_dma2 semaphore(%run_scoped3A : memref<!tpu.dma_semaphore, #tpu.memory_space<semaphore_mem>>) src(%arg5 : memref<632x128xf32, #tpu.memory_space<hbm>>) dst(%dma_wait3A_216 : memref<632x128xf32, #tpu.memory_space<vmem_shared>>)
      tpu.yield
    }) : () -> ()
    %barrier3A = arith.constant 0 : index
    tpu.barrier barrier_id(%barrier3A)
    "tpu.region"() ({
      %run_scoped3A = tpu.sem_alloc : memref<!tpu.dma_semaphore, #tpu.memory_space<semaphore_mem>>
      %dma_start3A_213 = arith.constant 0 : i32
      %dma_start3A_214 = arith.constant 0 : i32
      %dma_start3A_215 = tpu.memref_slice %arg3[%arg1, %dma_start3A_213, %dma_start3A_214] : memref<16x160x128xi32, #tpu.memory_space<hbm>> -> memref<1x32x128xi32, #tpu.memory_space<hbm>>
      %dma_start3A_216 = tpu.memref_squeeze %dma_start3A_215 : memref<1x32x128xi32, #tpu.memory_space<hbm>> -> memref<32x128xi32, #tpu.memory_space<hbm>>
      %dma_start3A_217 = arith.constant 0 : i32
      %dma_start3A_218 = arith.constant 0 : i32
      %dma_start3A_219 = tpu.memref_slice %arg3[%arg1, %dma_start3A_217, %dma_start3A_218] : memref<16x160x128xi32, #tpu.memory_space<hbm>> -> memref<1x32x128xi32, #tpu.memory_space<hbm>>
      %dma_start3A_220 = tpu.memref_squeeze %dma_start3A_219 : memref<1x32x128xi32, #tpu.memory_space<hbm>> -> memref<32x128xi32, #tpu.memory_space<hbm>>
      tpu.enqueue_dma source(%dma_start3A_220 : memref<32x128xi32, #tpu.memory_space<hbm>>) target(%arg7 : memref<32x128xi32, #tpu.memory_space<vmem>>) target_semaphore(%run_scoped3A : memref<!tpu.dma_semaphore, #tpu.memory_space<semaphore_mem>>)
      %dma_wait3A_221 = arith.constant 0 : i32
      %dma_wait3A_222 = arith.constant 0 : i32
      %dma_wait3A_223 = tpu.memref_slice %arg3[%arg1, %dma_wait3A_221, %dma_wait3A_222] : memref<16x160x128xi32, #tpu.memory_space<hbm>> -> memref<1x32x128xi32, #tpu.memory_space<hbm>>
      %dma_wait3A_224 = tpu.memref_squeeze %dma_wait3A_223 : memref<1x32x128xi32, #tpu.memory_space<hbm>> -> memref<32x128xi32, #tpu.memory_space<hbm>>
      %dma_wait3A_225 = arith.constant 0 : i32
      %dma_wait3A_226 = arith.constant 0 : i32
      %dma_wait3A_227 = tpu.memref_slice %arg3[%arg1, %dma_wait3A_225, %dma_wait3A_226] : memref<16x160x128xi32, #tpu.memory_space<hbm>> -> memref<1x32x128xi32, #tpu.memory_space<hbm>>
      %dma_wait3A_228 = tpu.memref_squeeze %dma_wait3A_227 : memref<1x32x128xi32, #tpu.memory_space<hbm>> -> memref<32x128xi32, #tpu.memory_space<hbm>>
      tpu.wait_dma2 semaphore(%run_scoped3A : memref<!tpu.dma_semaphore, #tpu.memory_space<semaphore_mem>>) src(%dma_wait3A_228 : memref<32x128xi32, #tpu.memory_space<hbm>>) dst(%arg7 : memref<32x128xi32, #tpu.memory_space<vmem>>)
      tpu.yield
    }) : () -> ()
    "tpu.region"() ({
      %run_scoped3A = tpu.sem_alloc : memref<!tpu.dma_semaphore, #tpu.memory_space<semaphore_mem>>
      %dma_start3A_213 = arith.constant 0 : i32
      %dma_start3A_214 = arith.constant 0 : i32
      %dma_start3A_215 = tpu.memref_slice %arg4[%arg1, %dma_start3A_213, %dma_start3A_214] : memref<16x160x128xi32, #tpu.memory_space<hbm>> -> memref<1x32x128xi32, #tpu.memory_space<hbm>>
      %dma_start3A_216 = tpu.memref_squeeze %dma_start3A_215 : memref<1x32x128xi32, #tpu.memory_space<hbm>> -> memref<32x128xi32, #tpu.memory_space<hbm>>
      %dma_start3A_217 = arith.constant 0 : i32
      %dma_start3A_218 = arith.constant 0 : i32
      %dma_start3A_219 = tpu.memref_slice %arg4[%arg1, %dma_start3A_217, %dma_start3A_218] : memref<16x160x128xi32, #tpu.memory_space<hbm>> -> memref<1x32x128xi32, #tpu.memory_space<hbm>>
      %dma_start3A_220 = tpu.memref_squeeze %dma_start3A_219 : memref<1x32x128xi32, #tpu.memory_space<hbm>> -> memref<32x128xi32, #tpu.memory_space<hbm>>
      tpu.enqueue_dma source(%dma_start3A_220 : memref<32x128xi32, #tpu.memory_space<hbm>>) target(%arg8 : memref<32x128xi32, #tpu.memory_space<vmem>>) target_semaphore(%run_scoped3A : memref<!tpu.dma_semaphore, #tpu.memory_space<semaphore_mem>>)
      %dma_wait3A_221 = arith.constant 0 : i32
      %dma_wait3A_222 = arith.constant 0 : i32
      %dma_wait3A_223 = tpu.memref_slice %arg4[%arg1, %dma_wait3A_221, %dma_wait3A_222] : memref<16x160x128xi32, #tpu.memory_space<hbm>> -> memref<1x32x128xi32, #tpu.memory_space<hbm>>
      %dma_wait3A_224 = tpu.memref_squeeze %dma_wait3A_223 : memref<1x32x128xi32, #tpu.memory_space<hbm>> -> memref<32x128xi32, #tpu.memory_space<hbm>>
      %dma_wait3A_225 = arith.constant 0 : i32
      %dma_wait3A_226 = arith.constant 0 : i32
      %dma_wait3A_227 = tpu.memref_slice %arg4[%arg1, %dma_wait3A_225, %dma_wait3A_226] : memref<16x160x128xi32, #tpu.memory_space<hbm>> -> memref<1x32x128xi32, #tpu.memory_space<hbm>>
      %dma_wait3A_228 = tpu.memref_squeeze %dma_wait3A_227 : memref<1x32x128xi32, #tpu.memory_space<hbm>> -> memref<32x128xi32, #tpu.memory_space<hbm>>
      tpu.wait_dma2 semaphore(%run_scoped3A : memref<!tpu.dma_semaphore, #tpu.memory_space<semaphore_mem>>) src(%dma_wait3A_228 : memref<32x128xi32, #tpu.memory_space<hbm>>) dst(%arg8 : memref<32x128xi32, #tpu.memory_space<vmem>>)
      tpu.yield
    }) : () -> ()
    %dma_start3A = arith.constant 32 : i32
    %dma_start3A_1 = arith.constant 0 : i32
    %dma_start3A_2 = tpu.memref_slice %arg3[%arg1, %dma_start3A, %dma_start3A_1] : memref<16x160x128xi32, #tpu.memory_space<hbm>> -> memref<1x32x128xi32, #tpu.memory_space<hbm>>
    %dma_start3A_3 = tpu.memref_squeeze %dma_start3A_2 : memref<1x32x128xi32, #tpu.memory_space<hbm>> -> memref<32x128xi32, #tpu.memory_space<hbm>>
    %dma_start3A_4 = arith.constant 32 : i32
    %dma_start3A_5 = arith.constant 0 : i32
    %dma_start3A_6 = tpu.memref_slice %arg3[%arg1, %dma_start3A_4, %dma_start3A_5] : memref<16x160x128xi32, #tpu.memory_space<hbm>> -> memref<1x32x128xi32, #tpu.memory_space<hbm>>
    %dma_start3A_7 = tpu.memref_squeeze %dma_start3A_6 : memref<1x32x128xi32, #tpu.memory_space<hbm>> -> memref<32x128xi32, #tpu.memory_space<hbm>>
    tpu.enqueue_dma source(%dma_start3A_7 : memref<32x128xi32, #tpu.memory_space<hbm>>) target(%arg9 : memref<32x128xi32, #tpu.memory_space<vmem>>) target_semaphore(%arg16 : memref<!tpu.dma_semaphore, #tpu.memory_space<semaphore_mem>>)
    %dma_start3A_8 = arith.constant 32 : i32
    %dma_start3A_9 = arith.constant 0 : i32
    %dma_start3A_10 = tpu.memref_slice %arg4[%arg1, %dma_start3A_8, %dma_start3A_9] : memref<16x160x128xi32, #tpu.memory_space<hbm>> -> memref<1x32x128xi32, #tpu.memory_space<hbm>>
    %dma_start3A_11 = tpu.memref_squeeze %dma_start3A_10 : memref<1x32x128xi32, #tpu.memory_space<hbm>> -> memref<32x128xi32, #tpu.memory_space<hbm>>
    %dma_start3A_12 = arith.constant 32 : i32
    %dma_start3A_13 = arith.constant 0 : i32
    %dma_start3A_14 = tpu.memref_slice %arg4[%arg1, %dma_start3A_12, %dma_start3A_13] : memref<16x160x128xi32, #tpu.memory_space<hbm>> -> memref<1x32x128xi32, #tpu.memory_space<hbm>>
    %dma_start3A_15 = tpu.memref_squeeze %dma_start3A_14 : memref<1x32x128xi32, #tpu.memory_space<hbm>> -> memref<32x128xi32, #tpu.memory_space<hbm>>
    tpu.enqueue_dma source(%dma_start3A_15 : memref<32x128xi32, #tpu.memory_space<hbm>>) target(%arg10 : memref<32x128xi32, #tpu.memory_space<vmem>>) target_semaphore(%arg16 : memref<!tpu.dma_semaphore, #tpu.memory_space<semaphore_mem>>)
    %dma_start3A_16 = arith.constant 0 : i32
    %dma_start3A_17 = arith.constant 0 : i32
    %dma_start3A_18 = tpu.memref_slice %arg7[%dma_start3A_16, %dma_start3A_17] : memref<32x128xi32, #tpu.memory_space<vmem>> -> memref<1x128xi32, #tpu.memory_space<vmem>>
    %dma_start3A_19 = tpu.memref_squeeze %dma_start3A_18 : memref<1x128xi32, #tpu.memory_space<vmem>> -> memref<128xi32, #tpu.memory_space<vmem>>
    %dma_start3A_20 = arith.constant 0 : i32
    %dma_start3A_21 = arith.constant 0 : i32
    %dma_start3A_22 = tpu.memref_slice %arg2[%arg0, %dma_start3A_20, %dma_start3A_21] : memref<2x10000x128xf32, #tpu.memory_space<hbm>> -> memref<1x10000x128xf32, #tpu.memory_space<hbm>>
    %dma_start3A_23 = tpu.memref_squeeze %dma_start3A_22 : memref<1x10000x128xf32, #tpu.memory_space<hbm>> -> memref<10000x128xf32, #tpu.memory_space<hbm>>
    %dma_start3A_24 = arith.constant 0 : i32
    %dma_start3A_25 = arith.constant 0 : i32
    %dma_start3A_26 = tpu.memref_slice %dma_start3A_23[%dma_start3A_24, %dma_start3A_25] : memref<10000x128xf32, #tpu.memory_space<hbm>> -> memref<10000x128xf32, #tpu.memory_space<hbm>>
    tpu.enqueue_indirect_dma source(%dma_start3A_26 : memref<10000x128xf32, #tpu.memory_space<hbm>>) target(%arg11 : memref<128x128xf32, #tpu.memory_space<vmem>>) offsets(%dma_start3A_19 : memref<128xi32, #tpu.memory_space<vmem>>) semaphore(%arg14 : memref<!tpu.dma_semaphore, #tpu.memory_space<semaphore_mem>>)
    %scan3A = arith.constant 0 : i32
    %scan3A_27 = arith.constant 16 : i32
    %scan3A_28 = arith.addi %scan3A, %scan3A_27 : i32
    %scan3A_29 = arith.constant 1 : i32
    scf.for %scan3A_213 = %scan3A to %scan3A_28 step %scan3A_29  : i32 {
      %mul3A_214 = arith.constant 2 : i32
      %mul3A_215 = arith.muli %scan3A_213, %mul3A_214 : i32
      %add3A = arith.constant 0 : i32
      %add3A_216 = arith.addi %add3A, %mul3A_215 : i32
      %add3A_217 = arith.constant 1 : i32
      %add3A_218 = arith.addi %add3A_216, %add3A_217 : i32
      %dma_start3A_219 = arith.constant 0 : i32
      %dma_start3A_220 = tpu.memref_slice %arg7[%add3A_218, %dma_start3A_219] : memref<32x128xi32, #tpu.memory_space<vmem>> -> memref<1x128xi32, #tpu.memory_space<vmem>>
      %dma_start3A_221 = tpu.memref_squeeze %dma_start3A_220 : memref<1x128xi32, #tpu.memory_space<vmem>> -> memref<128xi32, #tpu.memory_space<vmem>>
      %dma_start3A_222 = arith.constant 0 : i32
      %dma_start3A_223 = arith.constant 0 : i32
      %dma_start3A_224 = tpu.memref_slice %arg2[%arg0, %dma_start3A_222, %dma_start3A_223] : memref<2x10000x128xf32, #tpu.memory_space<hbm>> -> memref<1x10000x128xf32, #tpu.memory_space<hbm>>
      %dma_start3A_225 = tpu.memref_squeeze %dma_start3A_224 : memref<1x10000x128xf32, #tpu.memory_space<hbm>> -> memref<10000x128xf32, #tpu.memory_space<hbm>>
      %dma_start3A_226 = arith.constant 0 : i32
      %dma_start3A_227 = arith.constant 0 : i32
      %dma_start3A_228 = tpu.memref_slice %dma_start3A_225[%dma_start3A_226, %dma_start3A_227] : memref<10000x128xf32, #tpu.memory_space<hbm>> -> memref<10000x128xf32, #tpu.memory_space<hbm>>
      tpu.enqueue_indirect_dma source(%dma_start3A_228 : memref<10000x128xf32, #tpu.memory_space<hbm>>) target(%arg12 : memref<128x128xf32, #tpu.memory_space<vmem>>) offsets(%dma_start3A_221 : memref<128xi32, #tpu.memory_space<vmem>>) semaphore(%arg15 : memref<!tpu.dma_semaphore, #tpu.memory_space<semaphore_mem>>)
      %dma_wait3A_229 = arith.constant 0 : i32
      %dma_wait3A_230 = tpu.memref_slice %arg7[%add3A_216, %dma_wait3A_229] : memref<32x128xi32, #tpu.memory_space<vmem>> -> memref<1x128xi32, #tpu.memory_space<vmem>>
      %dma_wait3A_231 = tpu.memref_squeeze %dma_wait3A_230 : memref<1x128xi32, #tpu.memory_space<vmem>> -> memref<128xi32, #tpu.memory_space<vmem>>
      %dma_wait3A_232 = arith.constant 0 : i32
      %dma_wait3A_233 = arith.constant 0 : i32
      %dma_wait3A_234 = tpu.memref_slice %arg2[%arg0, %dma_wait3A_232, %dma_wait3A_233] : memref<2x10000x128xf32, #tpu.memory_space<hbm>> -> memref<1x10000x128xf32, #tpu.memory_space<hbm>>
      %dma_wait3A_235 = tpu.memref_squeeze %dma_wait3A_234 : memref<1x10000x128xf32, #tpu.memory_space<hbm>> -> memref<10000x128xf32, #tpu.memory_space<hbm>>
      %dma_wait3A_236 = arith.constant 0 : i32
      %dma_wait3A_237 = arith.constant 0 : i32
      %dma_wait3A_238 = tpu.memref_slice %dma_wait3A_235[%dma_wait3A_236, %dma_wait3A_237] : memref<10000x128xf32, #tpu.memory_space<hbm>> -> memref<10000x128xf32, #tpu.memory_space<hbm>>
      tpu.wait_indirect_dma semaphore(%arg14 : memref<!tpu.dma_semaphore, #tpu.memory_space<semaphore_mem>>) src(%dma_wait3A_238 : memref<10000x128xf32, #tpu.memory_space<hbm>>) dst(%arg11 : memref<128x128xf32, #tpu.memory_space<vmem>>)
      "tpu.region"() ({
        %run_scoped3A = tpu.sem_alloc : memref<!tpu.dma_semaphore, #tpu.memory_space<semaphore_mem>>
        %dma_start3A_259 = arith.constant 0 : i32
        %dma_start3A_260 = tpu.memref_slice %arg8[%add3A_216, %dma_start3A_259] : memref<32x128xi32, #tpu.memory_space<vmem>> -> memref<1x128xi32, #tpu.memory_space<vmem>>
        %dma_start3A_261 = tpu.memref_squeeze %dma_start3A_260 : memref<1x128xi32, #tpu.memory_space<vmem>> -> memref<128xi32, #tpu.memory_space<vmem>>
        %dma_start3A_262 = arith.constant 0 : i32
        %dma_start3A_263 = arith.constant 0 : i32
        %dma_start3A_264 = tpu.memref_slice %arg13[%dma_start3A_262, %dma_start3A_263] : memref<10112x128xf32, #tpu.memory_space<vmem_shared>> -> memref<10112x128xf32, #tpu.memory_space<vmem_shared>>
        tpu.enqueue_indirect_dma source(%arg11 : memref<128x128xf32, #tpu.memory_space<vmem>>) target(%dma_start3A_264 : memref<10112x128xf32, #tpu.memory_space<vmem_shared>>) offsets(%dma_start3A_261 : memref<128xi32, #tpu.memory_space<vmem>>) semaphore(%run_scoped3A : memref<!tpu.dma_semaphore, #tpu.memory_space<semaphore_mem>>) {add = true}
        %dma_wait3A_265 = arith.constant 0 : i32
        %dma_wait3A_266 = tpu.memref_slice %arg8[%add3A_216, %dma_wait3A_265] : memref<32x128xi32, #tpu.memory_space<vmem>> -> memref<1x128xi32, #tpu.memory_space<vmem>>
        %dma_wait3A_267 = tpu.memref_squeeze %dma_wait3A_266 : memref<1x128xi32, #tpu.memory_space<vmem>> -> memref<128xi32, #tpu.memory_space<vmem>>
        %dma_wait3A_268 = arith.constant 0 : i32
        %dma_wait3A_269 = arith.constant 0 : i32
        %dma_wait3A_270 = tpu.memref_slice %arg13[%dma_wait3A_268, %dma_wait3A_269] : memref<10112x128xf32, #tpu.memory_space<vmem_shared>> -> memref<10112x128xf32, #tpu.memory_space<vmem_shared>>
        tpu.wait_indirect_dma semaphore(%run_scoped3A : memref<!tpu.dma_semaphore, #tpu.memory_space<semaphore_mem>>) src(%arg11 : memref<128x128xf32, #tpu.memory_space<vmem>>) dst(%dma_wait3A_270 : memref<10112x128xf32, #tpu.memory_space<vmem_shared>>)
        tpu.yield
      }) : () -> ()
      %add3A_239 = arith.constant 2 : i32
      %add3A_240 = arith.addi %add3A_216, %add3A_239 : i32
      %lt3A = arith.constant 32 : i32
      %lt3A_241 = arith.cmpi slt, %add3A_240, %lt3A : i32
      %convert_element_type3A_242 = arith.extui %lt3A_241 : i1 to i32
      %cond3A_243 = arith.constant 0 : i32
      %cond3A_244 = arith.cmpi ne, %convert_element_type3A_242, %cond3A_243 : i32
      scf.if %cond3A_244 {
        %add3A_259 = arith.constant 2 : i32
        %add3A_260 = arith.addi %add3A_216, %add3A_259 : i32
        %dma_start3A_261 = arith.constant 0 : i32
        %dma_start3A_262 = tpu.memref_slice %arg7[%add3A_260, %dma_start3A_261] : memref<32x128xi32, #tpu.memory_space<vmem>> -> memref<1x128xi32, #tpu.memory_space<vmem>>
        %dma_start3A_263 = tpu.memref_squeeze %dma_start3A_262 : memref<1x128xi32, #tpu.memory_space<vmem>> -> memref<128xi32, #tpu.memory_space<vmem>>
        %dma_start3A_264 = arith.constant 0 : i32
        %dma_start3A_265 = arith.constant 0 : i32
        %dma_start3A_266 = tpu.memref_slice %arg2[%arg0, %dma_start3A_264, %dma_start3A_265] : memref<2x10000x128xf32, #tpu.memory_space<hbm>> -> memref<1x10000x128xf32, #tpu.memory_space<hbm>>
        %dma_start3A_267 = tpu.memref_squeeze %dma_start3A_266 : memref<1x10000x128xf32, #tpu.memory_space<hbm>> -> memref<10000x128xf32, #tpu.memory_space<hbm>>
        %dma_start3A_268 = arith.constant 0 : i32
        %dma_start3A_269 = arith.constant 0 : i32
        %dma_start3A_270 = tpu.memref_slice %dma_start3A_267[%dma_start3A_268, %dma_start3A_269] : memref<10000x128xf32, #tpu.memory_space<hbm>> -> memref<10000x128xf32, #tpu.memory_space<hbm>>
        tpu.enqueue_indirect_dma source(%dma_start3A_270 : memref<10000x128xf32, #tpu.memory_space<hbm>>) target(%arg11 : memref<128x128xf32, #tpu.memory_space<vmem>>) offsets(%dma_start3A_263 : memref<128xi32, #tpu.memory_space<vmem>>) semaphore(%arg14 : memref<!tpu.dma_semaphore, #tpu.memory_space<semaphore_mem>>)
      } else {
      }
      %add3A_245 = arith.constant 1 : i32
      %add3A_246 = arith.addi %add3A_216, %add3A_245 : i32
      %dma_wait3A_247 = arith.constant 0 : i32
      %dma_wait3A_248 = tpu.memref_slice %arg7[%add3A_246, %dma_wait3A_247] : memref<32x128xi32, #tpu.memory_space<vmem>> -> memref<1x128xi32, #tpu.memory_space<vmem>>
      %dma_wait3A_249 = tpu.memref_squeeze %dma_wait3A_248 : memref<1x128xi32, #tpu.memory_space<vmem>> -> memref<128xi32, #tpu.memory_space<vmem>>
      %dma_wait3A_250 = arith.constant 0 : i32
      %dma_wait3A_251 = arith.constant 0 : i32
      %dma_wait3A_252 = tpu.memref_slice %arg2[%arg0, %dma_wait3A_250, %dma_wait3A_251] : memref<2x10000x128xf32, #tpu.memory_space<hbm>> -> memref<1x10000x128xf32, #tpu.memory_space<hbm>>
      %dma_wait3A_253 = tpu.memref_squeeze %dma_wait3A_252 : memref<1x10000x128xf32, #tpu.memory_space<hbm>> -> memref<10000x128xf32, #tpu.memory_space<hbm>>
      %dma_wait3A_254 = arith.constant 0 : i32
      %dma_wait3A_255 = arith.constant 0 : i32
      %dma_wait3A_256 = tpu.memref_slice %dma_wait3A_253[%dma_wait3A_254, %dma_wait3A_255] : memref<10000x128xf32, #tpu.memory_space<hbm>> -> memref<10000x128xf32, #tpu.memory_space<hbm>>
      tpu.wait_indirect_dma semaphore(%arg15 : memref<!tpu.dma_semaphore, #tpu.memory_space<semaphore_mem>>) src(%dma_wait3A_256 : memref<10000x128xf32, #tpu.memory_space<hbm>>) dst(%arg12 : memref<128x128xf32, #tpu.memory_space<vmem>>)
      %add3A_257 = arith.constant 1 : i32
      %add3A_258 = arith.addi %add3A_216, %add3A_257 : i32
      "tpu.region"() ({
        %run_scoped3A = tpu.sem_alloc : memref<!tpu.dma_semaphore, #tpu.memory_space<semaphore_mem>>
        %dma_start3A_259 = arith.constant 0 : i32
        %dma_start3A_260 = tpu.memref_slice %arg8[%add3A_258, %dma_start3A_259] : memref<32x128xi32, #tpu.memory_space<vmem>> -> memref<1x128xi32, #tpu.memory_space<vmem>>
        %dma_start3A_261 = tpu.memref_squeeze %dma_start3A_260 : memref<1x128xi32, #tpu.memory_space<vmem>> -> memref<128xi32, #tpu.memory_space<vmem>>
        %dma_start3A_262 = arith.constant 0 : i32
        %dma_start3A_263 = arith.constant 0 : i32
        %dma_start3A_264 = tpu.memref_slice %arg13[%dma_start3A_262, %dma_start3A_263] : memref<10112x128xf32, #tpu.memory_space<vmem_shared>> -> memref<10112x128xf32, #tpu.memory_space<vmem_shared>>
        tpu.enqueue_indirect_dma source(%arg12 : memref<128x128xf32, #tpu.memory_space<vmem>>) target(%dma_start3A_264 : memref<10112x128xf32, #tpu.memory_space<vmem_shared>>) offsets(%dma_start3A_261 : memref<128xi32, #tpu.memory_space<vmem>>) semaphore(%run_scoped3A : memref<!tpu.dma_semaphore, #tpu.memory_space<semaphore_mem>>) {add = true}
        %dma_wait3A_265 = arith.constant 0 : i32
        %dma_wait3A_266 = tpu.memref_slice %arg8[%add3A_258, %dma_wait3A_265] : memref<32x128xi32, #tpu.memory_space<vmem>> -> memref<1x128xi32, #tpu.memory_space<vmem>>
        %dma_wait3A_267 = tpu.memref_squeeze %dma_wait3A_266 : memref<1x128xi32, #tpu.memory_space<vmem>> -> memref<128xi32, #tpu.memory_space<vmem>>
        %dma_wait3A_268 = arith.constant 0 : i32
        %dma_wait3A_269 = arith.constant 0 : i32
        %dma_wait3A_270 = tpu.memref_slice %arg13[%dma_wait3A_268, %dma_wait3A_269] : memref<10112x128xf32, #tpu.memory_space<vmem_shared>> -> memref<10112x128xf32, #tpu.memory_space<vmem_shared>>
        tpu.wait_indirect_dma semaphore(%run_scoped3A : memref<!tpu.dma_semaphore, #tpu.memory_space<semaphore_mem>>) src(%arg12 : memref<128x128xf32, #tpu.memory_space<vmem>>) dst(%dma_wait3A_270 : memref<10112x128xf32, #tpu.memory_space<vmem_shared>>)
        tpu.yield
      }) : () -> ()
    }
    %scan3A_30 = arith.constant 16 : i32
    %dma_wait3A = arith.constant 32 : i32
    %dma_wait3A_31 = arith.constant 0 : i32
    %dma_wait3A_32 = tpu.memref_slice %arg3[%arg1, %dma_wait3A, %dma_wait3A_31] : memref<16x160x128xi32, #tpu.memory_space<hbm>> -> memref<1x32x128xi32, #tpu.memory_space<hbm>>
    %dma_wait3A_33 = tpu.memref_squeeze %dma_wait3A_32 : memref<1x32x128xi32, #tpu.memory_space<hbm>> -> memref<32x128xi32, #tpu.memory_space<hbm>>
    %dma_wait3A_34 = arith.constant 32 : i32
    %dma_wait3A_35 = arith.constant 0 : i32
    %dma_wait3A_36 = tpu.memref_slice %arg3[%arg1, %dma_wait3A_34, %dma_wait3A_35] : memref<16x160x128xi32, #tpu.memory_space<hbm>> -> memref<1x32x128xi32, #tpu.memory_space<hbm>>
    %dma_wait3A_37 = tpu.memref_squeeze %dma_wait3A_36 : memref<1x32x128xi32, #tpu.memory_space<hbm>> -> memref<32x128xi32, #tpu.memory_space<hbm>>
    tpu.wait_dma2 semaphore(%arg16 : memref<!tpu.dma_semaphore, #tpu.memory_space<semaphore_mem>>) src(%dma_wait3A_37 : memref<32x128xi32, #tpu.memory_space<hbm>>) dst(%arg9 : memref<32x128xi32, #tpu.memory_space<vmem>>)
    %dma_wait3A_38 = arith.constant 32 : i32
    %dma_wait3A_39 = arith.constant 0 : i32
    %dma_wait3A_40 = tpu.memref_slice %arg4[%arg1, %dma_wait3A_38, %dma_wait3A_39] : memref<16x160x128xi32, #tpu.memory_space<hbm>> -> memref<1x32x128xi32, #tpu.memory_space<hbm>>
    %dma_wait3A_41 = tpu.memref_squeeze %dma_wait3A_40 : memref<1x32x128xi32, #tpu.memory_space<hbm>> -> memref<32x128xi32, #tpu.memory_space<hbm>>
    %dma_wait3A_42 = arith.constant 32 : i32
    %dma_wait3A_43 = arith.constant 0 : i32
    %dma_wait3A_44 = tpu.memref_slice %arg4[%arg1, %dma_wait3A_42, %dma_wait3A_43] : memref<16x160x128xi32, #tpu.memory_space<hbm>> -> memref<1x32x128xi32, #tpu.memory_space<hbm>>
    %dma_wait3A_45 = tpu.memref_squeeze %dma_wait3A_44 : memref<1x32x128xi32, #tpu.memory_space<hbm>> -> memref<32x128xi32, #tpu.memory_space<hbm>>
    tpu.wait_dma2 semaphore(%arg16 : memref<!tpu.dma_semaphore, #tpu.memory_space<semaphore_mem>>) src(%dma_wait3A_45 : memref<32x128xi32, #tpu.memory_space<hbm>>) dst(%arg10 : memref<32x128xi32, #tpu.memory_space<vmem>>)
    %dma_start3A_46 = arith.constant 64 : i32
    %dma_start3A_47 = arith.constant 0 : i32
    %dma_start3A_48 = tpu.memref_slice %arg3[%arg1, %dma_start3A_46, %dma_start3A_47] : memref<16x160x128xi32, #tpu.memory_space<hbm>> -> memref<1x32x128xi32, #tpu.memory_space<hbm>>
    %dma_start3A_49 = tpu.memref_squeeze %dma_start3A_48 : memref<1x32x128xi32, #tpu.memory_space<hbm>> -> memref<32x128xi32, #tpu.memory_space<hbm>>
    %dma_start3A_50 = arith.constant 64 : i32
    %dma_start3A_51 = arith.constant 0 : i32
    %dma_start3A_52 = tpu.memref_slice %arg3[%arg1, %dma_start3A_50, %dma_start3A_51] : memref<16x160x128xi32, #tpu.memory_space<hbm>> -> memref<1x32x128xi32, #tpu.memory_space<hbm>>
    %dma_start3A_53 = tpu.memref_squeeze %dma_start3A_52 : memref<1x32x128xi32, #tpu.memory_space<hbm>> -> memref<32x128xi32, #tpu.memory_space<hbm>>
    tpu.enqueue_dma source(%dma_start3A_53 : memref<32x128xi32, #tpu.memory_space<hbm>>) target(%arg7 : memref<32x128xi32, #tpu.memory_space<vmem>>) target_semaphore(%arg16 : memref<!tpu.dma_semaphore, #tpu.memory_space<semaphore_mem>>)
    %dma_start3A_54 = arith.constant 64 : i32
    %dma_start3A_55 = arith.constant 0 : i32
    %dma_start3A_56 = tpu.memref_slice %arg4[%arg1, %dma_start3A_54, %dma_start3A_55] : memref<16x160x128xi32, #tpu.memory_space<hbm>> -> memref<1x32x128xi32, #tpu.memory_space<hbm>>
    %dma_start3A_57 = tpu.memref_squeeze %dma_start3A_56 : memref<1x32x128xi32, #tpu.memory_space<hbm>> -> memref<32x128xi32, #tpu.memory_space<hbm>>
    %dma_start3A_58 = arith.constant 64 : i32
    %dma_start3A_59 = arith.constant 0 : i32
    %dma_start3A_60 = tpu.memref_slice %arg4[%arg1, %dma_start3A_58, %dma_start3A_59] : memref<16x160x128xi32, #tpu.memory_space<hbm>> -> memref<1x32x128xi32, #tpu.memory_space<hbm>>
    %dma_start3A_61 = tpu.memref_squeeze %dma_start3A_60 : memref<1x32x128xi32, #tpu.memory_space<hbm>> -> memref<32x128xi32, #tpu.memory_space<hbm>>
    tpu.enqueue_dma source(%dma_start3A_61 : memref<32x128xi32, #tpu.memory_space<hbm>>) target(%arg8 : memref<32x128xi32, #tpu.memory_space<vmem>>) target_semaphore(%arg16 : memref<!tpu.dma_semaphore, #tpu.memory_space<semaphore_mem>>)
    %dma_start3A_62 = arith.constant 0 : i32
    %dma_start3A_63 = arith.constant 0 : i32
    %dma_start3A_64 = tpu.memref_slice %arg9[%dma_start3A_62, %dma_start3A_63] : memref<32x128xi32, #tpu.memory_space<vmem>> -> memref<1x128xi32, #tpu.memory_space<vmem>>
    %dma_start3A_65 = tpu.memref_squeeze %dma_start3A_64 : memref<1x128xi32, #tpu.memory_space<vmem>> -> memref<128xi32, #tpu.memory_space<vmem>>
    %dma_start3A_66 = arith.constant 0 : i32
    %dma_start3A_67 = arith.constant 0 : i32
    %dma_start3A_68 = tpu.memref_slice %arg2[%arg0, %dma_start3A_66, %dma_start3A_67] : memref<2x10000x128xf32, #tpu.memory_space<hbm>> -> memref<1x10000x128xf32, #tpu.memory_space<hbm>>
    %dma_start3A_69 = tpu.memref_squeeze %dma_start3A_68 : memref<1x10000x128xf32, #tpu.memory_space<hbm>> -> memref<10000x128xf32, #tpu.memory_space<hbm>>
    %dma_start3A_70 = arith.constant 0 : i32
    %dma_start3A_71 = arith.constant 0 : i32
    %dma_start3A_72 = tpu.memref_slice %dma_start3A_69[%dma_start3A_70, %dma_start3A_71] : memref<10000x128xf32, #tpu.memory_space<hbm>> -> memref<10000x128xf32, #tpu.memory_space<hbm>>
    tpu.enqueue_indirect_dma source(%dma_start3A_72 : memref<10000x128xf32, #tpu.memory_space<hbm>>) target(%arg11 : memref<128x128xf32, #tpu.memory_space<vmem>>) offsets(%dma_start3A_65 : memref<128xi32, #tpu.memory_space<vmem>>) semaphore(%arg14 : memref<!tpu.dma_semaphore, #tpu.memory_space<semaphore_mem>>)
    %scan3A_73 = arith.constant 0 : i32
    %scan3A_74 = arith.constant 16 : i32
    %scan3A_75 = arith.addi %scan3A_73, %scan3A_74 : i32
    %scan3A_76 = arith.constant 1 : i32
    scf.for %scan3A_213 = %scan3A_73 to %scan3A_75 step %scan3A_76  : i32 {
      %mul3A_214 = arith.constant 2 : i32
      %mul3A_215 = arith.muli %scan3A_213, %mul3A_214 : i32
      %add3A = arith.constant 0 : i32
      %add3A_216 = arith.addi %add3A, %mul3A_215 : i32
      %add3A_217 = arith.constant 1 : i32
      %add3A_218 = arith.addi %add3A_216, %add3A_217 : i32
      %dma_start3A_219 = arith.constant 0 : i32
      %dma_start3A_220 = tpu.memref_slice %arg9[%add3A_218, %dma_start3A_219] : memref<32x128xi32, #tpu.memory_space<vmem>> -> memref<1x128xi32, #tpu.memory_space<vmem>>
      %dma_start3A_221 = tpu.memref_squeeze %dma_start3A_220 : memref<1x128xi32, #tpu.memory_space<vmem>> -> memref<128xi32, #tpu.memory_space<vmem>>
      %dma_start3A_222 = arith.constant 0 : i32
      %dma_start3A_223 = arith.constant 0 : i32
      %dma_start3A_224 = tpu.memref_slice %arg2[%arg0, %dma_start3A_222, %dma_start3A_223] : memref<2x10000x128xf32, #tpu.memory_space<hbm>> -> memref<1x10000x128xf32, #tpu.memory_space<hbm>>
      %dma_start3A_225 = tpu.memref_squeeze %dma_start3A_224 : memref<1x10000x128xf32, #tpu.memory_space<hbm>> -> memref<10000x128xf32, #tpu.memory_space<hbm>>
      %dma_start3A_226 = arith.constant 0 : i32
      %dma_start3A_227 = arith.constant 0 : i32
      %dma_start3A_228 = tpu.memref_slice %dma_start3A_225[%dma_start3A_226, %dma_start3A_227] : memref<10000x128xf32, #tpu.memory_space<hbm>> -> memref<10000x128xf32, #tpu.memory_space<hbm>>
      tpu.enqueue_indirect_dma source(%dma_start3A_228 : memref<10000x128xf32, #tpu.memory_space<hbm>>) target(%arg12 : memref<128x128xf32, #tpu.memory_space<vmem>>) offsets(%dma_start3A_221 : memref<128xi32, #tpu.memory_space<vmem>>) semaphore(%arg15 : memref<!tpu.dma_semaphore, #tpu.memory_space<semaphore_mem>>)
      %dma_wait3A_229 = arith.constant 0 : i32
      %dma_wait3A_230 = tpu.memref_slice %arg9[%add3A_216, %dma_wait3A_229] : memref<32x128xi32, #tpu.memory_space<vmem>> -> memref<1x128xi32, #tpu.memory_space<vmem>>
      %dma_wait3A_231 = tpu.memref_squeeze %dma_wait3A_230 : memref<1x128xi32, #tpu.memory_space<vmem>> -> memref<128xi32, #tpu.memory_space<vmem>>
      %dma_wait3A_232 = arith.constant 0 : i32
      %dma_wait3A_233 = arith.constant 0 : i32
      %dma_wait3A_234 = tpu.memref_slice %arg2[%arg0, %dma_wait3A_232, %dma_wait3A_233] : memref<2x10000x128xf32, #tpu.memory_space<hbm>> -> memref<1x10000x128xf32, #tpu.memory_space<hbm>>
      %dma_wait3A_235 = tpu.memref_squeeze %dma_wait3A_234 : memref<1x10000x128xf32, #tpu.memory_space<hbm>> -> memref<10000x128xf32, #tpu.memory_space<hbm>>
      %dma_wait3A_236 = arith.constant 0 : i32
      %dma_wait3A_237 = arith.constant 0 : i32
      %dma_wait3A_238 = tpu.memref_slice %dma_wait3A_235[%dma_wait3A_236, %dma_wait3A_237] : memref<10000x128xf32, #tpu.memory_space<hbm>> -> memref<10000x128xf32, #tpu.memory_space<hbm>>
      tpu.wait_indirect_dma semaphore(%arg14 : memref<!tpu.dma_semaphore, #tpu.memory_space<semaphore_mem>>) src(%dma_wait3A_238 : memref<10000x128xf32, #tpu.memory_space<hbm>>) dst(%arg11 : memref<128x128xf32, #tpu.memory_space<vmem>>)
      "tpu.region"() ({
        %run_scoped3A = tpu.sem_alloc : memref<!tpu.dma_semaphore, #tpu.memory_space<semaphore_mem>>
        %dma_start3A_259 = arith.constant 0 : i32
        %dma_start3A_260 = tpu.memref_slice %arg10[%add3A_216, %dma_start3A_259] : memref<32x128xi32, #tpu.memory_space<vmem>> -> memref<1x128xi32, #tpu.memory_space<vmem>>
        %dma_start3A_261 = tpu.memref_squeeze %dma_start3A_260 : memref<1x128xi32, #tpu.memory_space<vmem>> -> memref<128xi32, #tpu.memory_space<vmem>>
        %dma_start3A_262 = arith.constant 0 : i32
        %dma_start3A_263 = arith.constant 0 : i32
        %dma_start3A_264 = tpu.memref_slice %arg13[%dma_start3A_262, %dma_start3A_263] : memref<10112x128xf32, #tpu.memory_space<vmem_shared>> -> memref<10112x128xf32, #tpu.memory_space<vmem_shared>>
        tpu.enqueue_indirect_dma source(%arg11 : memref<128x128xf32, #tpu.memory_space<vmem>>) target(%dma_start3A_264 : memref<10112x128xf32, #tpu.memory_space<vmem_shared>>) offsets(%dma_start3A_261 : memref<128xi32, #tpu.memory_space<vmem>>) semaphore(%run_scoped3A : memref<!tpu.dma_semaphore, #tpu.memory_space<semaphore_mem>>) {add = true}
        %dma_wait3A_265 = arith.constant 0 : i32
        %dma_wait3A_266 = tpu.memref_slice %arg10[%add3A_216, %dma_wait3A_265] : memref<32x128xi32, #tpu.memory_space<vmem>> -> memref<1x128xi32, #tpu.memory_space<vmem>>
        %dma_wait3A_267 = tpu.memref_squeeze %dma_wait3A_266 : memref<1x128xi32, #tpu.memory_space<vmem>> -> memref<128xi32, #tpu.memory_space<vmem>>
        %dma_wait3A_268 = arith.constant 0 : i32
        %dma_wait3A_269 = arith.constant 0 : i32
        %dma_wait3A_270 = tpu.memref_slice %arg13[%dma_wait3A_268, %dma_wait3A_269] : memref<10112x128xf32, #tpu.memory_space<vmem_shared>> -> memref<10112x128xf32, #tpu.memory_space<vmem_shared>>
        tpu.wait_indirect_dma semaphore(%run_scoped3A : memref<!tpu.dma_semaphore, #tpu.memory_space<semaphore_mem>>) src(%arg11 : memref<128x128xf32, #tpu.memory_space<vmem>>) dst(%dma_wait3A_270 : memref<10112x128xf32, #tpu.memory_space<vmem_shared>>)
        tpu.yield
      }) : () -> ()
      %add3A_239 = arith.constant 2 : i32
      %add3A_240 = arith.addi %add3A_216, %add3A_239 : i32
      %lt3A = arith.constant 32 : i32
      %lt3A_241 = arith.cmpi slt, %add3A_240, %lt3A : i32
      %convert_element_type3A_242 = arith.extui %lt3A_241 : i1 to i32
      %cond3A_243 = arith.constant 0 : i32
      %cond3A_244 = arith.cmpi ne, %convert_element_type3A_242, %cond3A_243 : i32
      scf.if %cond3A_244 {
        %add3A_259 = arith.constant 2 : i32
        %add3A_260 = arith.addi %add3A_216, %add3A_259 : i32
        %dma_start3A_261 = arith.constant 0 : i32
        %dma_start3A_262 = tpu.memref_slice %arg9[%add3A_260, %dma_start3A_261] : memref<32x128xi32, #tpu.memory_space<vmem>> -> memref<1x128xi32, #tpu.memory_space<vmem>>
        %dma_start3A_263 = tpu.memref_squeeze %dma_start3A_262 : memref<1x128xi32, #tpu.memory_space<vmem>> -> memref<128xi32, #tpu.memory_space<vmem>>
        %dma_start3A_264 = arith.constant 0 : i32
        %dma_start3A_265 = arith.constant 0 : i32
        %dma_start3A_266 = tpu.memref_slice %arg2[%arg0, %dma_start3A_264, %dma_start3A_265] : memref<2x10000x128xf32, #tpu.memory_space<hbm>> -> memref<1x10000x128xf32, #tpu.memory_space<hbm>>
        %dma_start3A_267 = tpu.memref_squeeze %dma_start3A_266 : memref<1x10000x128xf32, #tpu.memory_space<hbm>> -> memref<10000x128xf32, #tpu.memory_space<hbm>>
        %dma_start3A_268 = arith.constant 0 : i32
        %dma_start3A_269 = arith.constant 0 : i32
        %dma_start3A_270 = tpu.memref_slice %dma_start3A_267[%dma_start3A_268, %dma_start3A_269] : memref<10000x128xf32, #tpu.memory_space<hbm>> -> memref<10000x128xf32, #tpu.memory_space<hbm>>
        tpu.enqueue_indirect_dma source(%dma_start3A_270 : memref<10000x128xf32, #tpu.memory_space<hbm>>) target(%arg11 : memref<128x128xf32, #tpu.memory_space<vmem>>) offsets(%dma_start3A_263 : memref<128xi32, #tpu.memory_space<vmem>>) semaphore(%arg14 : memref<!tpu.dma_semaphore, #tpu.memory_space<semaphore_mem>>)
      } else {
      }
      %add3A_245 = arith.constant 1 : i32
      %add3A_246 = arith.addi %add3A_216, %add3A_245 : i32
      %dma_wait3A_247 = arith.constant 0 : i32
      %dma_wait3A_248 = tpu.memref_slice %arg9[%add3A_246, %dma_wait3A_247] : memref<32x128xi32, #tpu.memory_space<vmem>> -> memref<1x128xi32, #tpu.memory_space<vmem>>
      %dma_wait3A_249 = tpu.memref_squeeze %dma_wait3A_248 : memref<1x128xi32, #tpu.memory_space<vmem>> -> memref<128xi32, #tpu.memory_space<vmem>>
      %dma_wait3A_250 = arith.constant 0 : i32
      %dma_wait3A_251 = arith.constant 0 : i32
      %dma_wait3A_252 = tpu.memref_slice %arg2[%arg0, %dma_wait3A_250, %dma_wait3A_251] : memref<2x10000x128xf32, #tpu.memory_space<hbm>> -> memref<1x10000x128xf32, #tpu.memory_space<hbm>>
      %dma_wait3A_253 = tpu.memref_squeeze %dma_wait3A_252 : memref<1x10000x128xf32, #tpu.memory_space<hbm>> -> memref<10000x128xf32, #tpu.memory_space<hbm>>
      %dma_wait3A_254 = arith.constant 0 : i32
      %dma_wait3A_255 = arith.constant 0 : i32
      %dma_wait3A_256 = tpu.memref_slice %dma_wait3A_253[%dma_wait3A_254, %dma_wait3A_255] : memref<10000x128xf32, #tpu.memory_space<hbm>> -> memref<10000x128xf32, #tpu.memory_space<hbm>>
      tpu.wait_indirect_dma semaphore(%arg15 : memref<!tpu.dma_semaphore, #tpu.memory_space<semaphore_mem>>) src(%dma_wait3A_256 : memref<10000x128xf32, #tpu.memory_space<hbm>>) dst(%arg12 : memref<128x128xf32, #tpu.memory_space<vmem>>)
      %add3A_257 = arith.constant 1 : i32
      %add3A_258 = arith.addi %add3A_216, %add3A_257 : i32
      "tpu.region"() ({
        %run_scoped3A = tpu.sem_alloc : memref<!tpu.dma_semaphore, #tpu.memory_space<semaphore_mem>>
        %dma_start3A_259 = arith.constant 0 : i32
        %dma_start3A_260 = tpu.memref_slice %arg10[%add3A_258, %dma_start3A_259] : memref<32x128xi32, #tpu.memory_space<vmem>> -> memref<1x128xi32, #tpu.memory_space<vmem>>
        %dma_start3A_261 = tpu.memref_squeeze %dma_start3A_260 : memref<1x128xi32, #tpu.memory_space<vmem>> -> memref<128xi32, #tpu.memory_space<vmem>>
        %dma_start3A_262 = arith.constant 0 : i32
        %dma_start3A_263 = arith.constant 0 : i32
        %dma_start3A_264 = tpu.memref_slice %arg13[%dma_start3A_262, %dma_start3A_263] : memref<10112x128xf32, #tpu.memory_space<vmem_shared>> -> memref<10112x128xf32, #tpu.memory_space<vmem_shared>>
        tpu.enqueue_indirect_dma source(%arg12 : memref<128x128xf32, #tpu.memory_space<vmem>>) target(%dma_start3A_264 : memref<10112x128xf32, #tpu.memory_space<vmem_shared>>) offsets(%dma_start3A_261 : memref<128xi32, #tpu.memory_space<vmem>>) semaphore(%run_scoped3A : memref<!tpu.dma_semaphore, #tpu.memory_space<semaphore_mem>>) {add = true}
        %dma_wait3A_265 = arith.constant 0 : i32
        %dma_wait3A_266 = tpu.memref_slice %arg10[%add3A_258, %dma_wait3A_265] : memref<32x128xi32, #tpu.memory_space<vmem>> -> memref<1x128xi32, #tpu.memory_space<vmem>>
        %dma_wait3A_267 = tpu.memref_squeeze %dma_wait3A_266 : memref<1x128xi32, #tpu.memory_space<vmem>> -> memref<128xi32, #tpu.memory_space<vmem>>
        %dma_wait3A_268 = arith.constant 0 : i32
        %dma_wait3A_269 = arith.constant 0 : i32
        %dma_wait3A_270 = tpu.memref_slice %arg13[%dma_wait3A_268, %dma_wait3A_269] : memref<10112x128xf32, #tpu.memory_space<vmem_shared>> -> memref<10112x128xf32, #tpu.memory_space<vmem_shared>>
        tpu.wait_indirect_dma semaphore(%run_scoped3A : memref<!tpu.dma_semaphore, #tpu.memory_space<semaphore_mem>>) src(%arg12 : memref<128x128xf32, #tpu.memory_space<vmem>>) dst(%dma_wait3A_270 : memref<10112x128xf32, #tpu.memory_space<vmem_shared>>)
        tpu.yield
      }) : () -> ()
    }
    %scan3A_77 = arith.constant 16 : i32
    %dma_wait3A_78 = arith.constant 64 : i32
    %dma_wait3A_79 = arith.constant 0 : i32
    %dma_wait3A_80 = tpu.memref_slice %arg3[%arg1, %dma_wait3A_78, %dma_wait3A_79] : memref<16x160x128xi32, #tpu.memory_space<hbm>> -> memref<1x32x128xi32, #tpu.memory_space<hbm>>
    %dma_wait3A_81 = tpu.memref_squeeze %dma_wait3A_80 : memref<1x32x128xi32, #tpu.memory_space<hbm>> -> memref<32x128xi32, #tpu.memory_space<hbm>>
    %dma_wait3A_82 = arith.constant 64 : i32
    %dma_wait3A_83 = arith.constant 0 : i32
    %dma_wait3A_84 = tpu.memref_slice %arg3[%arg1, %dma_wait3A_82, %dma_wait3A_83] : memref<16x160x128xi32, #tpu.memory_space<hbm>> -> memref<1x32x128xi32, #tpu.memory_space<hbm>>
    %dma_wait3A_85 = tpu.memref_squeeze %dma_wait3A_84 : memref<1x32x128xi32, #tpu.memory_space<hbm>> -> memref<32x128xi32, #tpu.memory_space<hbm>>
    tpu.wait_dma2 semaphore(%arg16 : memref<!tpu.dma_semaphore, #tpu.memory_space<semaphore_mem>>) src(%dma_wait3A_85 : memref<32x128xi32, #tpu.memory_space<hbm>>) dst(%arg7 : memref<32x128xi32, #tpu.memory_space<vmem>>)
    %dma_wait3A_86 = arith.constant 64 : i32
    %dma_wait3A_87 = arith.constant 0 : i32
    %dma_wait3A_88 = tpu.memref_slice %arg4[%arg1, %dma_wait3A_86, %dma_wait3A_87] : memref<16x160x128xi32, #tpu.memory_space<hbm>> -> memref<1x32x128xi32, #tpu.memory_space<hbm>>
    %dma_wait3A_89 = tpu.memref_squeeze %dma_wait3A_88 : memref<1x32x128xi32, #tpu.memory_space<hbm>> -> memref<32x128xi32, #tpu.memory_space<hbm>>
    %dma_wait3A_90 = arith.constant 64 : i32
    %dma_wait3A_91 = arith.constant 0 : i32
    %dma_wait3A_92 = tpu.memref_slice %arg4[%arg1, %dma_wait3A_90, %dma_wait3A_91] : memref<16x160x128xi32, #tpu.memory_space<hbm>> -> memref<1x32x128xi32, #tpu.memory_space<hbm>>
    %dma_wait3A_93 = tpu.memref_squeeze %dma_wait3A_92 : memref<1x32x128xi32, #tpu.memory_space<hbm>> -> memref<32x128xi32, #tpu.memory_space<hbm>>
    tpu.wait_dma2 semaphore(%arg16 : memref<!tpu.dma_semaphore, #tpu.memory_space<semaphore_mem>>) src(%dma_wait3A_93 : memref<32x128xi32, #tpu.memory_space<hbm>>) dst(%arg8 : memref<32x128xi32, #tpu.memory_space<vmem>>)
    %dma_start3A_94 = arith.constant 96 : i32
    %dma_start3A_95 = arith.constant 0 : i32
    %dma_start3A_96 = tpu.memref_slice %arg3[%arg1, %dma_start3A_94, %dma_start3A_95] : memref<16x160x128xi32, #tpu.memory_space<hbm>> -> memref<1x32x128xi32, #tpu.memory_space<hbm>>
    %dma_start3A_97 = tpu.memref_squeeze %dma_start3A_96 : memref<1x32x128xi32, #tpu.memory_space<hbm>> -> memref<32x128xi32, #tpu.memory_space<hbm>>
    %dma_start3A_98 = arith.constant 96 : i32
    %dma_start3A_99 = arith.constant 0 : i32
    %dma_start3A_100 = tpu.memref_slice %arg3[%arg1, %dma_start3A_98, %dma_start3A_99] : memref<16x160x128xi32, #tpu.memory_space<hbm>> -> memref<1x32x128xi32, #tpu.memory_space<hbm>>
    %dma_start3A_101 = tpu.memref_squeeze %dma_start3A_100 : memref<1x32x128xi32, #tpu.memory_space<hbm>> -> memref<32x128xi32, #tpu.memory_space<hbm>>
    tpu.enqueue_dma source(%dma_start3A_101 : memref<32x128xi32, #tpu.memory_space<hbm>>) target(%arg9 : memref<32x128xi32, #tpu.memory_space<vmem>>) target_semaphore(%arg16 : memref<!tpu.dma_semaphore, #tpu.memory_space<semaphore_mem>>)
    %dma_start3A_102 = arith.constant 96 : i32
    %dma_start3A_103 = arith.constant 0 : i32
    %dma_start3A_104 = tpu.memref_slice %arg4[%arg1, %dma_start3A_102, %dma_start3A_103] : memref<16x160x128xi32, #tpu.memory_space<hbm>> -> memref<1x32x128xi32, #tpu.memory_space<hbm>>
    %dma_start3A_105 = tpu.memref_squeeze %dma_start3A_104 : memref<1x32x128xi32, #tpu.memory_space<hbm>> -> memref<32x128xi32, #tpu.memory_space<hbm>>
    %dma_start3A_106 = arith.constant 96 : i32
    %dma_start3A_107 = arith.constant 0 : i32
    %dma_start3A_108 = tpu.memref_slice %arg4[%arg1, %dma_start3A_106, %dma_start3A_107] : memref<16x160x128xi32, #tpu.memory_space<hbm>> -> memref<1x32x128xi32, #tpu.memory_space<hbm>>
    %dma_start3A_109 = tpu.memref_squeeze %dma_start3A_108 : memref<1x32x128xi32, #tpu.memory_space<hbm>> -> memref<32x128xi32, #tpu.memory_space<hbm>>
    tpu.enqueue_dma source(%dma_start3A_109 : memref<32x128xi32, #tpu.memory_space<hbm>>) target(%arg10 : memref<32x128xi32, #tpu.memory_space<vmem>>) target_semaphore(%arg16 : memref<!tpu.dma_semaphore, #tpu.memory_space<semaphore_mem>>)
    %dma_start3A_110 = arith.constant 0 : i32
    %dma_start3A_111 = arith.constant 0 : i32
    %dma_start3A_112 = tpu.memref_slice %arg7[%dma_start3A_110, %dma_start3A_111] : memref<32x128xi32, #tpu.memory_space<vmem>> -> memref<1x128xi32, #tpu.memory_space<vmem>>
    %dma_start3A_113 = tpu.memref_squeeze %dma_start3A_112 : memref<1x128xi32, #tpu.memory_space<vmem>> -> memref<128xi32, #tpu.memory_space<vmem>>
    %dma_start3A_114 = arith.constant 0 : i32
    %dma_start3A_115 = arith.constant 0 : i32
    %dma_start3A_116 = tpu.memref_slice %arg2[%arg0, %dma_start3A_114, %dma_start3A_115] : memref<2x10000x128xf32, #tpu.memory_space<hbm>> -> memref<1x10000x128xf32, #tpu.memory_space<hbm>>
    %dma_start3A_117 = tpu.memref_squeeze %dma_start3A_116 : memref<1x10000x128xf32, #tpu.memory_space<hbm>> -> memref<10000x128xf32, #tpu.memory_space<hbm>>
    %dma_start3A_118 = arith.constant 0 : i32
    %dma_start3A_119 = arith.constant 0 : i32
    %dma_start3A_120 = tpu.memref_slice %dma_start3A_117[%dma_start3A_118, %dma_start3A_119] : memref<10000x128xf32, #tpu.memory_space<hbm>> -> memref<10000x128xf32, #tpu.memory_space<hbm>>
    tpu.enqueue_indirect_dma source(%dma_start3A_120 : memref<10000x128xf32, #tpu.memory_space<hbm>>) target(%arg11 : memref<128x128xf32, #tpu.memory_space<vmem>>) offsets(%dma_start3A_113 : memref<128xi32, #tpu.memory_space<vmem>>) semaphore(%arg14 : memref<!tpu.dma_semaphore, #tpu.memory_space<semaphore_mem>>)
    %scan3A_121 = arith.constant 0 : i32
    %scan3A_122 = arith.constant 16 : i32
    %scan3A_123 = arith.addi %scan3A_121, %scan3A_122 : i32
    %scan3A_124 = arith.constant 1 : i32
    scf.for %scan3A_213 = %scan3A_121 to %scan3A_123 step %scan3A_124  : i32 {
      %mul3A_214 = arith.constant 2 : i32
      %mul3A_215 = arith.muli %scan3A_213, %mul3A_214 : i32
      %add3A = arith.constant 0 : i32
      %add3A_216 = arith.addi %add3A, %mul3A_215 : i32
      %add3A_217 = arith.constant 1 : i32
      %add3A_218 = arith.addi %add3A_216, %add3A_217 : i32
      %dma_start3A_219 = arith.constant 0 : i32
      %dma_start3A_220 = tpu.memref_slice %arg7[%add3A_218, %dma_start3A_219] : memref<32x128xi32, #tpu.memory_space<vmem>> -> memref<1x128xi32, #tpu.memory_space<vmem>>
      %dma_start3A_221 = tpu.memref_squeeze %dma_start3A_220 : memref<1x128xi32, #tpu.memory_space<vmem>> -> memref<128xi32, #tpu.memory_space<vmem>>
      %dma_start3A_222 = arith.constant 0 : i32
      %dma_start3A_223 = arith.constant 0 : i32
      %dma_start3A_224 = tpu.memref_slice %arg2[%arg0, %dma_start3A_222, %dma_start3A_223] : memref<2x10000x128xf32, #tpu.memory_space<hbm>> -> memref<1x10000x128xf32, #tpu.memory_space<hbm>>
      %dma_start3A_225 = tpu.memref_squeeze %dma_start3A_224 : memref<1x10000x128xf32, #tpu.memory_space<hbm>> -> memref<10000x128xf32, #tpu.memory_space<hbm>>
      %dma_start3A_226 = arith.constant 0 : i32
      %dma_start3A_227 = arith.constant 0 : i32
      %dma_start3A_228 = tpu.memref_slice %dma_start3A_225[%dma_start3A_226, %dma_start3A_227] : memref<10000x128xf32, #tpu.memory_space<hbm>> -> memref<10000x128xf32, #tpu.memory_space<hbm>>
      tpu.enqueue_indirect_dma source(%dma_start3A_228 : memref<10000x128xf32, #tpu.memory_space<hbm>>) target(%arg12 : memref<128x128xf32, #tpu.memory_space<vmem>>) offsets(%dma_start3A_221 : memref<128xi32, #tpu.memory_space<vmem>>) semaphore(%arg15 : memref<!tpu.dma_semaphore, #tpu.memory_space<semaphore_mem>>)
      %dma_wait3A_229 = arith.constant 0 : i32
      %dma_wait3A_230 = tpu.memref_slice %arg7[%add3A_216, %dma_wait3A_229] : memref<32x128xi32, #tpu.memory_space<vmem>> -> memref<1x128xi32, #tpu.memory_space<vmem>>
      %dma_wait3A_231 = tpu.memref_squeeze %dma_wait3A_230 : memref<1x128xi32, #tpu.memory_space<vmem>> -> memref<128xi32, #tpu.memory_space<vmem>>
      %dma_wait3A_232 = arith.constant 0 : i32
      %dma_wait3A_233 = arith.constant 0 : i32
      %dma_wait3A_234 = tpu.memref_slice %arg2[%arg0, %dma_wait3A_232, %dma_wait3A_233] : memref<2x10000x128xf32, #tpu.memory_space<hbm>> -> memref<1x10000x128xf32, #tpu.memory_space<hbm>>
      %dma_wait3A_235 = tpu.memref_squeeze %dma_wait3A_234 : memref<1x10000x128xf32, #tpu.memory_space<hbm>> -> memref<10000x128xf32, #tpu.memory_space<hbm>>
      %dma_wait3A_236 = arith.constant 0 : i32
      %dma_wait3A_237 = arith.constant 0 : i32
      %dma_wait3A_238 = tpu.memref_slice %dma_wait3A_235[%dma_wait3A_236, %dma_wait3A_237] : memref<10000x128xf32, #tpu.memory_space<hbm>> -> memref<10000x128xf32, #tpu.memory_space<hbm>>
      tpu.wait_indirect_dma semaphore(%arg14 : memref<!tpu.dma_semaphore, #tpu.memory_space<semaphore_mem>>) src(%dma_wait3A_238 : memref<10000x128xf32, #tpu.memory_space<hbm>>) dst(%arg11 : memref<128x128xf32, #tpu.memory_space<vmem>>)
      "tpu.region"() ({
        %run_scoped3A = tpu.sem_alloc : memref<!tpu.dma_semaphore, #tpu.memory_space<semaphore_mem>>
        %dma_start3A_259 = arith.constant 0 : i32
        %dma_start3A_260 = tpu.memref_slice %arg8[%add3A_216, %dma_start3A_259] : memref<32x128xi32, #tpu.memory_space<vmem>> -> memref<1x128xi32, #tpu.memory_space<vmem>>
        %dma_start3A_261 = tpu.memref_squeeze %dma_start3A_260 : memref<1x128xi32, #tpu.memory_space<vmem>> -> memref<128xi32, #tpu.memory_space<vmem>>
        %dma_start3A_262 = arith.constant 0 : i32
        %dma_start3A_263 = arith.constant 0 : i32
        %dma_start3A_264 = tpu.memref_slice %arg13[%dma_start3A_262, %dma_start3A_263] : memref<10112x128xf32, #tpu.memory_space<vmem_shared>> -> memref<10112x128xf32, #tpu.memory_space<vmem_shared>>
        tpu.enqueue_indirect_dma source(%arg11 : memref<128x128xf32, #tpu.memory_space<vmem>>) target(%dma_start3A_264 : memref<10112x128xf32, #tpu.memory_space<vmem_shared>>) offsets(%dma_start3A_261 : memref<128xi32, #tpu.memory_space<vmem>>) semaphore(%run_scoped3A : memref<!tpu.dma_semaphore, #tpu.memory_space<semaphore_mem>>) {add = true}
        %dma_wait3A_265 = arith.constant 0 : i32
        %dma_wait3A_266 = tpu.memref_slice %arg8[%add3A_216, %dma_wait3A_265] : memref<32x128xi32, #tpu.memory_space<vmem>> -> memref<1x128xi32, #tpu.memory_space<vmem>>
        %dma_wait3A_267 = tpu.memref_squeeze %dma_wait3A_266 : memref<1x128xi32, #tpu.memory_space<vmem>> -> memref<128xi32, #tpu.memory_space<vmem>>
        %dma_wait3A_268 = arith.constant 0 : i32
        %dma_wait3A_269 = arith.constant 0 : i32
        %dma_wait3A_270 = tpu.memref_slice %arg13[%dma_wait3A_268, %dma_wait3A_269] : memref<10112x128xf32, #tpu.memory_space<vmem_shared>> -> memref<10112x128xf32, #tpu.memory_space<vmem_shared>>
        tpu.wait_indirect_dma semaphore(%run_scoped3A : memref<!tpu.dma_semaphore, #tpu.memory_space<semaphore_mem>>) src(%arg11 : memref<128x128xf32, #tpu.memory_space<vmem>>) dst(%dma_wait3A_270 : memref<10112x128xf32, #tpu.memory_space<vmem_shared>>)
        tpu.yield
      }) : () -> ()
      %add3A_239 = arith.constant 2 : i32
      %add3A_240 = arith.addi %add3A_216, %add3A_239 : i32
      %lt3A = arith.constant 32 : i32
      %lt3A_241 = arith.cmpi slt, %add3A_240, %lt3A : i32
      %convert_element_type3A_242 = arith.extui %lt3A_241 : i1 to i32
      %cond3A_243 = arith.constant 0 : i32
      %cond3A_244 = arith.cmpi ne, %convert_element_type3A_242, %cond3A_243 : i32
      scf.if %cond3A_244 {
        %add3A_259 = arith.constant 2 : i32
        %add3A_260 = arith.addi %add3A_216, %add3A_259 : i32
        %dma_start3A_261 = arith.constant 0 : i32
        %dma_start3A_262 = tpu.memref_slice %arg7[%add3A_260, %dma_start3A_261] : memref<32x128xi32, #tpu.memory_space<vmem>> -> memref<1x128xi32, #tpu.memory_space<vmem>>
        %dma_start3A_263 = tpu.memref_squeeze %dma_start3A_262 : memref<1x128xi32, #tpu.memory_space<vmem>> -> memref<128xi32, #tpu.memory_space<vmem>>
        %dma_start3A_264 = arith.constant 0 : i32
        %dma_start3A_265 = arith.constant 0 : i32
        %dma_start3A_266 = tpu.memref_slice %arg2[%arg0, %dma_start3A_264, %dma_start3A_265] : memref<2x10000x128xf32, #tpu.memory_space<hbm>> -> memref<1x10000x128xf32, #tpu.memory_space<hbm>>
        %dma_start3A_267 = tpu.memref_squeeze %dma_start3A_266 : memref<1x10000x128xf32, #tpu.memory_space<hbm>> -> memref<10000x128xf32, #tpu.memory_space<hbm>>
        %dma_start3A_268 = arith.constant 0 : i32
        %dma_start3A_269 = arith.constant 0 : i32
        %dma_start3A_270 = tpu.memref_slice %dma_start3A_267[%dma_start3A_268, %dma_start3A_269] : memref<10000x128xf32, #tpu.memory_space<hbm>> -> memref<10000x128xf32, #tpu.memory_space<hbm>>
        tpu.enqueue_indirect_dma source(%dma_start3A_270 : memref<10000x128xf32, #tpu.memory_space<hbm>>) target(%arg11 : memref<128x128xf32, #tpu.memory_space<vmem>>) offsets(%dma_start3A_263 : memref<128xi32, #tpu.memory_space<vmem>>) semaphore(%arg14 : memref<!tpu.dma_semaphore, #tpu.memory_space<semaphore_mem>>)
      } else {
      }
      %add3A_245 = arith.constant 1 : i32
      %add3A_246 = arith.addi %add3A_216, %add3A_245 : i32
      %dma_wait3A_247 = arith.constant 0 : i32
      %dma_wait3A_248 = tpu.memref_slice %arg7[%add3A_246, %dma_wait3A_247] : memref<32x128xi32, #tpu.memory_space<vmem>> -> memref<1x128xi32, #tpu.memory_space<vmem>>
      %dma_wait3A_249 = tpu.memref_squeeze %dma_wait3A_248 : memref<1x128xi32, #tpu.memory_space<vmem>> -> memref<128xi32, #tpu.memory_space<vmem>>
      %dma_wait3A_250 = arith.constant 0 : i32
      %dma_wait3A_251 = arith.constant 0 : i32
      %dma_wait3A_252 = tpu.memref_slice %arg2[%arg0, %dma_wait3A_250, %dma_wait3A_251] : memref<2x10000x128xf32, #tpu.memory_space<hbm>> -> memref<1x10000x128xf32, #tpu.memory_space<hbm>>
      %dma_wait3A_253 = tpu.memref_squeeze %dma_wait3A_252 : memref<1x10000x128xf32, #tpu.memory_space<hbm>> -> memref<10000x128xf32, #tpu.memory_space<hbm>>
      %dma_wait3A_254 = arith.constant 0 : i32
      %dma_wait3A_255 = arith.constant 0 : i32
      %dma_wait3A_256 = tpu.memref_slice %dma_wait3A_253[%dma_wait3A_254, %dma_wait3A_255] : memref<10000x128xf32, #tpu.memory_space<hbm>> -> memref<10000x128xf32, #tpu.memory_space<hbm>>
      tpu.wait_indirect_dma semaphore(%arg15 : memref<!tpu.dma_semaphore, #tpu.memory_space<semaphore_mem>>) src(%dma_wait3A_256 : memref<10000x128xf32, #tpu.memory_space<hbm>>) dst(%arg12 : memref<128x128xf32, #tpu.memory_space<vmem>>)
      %add3A_257 = arith.constant 1 : i32
      %add3A_258 = arith.addi %add3A_216, %add3A_257 : i32
      "tpu.region"() ({
        %run_scoped3A = tpu.sem_alloc : memref<!tpu.dma_semaphore, #tpu.memory_space<semaphore_mem>>
        %dma_start3A_259 = arith.constant 0 : i32
        %dma_start3A_260 = tpu.memref_slice %arg8[%add3A_258, %dma_start3A_259] : memref<32x128xi32, #tpu.memory_space<vmem>> -> memref<1x128xi32, #tpu.memory_space<vmem>>
        %dma_start3A_261 = tpu.memref_squeeze %dma_start3A_260 : memref<1x128xi32, #tpu.memory_space<vmem>> -> memref<128xi32, #tpu.memory_space<vmem>>
        %dma_start3A_262 = arith.constant 0 : i32
        %dma_start3A_263 = arith.constant 0 : i32
        %dma_start3A_264 = tpu.memref_slice %arg13[%dma_start3A_262, %dma_start3A_263] : memref<10112x128xf32, #tpu.memory_space<vmem_shared>> -> memref<10112x128xf32, #tpu.memory_space<vmem_shared>>
        tpu.enqueue_indirect_dma source(%arg12 : memref<128x128xf32, #tpu.memory_space<vmem>>) target(%dma_start3A_264 : memref<10112x128xf32, #tpu.memory_space<vmem_shared>>) offsets(%dma_start3A_261 : memref<128xi32, #tpu.memory_space<vmem>>) semaphore(%run_scoped3A : memref<!tpu.dma_semaphore, #tpu.memory_space<semaphore_mem>>) {add = true}
        %dma_wait3A_265 = arith.constant 0 : i32
        %dma_wait3A_266 = tpu.memref_slice %arg8[%add3A_258, %dma_wait3A_265] : memref<32x128xi32, #tpu.memory_space<vmem>> -> memref<1x128xi32, #tpu.memory_space<vmem>>
        %dma_wait3A_267 = tpu.memref_squeeze %dma_wait3A_266 : memref<1x128xi32, #tpu.memory_space<vmem>> -> memref<128xi32, #tpu.memory_space<vmem>>
        %dma_wait3A_268 = arith.constant 0 : i32
        %dma_wait3A_269 = arith.constant 0 : i32
        %dma_wait3A_270 = tpu.memref_slice %arg13[%dma_wait3A_268, %dma_wait3A_269] : memref<10112x128xf32, #tpu.memory_space<vmem_shared>> -> memref<10112x128xf32, #tpu.memory_space<vmem_shared>>
        tpu.wait_indirect_dma semaphore(%run_scoped3A : memref<!tpu.dma_semaphore, #tpu.memory_space<semaphore_mem>>) src(%arg12 : memref<128x128xf32, #tpu.memory_space<vmem>>) dst(%dma_wait3A_270 : memref<10112x128xf32, #tpu.memory_space<vmem_shared>>)
        tpu.yield
      }) : () -> ()
    }
    %scan3A_125 = arith.constant 16 : i32
    %dma_wait3A_126 = arith.constant 96 : i32
    %dma_wait3A_127 = arith.constant 0 : i32
    %dma_wait3A_128 = tpu.memref_slice %arg3[%arg1, %dma_wait3A_126, %dma_wait3A_127] : memref<16x160x128xi32, #tpu.memory_space<hbm>> -> memref<1x32x128xi32, #tpu.memory_space<hbm>>
    %dma_wait3A_129 = tpu.memref_squeeze %dma_wait3A_128 : memref<1x32x128xi32, #tpu.memory_space<hbm>> -> memref<32x128xi32, #tpu.memory_space<hbm>>
    %dma_wait3A_130 = arith.constant 96 : i32
    %dma_wait3A_131 = arith.constant 0 : i32
    %dma_wait3A_132 = tpu.memref_slice %arg3[%arg1, %dma_wait3A_130, %dma_wait3A_131] : memref<16x160x128xi32, #tpu.memory_space<hbm>> -> memref<1x32x128xi32, #tpu.memory_space<hbm>>
    %dma_wait3A_133 = tpu.memref_squeeze %dma_wait3A_132 : memref<1x32x128xi32, #tpu.memory_space<hbm>> -> memref<32x128xi32, #tpu.memory_space<hbm>>
    tpu.wait_dma2 semaphore(%arg16 : memref<!tpu.dma_semaphore, #tpu.memory_space<semaphore_mem>>) src(%dma_wait3A_133 : memref<32x128xi32, #tpu.memory_space<hbm>>) dst(%arg9 : memref<32x128xi32, #tpu.memory_space<vmem>>)
    %dma_wait3A_134 = arith.constant 96 : i32
    %dma_wait3A_135 = arith.constant 0 : i32
    %dma_wait3A_136 = tpu.memref_slice %arg4[%arg1, %dma_wait3A_134, %dma_wait3A_135] : memref<16x160x128xi32, #tpu.memory_space<hbm>> -> memref<1x32x128xi32, #tpu.memory_space<hbm>>
    %dma_wait3A_137 = tpu.memref_squeeze %dma_wait3A_136 : memref<1x32x128xi32, #tpu.memory_space<hbm>> -> memref<32x128xi32, #tpu.memory_space<hbm>>
    %dma_wait3A_138 = arith.constant 96 : i32
    %dma_wait3A_139 = arith.constant 0 : i32
    %dma_wait3A_140 = tpu.memref_slice %arg4[%arg1, %dma_wait3A_138, %dma_wait3A_139] : memref<16x160x128xi32, #tpu.memory_space<hbm>> -> memref<1x32x128xi32, #tpu.memory_space<hbm>>
    %dma_wait3A_141 = tpu.memref_squeeze %dma_wait3A_140 : memref<1x32x128xi32, #tpu.memory_space<hbm>> -> memref<32x128xi32, #tpu.memory_space<hbm>>
    tpu.wait_dma2 semaphore(%arg16 : memref<!tpu.dma_semaphore, #tpu.memory_space<semaphore_mem>>) src(%dma_wait3A_141 : memref<32x128xi32, #tpu.memory_space<hbm>>) dst(%arg10 : memref<32x128xi32, #tpu.memory_space<vmem>>)
    %dma_start3A_142 = arith.constant 128 : i32
    %dma_start3A_143 = arith.constant 0 : i32
    %dma_start3A_144 = tpu.memref_slice %arg3[%arg1, %dma_start3A_142, %dma_start3A_143] : memref<16x160x128xi32, #tpu.memory_space<hbm>> -> memref<1x32x128xi32, #tpu.memory_space<hbm>>
    %dma_start3A_145 = tpu.memref_squeeze %dma_start3A_144 : memref<1x32x128xi32, #tpu.memory_space<hbm>> -> memref<32x128xi32, #tpu.memory_space<hbm>>
    %dma_start3A_146 = arith.constant 128 : i32
    %dma_start3A_147 = arith.constant 0 : i32
    %dma_start3A_148 = tpu.memref_slice %arg3[%arg1, %dma_start3A_146, %dma_start3A_147] : memref<16x160x128xi32, #tpu.memory_space<hbm>> -> memref<1x32x128xi32, #tpu.memory_space<hbm>>
    %dma_start3A_149 = tpu.memref_squeeze %dma_start3A_148 : memref<1x32x128xi32, #tpu.memory_space<hbm>> -> memref<32x128xi32, #tpu.memory_space<hbm>>
    tpu.enqueue_dma source(%dma_start3A_149 : memref<32x128xi32, #tpu.memory_space<hbm>>) target(%arg7 : memref<32x128xi32, #tpu.memory_space<vmem>>) target_semaphore(%arg16 : memref<!tpu.dma_semaphore, #tpu.memory_space<semaphore_mem>>)
    %dma_start3A_150 = arith.constant 128 : i32
    %dma_start3A_151 = arith.constant 0 : i32
    %dma_start3A_152 = tpu.memref_slice %arg4[%arg1, %dma_start3A_150, %dma_start3A_151] : memref<16x160x128xi32, #tpu.memory_space<hbm>> -> memref<1x32x128xi32, #tpu.memory_space<hbm>>
    %dma_start3A_153 = tpu.memref_squeeze %dma_start3A_152 : memref<1x32x128xi32, #tpu.memory_space<hbm>> -> memref<32x128xi32, #tpu.memory_space<hbm>>
    %dma_start3A_154 = arith.constant 128 : i32
    %dma_start3A_155 = arith.constant 0 : i32
    %dma_start3A_156 = tpu.memref_slice %arg4[%arg1, %dma_start3A_154, %dma_start3A_155] : memref<16x160x128xi32, #tpu.memory_space<hbm>> -> memref<1x32x128xi32, #tpu.memory_space<hbm>>
    %dma_start3A_157 = tpu.memref_squeeze %dma_start3A_156 : memref<1x32x128xi32, #tpu.memory_space<hbm>> -> memref<32x128xi32, #tpu.memory_space<hbm>>
    tpu.enqueue_dma source(%dma_start3A_157 : memref<32x128xi32, #tpu.memory_space<hbm>>) target(%arg8 : memref<32x128xi32, #tpu.memory_space<vmem>>) target_semaphore(%arg16 : memref<!tpu.dma_semaphore, #tpu.memory_space<semaphore_mem>>)
    %dma_start3A_158 = arith.constant 0 : i32
    %dma_start3A_159 = arith.constant 0 : i32
    %dma_start3A_160 = tpu.memref_slice %arg9[%dma_start3A_158, %dma_start3A_159] : memref<32x128xi32, #tpu.memory_space<vmem>> -> memref<1x128xi32, #tpu.memory_space<vmem>>
    %dma_start3A_161 = tpu.memref_squeeze %dma_start3A_160 : memref<1x128xi32, #tpu.memory_space<vmem>> -> memref<128xi32, #tpu.memory_space<vmem>>
    %dma_start3A_162 = arith.constant 0 : i32
    %dma_start3A_163 = arith.constant 0 : i32
    %dma_start3A_164 = tpu.memref_slice %arg2[%arg0, %dma_start3A_162, %dma_start3A_163] : memref<2x10000x128xf32, #tpu.memory_space<hbm>> -> memref<1x10000x128xf32, #tpu.memory_space<hbm>>
    %dma_start3A_165 = tpu.memref_squeeze %dma_start3A_164 : memref<1x10000x128xf32, #tpu.memory_space<hbm>> -> memref<10000x128xf32, #tpu.memory_space<hbm>>
    %dma_start3A_166 = arith.constant 0 : i32
    %dma_start3A_167 = arith.constant 0 : i32
    %dma_start3A_168 = tpu.memref_slice %dma_start3A_165[%dma_start3A_166, %dma_start3A_167] : memref<10000x128xf32, #tpu.memory_space<hbm>> -> memref<10000x128xf32, #tpu.memory_space<hbm>>
    tpu.enqueue_indirect_dma source(%dma_start3A_168 : memref<10000x128xf32, #tpu.memory_space<hbm>>) target(%arg11 : memref<128x128xf32, #tpu.memory_space<vmem>>) offsets(%dma_start3A_161 : memref<128xi32, #tpu.memory_space<vmem>>) semaphore(%arg14 : memref<!tpu.dma_semaphore, #tpu.memory_space<semaphore_mem>>)
    %scan3A_169 = arith.constant 0 : i32
    %scan3A_170 = arith.constant 16 : i32
    %scan3A_171 = arith.addi %scan3A_169, %scan3A_170 : i32
    %scan3A_172 = arith.constant 1 : i32
    scf.for %scan3A_213 = %scan3A_169 to %scan3A_171 step %scan3A_172  : i32 {
      %mul3A_214 = arith.constant 2 : i32
      %mul3A_215 = arith.muli %scan3A_213, %mul3A_214 : i32
      %add3A = arith.constant 0 : i32
      %add3A_216 = arith.addi %add3A, %mul3A_215 : i32
      %add3A_217 = arith.constant 1 : i32
      %add3A_218 = arith.addi %add3A_216, %add3A_217 : i32
      %dma_start3A_219 = arith.constant 0 : i32
      %dma_start3A_220 = tpu.memref_slice %arg9[%add3A_218, %dma_start3A_219] : memref<32x128xi32, #tpu.memory_space<vmem>> -> memref<1x128xi32, #tpu.memory_space<vmem>>
      %dma_start3A_221 = tpu.memref_squeeze %dma_start3A_220 : memref<1x128xi32, #tpu.memory_space<vmem>> -> memref<128xi32, #tpu.memory_space<vmem>>
      %dma_start3A_222 = arith.constant 0 : i32
      %dma_start3A_223 = arith.constant 0 : i32
      %dma_start3A_224 = tpu.memref_slice %arg2[%arg0, %dma_start3A_222, %dma_start3A_223] : memref<2x10000x128xf32, #tpu.memory_space<hbm>> -> memref<1x10000x128xf32, #tpu.memory_space<hbm>>
      %dma_start3A_225 = tpu.memref_squeeze %dma_start3A_224 : memref<1x10000x128xf32, #tpu.memory_space<hbm>> -> memref<10000x128xf32, #tpu.memory_space<hbm>>
      %dma_start3A_226 = arith.constant 0 : i32
      %dma_start3A_227 = arith.constant 0 : i32
      %dma_start3A_228 = tpu.memref_slice %dma_start3A_225[%dma_start3A_226, %dma_start3A_227] : memref<10000x128xf32, #tpu.memory_space<hbm>> -> memref<10000x128xf32, #tpu.memory_space<hbm>>
      tpu.enqueue_indirect_dma source(%dma_start3A_228 : memref<10000x128xf32, #tpu.memory_space<hbm>>) target(%arg12 : memref<128x128xf32, #tpu.memory_space<vmem>>) offsets(%dma_start3A_221 : memref<128xi32, #tpu.memory_space<vmem>>) semaphore(%arg15 : memref<!tpu.dma_semaphore, #tpu.memory_space<semaphore_mem>>)
      %dma_wait3A_229 = arith.constant 0 : i32
      %dma_wait3A_230 = tpu.memref_slice %arg9[%add3A_216, %dma_wait3A_229] : memref<32x128xi32, #tpu.memory_space<vmem>> -> memref<1x128xi32, #tpu.memory_space<vmem>>
      %dma_wait3A_231 = tpu.memref_squeeze %dma_wait3A_230 : memref<1x128xi32, #tpu.memory_space<vmem>> -> memref<128xi32, #tpu.memory_space<vmem>>
      %dma_wait3A_232 = arith.constant 0 : i32
      %dma_wait3A_233 = arith.constant 0 : i32
      %dma_wait3A_234 = tpu.memref_slice %arg2[%arg0, %dma_wait3A_232, %dma_wait3A_233] : memref<2x10000x128xf32, #tpu.memory_space<hbm>> -> memref<1x10000x128xf32, #tpu.memory_space<hbm>>
      %dma_wait3A_235 = tpu.memref_squeeze %dma_wait3A_234 : memref<1x10000x128xf32, #tpu.memory_space<hbm>> -> memref<10000x128xf32, #tpu.memory_space<hbm>>
      %dma_wait3A_236 = arith.constant 0 : i32
      %dma_wait3A_237 = arith.constant 0 : i32
      %dma_wait3A_238 = tpu.memref_slice %dma_wait3A_235[%dma_wait3A_236, %dma_wait3A_237] : memref<10000x128xf32, #tpu.memory_space<hbm>> -> memref<10000x128xf32, #tpu.memory_space<hbm>>
      tpu.wait_indirect_dma semaphore(%arg14 : memref<!tpu.dma_semaphore, #tpu.memory_space<semaphore_mem>>) src(%dma_wait3A_238 : memref<10000x128xf32, #tpu.memory_space<hbm>>) dst(%arg11 : memref<128x128xf32, #tpu.memory_space<vmem>>)
      "tpu.region"() ({
        %run_scoped3A = tpu.sem_alloc : memref<!tpu.dma_semaphore, #tpu.memory_space<semaphore_mem>>
        %dma_start3A_259 = arith.constant 0 : i32
        %dma_start3A_260 = tpu.memref_slice %arg10[%add3A_216, %dma_start3A_259] : memref<32x128xi32, #tpu.memory_space<vmem>> -> memref<1x128xi32, #tpu.memory_space<vmem>>
        %dma_start3A_261 = tpu.memref_squeeze %dma_start3A_260 : memref<1x128xi32, #tpu.memory_space<vmem>> -> memref<128xi32, #tpu.memory_space<vmem>>
        %dma_start3A_262 = arith.constant 0 : i32
        %dma_start3A_263 = arith.constant 0 : i32
        %dma_start3A_264 = tpu.memref_slice %arg13[%dma_start3A_262, %dma_start3A_263] : memref<10112x128xf32, #tpu.memory_space<vmem_shared>> -> memref<10112x128xf32, #tpu.memory_space<vmem_shared>>
        tpu.enqueue_indirect_dma source(%arg11 : memref<128x128xf32, #tpu.memory_space<vmem>>) target(%dma_start3A_264 : memref<10112x128xf32, #tpu.memory_space<vmem_shared>>) offsets(%dma_start3A_261 : memref<128xi32, #tpu.memory_space<vmem>>) semaphore(%run_scoped3A : memref<!tpu.dma_semaphore, #tpu.memory_space<semaphore_mem>>) {add = true}
        %dma_wait3A_265 = arith.constant 0 : i32
        %dma_wait3A_266 = tpu.memref_slice %arg10[%add3A_216, %dma_wait3A_265] : memref<32x128xi32, #tpu.memory_space<vmem>> -> memref<1x128xi32, #tpu.memory_space<vmem>>
        %dma_wait3A_267 = tpu.memref_squeeze %dma_wait3A_266 : memref<1x128xi32, #tpu.memory_space<vmem>> -> memref<128xi32, #tpu.memory_space<vmem>>
        %dma_wait3A_268 = arith.constant 0 : i32
        %dma_wait3A_269 = arith.constant 0 : i32
        %dma_wait3A_270 = tpu.memref_slice %arg13[%dma_wait3A_268, %dma_wait3A_269] : memref<10112x128xf32, #tpu.memory_space<vmem_shared>> -> memref<10112x128xf32, #tpu.memory_space<vmem_shared>>
        tpu.wait_indirect_dma semaphore(%run_scoped3A : memref<!tpu.dma_semaphore, #tpu.memory_space<semaphore_mem>>) src(%arg11 : memref<128x128xf32, #tpu.memory_space<vmem>>) dst(%dma_wait3A_270 : memref<10112x128xf32, #tpu.memory_space<vmem_shared>>)
        tpu.yield
      }) : () -> ()
      %add3A_239 = arith.constant 2 : i32
      %add3A_240 = arith.addi %add3A_216, %add3A_239 : i32
      %lt3A = arith.constant 32 : i32
      %lt3A_241 = arith.cmpi slt, %add3A_240, %lt3A : i32
      %convert_element_type3A_242 = arith.extui %lt3A_241 : i1 to i32
      %cond3A_243 = arith.constant 0 : i32
      %cond3A_244 = arith.cmpi ne, %convert_element_type3A_242, %cond3A_243 : i32
      scf.if %cond3A_244 {
        %add3A_259 = arith.constant 2 : i32
        %add3A_260 = arith.addi %add3A_216, %add3A_259 : i32
        %dma_start3A_261 = arith.constant 0 : i32
        %dma_start3A_262 = tpu.memref_slice %arg9[%add3A_260, %dma_start3A_261] : memref<32x128xi32, #tpu.memory_space<vmem>> -> memref<1x128xi32, #tpu.memory_space<vmem>>
        %dma_start3A_263 = tpu.memref_squeeze %dma_start3A_262 : memref<1x128xi32, #tpu.memory_space<vmem>> -> memref<128xi32, #tpu.memory_space<vmem>>
        %dma_start3A_264 = arith.constant 0 : i32
        %dma_start3A_265 = arith.constant 0 : i32
        %dma_start3A_266 = tpu.memref_slice %arg2[%arg0, %dma_start3A_264, %dma_start3A_265] : memref<2x10000x128xf32, #tpu.memory_space<hbm>> -> memref<1x10000x128xf32, #tpu.memory_space<hbm>>
        %dma_start3A_267 = tpu.memref_squeeze %dma_start3A_266 : memref<1x10000x128xf32, #tpu.memory_space<hbm>> -> memref<10000x128xf32, #tpu.memory_space<hbm>>
        %dma_start3A_268 = arith.constant 0 : i32
        %dma_start3A_269 = arith.constant 0 : i32
        %dma_start3A_270 = tpu.memref_slice %dma_start3A_267[%dma_start3A_268, %dma_start3A_269] : memref<10000x128xf32, #tpu.memory_space<hbm>> -> memref<10000x128xf32, #tpu.memory_space<hbm>>
        tpu.enqueue_indirect_dma source(%dma_start3A_270 : memref<10000x128xf32, #tpu.memory_space<hbm>>) target(%arg11 : memref<128x128xf32, #tpu.memory_space<vmem>>) offsets(%dma_start3A_263 : memref<128xi32, #tpu.memory_space<vmem>>) semaphore(%arg14 : memref<!tpu.dma_semaphore, #tpu.memory_space<semaphore_mem>>)
      } else {
      }
      %add3A_245 = arith.constant 1 : i32
      %add3A_246 = arith.addi %add3A_216, %add3A_245 : i32
      %dma_wait3A_247 = arith.constant 0 : i32
      %dma_wait3A_248 = tpu.memref_slice %arg9[%add3A_246, %dma_wait3A_247] : memref<32x128xi32, #tpu.memory_space<vmem>> -> memref<1x128xi32, #tpu.memory_space<vmem>>
      %dma_wait3A_249 = tpu.memref_squeeze %dma_wait3A_248 : memref<1x128xi32, #tpu.memory_space<vmem>> -> memref<128xi32, #tpu.memory_space<vmem>>
      %dma_wait3A_250 = arith.constant 0 : i32
      %dma_wait3A_251 = arith.constant 0 : i32
      %dma_wait3A_252 = tpu.memref_slice %arg2[%arg0, %dma_wait3A_250, %dma_wait3A_251] : memref<2x10000x128xf32, #tpu.memory_space<hbm>> -> memref<1x10000x128xf32, #tpu.memory_space<hbm>>
      %dma_wait3A_253 = tpu.memref_squeeze %dma_wait3A_252 : memref<1x10000x128xf32, #tpu.memory_space<hbm>> -> memref<10000x128xf32, #tpu.memory_space<hbm>>
      %dma_wait3A_254 = arith.constant 0 : i32
      %dma_wait3A_255 = arith.constant 0 : i32
      %dma_wait3A_256 = tpu.memref_slice %dma_wait3A_253[%dma_wait3A_254, %dma_wait3A_255] : memref<10000x128xf32, #tpu.memory_space<hbm>> -> memref<10000x128xf32, #tpu.memory_space<hbm>>
      tpu.wait_indirect_dma semaphore(%arg15 : memref<!tpu.dma_semaphore, #tpu.memory_space<semaphore_mem>>) src(%dma_wait3A_256 : memref<10000x128xf32, #tpu.memory_space<hbm>>) dst(%arg12 : memref<128x128xf32, #tpu.memory_space<vmem>>)
      %add3A_257 = arith.constant 1 : i32
      %add3A_258 = arith.addi %add3A_216, %add3A_257 : i32
      "tpu.region"() ({
        %run_scoped3A = tpu.sem_alloc : memref<!tpu.dma_semaphore, #tpu.memory_space<semaphore_mem>>
        %dma_start3A_259 = arith.constant 0 : i32
        %dma_start3A_260 = tpu.memref_slice %arg10[%add3A_258, %dma_start3A_259] : memref<32x128xi32, #tpu.memory_space<vmem>> -> memref<1x128xi32, #tpu.memory_space<vmem>>
        %dma_start3A_261 = tpu.memref_squeeze %dma_start3A_260 : memref<1x128xi32, #tpu.memory_space<vmem>> -> memref<128xi32, #tpu.memory_space<vmem>>
        %dma_start3A_262 = arith.constant 0 : i32
        %dma_start3A_263 = arith.constant 0 : i32
        %dma_start3A_264 = tpu.memref_slice %arg13[%dma_start3A_262, %dma_start3A_263] : memref<10112x128xf32, #tpu.memory_space<vmem_shared>> -> memref<10112x128xf32, #tpu.memory_space<vmem_shared>>
        tpu.enqueue_indirect_dma source(%arg12 : memref<128x128xf32, #tpu.memory_space<vmem>>) target(%dma_start3A_264 : memref<10112x128xf32, #tpu.memory_space<vmem_shared>>) offsets(%dma_start3A_261 : memref<128xi32, #tpu.memory_space<vmem>>) semaphore(%run_scoped3A : memref<!tpu.dma_semaphore, #tpu.memory_space<semaphore_mem>>) {add = true}
        %dma_wait3A_265 = arith.constant 0 : i32
        %dma_wait3A_266 = tpu.memref_slice %arg10[%add3A_258, %dma_wait3A_265] : memref<32x128xi32, #tpu.memory_space<vmem>> -> memref<1x128xi32, #tpu.memory_space<vmem>>
        %dma_wait3A_267 = tpu.memref_squeeze %dma_wait3A_266 : memref<1x128xi32, #tpu.memory_space<vmem>> -> memref<128xi32, #tpu.memory_space<vmem>>
        %dma_wait3A_268 = arith.constant 0 : i32
        %dma_wait3A_269 = arith.constant 0 : i32
        %dma_wait3A_270 = tpu.memref_slice %arg13[%dma_wait3A_268, %dma_wait3A_269] : memref<10112x128xf32, #tpu.memory_space<vmem_shared>> -> memref<10112x128xf32, #tpu.memory_space<vmem_shared>>
        tpu.wait_indirect_dma semaphore(%run_scoped3A : memref<!tpu.dma_semaphore, #tpu.memory_space<semaphore_mem>>) src(%arg12 : memref<128x128xf32, #tpu.memory_space<vmem>>) dst(%dma_wait3A_270 : memref<10112x128xf32, #tpu.memory_space<vmem_shared>>)
        tpu.yield
      }) : () -> ()
    }
    %scan3A_173 = arith.constant 16 : i32
    %dma_wait3A_174 = arith.constant 128 : i32
    %dma_wait3A_175 = arith.constant 0 : i32
    %dma_wait3A_176 = tpu.memref_slice %arg3[%arg1, %dma_wait3A_174, %dma_wait3A_175] : memref<16x160x128xi32, #tpu.memory_space<hbm>> -> memref<1x32x128xi32, #tpu.memory_space<hbm>>
    %dma_wait3A_177 = tpu.memref_squeeze %dma_wait3A_176 : memref<1x32x128xi32, #tpu.memory_space<hbm>> -> memref<32x128xi32, #tpu.memory_space<hbm>>
    %dma_wait3A_178 = arith.constant 128 : i32
    %dma_wait3A_179 = arith.constant 0 : i32
    %dma_wait3A_180 = tpu.memref_slice %arg3[%arg1, %dma_wait3A_178, %dma_wait3A_179] : memref<16x160x128xi32, #tpu.memory_space<hbm>> -> memref<1x32x128xi32, #tpu.memory_space<hbm>>
    %dma_wait3A_181 = tpu.memref_squeeze %dma_wait3A_180 : memref<1x32x128xi32, #tpu.memory_space<hbm>> -> memref<32x128xi32, #tpu.memory_space<hbm>>
    tpu.wait_dma2 semaphore(%arg16 : memref<!tpu.dma_semaphore, #tpu.memory_space<semaphore_mem>>) src(%dma_wait3A_181 : memref<32x128xi32, #tpu.memory_space<hbm>>) dst(%arg7 : memref<32x128xi32, #tpu.memory_space<vmem>>)
    %dma_wait3A_182 = arith.constant 128 : i32
    %dma_wait3A_183 = arith.constant 0 : i32
    %dma_wait3A_184 = tpu.memref_slice %arg4[%arg1, %dma_wait3A_182, %dma_wait3A_183] : memref<16x160x128xi32, #tpu.memory_space<hbm>> -> memref<1x32x128xi32, #tpu.memory_space<hbm>>
    %dma_wait3A_185 = tpu.memref_squeeze %dma_wait3A_184 : memref<1x32x128xi32, #tpu.memory_space<hbm>> -> memref<32x128xi32, #tpu.memory_space<hbm>>
    %dma_wait3A_186 = arith.constant 128 : i32
    %dma_wait3A_187 = arith.constant 0 : i32
    %dma_wait3A_188 = tpu.memref_slice %arg4[%arg1, %dma_wait3A_186, %dma_wait3A_187] : memref<16x160x128xi32, #tpu.memory_space<hbm>> -> memref<1x32x128xi32, #tpu.memory_space<hbm>>
    %dma_wait3A_189 = tpu.memref_squeeze %dma_wait3A_188 : memref<1x32x128xi32, #tpu.memory_space<hbm>> -> memref<32x128xi32, #tpu.memory_space<hbm>>
    tpu.wait_dma2 semaphore(%arg16 : memref<!tpu.dma_semaphore, #tpu.memory_space<semaphore_mem>>) src(%dma_wait3A_189 : memref<32x128xi32, #tpu.memory_space<hbm>>) dst(%arg8 : memref<32x128xi32, #tpu.memory_space<vmem>>)
    %dma_start3A_190 = arith.constant 0 : i32
    %dma_start3A_191 = arith.constant 0 : i32
    %dma_start3A_192 = tpu.memref_slice %arg7[%dma_start3A_190, %dma_start3A_191] : memref<32x128xi32, #tpu.memory_space<vmem>> -> memref<1x128xi32, #tpu.memory_space<vmem>>
    %dma_start3A_193 = tpu.memref_squeeze %dma_start3A_192 : memref<1x128xi32, #tpu.memory_space<vmem>> -> memref<128xi32, #tpu.memory_space<vmem>>
    %dma_start3A_194 = arith.constant 0 : i32
    %dma_start3A_195 = arith.constant 0 : i32
    %dma_start3A_196 = tpu.memref_slice %arg2[%arg0, %dma_start3A_194, %dma_start3A_195] : memref<2x10000x128xf32, #tpu.memory_space<hbm>> -> memref<1x10000x128xf32, #tpu.memory_space<hbm>>
    %dma_start3A_197 = tpu.memref_squeeze %dma_start3A_196 : memref<1x10000x128xf32, #tpu.memory_space<hbm>> -> memref<10000x128xf32, #tpu.memory_space<hbm>>
    %dma_start3A_198 = arith.constant 0 : i32
    %dma_start3A_199 = arith.constant 0 : i32
    %dma_start3A_200 = tpu.memref_slice %dma_start3A_197[%dma_start3A_198, %dma_start3A_199] : memref<10000x128xf32, #tpu.memory_space<hbm>> -> memref<10000x128xf32, #tpu.memory_space<hbm>>
    tpu.enqueue_indirect_dma source(%dma_start3A_200 : memref<10000x128xf32, #tpu.memory_space<hbm>>) target(%arg11 : memref<128x128xf32, #tpu.memory_space<vmem>>) offsets(%dma_start3A_193 : memref<128xi32, #tpu.memory_space<vmem>>) semaphore(%arg14 : memref<!tpu.dma_semaphore, #tpu.memory_space<semaphore_mem>>)
    %scan3A_201 = arith.constant 0 : i32
    %scan3A_202 = arith.constant 16 : i32
    %scan3A_203 = arith.addi %scan3A_201, %scan3A_202 : i32
    %scan3A_204 = arith.constant 1 : i32
    scf.for %scan3A_213 = %scan3A_201 to %scan3A_203 step %scan3A_204  : i32 {
      %mul3A_214 = arith.constant 2 : i32
      %mul3A_215 = arith.muli %scan3A_213, %mul3A_214 : i32
      %add3A = arith.constant 0 : i32
      %add3A_216 = arith.addi %add3A, %mul3A_215 : i32
      %add3A_217 = arith.constant 1 : i32
      %add3A_218 = arith.addi %add3A_216, %add3A_217 : i32
      %dma_start3A_219 = arith.constant 0 : i32
      %dma_start3A_220 = tpu.memref_slice %arg7[%add3A_218, %dma_start3A_219] : memref<32x128xi32, #tpu.memory_space<vmem>> -> memref<1x128xi32, #tpu.memory_space<vmem>>
      %dma_start3A_221 = tpu.memref_squeeze %dma_start3A_220 : memref<1x128xi32, #tpu.memory_space<vmem>> -> memref<128xi32, #tpu.memory_space<vmem>>
      %dma_start3A_222 = arith.constant 0 : i32
      %dma_start3A_223 = arith.constant 0 : i32
      %dma_start3A_224 = tpu.memref_slice %arg2[%arg0, %dma_start3A_222, %dma_start3A_223] : memref<2x10000x128xf32, #tpu.memory_space<hbm>> -> memref<1x10000x128xf32, #tpu.memory_space<hbm>>
      %dma_start3A_225 = tpu.memref_squeeze %dma_start3A_224 : memref<1x10000x128xf32, #tpu.memory_space<hbm>> -> memref<10000x128xf32, #tpu.memory_space<hbm>>
      %dma_start3A_226 = arith.constant 0 : i32
      %dma_start3A_227 = arith.constant 0 : i32
      %dma_start3A_228 = tpu.memref_slice %dma_start3A_225[%dma_start3A_226, %dma_start3A_227] : memref<10000x128xf32, #tpu.memory_space<hbm>> -> memref<10000x128xf32, #tpu.memory_space<hbm>>
      tpu.enqueue_indirect_dma source(%dma_start3A_228 : memref<10000x128xf32, #tpu.memory_space<hbm>>) target(%arg12 : memref<128x128xf32, #tpu.memory_space<vmem>>) offsets(%dma_start3A_221 : memref<128xi32, #tpu.memory_space<vmem>>) semaphore(%arg15 : memref<!tpu.dma_semaphore, #tpu.memory_space<semaphore_mem>>)
      %dma_wait3A_229 = arith.constant 0 : i32
      %dma_wait3A_230 = tpu.memref_slice %arg7[%add3A_216, %dma_wait3A_229] : memref<32x128xi32, #tpu.memory_space<vmem>> -> memref<1x128xi32, #tpu.memory_space<vmem>>
      %dma_wait3A_231 = tpu.memref_squeeze %dma_wait3A_230 : memref<1x128xi32, #tpu.memory_space<vmem>> -> memref<128xi32, #tpu.memory_space<vmem>>
      %dma_wait3A_232 = arith.constant 0 : i32
      %dma_wait3A_233 = arith.constant 0 : i32
      %dma_wait3A_234 = tpu.memref_slice %arg2[%arg0, %dma_wait3A_232, %dma_wait3A_233] : memref<2x10000x128xf32, #tpu.memory_space<hbm>> -> memref<1x10000x128xf32, #tpu.memory_space<hbm>>
      %dma_wait3A_235 = tpu.memref_squeeze %dma_wait3A_234 : memref<1x10000x128xf32, #tpu.memory_space<hbm>> -> memref<10000x128xf32, #tpu.memory_space<hbm>>
      %dma_wait3A_236 = arith.constant 0 : i32
      %dma_wait3A_237 = arith.constant 0 : i32
      %dma_wait3A_238 = tpu.memref_slice %dma_wait3A_235[%dma_wait3A_236, %dma_wait3A_237] : memref<10000x128xf32, #tpu.memory_space<hbm>> -> memref<10000x128xf32, #tpu.memory_space<hbm>>
      tpu.wait_indirect_dma semaphore(%arg14 : memref<!tpu.dma_semaphore, #tpu.memory_space<semaphore_mem>>) src(%dma_wait3A_238 : memref<10000x128xf32, #tpu.memory_space<hbm>>) dst(%arg11 : memref<128x128xf32, #tpu.memory_space<vmem>>)
      "tpu.region"() ({
        %run_scoped3A = tpu.sem_alloc : memref<!tpu.dma_semaphore, #tpu.memory_space<semaphore_mem>>
        %dma_start3A_259 = arith.constant 0 : i32
        %dma_start3A_260 = tpu.memref_slice %arg8[%add3A_216, %dma_start3A_259] : memref<32x128xi32, #tpu.memory_space<vmem>> -> memref<1x128xi32, #tpu.memory_space<vmem>>
        %dma_start3A_261 = tpu.memref_squeeze %dma_start3A_260 : memref<1x128xi32, #tpu.memory_space<vmem>> -> memref<128xi32, #tpu.memory_space<vmem>>
        %dma_start3A_262 = arith.constant 0 : i32
        %dma_start3A_263 = arith.constant 0 : i32
        %dma_start3A_264 = tpu.memref_slice %arg13[%dma_start3A_262, %dma_start3A_263] : memref<10112x128xf32, #tpu.memory_space<vmem_shared>> -> memref<10112x128xf32, #tpu.memory_space<vmem_shared>>
        tpu.enqueue_indirect_dma source(%arg11 : memref<128x128xf32, #tpu.memory_space<vmem>>) target(%dma_start3A_264 : memref<10112x128xf32, #tpu.memory_space<vmem_shared>>) offsets(%dma_start3A_261 : memref<128xi32, #tpu.memory_space<vmem>>) semaphore(%run_scoped3A : memref<!tpu.dma_semaphore, #tpu.memory_space<semaphore_mem>>) {add = true}
        %dma_wait3A_265 = arith.constant 0 : i32
        %dma_wait3A_266 = tpu.memref_slice %arg8[%add3A_216, %dma_wait3A_265] : memref<32x128xi32, #tpu.memory_space<vmem>> -> memref<1x128xi32, #tpu.memory_space<vmem>>
        %dma_wait3A_267 = tpu.memref_squeeze %dma_wait3A_266 : memref<1x128xi32, #tpu.memory_space<vmem>> -> memref<128xi32, #tpu.memory_space<vmem>>
        %dma_wait3A_268 = arith.constant 0 : i32
        %dma_wait3A_269 = arith.constant 0 : i32
        %dma_wait3A_270 = tpu.memref_slice %arg13[%dma_wait3A_268, %dma_wait3A_269] : memref<10112x128xf32, #tpu.memory_space<vmem_shared>> -> memref<10112x128xf32, #tpu.memory_space<vmem_shared>>
        tpu.wait_indirect_dma semaphore(%run_scoped3A : memref<!tpu.dma_semaphore, #tpu.memory_space<semaphore_mem>>) src(%arg11 : memref<128x128xf32, #tpu.memory_space<vmem>>) dst(%dma_wait3A_270 : memref<10112x128xf32, #tpu.memory_space<vmem_shared>>)
        tpu.yield
      }) : () -> ()
      %add3A_239 = arith.constant 2 : i32
      %add3A_240 = arith.addi %add3A_216, %add3A_239 : i32
      %lt3A = arith.constant 32 : i32
      %lt3A_241 = arith.cmpi slt, %add3A_240, %lt3A : i32
      %convert_element_type3A_242 = arith.extui %lt3A_241 : i1 to i32
      %cond3A_243 = arith.constant 0 : i32
      %cond3A_244 = arith.cmpi ne, %convert_element_type3A_242, %cond3A_243 : i32
      scf.if %cond3A_244 {
        %add3A_259 = arith.constant 2 : i32
        %add3A_260 = arith.addi %add3A_216, %add3A_259 : i32
        %dma_start3A_261 = arith.constant 0 : i32
        %dma_start3A_262 = tpu.memref_slice %arg7[%add3A_260, %dma_start3A_261] : memref<32x128xi32, #tpu.memory_space<vmem>> -> memref<1x128xi32, #tpu.memory_space<vmem>>
        %dma_start3A_263 = tpu.memref_squeeze %dma_start3A_262 : memref<1x128xi32, #tpu.memory_space<vmem>> -> memref<128xi32, #tpu.memory_space<vmem>>
        %dma_start3A_264 = arith.constant 0 : i32
        %dma_start3A_265 = arith.constant 0 : i32
        %dma_start3A_266 = tpu.memref_slice %arg2[%arg0, %dma_start3A_264, %dma_start3A_265] : memref<2x10000x128xf32, #tpu.memory_space<hbm>> -> memref<1x10000x128xf32, #tpu.memory_space<hbm>>
        %dma_start3A_267 = tpu.memref_squeeze %dma_start3A_266 : memref<1x10000x128xf32, #tpu.memory_space<hbm>> -> memref<10000x128xf32, #tpu.memory_space<hbm>>
        %dma_start3A_268 = arith.constant 0 : i32
        %dma_start3A_269 = arith.constant 0 : i32
        %dma_start3A_270 = tpu.memref_slice %dma_start3A_267[%dma_start3A_268, %dma_start3A_269] : memref<10000x128xf32, #tpu.memory_space<hbm>> -> memref<10000x128xf32, #tpu.memory_space<hbm>>
        tpu.enqueue_indirect_dma source(%dma_start3A_270 : memref<10000x128xf32, #tpu.memory_space<hbm>>) target(%arg11 : memref<128x128xf32, #tpu.memory_space<vmem>>) offsets(%dma_start3A_263 : memref<128xi32, #tpu.memory_space<vmem>>) semaphore(%arg14 : memref<!tpu.dma_semaphore, #tpu.memory_space<semaphore_mem>>)
      } else {
      }
      %add3A_245 = arith.constant 1 : i32
      %add3A_246 = arith.addi %add3A_216, %add3A_245 : i32
      %dma_wait3A_247 = arith.constant 0 : i32
      %dma_wait3A_248 = tpu.memref_slice %arg7[%add3A_246, %dma_wait3A_247] : memref<32x128xi32, #tpu.memory_space<vmem>> -> memref<1x128xi32, #tpu.memory_space<vmem>>
      %dma_wait3A_249 = tpu.memref_squeeze %dma_wait3A_248 : memref<1x128xi32, #tpu.memory_space<vmem>> -> memref<128xi32, #tpu.memory_space<vmem>>
      %dma_wait3A_250 = arith.constant 0 : i32
      %dma_wait3A_251 = arith.constant 0 : i32
      %dma_wait3A_252 = tpu.memref_slice %arg2[%arg0, %dma_wait3A_250, %dma_wait3A_251] : memref<2x10000x128xf32, #tpu.memory_space<hbm>> -> memref<1x10000x128xf32, #tpu.memory_space<hbm>>
      %dma_wait3A_253 = tpu.memref_squeeze %dma_wait3A_252 : memref<1x10000x128xf32, #tpu.memory_space<hbm>> -> memref<10000x128xf32, #tpu.memory_space<hbm>>
      %dma_wait3A_254 = arith.constant 0 : i32
      %dma_wait3A_255 = arith.constant 0 : i32
      %dma_wait3A_256 = tpu.memref_slice %dma_wait3A_253[%dma_wait3A_254, %dma_wait3A_255] : memref<10000x128xf32, #tpu.memory_space<hbm>> -> memref<10000x128xf32, #tpu.memory_space<hbm>>
      tpu.wait_indirect_dma semaphore(%arg15 : memref<!tpu.dma_semaphore, #tpu.memory_space<semaphore_mem>>) src(%dma_wait3A_256 : memref<10000x128xf32, #tpu.memory_space<hbm>>) dst(%arg12 : memref<128x128xf32, #tpu.memory_space<vmem>>)
      %add3A_257 = arith.constant 1 : i32
      %add3A_258 = arith.addi %add3A_216, %add3A_257 : i32
      "tpu.region"() ({
        %run_scoped3A = tpu.sem_alloc : memref<!tpu.dma_semaphore, #tpu.memory_space<semaphore_mem>>
        %dma_start3A_259 = arith.constant 0 : i32
        %dma_start3A_260 = tpu.memref_slice %arg8[%add3A_258, %dma_start3A_259] : memref<32x128xi32, #tpu.memory_space<vmem>> -> memref<1x128xi32, #tpu.memory_space<vmem>>
        %dma_start3A_261 = tpu.memref_squeeze %dma_start3A_260 : memref<1x128xi32, #tpu.memory_space<vmem>> -> memref<128xi32, #tpu.memory_space<vmem>>
        %dma_start3A_262 = arith.constant 0 : i32
        %dma_start3A_263 = arith.constant 0 : i32
        %dma_start3A_264 = tpu.memref_slice %arg13[%dma_start3A_262, %dma_start3A_263] : memref<10112x128xf32, #tpu.memory_space<vmem_shared>> -> memref<10112x128xf32, #tpu.memory_space<vmem_shared>>
        tpu.enqueue_indirect_dma source(%arg12 : memref<128x128xf32, #tpu.memory_space<vmem>>) target(%dma_start3A_264 : memref<10112x128xf32, #tpu.memory_space<vmem_shared>>) offsets(%dma_start3A_261 : memref<128xi32, #tpu.memory_space<vmem>>) semaphore(%run_scoped3A : memref<!tpu.dma_semaphore, #tpu.memory_space<semaphore_mem>>) {add = true}
        %dma_wait3A_265 = arith.constant 0 : i32
        %dma_wait3A_266 = tpu.memref_slice %arg8[%add3A_258, %dma_wait3A_265] : memref<32x128xi32, #tpu.memory_space<vmem>> -> memref<1x128xi32, #tpu.memory_space<vmem>>
        %dma_wait3A_267 = tpu.memref_squeeze %dma_wait3A_266 : memref<1x128xi32, #tpu.memory_space<vmem>> -> memref<128xi32, #tpu.memory_space<vmem>>
        %dma_wait3A_268 = arith.constant 0 : i32
        %dma_wait3A_269 = arith.constant 0 : i32
        %dma_wait3A_270 = tpu.memref_slice %arg13[%dma_wait3A_268, %dma_wait3A_269] : memref<10112x128xf32, #tpu.memory_space<vmem_shared>> -> memref<10112x128xf32, #tpu.memory_space<vmem_shared>>
        tpu.wait_indirect_dma semaphore(%run_scoped3A : memref<!tpu.dma_semaphore, #tpu.memory_space<semaphore_mem>>) src(%arg12 : memref<128x128xf32, #tpu.memory_space<vmem>>) dst(%dma_wait3A_270 : memref<10112x128xf32, #tpu.memory_space<vmem_shared>>)
        tpu.yield
      }) : () -> ()
    }
    %scan3A_205 = arith.constant 16 : i32
    %barrier3A_206 = arith.constant 0 : index
    tpu.barrier barrier_id(%barrier3A_206)
    %mul3A_207 = arith.constant 624 : i32
    %mul3A_208 = arith.muli %arg1, %mul3A_207 : i32
    %mul3A_209 = arith.constant 624 : i32
    %mul3A_210 = arith.muli %arg1, %mul3A_209 : i32
    "tpu.region"() ({
      %run_scoped3A = tpu.sem_alloc : memref<!tpu.dma_semaphore, #tpu.memory_space<semaphore_mem>>
      %dma_start3A_213 = arith.constant 0 : i32
      %dma_start3A_214 = arith.constant 0 : i32
      %dma_start3A_215 = tpu.memref_slice %arg6[%arg0, %dma_start3A_213, %dma_start3A_214] : memref<2x10000x128xf32, #tpu.memory_space<hbm>> -> memref<1x10000x128xf32, #tpu.memory_space<hbm>>
      %dma_start3A_216 = tpu.memref_squeeze %dma_start3A_215 : memref<1x10000x128xf32, #tpu.memory_space<hbm>> -> memref<10000x128xf32, #tpu.memory_space<hbm>>
      %dma_start3A_217 = arith.constant 0 : i32
      %dma_start3A_218 = tpu.memref_slice %dma_start3A_216[%mul3A_210, %dma_start3A_217] : memref<10000x128xf32, #tpu.memory_space<hbm>> -> memref<624x128xf32, #tpu.memory_space<hbm>>
      %dma_start3A_219 = arith.constant 0 : i32
      %dma_start3A_220 = tpu.memref_slice %arg13[%mul3A_208, %dma_start3A_219] : memref<10112x128xf32, #tpu.memory_space<vmem_shared>> -> memref<624x128xf32, #tpu.memory_space<vmem_shared>>
      tpu.enqueue_dma source(%dma_start3A_220 : memref<624x128xf32, #tpu.memory_space<vmem_shared>>) target(%dma_start3A_218 : memref<624x128xf32, #tpu.memory_space<hbm>>) target_semaphore(%run_scoped3A : memref<!tpu.dma_semaphore, #tpu.memory_space<semaphore_mem>>)
      %dma_wait3A_221 = arith.constant 0 : i32
      %dma_wait3A_222 = arith.constant 0 : i32
      %dma_wait3A_223 = tpu.memref_slice %arg6[%arg0, %dma_wait3A_221, %dma_wait3A_222] : memref<2x10000x128xf32, #tpu.memory_space<hbm>> -> memref<1x10000x128xf32, #tpu.memory_space<hbm>>
      %dma_wait3A_224 = tpu.memref_squeeze %dma_wait3A_223 : memref<1x10000x128xf32, #tpu.memory_space<hbm>> -> memref<10000x128xf32, #tpu.memory_space<hbm>>
      %dma_wait3A_225 = arith.constant 0 : i32
      %dma_wait3A_226 = tpu.memref_slice %dma_wait3A_224[%mul3A_210, %dma_wait3A_225] : memref<10000x128xf32, #tpu.memory_space<hbm>> -> memref<624x128xf32, #tpu.memory_space<hbm>>
      %dma_wait3A_227 = arith.constant 0 : i32
      %dma_wait3A_228 = tpu.memref_slice %arg13[%mul3A_208, %dma_wait3A_227] : memref<10112x128xf32, #tpu.memory_space<vmem_shared>> -> memref<624x128xf32, #tpu.memory_space<vmem_shared>>
      tpu.wait_dma2 semaphore(%run_scoped3A : memref<!tpu.dma_semaphore, #tpu.memory_space<semaphore_mem>>) src(%dma_wait3A_228 : memref<624x128xf32, #tpu.memory_space<vmem_shared>>) dst(%dma_wait3A_226 : memref<624x128xf32, #tpu.memory_space<hbm>>)
      tpu.yield
    }) : () -> ()
    %eq3A = arith.constant 0 : i32
    %eq3A_211 = arith.cmpi eq, %arg1, %eq3A : i32
    %convert_element_type3A = arith.extui %eq3A_211 : i1 to i32
    %cond3A = arith.constant 0 : i32
    %cond3A_212 = arith.cmpi ne, %convert_element_type3A, %cond3A : i32
    scf.if %cond3A_212 {
      "tpu.region"() ({
        %run_scoped3A = tpu.sem_alloc : memref<!tpu.dma_semaphore, #tpu.memory_space<semaphore_mem>>
        %dma_start3A_213 = arith.constant 0 : i32
        %dma_start3A_214 = arith.constant 0 : i32
        %dma_start3A_215 = tpu.memref_slice %arg6[%arg0, %dma_start3A_213, %dma_start3A_214] : memref<2x10000x128xf32, #tpu.memory_space<hbm>> -> memref<1x10000x128xf32, #tpu.memory_space<hbm>>
        %dma_start3A_216 = tpu.memref_squeeze %dma_start3A_215 : memref<1x10000x128xf32, #tpu.memory_space<hbm>> -> memref<10000x128xf32, #tpu.memory_space<hbm>>
        %dma_start3A_217 = arith.constant 9984 : i32
        %dma_start3A_218 = arith.constant 0 : i32
        %dma_start3A_219 = tpu.memref_slice %dma_start3A_216[%dma_start3A_217, %dma_start3A_218] : memref<10000x128xf32, #tpu.memory_space<hbm>> -> memref<16x128xf32, #tpu.memory_space<hbm>>
        %dma_start3A_220 = arith.constant 9984 : i32
        %dma_start3A_221 = arith.constant 0 : i32
        %dma_start3A_222 = tpu.memref_slice %arg13[%dma_start3A_220, %dma_start3A_221] : memref<10112x128xf32, #tpu.memory_space<vmem_shared>> -> memref<16x128xf32, #tpu.memory_space<vmem_shared>>
        tpu.enqueue_dma source(%dma_start3A_222 : memref<16x128xf32, #tpu.memory_space<vmem_shared>>) target(%dma_start3A_219 : memref<16x128xf32, #tpu.memory_space<hbm>>) target_semaphore(%run_scoped3A : memref<!tpu.dma_semaphore, #tpu.memory_space<semaphore_mem>>)
        %dma_wait3A_223 = arith.constant 0 : i32
        %dma_wait3A_224 = arith.constant 0 : i32
        %dma_wait3A_225 = tpu.memref_slice %arg6[%arg0, %dma_wait3A_223, %dma_wait3A_224] : memref<2x10000x128xf32, #tpu.memory_space<hbm>> -> memref<1x10000x128xf32, #tpu.memory_space<hbm>>
        %dma_wait3A_226 = tpu.memref_squeeze %dma_wait3A_225 : memref<1x10000x128xf32, #tpu.memory_space<hbm>> -> memref<10000x128xf32, #tpu.memory_space<hbm>>
        %dma_wait3A_227 = arith.constant 9984 : i32
        %dma_wait3A_228 = arith.constant 0 : i32
        %dma_wait3A_229 = tpu.memref_slice %dma_wait3A_226[%dma_wait3A_227, %dma_wait3A_228] : memref<10000x128xf32, #tpu.memory_space<hbm>> -> memref<16x128xf32, #tpu.memory_space<hbm>>
        %dma_wait3A_230 = arith.constant 9984 : i32
        %dma_wait3A_231 = arith.constant 0 : i32
        %dma_wait3A_232 = tpu.memref_slice %arg13[%dma_wait3A_230, %dma_wait3A_231] : memref<10112x128xf32, #tpu.memory_space<vmem_shared>> -> memref<16x128xf32, #tpu.memory_space<vmem_shared>>
        tpu.wait_dma2 semaphore(%run_scoped3A : memref<!tpu.dma_semaphore, #tpu.memory_space<semaphore_mem>>) src(%dma_wait3A_232 : memref<16x128xf32, #tpu.memory_space<vmem_shared>>) dst(%dma_wait3A_229 : memref<16x128xf32, #tpu.memory_space<hbm>>)
        tpu.yield
      }) : () -> ()
    } else {
    }
    return
  }
}

#map = affine_map<(d0, d1) -> (0, 0, 0)>
#map1 = affine_map<(d0, d1) -> (0, 0)>
module attributes {stable_mosaic.version = 14 : i64} {
  func.func @k(%arg0: i32, %arg1: i32, %arg2: memref<16x160x128xi32, #tpu.memory_space<hbm>>, %arg3: memref<1x80xi32, #tpu.memory_space<hbm>>, %arg4: memref<632x128xf32, #tpu.memory_space<hbm>>, %arg5: memref<2x80x128xf32, #tpu.memory_space<hbm>>, %arg6: memref<80x128xi32, #tpu.memory_space<vmem>>, %arg7: memref<80x128xf32, #tpu.memory_space<vmem>>, %arg8: memref<1x80xi32, #tpu.memory_space<vmem>>, %arg9: memref<80x128xf32, #tpu.memory_space<vmem_shared>>, %arg10: memref<!tpu.dma_semaphore, #tpu.memory_space<semaphore_mem>>) attributes {dimension_semantics = [#tpu.dimension_semantics<core_parallel>, #tpu.dimension_semantics<subcore_parallel>], iteration_bounds = array<i64: 2, 16>, scalar_prefetch = 0 : i64, scratch_operands = 5 : i64, tpu.core_type = #tpu.core_type<sc_vector_subcore>, window_params = [{transform_indices = #map}, {transform_indices = #map1}, {transform_indices = #map1}, {transform_indices = #map}]} {
    %broadcast_in_dim3A = arith.constant 1.000000e+00 : f32
    %broadcast_in_dim3A_0 = vector.broadcast %broadcast_in_dim3A : f32 to vector<16xf32>
    %scan3A = arith.constant 0 : i32
    %scan3A_1 = arith.constant 80 : i32
    %scan3A_2 = arith.addi %scan3A, %scan3A_1 : i32
    %scan3A_3 = arith.constant 1 : i32
    scf.for %scan3A_52 = %scan3A to %scan3A_2 step %scan3A_3  : i32 {
      %mul3A_53 = arith.constant 1 : i32
      %mul3A_54 = arith.muli %scan3A_52, %mul3A_53 : i32
      %add3A_55 = arith.constant 0 : i32
      %add3A_56 = arith.addi %add3A_55, %mul3A_54 : i32
      %broadcast_in_dim3A_57 = arith.constant 0.000000e+00 : f32
      %broadcast_in_dim3A_58 = vector.broadcast %broadcast_in_dim3A_57 : f32 to vector<16xf32>
      %swap3A = arith.index_cast %add3A_56 : i32 to index
      %swap3A_59 = arith.constant 0 : index
      %swap3A_60 = tpu.vector_load %arg7[%swap3A, %swap3A_59] {strides = array<i32>} : memref<80x128xf32, #tpu.memory_space<vmem>>, vector<16xf32>,
      tpu.vector_store %arg7[%swap3A, %swap3A_59], %broadcast_in_dim3A_58 {strides = array<i32>} : memref<80x128xf32, #tpu.memory_space<vmem>>, vector<16xf32>,
      %broadcast_in_dim3A_61 = arith.constant 0.000000e+00 : f32
      %broadcast_in_dim3A_62 = vector.broadcast %broadcast_in_dim3A_61 : f32 to vector<16xf32>
      %swap3A_63 = arith.index_cast %add3A_56 : i32 to index
      %swap3A_64 = arith.constant 16 : index
      %swap3A_65 = tpu.vector_load %arg7[%swap3A_63, %swap3A_64] {strides = array<i32>} : memref<80x128xf32, #tpu.memory_space<vmem>>, vector<16xf32>,
      tpu.vector_store %arg7[%swap3A_63, %swap3A_64], %broadcast_in_dim3A_62 {strides = array<i32>} : memref<80x128xf32, #tpu.memory_space<vmem>>, vector<16xf32>,
      %broadcast_in_dim3A_66 = arith.constant 0.000000e+00 : f32
      %broadcast_in_dim3A_67 = vector.broadcast %broadcast_in_dim3A_66 : f32 to vector<16xf32>
      %swap3A_68 = arith.index_cast %add3A_56 : i32 to index
      %swap3A_69 = arith.constant 32 : index
      %swap3A_70 = tpu.vector_load %arg7[%swap3A_68, %swap3A_69] {strides = array<i32>} : memref<80x128xf32, #tpu.memory_space<vmem>>, vector<16xf32>,
      tpu.vector_store %arg7[%swap3A_68, %swap3A_69], %broadcast_in_dim3A_67 {strides = array<i32>} : memref<80x128xf32, #tpu.memory_space<vmem>>, vector<16xf32>,
      %broadcast_in_dim3A_71 = arith.constant 0.000000e+00 : f32
      %broadcast_in_dim3A_72 = vector.broadcast %broadcast_in_dim3A_71 : f32 to vector<16xf32>
      %swap3A_73 = arith.index_cast %add3A_56 : i32 to index
      %swap3A_74 = arith.constant 48 : index
      %swap3A_75 = tpu.vector_load %arg7[%swap3A_73, %swap3A_74] {strides = array<i32>} : memref<80x128xf32, #tpu.memory_space<vmem>>, vector<16xf32>,
      tpu.vector_store %arg7[%swap3A_73, %swap3A_74], %broadcast_in_dim3A_72 {strides = array<i32>} : memref<80x128xf32, #tpu.memory_space<vmem>>, vector<16xf32>,
      %broadcast_in_dim3A_76 = arith.constant 0.000000e+00 : f32
      %broadcast_in_dim3A_77 = vector.broadcast %broadcast_in_dim3A_76 : f32 to vector<16xf32>
      %swap3A_78 = arith.index_cast %add3A_56 : i32 to index
      %swap3A_79 = arith.constant 64 : index
      %swap3A_80 = tpu.vector_load %arg7[%swap3A_78, %swap3A_79] {strides = array<i32>} : memref<80x128xf32, #tpu.memory_space<vmem>>, vector<16xf32>,
      tpu.vector_store %arg7[%swap3A_78, %swap3A_79], %broadcast_in_dim3A_77 {strides = array<i32>} : memref<80x128xf32, #tpu.memory_space<vmem>>, vector<16xf32>,
      %broadcast_in_dim3A_81 = arith.constant 0.000000e+00 : f32
      %broadcast_in_dim3A_82 = vector.broadcast %broadcast_in_dim3A_81 : f32 to vector<16xf32>
      %swap3A_83 = arith.index_cast %add3A_56 : i32 to index
      %swap3A_84 = arith.constant 80 : index
      %swap3A_85 = tpu.vector_load %arg7[%swap3A_83, %swap3A_84] {strides = array<i32>} : memref<80x128xf32, #tpu.memory_space<vmem>>, vector<16xf32>,
      tpu.vector_store %arg7[%swap3A_83, %swap3A_84], %broadcast_in_dim3A_82 {strides = array<i32>} : memref<80x128xf32, #tpu.memory_space<vmem>>, vector<16xf32>,
      %broadcast_in_dim3A_86 = arith.constant 0.000000e+00 : f32
      %broadcast_in_dim3A_87 = vector.broadcast %broadcast_in_dim3A_86 : f32 to vector<16xf32>
      %swap3A_88 = arith.index_cast %add3A_56 : i32 to index
      %swap3A_89 = arith.constant 96 : index
      %swap3A_90 = tpu.vector_load %arg7[%swap3A_88, %swap3A_89] {strides = array<i32>} : memref<80x128xf32, #tpu.memory_space<vmem>>, vector<16xf32>,
      tpu.vector_store %arg7[%swap3A_88, %swap3A_89], %broadcast_in_dim3A_87 {strides = array<i32>} : memref<80x128xf32, #tpu.memory_space<vmem>>, vector<16xf32>,
      %broadcast_in_dim3A_91 = arith.constant 0.000000e+00 : f32
      %broadcast_in_dim3A_92 = vector.broadcast %broadcast_in_dim3A_91 : f32 to vector<16xf32>
      %swap3A_93 = arith.index_cast %add3A_56 : i32 to index
      %swap3A_94 = arith.constant 112 : index
      %swap3A_95 = tpu.vector_load %arg7[%swap3A_93, %swap3A_94] {strides = array<i32>} : memref<80x128xf32, #tpu.memory_space<vmem>>, vector<16xf32>,
      tpu.vector_store %arg7[%swap3A_93, %swap3A_94], %broadcast_in_dim3A_92 {strides = array<i32>} : memref<80x128xf32, #tpu.memory_space<vmem>>, vector<16xf32>,
    }
    %scan3A_4 = arith.constant 80 : i32
    %mul3A = arith.constant 8 : i32
    %mul3A_5 = arith.muli %arg0, %mul3A : i32
    %jit3A = arith.constant 2 : i32
    %div3A = arith.divsi %arg1, %jit3A : i32
    %sign3A = arith.constant 0 : i32
    %sign3A_6 = arith.cmpi sgt, %arg1, %sign3A : i32
    %sign3A_7 = arith.extui %sign3A_6 : i1 to i32
    %sign3A_8 = arith.constant 0 : i32
    %sign3A_9 = arith.cmpi slt, %arg1, %sign3A_8 : i32
    %sign3A_10 = arith.extui %sign3A_9 : i1 to i32
    %sign3A_11 = arith.subi %sign3A_7, %sign3A_10 : i32
    %sign3A_12 = arith.constant 0 : i32
    %sign3A_13 = arith.cmpi sgt, %jit3A, %sign3A_12 : i32
    %sign3A_14 = arith.extui %sign3A_13 : i1 to i32
    %sign3A_15 = arith.constant 0 : i32
    %sign3A_16 = arith.cmpi slt, %jit3A, %sign3A_15 : i32
    %sign3A_17 = arith.extui %sign3A_16 : i1 to i32
    %sign3A_18 = arith.subi %sign3A_14, %sign3A_17 : i32
    %ne3A = arith.cmpi ne, %sign3A_11, %sign3A_18 : i32
    %rem3A = arith.remsi %arg1, %jit3A : i32
    %ne3A_19 = arith.constant 0 : i32
    %ne3A_20 = arith.cmpi ne, %rem3A, %ne3A_19 : i32
    %and3A = arith.andi %ne3A, %ne3A_20 : i1
    %sub3A = arith.constant 1 : i32
    %sub3A_21 = arith.subi %div3A, %sub3A : i32
    %select_n3A = arith.select %and3A, %sub3A_21, %div3A : i32
    %add3A = arith.addi %mul3A_5, %select_n3A : i32
    %jit3A_22 = arith.constant 2 : i32
    %eq3A = arith.constant 0 : i32
    %eq3A_23 = arith.cmpi eq, %jit3A_22, %eq3A : i32
    %jit3A_24 = arith.constant 1 : i32
    %select_n3A_25 = arith.select %eq3A_23, %jit3A_24, %jit3A_22 : i32
    %rem3A_26 = arith.remsi %arg1, %select_n3A_25 : i32
    %ne3A_27 = arith.constant 0 : i32
    %ne3A_28 = arith.cmpi ne, %rem3A_26, %ne3A_27 : i32
    %lt3A = arith.constant 0 : i32
    %lt3A_29 = arith.cmpi slt, %rem3A_26, %lt3A : i32
    %lt3A_30 = arith.constant 0 : i32
    %lt3A_31 = arith.cmpi slt, %select_n3A_25, %lt3A_30 : i32
    %ne3A_32 = arith.xori %lt3A_29, %lt3A_31 : i1
    %and3A_33 = arith.andi %ne3A_32, %ne3A_28 : i1
    %add3A_34 = arith.addi %rem3A_26, %select_n3A_25 : i32
    %select_n3A_35 = arith.select %and3A_33, %add3A_34, %rem3A_26 : i32
    %mul3A_36 = arith.constant 80 : i32
    %mul3A_37 = arith.muli %select_n3A_35, %mul3A_36 : i32
    "tpu.region"() ({
      %run_scoped3A_52 = tpu.sem_alloc : memref<!tpu.dma_semaphore, #tpu.memory_space<semaphore_mem>>
      %dma_start3A = arith.constant 0 : i32
      %dma_start3A_53 = tpu.memref_slice %arg2[%add3A, %mul3A_37, %dma_start3A] : memref<16x160x128xi32, #tpu.memory_space<hbm>> -> memref<1x80x128xi32, #tpu.memory_space<hbm>>
      %dma_start3A_54 = tpu.memref_squeeze %dma_start3A_53 : memref<1x80x128xi32, #tpu.memory_space<hbm>> -> memref<80x128xi32, #tpu.memory_space<hbm>>
      %dma_start3A_55 = arith.constant 0 : i32
      %dma_start3A_56 = tpu.memref_slice %arg2[%add3A, %mul3A_37, %dma_start3A_55] : memref<16x160x128xi32, #tpu.memory_space<hbm>> -> memref<1x80x128xi32, #tpu.memory_space<hbm>>
      %dma_start3A_57 = tpu.memref_squeeze %dma_start3A_56 : memref<1x80x128xi32, #tpu.memory_space<hbm>> -> memref<80x128xi32, #tpu.memory_space<hbm>>
      tpu.enqueue_dma source(%dma_start3A_57 : memref<80x128xi32, #tpu.memory_space<hbm>>) target(%arg6 : memref<80x128xi32, #tpu.memory_space<vmem>>) target_semaphore(%run_scoped3A_52 : memref<!tpu.dma_semaphore, #tpu.memory_space<semaphore_mem>>)
      %dma_wait3A = arith.constant 0 : i32
      %dma_wait3A_58 = tpu.memref_slice %arg2[%add3A, %mul3A_37, %dma_wait3A] : memref<16x160x128xi32, #tpu.memory_space<hbm>> -> memref<1x80x128xi32, #tpu.memory_space<hbm>>
      %dma_wait3A_59 = tpu.memref_squeeze %dma_wait3A_58 : memref<1x80x128xi32, #tpu.memory_space<hbm>> -> memref<80x128xi32, #tpu.memory_space<hbm>>
      %dma_wait3A_60 = arith.constant 0 : i32
      %dma_wait3A_61 = tpu.memref_slice %arg2[%add3A, %mul3A_37, %dma_wait3A_60] : memref<16x160x128xi32, #tpu.memory_space<hbm>> -> memref<1x80x128xi32, #tpu.memory_space<hbm>>
      %dma_wait3A_62 = tpu.memref_squeeze %dma_wait3A_61 : memref<1x80x128xi32, #tpu.memory_space<hbm>> -> memref<80x128xi32, #tpu.memory_space<hbm>>
      tpu.wait_dma2 semaphore(%run_scoped3A_52 : memref<!tpu.dma_semaphore, #tpu.memory_space<semaphore_mem>>) src(%dma_wait3A_62 : memref<80x128xi32, #tpu.memory_space<hbm>>) dst(%arg6 : memref<80x128xi32, #tpu.memory_space<vmem>>)
      tpu.yield
    }) : () -> ()
    "tpu.region"() ({
      %run_scoped3A_52 = tpu.sem_alloc : memref<!tpu.dma_semaphore, #tpu.memory_space<semaphore_mem>>
      tpu.enqueue_dma source(%arg3 : memref<1x80xi32, #tpu.memory_space<hbm>>) target(%arg8 : memref<1x80xi32, #tpu.memory_space<vmem>>) target_semaphore(%run_scoped3A_52 : memref<!tpu.dma_semaphore, #tpu.memory_space<semaphore_mem>>)
      tpu.wait_dma2 semaphore(%run_scoped3A_52 : memref<!tpu.dma_semaphore, #tpu.memory_space<semaphore_mem>>) src(%arg3 : memref<1x80xi32, #tpu.memory_space<hbm>>) dst(%arg8 : memref<1x80xi32, #tpu.memory_space<vmem>>)
      tpu.yield
    }) : () -> ()
    %eq3A_38 = arith.constant 0 : i32
    %eq3A_39 = arith.cmpi eq, %arg1, %eq3A_38 : i32
    %convert_element_type3A = arith.extui %eq3A_39 : i1 to i32
    %cond3A = arith.constant 0 : i32
    %cond3A_40 = arith.cmpi ne, %convert_element_type3A, %cond3A : i32
    scf.if %cond3A_40 {
      "tpu.region"() ({
        %run_scoped3A_52 = tpu.sem_alloc : memref<!tpu.dma_semaphore, #tpu.memory_space<semaphore_mem>>
        %dma_start3A = arith.constant 0 : i32
        %dma_start3A_53 = arith.constant 0 : i32
        %dma_start3A_54 = tpu.memref_slice %arg4[%dma_start3A, %dma_start3A_53] : memref<632x128xf32, #tpu.memory_space<hbm>> -> memref<80x128xf32, #tpu.memory_space<hbm>>
        tpu.enqueue_dma source(%dma_start3A_54 : memref<80x128xf32, #tpu.memory_space<hbm>>) target(%arg9 : memref<80x128xf32, #tpu.memory_space<vmem_shared>>) target_semaphore(%run_scoped3A_52 : memref<!tpu.dma_semaphore, #tpu.memory_space<semaphore_mem>>)
        %dma_wait3A = arith.constant 0 : i32
        %dma_wait3A_55 = arith.constant 0 : i32
        %dma_wait3A_56 = tpu.memref_slice %arg4[%dma_wait3A, %dma_wait3A_55] : memref<632x128xf32, #tpu.memory_space<hbm>> -> memref<80x128xf32, #tpu.memory_space<hbm>>
        tpu.wait_dma2 semaphore(%run_scoped3A_52 : memref<!tpu.dma_semaphore, #tpu.memory_space<semaphore_mem>>) src(%dma_wait3A_56 : memref<80x128xf32, #tpu.memory_space<hbm>>) dst(%arg9 : memref<80x128xf32, #tpu.memory_space<vmem_shared>>)
        tpu.yield
      }) : () -> ()
    } else {
    }
    %scan3A_41 = arith.constant 0 : i32
    %scan3A_42 = arith.constant 80 : i32
    %scan3A_43 = arith.addi %scan3A_41, %scan3A_42 : i32
    %scan3A_44 = arith.constant 1 : i32
    scf.for %scan3A_52 = %scan3A_41 to %scan3A_43 step %scan3A_44  : i32 {
      %mul3A_53 = arith.constant 1 : i32
      %mul3A_54 = arith.muli %scan3A_52, %mul3A_53 : i32
      %add3A_55 = arith.constant 0 : i32
      %add3A_56 = arith.addi %add3A_55, %mul3A_54 : i32
      %get3A = arith.index_cast %add3A_56 : i32 to index
      %get3A_57 = arith.constant 0 : index
      %get3A_58 = tpu.vector_load %arg6[%get3A, %get3A_57] {strides = array<i32>} : memref<80x128xi32, #tpu.memory_space<vmem>>, vector<16xi32>,
      %shift_right_arithmetic3A = arith.constant 7 : i32
      %shift_right_arithmetic3A_59 = vector.broadcast %shift_right_arithmetic3A : i32 to vector<16xi32>
      %shift_right_arithmetic3A_60 = arith.shrsi %get3A_58, %shift_right_arithmetic3A_59 : vector<16xi32>
      %and3A_61 = arith.constant 127 : i32
      %and3A_62 = vector.broadcast %and3A_61 : i32 to vector<16xi32>
      %and3A_63 = arith.andi %get3A_58, %and3A_62 : vector<16xi32>
      tpu.vector_store_idx %arg7[%shift_right_arithmetic3A_60, %and3A_63], %broadcast_in_dim3A_0 {add = true} : memref<80x128xf32, #tpu.memory_space<vmem>>[vector<16xi32>, vector<16xi32>], vector<16xf32>,
      %get3A_64 = arith.index_cast %add3A_56 : i32 to index
      %get3A_65 = arith.constant 16 : index
      %get3A_66 = tpu.vector_load %arg6[%get3A_64, %get3A_65] {strides = array<i32>} : memref<80x128xi32, #tpu.memory_space<vmem>>, vector<16xi32>,
      %shift_right_arithmetic3A_67 = arith.constant 7 : i32
      %shift_right_arithmetic3A_68 = vector.broadcast %shift_right_arithmetic3A_67 : i32 to vector<16xi32>
      %shift_right_arithmetic3A_69 = arith.shrsi %get3A_66, %shift_right_arithmetic3A_68 : vector<16xi32>
      %and3A_70 = arith.constant 127 : i32
      %and3A_71 = vector.broadcast %and3A_70 : i32 to vector<16xi32>
      %and3A_72 = arith.andi %get3A_66, %and3A_71 : vector<16xi32>
      tpu.vector_store_idx %arg7[%shift_right_arithmetic3A_69, %and3A_72], %broadcast_in_dim3A_0 {add = true} : memref<80x128xf32, #tpu.memory_space<vmem>>[vector<16xi32>, vector<16xi32>], vector<16xf32>,
      %get3A_73 = arith.index_cast %add3A_56 : i32 to index
      %get3A_74 = arith.constant 32 : index
      %get3A_75 = tpu.vector_load %arg6[%get3A_73, %get3A_74] {strides = array<i32>} : memref<80x128xi32, #tpu.memory_space<vmem>>, vector<16xi32>,
      %shift_right_arithmetic3A_76 = arith.constant 7 : i32
      %shift_right_arithmetic3A_77 = vector.broadcast %shift_right_arithmetic3A_76 : i32 to vector<16xi32>
      %shift_right_arithmetic3A_78 = arith.shrsi %get3A_75, %shift_right_arithmetic3A_77 : vector<16xi32>
      %and3A_79 = arith.constant 127 : i32
      %and3A_80 = vector.broadcast %and3A_79 : i32 to vector<16xi32>
      %and3A_81 = arith.andi %get3A_75, %and3A_80 : vector<16xi32>
      tpu.vector_store_idx %arg7[%shift_right_arithmetic3A_78, %and3A_81], %broadcast_in_dim3A_0 {add = true} : memref<80x128xf32, #tpu.memory_space<vmem>>[vector<16xi32>, vector<16xi32>], vector<16xf32>,
      %get3A_82 = arith.index_cast %add3A_56 : i32 to index
      %get3A_83 = arith.constant 48 : index
      %get3A_84 = tpu.vector_load %arg6[%get3A_82, %get3A_83] {strides = array<i32>} : memref<80x128xi32, #tpu.memory_space<vmem>>, vector<16xi32>,
      %shift_right_arithmetic3A_85 = arith.constant 7 : i32
      %shift_right_arithmetic3A_86 = vector.broadcast %shift_right_arithmetic3A_85 : i32 to vector<16xi32>
      %shift_right_arithmetic3A_87 = arith.shrsi %get3A_84, %shift_right_arithmetic3A_86 : vector<16xi32>
      %and3A_88 = arith.constant 127 : i32
      %and3A_89 = vector.broadcast %and3A_88 : i32 to vector<16xi32>
      %and3A_90 = arith.andi %get3A_84, %and3A_89 : vector<16xi32>
      tpu.vector_store_idx %arg7[%shift_right_arithmetic3A_87, %and3A_90], %broadcast_in_dim3A_0 {add = true} : memref<80x128xf32, #tpu.memory_space<vmem>>[vector<16xi32>, vector<16xi32>], vector<16xf32>,
      %get3A_91 = arith.index_cast %add3A_56 : i32 to index
      %get3A_92 = arith.constant 64 : index
      %get3A_93 = tpu.vector_load %arg6[%get3A_91, %get3A_92] {strides = array<i32>} : memref<80x128xi32, #tpu.memory_space<vmem>>, vector<16xi32>,
      %shift_right_arithmetic3A_94 = arith.constant 7 : i32
      %shift_right_arithmetic3A_95 = vector.broadcast %shift_right_arithmetic3A_94 : i32 to vector<16xi32>
      %shift_right_arithmetic3A_96 = arith.shrsi %get3A_93, %shift_right_arithmetic3A_95 : vector<16xi32>
      %and3A_97 = arith.constant 127 : i32
      %and3A_98 = vector.broadcast %and3A_97 : i32 to vector<16xi32>
      %and3A_99 = arith.andi %get3A_93, %and3A_98 : vector<16xi32>
      tpu.vector_store_idx %arg7[%shift_right_arithmetic3A_96, %and3A_99], %broadcast_in_dim3A_0 {add = true} : memref<80x128xf32, #tpu.memory_space<vmem>>[vector<16xi32>, vector<16xi32>], vector<16xf32>,
      %get3A_100 = arith.index_cast %add3A_56 : i32 to index
      %get3A_101 = arith.constant 80 : index
      %get3A_102 = tpu.vector_load %arg6[%get3A_100, %get3A_101] {strides = array<i32>} : memref<80x128xi32, #tpu.memory_space<vmem>>, vector<16xi32>,
      %shift_right_arithmetic3A_103 = arith.constant 7 : i32
      %shift_right_arithmetic3A_104 = vector.broadcast %shift_right_arithmetic3A_103 : i32 to vector<16xi32>
      %shift_right_arithmetic3A_105 = arith.shrsi %get3A_102, %shift_right_arithmetic3A_104 : vector<16xi32>
      %and3A_106 = arith.constant 127 : i32
      %and3A_107 = vector.broadcast %and3A_106 : i32 to vector<16xi32>
      %and3A_108 = arith.andi %get3A_102, %and3A_107 : vector<16xi32>
      tpu.vector_store_idx %arg7[%shift_right_arithmetic3A_105, %and3A_108], %broadcast_in_dim3A_0 {add = true} : memref<80x128xf32, #tpu.memory_space<vmem>>[vector<16xi32>, vector<16xi32>], vector<16xf32>,
      %get3A_109 = arith.index_cast %add3A_56 : i32 to index
      %get3A_110 = arith.constant 96 : index
      %get3A_111 = tpu.vector_load %arg6[%get3A_109, %get3A_110] {strides = array<i32>} : memref<80x128xi32, #tpu.memory_space<vmem>>, vector<16xi32>,
      %shift_right_arithmetic3A_112 = arith.constant 7 : i32
      %shift_right_arithmetic3A_113 = vector.broadcast %shift_right_arithmetic3A_112 : i32 to vector<16xi32>
      %shift_right_arithmetic3A_114 = arith.shrsi %get3A_111, %shift_right_arithmetic3A_113 : vector<16xi32>
      %and3A_115 = arith.constant 127 : i32
      %and3A_116 = vector.broadcast %and3A_115 : i32 to vector<16xi32>
      %and3A_117 = arith.andi %get3A_111, %and3A_116 : vector<16xi32>
      tpu.vector_store_idx %arg7[%shift_right_arithmetic3A_114, %and3A_117], %broadcast_in_dim3A_0 {add = true} : memref<80x128xf32, #tpu.memory_space<vmem>>[vector<16xi32>, vector<16xi32>], vector<16xf32>,
      %get3A_118 = arith.index_cast %add3A_56 : i32 to index
      %get3A_119 = arith.constant 112 : index
      %get3A_120 = tpu.vector_load %arg6[%get3A_118, %get3A_119] {strides = array<i32>} : memref<80x128xi32, #tpu.memory_space<vmem>>, vector<16xi32>,
      %shift_right_arithmetic3A_121 = arith.constant 7 : i32
      %shift_right_arithmetic3A_122 = vector.broadcast %shift_right_arithmetic3A_121 : i32 to vector<16xi32>
      %shift_right_arithmetic3A_123 = arith.shrsi %get3A_120, %shift_right_arithmetic3A_122 : vector<16xi32>
      %and3A_124 = arith.constant 127 : i32
      %and3A_125 = vector.broadcast %and3A_124 : i32 to vector<16xi32>
      %and3A_126 = arith.andi %get3A_120, %and3A_125 : vector<16xi32>
      tpu.vector_store_idx %arg7[%shift_right_arithmetic3A_123, %and3A_126], %broadcast_in_dim3A_0 {add = true} : memref<80x128xf32, #tpu.memory_space<vmem>>[vector<16xi32>, vector<16xi32>], vector<16xf32>,
    }
    %scan3A_45 = arith.constant 80 : i32
    %barrier3A = arith.constant 0 : index
    tpu.barrier barrier_id(%barrier3A)
    %run_scoped3A = arith.constant 0 : i32
    "tpu.region"() ({
      %run_scoped3A_52 = tpu.sem_alloc : memref<!tpu.dma_semaphore, #tpu.memory_space<semaphore_mem>>
      %dma_start3A = arith.constant 0 : i32
      %dma_start3A_53 = tpu.memref_slice %arg8[%run_scoped3A, %dma_start3A] : memref<1x80xi32, #tpu.memory_space<vmem>> -> memref<1x80xi32, #tpu.memory_space<vmem>>
      %dma_start3A_54 = tpu.memref_squeeze %dma_start3A_53 : memref<1x80xi32, #tpu.memory_space<vmem>> -> memref<80xi32, #tpu.memory_space<vmem>>
      %dma_start3A_55 = arith.constant 0 : i32
      %dma_start3A_56 = arith.constant 0 : i32
      %dma_start3A_57 = tpu.memref_slice %arg9[%dma_start3A_55, %dma_start3A_56] : memref<80x128xf32, #tpu.memory_space<vmem_shared>> -> memref<80x128xf32, #tpu.memory_space<vmem_shared>>
      tpu.enqueue_indirect_dma source(%arg7 : memref<80x128xf32, #tpu.memory_space<vmem>>) target(%dma_start3A_57 : memref<80x128xf32, #tpu.memory_space<vmem_shared>>) offsets(%dma_start3A_54 : memref<80xi32, #tpu.memory_space<vmem>>) semaphore(%run_scoped3A_52 : memref<!tpu.dma_semaphore, #tpu.memory_space<semaphore_mem>>) {add = true}
      %dma_wait3A = arith.constant 0 : i32
      %dma_wait3A_58 = tpu.memref_slice %arg8[%run_scoped3A, %dma_wait3A] : memref<1x80xi32, #tpu.memory_space<vmem>> -> memref<1x80xi32, #tpu.memory_space<vmem>>
      %dma_wait3A_59 = tpu.memref_squeeze %dma_wait3A_58 : memref<1x80xi32, #tpu.memory_space<vmem>> -> memref<80xi32, #tpu.memory_space<vmem>>
      %dma_wait3A_60 = arith.constant 0 : i32
      %dma_wait3A_61 = arith.constant 0 : i32
      %dma_wait3A_62 = tpu.memref_slice %arg9[%dma_wait3A_60, %dma_wait3A_61] : memref<80x128xf32, #tpu.memory_space<vmem_shared>> -> memref<80x128xf32, #tpu.memory_space<vmem_shared>>
      tpu.wait_indirect_dma semaphore(%run_scoped3A_52 : memref<!tpu.dma_semaphore, #tpu.memory_space<semaphore_mem>>) src(%arg7 : memref<80x128xf32, #tpu.memory_space<vmem>>) dst(%dma_wait3A_62 : memref<80x128xf32, #tpu.memory_space<vmem_shared>>)
      tpu.yield
    }) : () -> ()
    %barrier3A_46 = arith.constant 0 : index
    tpu.barrier barrier_id(%barrier3A_46)
    %eq3A_47 = arith.constant 0 : i32
    %eq3A_48 = arith.cmpi eq, %arg1, %eq3A_47 : i32
    %convert_element_type3A_49 = arith.extui %eq3A_48 : i1 to i32
    %cond3A_50 = arith.constant 0 : i32
    %cond3A_51 = arith.cmpi ne, %convert_element_type3A_49, %cond3A_50 : i32
    scf.if %cond3A_51 {
      "tpu.region"() ({
        %run_scoped3A_52 = tpu.sem_alloc : memref<!tpu.dma_semaphore, #tpu.memory_space<semaphore_mem>>
        %dma_start3A = arith.constant 0 : i32
        %dma_start3A_53 = arith.constant 0 : i32
        %dma_start3A_54 = tpu.memref_slice %arg5[%arg0, %dma_start3A, %dma_start3A_53] : memref<2x80x128xf32, #tpu.memory_space<hbm>> -> memref<1x80x128xf32, #tpu.memory_space<hbm>>
        %dma_start3A_55 = tpu.memref_squeeze %dma_start3A_54 : memref<1x80x128xf32, #tpu.memory_space<hbm>> -> memref<80x128xf32, #tpu.memory_space<hbm>>
        tpu.enqueue_dma source(%arg9 : memref<80x128xf32, #tpu.memory_space<vmem_shared>>) target(%dma_start3A_55 : memref<80x128xf32, #tpu.memory_space<hbm>>) target_semaphore(%run_scoped3A_52 : memref<!tpu.dma_semaphore, #tpu.memory_space<semaphore_mem>>)
        %dma_wait3A = arith.constant 0 : i32
        %dma_wait3A_56 = arith.constant 0 : i32
        %dma_wait3A_57 = tpu.memref_slice %arg5[%arg0, %dma_wait3A, %dma_wait3A_56] : memref<2x80x128xf32, #tpu.memory_space<hbm>> -> memref<1x80x128xf32, #tpu.memory_space<hbm>>
        %dma_wait3A_58 = tpu.memref_squeeze %dma_wait3A_57 : memref<1x80x128xf32, #tpu.memory_space<hbm>> -> memref<80x128xf32, #tpu.memory_space<hbm>>
        tpu.wait_dma2 semaphore(%run_scoped3A_52 : memref<!tpu.dma_semaphore, #tpu.memory_space<semaphore_mem>>) src(%arg9 : memref<80x128xf32, #tpu.memory_space<vmem_shared>>) dst(%dma_wait3A_58 : memref<80x128xf32, #tpu.memory_space<hbm>>)
        tpu.yield
      }) : () -> ()
    } else {
    }
    return
  }
}

#map = affine_map<(d0, d1) -> (0, 0, 0)>
#map1 = affine_map<(d0, d1) -> (0, 0)>
module attributes {stable_mosaic.version = 14 : i64} {
  func.func @k(%arg0: i32, %arg1: i32, %arg2: memref<2x10000x128xf32, #tpu.memory_space<hbm>>, %arg3: memref<16x160x128xi32, #tpu.memory_space<hbm>>, %arg4: memref<16x160x128xi32, #tpu.memory_space<hbm>>, %arg5: memref<632x128xf32, #tpu.memory_space<hbm>>, %arg6: memref<2x10000x128xf32, #tpu.memory_space<hbm>>, %arg7: memref<32x128xi32, #tpu.memory_space<vmem>>, %arg8: memref<32x128xi32, #tpu.memory_space<vmem>>, %arg9: memref<32x128xi32, #tpu.memory_space<vmem>>, %arg10: memref<32x128xi32, #tpu.memory_space<vmem>>, %arg11: memref<128x128xf32, #tpu.memory_space<vmem>>, %arg12: memref<128x128xf32, #tpu.memory_space<vmem>>, %arg13: memref<10112x128xf32, #tpu.memory_space<vmem_shared>>, %arg14: memref<!tpu.dma_semaphore, #tpu.memory_space<semaphore_mem>>, %arg15: memref<!tpu.dma_semaphore, #tpu.memory_space<semaphore_mem>>, %arg16: memref<!tpu.dma_semaphore, #tpu.memory_space<semaphore_mem>>) attributes {dimension_semantics = [#tpu.dimension_semantics<core_parallel>, #tpu.dimension_semantics<subcore_parallel>], iteration_bounds = array<i64: 2, 16>, scalar_prefetch = 0 : i64, scratch_operands = 10 : i64, tpu.core_type = #tpu.core_type<sc_vector_subcore>, window_params = [{transform_indices = #map}, {transform_indices = #map}, {transform_indices = #map}, {transform_indices = #map1}, {transform_indices = #map}]} {
    %mul3A = arith.constant 632 : i32
    %mul3A_0 = arith.muli %arg1, %mul3A : i32
    "tpu.region"() ({
      %run_scoped3A = tpu.sem_alloc : memref<!tpu.dma_semaphore, #tpu.memory_space<semaphore_mem>>
      %dma_start3A_213 = arith.constant 0 : i32
      %dma_start3A_214 = tpu.memref_slice %arg13[%mul3A_0, %dma_start3A_213] : memref<10112x128xf32, #tpu.memory_space<vmem_shared>> -> memref<632x128xf32, #tpu.memory_space<vmem_shared>>
      tpu.enqueue_dma source(%arg5 : memref<632x128xf32, #tpu.memory_space<hbm>>) target(%dma_start3A_214 : memref<632x128xf32, #tpu.memory_space<vmem_shared>>) target_semaphore(%run_scoped3A : memref<!tpu.dma_semaphore, #tpu.memory_space<semaphore_mem>>)
      %dma_wait3A_215 = arith.constant 0 : i32
      %dma_wait3A_216 = tpu.memref_slice %arg13[%mul3A_0, %dma_wait3A_215] : memref<10112x128xf32, #tpu.memory_space<vmem_shared>> -> memref<632x128xf32, #tpu.memory_space<vmem_shared>>
      tpu.wait_dma2 semaphore(%run_scoped3A : memref<!tpu.dma_semaphore, #tpu.memory_space<semaphore_mem>>) src(%arg5 : memref<632x128xf32, #tpu.memory_space<hbm>>) dst(%dma_wait3A_216 : memref<632x128xf32, #tpu.memory_space<vmem_shared>>)
      tpu.yield
    }) : () -> ()
    %barrier3A = arith.constant 0 : index
    tpu.barrier barrier_id(%barrier3A)
    "tpu.region"() ({
      %run_scoped3A = tpu.sem_alloc : memref<!tpu.dma_semaphore, #tpu.memory_space<semaphore_mem>>
      %dma_start3A_213 = arith.constant 0 : i32
      %dma_start3A_214 = arith.constant 0 : i32
      %dma_start3A_215 = tpu.memref_slice %arg3[%arg1, %dma_start3A_213, %dma_start3A_214] : memref<16x160x128xi32, #tpu.memory_space<hbm>> -> memref<1x32x128xi32, #tpu.memory_space<hbm>>
      %dma_start3A_216 = tpu.memref_squeeze %dma_start3A_215 : memref<1x32x128xi32, #tpu.memory_space<hbm>> -> memref<32x128xi32, #tpu.memory_space<hbm>>
      %dma_start3A_217 = arith.constant 0 : i32
      %dma_start3A_218 = arith.constant 0 : i32
      %dma_start3A_219 = tpu.memref_slice %arg3[%arg1, %dma_start3A_217, %dma_start3A_218] : memref<16x160x128xi32, #tpu.memory_space<hbm>> -> memref<1x32x128xi32, #tpu.memory_space<hbm>>
      %dma_start3A_220 = tpu.memref_squeeze %dma_start3A_219 : memref<1x32x128xi32, #tpu.memory_space<hbm>> -> memref<32x128xi32, #tpu.memory_space<hbm>>
      tpu.enqueue_dma source(%dma_start3A_220 : memref<32x128xi32, #tpu.memory_space<hbm>>) target(%arg7 : memref<32x128xi32, #tpu.memory_space<vmem>>) target_semaphore(%run_scoped3A : memref<!tpu.dma_semaphore, #tpu.memory_space<semaphore_mem>>)
      %dma_wait3A_221 = arith.constant 0 : i32
      %dma_wait3A_222 = arith.constant 0 : i32
      %dma_wait3A_223 = tpu.memref_slice %arg3[%arg1, %dma_wait3A_221, %dma_wait3A_222] : memref<16x160x128xi32, #tpu.memory_space<hbm>> -> memref<1x32x128xi32, #tpu.memory_space<hbm>>
      %dma_wait3A_224 = tpu.memref_squeeze %dma_wait3A_223 : memref<1x32x128xi32, #tpu.memory_space<hbm>> -> memref<32x128xi32, #tpu.memory_space<hbm>>
      %dma_wait3A_225 = arith.constant 0 : i32
      %dma_wait3A_226 = arith.constant 0 : i32
      %dma_wait3A_227 = tpu.memref_slice %arg3[%arg1, %dma_wait3A_225, %dma_wait3A_226] : memref<16x160x128xi32, #tpu.memory_space<hbm>> -> memref<1x32x128xi32, #tpu.memory_space<hbm>>
      %dma_wait3A_228 = tpu.memref_squeeze %dma_wait3A_227 : memref<1x32x128xi32, #tpu.memory_space<hbm>> -> memref<32x128xi32, #tpu.memory_space<hbm>>
      tpu.wait_dma2 semaphore(%run_scoped3A : memref<!tpu.dma_semaphore, #tpu.memory_space<semaphore_mem>>) src(%dma_wait3A_228 : memref<32x128xi32, #tpu.memory_space<hbm>>) dst(%arg7 : memref<32x128xi32, #tpu.memory_space<vmem>>)
      tpu.yield
    }) : () -> ()
    "tpu.region"() ({
      %run_scoped3A = tpu.sem_alloc : memref<!tpu.dma_semaphore, #tpu.memory_space<semaphore_mem>>
      %dma_start3A_213 = arith.constant 0 : i32
      %dma_start3A_214 = arith.constant 0 : i32
      %dma_start3A_215 = tpu.memref_slice %arg4[%arg1, %dma_start3A_213, %dma_start3A_214] : memref<16x160x128xi32, #tpu.memory_space<hbm>> -> memref<1x32x128xi32, #tpu.memory_space<hbm>>
      %dma_start3A_216 = tpu.memref_squeeze %dma_start3A_215 : memref<1x32x128xi32, #tpu.memory_space<hbm>> -> memref<32x128xi32, #tpu.memory_space<hbm>>
      %dma_start3A_217 = arith.constant 0 : i32
      %dma_start3A_218 = arith.constant 0 : i32
      %dma_start3A_219 = tpu.memref_slice %arg4[%arg1, %dma_start3A_217, %dma_start3A_218] : memref<16x160x128xi32, #tpu.memory_space<hbm>> -> memref<1x32x128xi32, #tpu.memory_space<hbm>>
      %dma_start3A_220 = tpu.memref_squeeze %dma_start3A_219 : memref<1x32x128xi32, #tpu.memory_space<hbm>> -> memref<32x128xi32, #tpu.memory_space<hbm>>
      tpu.enqueue_dma source(%dma_start3A_220 : memref<32x128xi32, #tpu.memory_space<hbm>>) target(%arg8 : memref<32x128xi32, #tpu.memory_space<vmem>>) target_semaphore(%run_scoped3A : memref<!tpu.dma_semaphore, #tpu.memory_space<semaphore_mem>>)
      %dma_wait3A_221 = arith.constant 0 : i32
      %dma_wait3A_222 = arith.constant 0 : i32
      %dma_wait3A_223 = tpu.memref_slice %arg4[%arg1, %dma_wait3A_221, %dma_wait3A_222] : memref<16x160x128xi32, #tpu.memory_space<hbm>> -> memref<1x32x128xi32, #tpu.memory_space<hbm>>
      %dma_wait3A_224 = tpu.memref_squeeze %dma_wait3A_223 : memref<1x32x128xi32, #tpu.memory_space<hbm>> -> memref<32x128xi32, #tpu.memory_space<hbm>>
      %dma_wait3A_225 = arith.constant 0 : i32
      %dma_wait3A_226 = arith.constant 0 : i32
      %dma_wait3A_227 = tpu.memref_slice %arg4[%arg1, %dma_wait3A_225, %dma_wait3A_226] : memref<16x160x128xi32, #tpu.memory_space<hbm>> -> memref<1x32x128xi32, #tpu.memory_space<hbm>>
      %dma_wait3A_228 = tpu.memref_squeeze %dma_wait3A_227 : memref<1x32x128xi32, #tpu.memory_space<hbm>> -> memref<32x128xi32, #tpu.memory_space<hbm>>
      tpu.wait_dma2 semaphore(%run_scoped3A : memref<!tpu.dma_semaphore, #tpu.memory_space<semaphore_mem>>) src(%dma_wait3A_228 : memref<32x128xi32, #tpu.memory_space<hbm>>) dst(%arg8 : memref<32x128xi32, #tpu.memory_space<vmem>>)
      tpu.yield
    }) : () -> ()
    %dma_start3A = arith.constant 32 : i32
    %dma_start3A_1 = arith.constant 0 : i32
    %dma_start3A_2 = tpu.memref_slice %arg3[%arg1, %dma_start3A, %dma_start3A_1] : memref<16x160x128xi32, #tpu.memory_space<hbm>> -> memref<1x32x128xi32, #tpu.memory_space<hbm>>
    %dma_start3A_3 = tpu.memref_squeeze %dma_start3A_2 : memref<1x32x128xi32, #tpu.memory_space<hbm>> -> memref<32x128xi32, #tpu.memory_space<hbm>>
    %dma_start3A_4 = arith.constant 32 : i32
    %dma_start3A_5 = arith.constant 0 : i32
    %dma_start3A_6 = tpu.memref_slice %arg3[%arg1, %dma_start3A_4, %dma_start3A_5] : memref<16x160x128xi32, #tpu.memory_space<hbm>> -> memref<1x32x128xi32, #tpu.memory_space<hbm>>
    %dma_start3A_7 = tpu.memref_squeeze %dma_start3A_6 : memref<1x32x128xi32, #tpu.memory_space<hbm>> -> memref<32x128xi32, #tpu.memory_space<hbm>>
    tpu.enqueue_dma source(%dma_start3A_7 : memref<32x128xi32, #tpu.memory_space<hbm>>) target(%arg9 : memref<32x128xi32, #tpu.memory_space<vmem>>) target_semaphore(%arg16 : memref<!tpu.dma_semaphore, #tpu.memory_space<semaphore_mem>>)
    %dma_start3A_8 = arith.constant 32 : i32
    %dma_start3A_9 = arith.constant 0 : i32
    %dma_start3A_10 = tpu.memref_slice %arg4[%arg1, %dma_start3A_8, %dma_start3A_9] : memref<16x160x128xi32, #tpu.memory_space<hbm>> -> memref<1x32x128xi32, #tpu.memory_space<hbm>>
    %dma_start3A_11 = tpu.memref_squeeze %dma_start3A_10 : memref<1x32x128xi32, #tpu.memory_space<hbm>> -> memref<32x128xi32, #tpu.memory_space<hbm>>
    %dma_start3A_12 = arith.constant 32 : i32
    %dma_start3A_13 = arith.constant 0 : i32
    %dma_start3A_14 = tpu.memref_slice %arg4[%arg1, %dma_start3A_12, %dma_start3A_13] : memref<16x160x128xi32, #tpu.memory_space<hbm>> -> memref<1x32x128xi32, #tpu.memory_space<hbm>>
    %dma_start3A_15 = tpu.memref_squeeze %dma_start3A_14 : memref<1x32x128xi32, #tpu.memory_space<hbm>> -> memref<32x128xi32, #tpu.memory_space<hbm>>
    tpu.enqueue_dma source(%dma_start3A_15 : memref<32x128xi32, #tpu.memory_space<hbm>>) target(%arg10 : memref<32x128xi32, #tpu.memory_space<vmem>>) target_semaphore(%arg16 : memref<!tpu.dma_semaphore, #tpu.memory_space<semaphore_mem>>)
    %dma_start3A_16 = arith.constant 0 : i32
    %dma_start3A_17 = arith.constant 0 : i32
    %dma_start3A_18 = tpu.memref_slice %arg7[%dma_start3A_16, %dma_start3A_17] : memref<32x128xi32, #tpu.memory_space<vmem>> -> memref<1x128xi32, #tpu.memory_space<vmem>>
    %dma_start3A_19 = tpu.memref_squeeze %dma_start3A_18 : memref<1x128xi32, #tpu.memory_space<vmem>> -> memref<128xi32, #tpu.memory_space<vmem>>
    %dma_start3A_20 = arith.constant 0 : i32
    %dma_start3A_21 = arith.constant 0 : i32
    %dma_start3A_22 = tpu.memref_slice %arg2[%arg0, %dma_start3A_20, %dma_start3A_21] : memref<2x10000x128xf32, #tpu.memory_space<hbm>> -> memref<1x10000x128xf32, #tpu.memory_space<hbm>>
    %dma_start3A_23 = tpu.memref_squeeze %dma_start3A_22 : memref<1x10000x128xf32, #tpu.memory_space<hbm>> -> memref<10000x128xf32, #tpu.memory_space<hbm>>
    %dma_start3A_24 = arith.constant 0 : i32
    %dma_start3A_25 = arith.constant 0 : i32
    %dma_start3A_26 = tpu.memref_slice %dma_start3A_23[%dma_start3A_24, %dma_start3A_25] : memref<10000x128xf32, #tpu.memory_space<hbm>> -> memref<10000x128xf32, #tpu.memory_space<hbm>>
    tpu.enqueue_indirect_dma source(%dma_start3A_26 : memref<10000x128xf32, #tpu.memory_space<hbm>>) target(%arg11 : memref<128x128xf32, #tpu.memory_space<vmem>>) offsets(%dma_start3A_19 : memref<128xi32, #tpu.memory_space<vmem>>) semaphore(%arg14 : memref<!tpu.dma_semaphore, #tpu.memory_space<semaphore_mem>>)
    %scan3A = arith.constant 0 : i32
    %scan3A_27 = arith.constant 16 : i32
    %scan3A_28 = arith.addi %scan3A, %scan3A_27 : i32
    %scan3A_29 = arith.constant 1 : i32
    scf.for %scan3A_213 = %scan3A to %scan3A_28 step %scan3A_29  : i32 {
      %mul3A_214 = arith.constant 2 : i32
      %mul3A_215 = arith.muli %scan3A_213, %mul3A_214 : i32
      %add3A = arith.constant 0 : i32
      %add3A_216 = arith.addi %add3A, %mul3A_215 : i32
      %add3A_217 = arith.constant 1 : i32
      %add3A_218 = arith.addi %add3A_216, %add3A_217 : i32
      %dma_start3A_219 = arith.constant 0 : i32
      %dma_start3A_220 = tpu.memref_slice %arg7[%add3A_218, %dma_start3A_219] : memref<32x128xi32, #tpu.memory_space<vmem>> -> memref<1x128xi32, #tpu.memory_space<vmem>>
      %dma_start3A_221 = tpu.memref_squeeze %dma_start3A_220 : memref<1x128xi32, #tpu.memory_space<vmem>> -> memref<128xi32, #tpu.memory_space<vmem>>
      %dma_start3A_222 = arith.constant 0 : i32
      %dma_start3A_223 = arith.constant 0 : i32
      %dma_start3A_224 = tpu.memref_slice %arg2[%arg0, %dma_start3A_222, %dma_start3A_223] : memref<2x10000x128xf32, #tpu.memory_space<hbm>> -> memref<1x10000x128xf32, #tpu.memory_space<hbm>>
      %dma_start3A_225 = tpu.memref_squeeze %dma_start3A_224 : memref<1x10000x128xf32, #tpu.memory_space<hbm>> -> memref<10000x128xf32, #tpu.memory_space<hbm>>
      %dma_start3A_226 = arith.constant 0 : i32
      %dma_start3A_227 = arith.constant 0 : i32
      %dma_start3A_228 = tpu.memref_slice %dma_start3A_225[%dma_start3A_226, %dma_start3A_227] : memref<10000x128xf32, #tpu.memory_space<hbm>> -> memref<10000x128xf32, #tpu.memory_space<hbm>>
      tpu.enqueue_indirect_dma source(%dma_start3A_228 : memref<10000x128xf32, #tpu.memory_space<hbm>>) target(%arg12 : memref<128x128xf32, #tpu.memory_space<vmem>>) offsets(%dma_start3A_221 : memref<128xi32, #tpu.memory_space<vmem>>) semaphore(%arg15 : memref<!tpu.dma_semaphore, #tpu.memory_space<semaphore_mem>>)
      %dma_wait3A_229 = arith.constant 0 : i32
      %dma_wait3A_230 = tpu.memref_slice %arg7[%add3A_216, %dma_wait3A_229] : memref<32x128xi32, #tpu.memory_space<vmem>> -> memref<1x128xi32, #tpu.memory_space<vmem>>
      %dma_wait3A_231 = tpu.memref_squeeze %dma_wait3A_230 : memref<1x128xi32, #tpu.memory_space<vmem>> -> memref<128xi32, #tpu.memory_space<vmem>>
      %dma_wait3A_232 = arith.constant 0 : i32
      %dma_wait3A_233 = arith.constant 0 : i32
      %dma_wait3A_234 = tpu.memref_slice %arg2[%arg0, %dma_wait3A_232, %dma_wait3A_233] : memref<2x10000x128xf32, #tpu.memory_space<hbm>> -> memref<1x10000x128xf32, #tpu.memory_space<hbm>>
      %dma_wait3A_235 = tpu.memref_squeeze %dma_wait3A_234 : memref<1x10000x128xf32, #tpu.memory_space<hbm>> -> memref<10000x128xf32, #tpu.memory_space<hbm>>
      %dma_wait3A_236 = arith.constant 0 : i32
      %dma_wait3A_237 = arith.constant 0 : i32
      %dma_wait3A_238 = tpu.memref_slice %dma_wait3A_235[%dma_wait3A_236, %dma_wait3A_237] : memref<10000x128xf32, #tpu.memory_space<hbm>> -> memref<10000x128xf32, #tpu.memory_space<hbm>>
      tpu.wait_indirect_dma semaphore(%arg14 : memref<!tpu.dma_semaphore, #tpu.memory_space<semaphore_mem>>) src(%dma_wait3A_238 : memref<10000x128xf32, #tpu.memory_space<hbm>>) dst(%arg11 : memref<128x128xf32, #tpu.memory_space<vmem>>)
      "tpu.region"() ({
        %run_scoped3A = tpu.sem_alloc : memref<!tpu.dma_semaphore, #tpu.memory_space<semaphore_mem>>
        %dma_start3A_259 = arith.constant 0 : i32
        %dma_start3A_260 = tpu.memref_slice %arg8[%add3A_216, %dma_start3A_259] : memref<32x128xi32, #tpu.memory_space<vmem>> -> memref<1x128xi32, #tpu.memory_space<vmem>>
        %dma_start3A_261 = tpu.memref_squeeze %dma_start3A_260 : memref<1x128xi32, #tpu.memory_space<vmem>> -> memref<128xi32, #tpu.memory_space<vmem>>
        %dma_start3A_262 = arith.constant 0 : i32
        %dma_start3A_263 = arith.constant 0 : i32
        %dma_start3A_264 = tpu.memref_slice %arg13[%dma_start3A_262, %dma_start3A_263] : memref<10112x128xf32, #tpu.memory_space<vmem_shared>> -> memref<10112x128xf32, #tpu.memory_space<vmem_shared>>
        tpu.enqueue_indirect_dma source(%arg11 : memref<128x128xf32, #tpu.memory_space<vmem>>) target(%dma_start3A_264 : memref<10112x128xf32, #tpu.memory_space<vmem_shared>>) offsets(%dma_start3A_261 : memref<128xi32, #tpu.memory_space<vmem>>) semaphore(%run_scoped3A : memref<!tpu.dma_semaphore, #tpu.memory_space<semaphore_mem>>) {add = true}
        %dma_wait3A_265 = arith.constant 0 : i32
        %dma_wait3A_266 = tpu.memref_slice %arg8[%add3A_216, %dma_wait3A_265] : memref<32x128xi32, #tpu.memory_space<vmem>> -> memref<1x128xi32, #tpu.memory_space<vmem>>
        %dma_wait3A_267 = tpu.memref_squeeze %dma_wait3A_266 : memref<1x128xi32, #tpu.memory_space<vmem>> -> memref<128xi32, #tpu.memory_space<vmem>>
        %dma_wait3A_268 = arith.constant 0 : i32
        %dma_wait3A_269 = arith.constant 0 : i32
        %dma_wait3A_270 = tpu.memref_slice %arg13[%dma_wait3A_268, %dma_wait3A_269] : memref<10112x128xf32, #tpu.memory_space<vmem_shared>> -> memref<10112x128xf32, #tpu.memory_space<vmem_shared>>
        tpu.wait_indirect_dma semaphore(%run_scoped3A : memref<!tpu.dma_semaphore, #tpu.memory_space<semaphore_mem>>) src(%arg11 : memref<128x128xf32, #tpu.memory_space<vmem>>) dst(%dma_wait3A_270 : memref<10112x128xf32, #tpu.memory_space<vmem_shared>>)
        tpu.yield
      }) : () -> ()
      %add3A_239 = arith.constant 2 : i32
      %add3A_240 = arith.addi %add3A_216, %add3A_239 : i32
      %lt3A = arith.constant 32 : i32
      %lt3A_241 = arith.cmpi slt, %add3A_240, %lt3A : i32
      %convert_element_type3A_242 = arith.extui %lt3A_241 : i1 to i32
      %cond3A_243 = arith.constant 0 : i32
      %cond3A_244 = arith.cmpi ne, %convert_element_type3A_242, %cond3A_243 : i32
      scf.if %cond3A_244 {
        %add3A_259 = arith.constant 2 : i32
        %add3A_260 = arith.addi %add3A_216, %add3A_259 : i32
        %dma_start3A_261 = arith.constant 0 : i32
        %dma_start3A_262 = tpu.memref_slice %arg7[%add3A_260, %dma_start3A_261] : memref<32x128xi32, #tpu.memory_space<vmem>> -> memref<1x128xi32, #tpu.memory_space<vmem>>
        %dma_start3A_263 = tpu.memref_squeeze %dma_start3A_262 : memref<1x128xi32, #tpu.memory_space<vmem>> -> memref<128xi32, #tpu.memory_space<vmem>>
        %dma_start3A_264 = arith.constant 0 : i32
        %dma_start3A_265 = arith.constant 0 : i32
        %dma_start3A_266 = tpu.memref_slice %arg2[%arg0, %dma_start3A_264, %dma_start3A_265] : memref<2x10000x128xf32, #tpu.memory_space<hbm>> -> memref<1x10000x128xf32, #tpu.memory_space<hbm>>
        %dma_start3A_267 = tpu.memref_squeeze %dma_start3A_266 : memref<1x10000x128xf32, #tpu.memory_space<hbm>> -> memref<10000x128xf32, #tpu.memory_space<hbm>>
        %dma_start3A_268 = arith.constant 0 : i32
        %dma_start3A_269 = arith.constant 0 : i32
        %dma_start3A_270 = tpu.memref_slice %dma_start3A_267[%dma_start3A_268, %dma_start3A_269] : memref<10000x128xf32, #tpu.memory_space<hbm>> -> memref<10000x128xf32, #tpu.memory_space<hbm>>
        tpu.enqueue_indirect_dma source(%dma_start3A_270 : memref<10000x128xf32, #tpu.memory_space<hbm>>) target(%arg11 : memref<128x128xf32, #tpu.memory_space<vmem>>) offsets(%dma_start3A_263 : memref<128xi32, #tpu.memory_space<vmem>>) semaphore(%arg14 : memref<!tpu.dma_semaphore, #tpu.memory_space<semaphore_mem>>)
      } else {
      }
      %add3A_245 = arith.constant 1 : i32
      %add3A_246 = arith.addi %add3A_216, %add3A_245 : i32
      %dma_wait3A_247 = arith.constant 0 : i32
      %dma_wait3A_248 = tpu.memref_slice %arg7[%add3A_246, %dma_wait3A_247] : memref<32x128xi32, #tpu.memory_space<vmem>> -> memref<1x128xi32, #tpu.memory_space<vmem>>
      %dma_wait3A_249 = tpu.memref_squeeze %dma_wait3A_248 : memref<1x128xi32, #tpu.memory_space<vmem>> -> memref<128xi32, #tpu.memory_space<vmem>>
      %dma_wait3A_250 = arith.constant 0 : i32
      %dma_wait3A_251 = arith.constant 0 : i32
      %dma_wait3A_252 = tpu.memref_slice %arg2[%arg0, %dma_wait3A_250, %dma_wait3A_251] : memref<2x10000x128xf32, #tpu.memory_space<hbm>> -> memref<1x10000x128xf32, #tpu.memory_space<hbm>>
      %dma_wait3A_253 = tpu.memref_squeeze %dma_wait3A_252 : memref<1x10000x128xf32, #tpu.memory_space<hbm>> -> memref<10000x128xf32, #tpu.memory_space<hbm>>
      %dma_wait3A_254 = arith.constant 0 : i32
      %dma_wait3A_255 = arith.constant 0 : i32
      %dma_wait3A_256 = tpu.memref_slice %dma_wait3A_253[%dma_wait3A_254, %dma_wait3A_255] : memref<10000x128xf32, #tpu.memory_space<hbm>> -> memref<10000x128xf32, #tpu.memory_space<hbm>>
      tpu.wait_indirect_dma semaphore(%arg15 : memref<!tpu.dma_semaphore, #tpu.memory_space<semaphore_mem>>) src(%dma_wait3A_256 : memref<10000x128xf32, #tpu.memory_space<hbm>>) dst(%arg12 : memref<128x128xf32, #tpu.memory_space<vmem>>)
      %add3A_257 = arith.constant 1 : i32
      %add3A_258 = arith.addi %add3A_216, %add3A_257 : i32
      "tpu.region"() ({
        %run_scoped3A = tpu.sem_alloc : memref<!tpu.dma_semaphore, #tpu.memory_space<semaphore_mem>>
        %dma_start3A_259 = arith.constant 0 : i32
        %dma_start3A_260 = tpu.memref_slice %arg8[%add3A_258, %dma_start3A_259] : memref<32x128xi32, #tpu.memory_space<vmem>> -> memref<1x128xi32, #tpu.memory_space<vmem>>
        %dma_start3A_261 = tpu.memref_squeeze %dma_start3A_260 : memref<1x128xi32, #tpu.memory_space<vmem>> -> memref<128xi32, #tpu.memory_space<vmem>>
        %dma_start3A_262 = arith.constant 0 : i32
        %dma_start3A_263 = arith.constant 0 : i32
        %dma_start3A_264 = tpu.memref_slice %arg13[%dma_start3A_262, %dma_start3A_263] : memref<10112x128xf32, #tpu.memory_space<vmem_shared>> -> memref<10112x128xf32, #tpu.memory_space<vmem_shared>>
        tpu.enqueue_indirect_dma source(%arg12 : memref<128x128xf32, #tpu.memory_space<vmem>>) target(%dma_start3A_264 : memref<10112x128xf32, #tpu.memory_space<vmem_shared>>) offsets(%dma_start3A_261 : memref<128xi32, #tpu.memory_space<vmem>>) semaphore(%run_scoped3A : memref<!tpu.dma_semaphore, #tpu.memory_space<semaphore_mem>>) {add = true}
        %dma_wait3A_265 = arith.constant 0 : i32
        %dma_wait3A_266 = tpu.memref_slice %arg8[%add3A_258, %dma_wait3A_265] : memref<32x128xi32, #tpu.memory_space<vmem>> -> memref<1x128xi32, #tpu.memory_space<vmem>>
        %dma_wait3A_267 = tpu.memref_squeeze %dma_wait3A_266 : memref<1x128xi32, #tpu.memory_space<vmem>> -> memref<128xi32, #tpu.memory_space<vmem>>
        %dma_wait3A_268 = arith.constant 0 : i32
        %dma_wait3A_269 = arith.constant 0 : i32
        %dma_wait3A_270 = tpu.memref_slice %arg13[%dma_wait3A_268, %dma_wait3A_269] : memref<10112x128xf32, #tpu.memory_space<vmem_shared>> -> memref<10112x128xf32, #tpu.memory_space<vmem_shared>>
        tpu.wait_indirect_dma semaphore(%run_scoped3A : memref<!tpu.dma_semaphore, #tpu.memory_space<semaphore_mem>>) src(%arg12 : memref<128x128xf32, #tpu.memory_space<vmem>>) dst(%dma_wait3A_270 : memref<10112x128xf32, #tpu.memory_space<vmem_shared>>)
        tpu.yield
      }) : () -> ()
    }
    %scan3A_30 = arith.constant 16 : i32
    %dma_wait3A = arith.constant 32 : i32
    %dma_wait3A_31 = arith.constant 0 : i32
    %dma_wait3A_32 = tpu.memref_slice %arg3[%arg1, %dma_wait3A, %dma_wait3A_31] : memref<16x160x128xi32, #tpu.memory_space<hbm>> -> memref<1x32x128xi32, #tpu.memory_space<hbm>>
    %dma_wait3A_33 = tpu.memref_squeeze %dma_wait3A_32 : memref<1x32x128xi32, #tpu.memory_space<hbm>> -> memref<32x128xi32, #tpu.memory_space<hbm>>
    %dma_wait3A_34 = arith.constant 32 : i32
    %dma_wait3A_35 = arith.constant 0 : i32
    %dma_wait3A_36 = tpu.memref_slice %arg3[%arg1, %dma_wait3A_34, %dma_wait3A_35] : memref<16x160x128xi32, #tpu.memory_space<hbm>> -> memref<1x32x128xi32, #tpu.memory_space<hbm>>
    %dma_wait3A_37 = tpu.memref_squeeze %dma_wait3A_36 : memref<1x32x128xi32, #tpu.memory_space<hbm>> -> memref<32x128xi32, #tpu.memory_space<hbm>>
    tpu.wait_dma2 semaphore(%arg16 : memref<!tpu.dma_semaphore, #tpu.memory_space<semaphore_mem>>) src(%dma_wait3A_37 : memref<32x128xi32, #tpu.memory_space<hbm>>) dst(%arg9 : memref<32x128xi32, #tpu.memory_space<vmem>>)
    %dma_wait3A_38 = arith.constant 32 : i32
    %dma_wait3A_39 = arith.constant 0 : i32
    %dma_wait3A_40 = tpu.memref_slice %arg4[%arg1, %dma_wait3A_38, %dma_wait3A_39] : memref<16x160x128xi32, #tpu.memory_space<hbm>> -> memref<1x32x128xi32, #tpu.memory_space<hbm>>
    %dma_wait3A_41 = tpu.memref_squeeze %dma_wait3A_40 : memref<1x32x128xi32, #tpu.memory_space<hbm>> -> memref<32x128xi32, #tpu.memory_space<hbm>>
    %dma_wait3A_42 = arith.constant 32 : i32
    %dma_wait3A_43 = arith.constant 0 : i32
    %dma_wait3A_44 = tpu.memref_slice %arg4[%arg1, %dma_wait3A_42, %dma_wait3A_43] : memref<16x160x128xi32, #tpu.memory_space<hbm>> -> memref<1x32x128xi32, #tpu.memory_space<hbm>>
    %dma_wait3A_45 = tpu.memref_squeeze %dma_wait3A_44 : memref<1x32x128xi32, #tpu.memory_space<hbm>> -> memref<32x128xi32, #tpu.memory_space<hbm>>
    tpu.wait_dma2 semaphore(%arg16 : memref<!tpu.dma_semaphore, #tpu.memory_space<semaphore_mem>>) src(%dma_wait3A_45 : memref<32x128xi32, #tpu.memory_space<hbm>>) dst(%arg10 : memref<32x128xi32, #tpu.memory_space<vmem>>)
    %dma_start3A_46 = arith.constant 64 : i32
    %dma_start3A_47 = arith.constant 0 : i32
    %dma_start3A_48 = tpu.memref_slice %arg3[%arg1, %dma_start3A_46, %dma_start3A_47] : memref<16x160x128xi32, #tpu.memory_space<hbm>> -> memref<1x32x128xi32, #tpu.memory_space<hbm>>
    %dma_start3A_49 = tpu.memref_squeeze %dma_start3A_48 : memref<1x32x128xi32, #tpu.memory_space<hbm>> -> memref<32x128xi32, #tpu.memory_space<hbm>>
    %dma_start3A_50 = arith.constant 64 : i32
    %dma_start3A_51 = arith.constant 0 : i32
    %dma_start3A_52 = tpu.memref_slice %arg3[%arg1, %dma_start3A_50, %dma_start3A_51] : memref<16x160x128xi32, #tpu.memory_space<hbm>> -> memref<1x32x128xi32, #tpu.memory_space<hbm>>
    %dma_start3A_53 = tpu.memref_squeeze %dma_start3A_52 : memref<1x32x128xi32, #tpu.memory_space<hbm>> -> memref<32x128xi32, #tpu.memory_space<hbm>>
    tpu.enqueue_dma source(%dma_start3A_53 : memref<32x128xi32, #tpu.memory_space<hbm>>) target(%arg7 : memref<32x128xi32, #tpu.memory_space<vmem>>) target_semaphore(%arg16 : memref<!tpu.dma_semaphore, #tpu.memory_space<semaphore_mem>>)
    %dma_start3A_54 = arith.constant 64 : i32
    %dma_start3A_55 = arith.constant 0 : i32
    %dma_start3A_56 = tpu.memref_slice %arg4[%arg1, %dma_start3A_54, %dma_start3A_55] : memref<16x160x128xi32, #tpu.memory_space<hbm>> -> memref<1x32x128xi32, #tpu.memory_space<hbm>>
    %dma_start3A_57 = tpu.memref_squeeze %dma_start3A_56 : memref<1x32x128xi32, #tpu.memory_space<hbm>> -> memref<32x128xi32, #tpu.memory_space<hbm>>
    %dma_start3A_58 = arith.constant 64 : i32
    %dma_start3A_59 = arith.constant 0 : i32
    %dma_start3A_60 = tpu.memref_slice %arg4[%arg1, %dma_start3A_58, %dma_start3A_59] : memref<16x160x128xi32, #tpu.memory_space<hbm>> -> memref<1x32x128xi32, #tpu.memory_space<hbm>>
    %dma_start3A_61 = tpu.memref_squeeze %dma_start3A_60 : memref<1x32x128xi32, #tpu.memory_space<hbm>> -> memref<32x128xi32, #tpu.memory_space<hbm>>
    tpu.enqueue_dma source(%dma_start3A_61 : memref<32x128xi32, #tpu.memory_space<hbm>>) target(%arg8 : memref<32x128xi32, #tpu.memory_space<vmem>>) target_semaphore(%arg16 : memref<!tpu.dma_semaphore, #tpu.memory_space<semaphore_mem>>)
    %dma_start3A_62 = arith.constant 0 : i32
    %dma_start3A_63 = arith.constant 0 : i32
    %dma_start3A_64 = tpu.memref_slice %arg9[%dma_start3A_62, %dma_start3A_63] : memref<32x128xi32, #tpu.memory_space<vmem>> -> memref<1x128xi32, #tpu.memory_space<vmem>>
    %dma_start3A_65 = tpu.memref_squeeze %dma_start3A_64 : memref<1x128xi32, #tpu.memory_space<vmem>> -> memref<128xi32, #tpu.memory_space<vmem>>
    %dma_start3A_66 = arith.constant 0 : i32
    %dma_start3A_67 = arith.constant 0 : i32
    %dma_start3A_68 = tpu.memref_slice %arg2[%arg0, %dma_start3A_66, %dma_start3A_67] : memref<2x10000x128xf32, #tpu.memory_space<hbm>> -> memref<1x10000x128xf32, #tpu.memory_space<hbm>>
    %dma_start3A_69 = tpu.memref_squeeze %dma_start3A_68 : memref<1x10000x128xf32, #tpu.memory_space<hbm>> -> memref<10000x128xf32, #tpu.memory_space<hbm>>
    %dma_start3A_70 = arith.constant 0 : i32
    %dma_start3A_71 = arith.constant 0 : i32
    %dma_start3A_72 = tpu.memref_slice %dma_start3A_69[%dma_start3A_70, %dma_start3A_71] : memref<10000x128xf32, #tpu.memory_space<hbm>> -> memref<10000x128xf32, #tpu.memory_space<hbm>>
    tpu.enqueue_indirect_dma source(%dma_start3A_72 : memref<10000x128xf32, #tpu.memory_space<hbm>>) target(%arg11 : memref<128x128xf32, #tpu.memory_space<vmem>>) offsets(%dma_start3A_65 : memref<128xi32, #tpu.memory_space<vmem>>) semaphore(%arg14 : memref<!tpu.dma_semaphore, #tpu.memory_space<semaphore_mem>>)
    %scan3A_73 = arith.constant 0 : i32
    %scan3A_74 = arith.constant 16 : i32
    %scan3A_75 = arith.addi %scan3A_73, %scan3A_74 : i32
    %scan3A_76 = arith.constant 1 : i32
    scf.for %scan3A_213 = %scan3A_73 to %scan3A_75 step %scan3A_76  : i32 {
      %mul3A_214 = arith.constant 2 : i32
      %mul3A_215 = arith.muli %scan3A_213, %mul3A_214 : i32
      %add3A = arith.constant 0 : i32
      %add3A_216 = arith.addi %add3A, %mul3A_215 : i32
      %add3A_217 = arith.constant 1 : i32
      %add3A_218 = arith.addi %add3A_216, %add3A_217 : i32
      %dma_start3A_219 = arith.constant 0 : i32
      %dma_start3A_220 = tpu.memref_slice %arg9[%add3A_218, %dma_start3A_219] : memref<32x128xi32, #tpu.memory_space<vmem>> -> memref<1x128xi32, #tpu.memory_space<vmem>>
      %dma_start3A_221 = tpu.memref_squeeze %dma_start3A_220 : memref<1x128xi32, #tpu.memory_space<vmem>> -> memref<128xi32, #tpu.memory_space<vmem>>
      %dma_start3A_222 = arith.constant 0 : i32
      %dma_start3A_223 = arith.constant 0 : i32
      %dma_start3A_224 = tpu.memref_slice %arg2[%arg0, %dma_start3A_222, %dma_start3A_223] : memref<2x10000x128xf32, #tpu.memory_space<hbm>> -> memref<1x10000x128xf32, #tpu.memory_space<hbm>>
      %dma_start3A_225 = tpu.memref_squeeze %dma_start3A_224 : memref<1x10000x128xf32, #tpu.memory_space<hbm>> -> memref<10000x128xf32, #tpu.memory_space<hbm>>
      %dma_start3A_226 = arith.constant 0 : i32
      %dma_start3A_227 = arith.constant 0 : i32
      %dma_start3A_228 = tpu.memref_slice %dma_start3A_225[%dma_start3A_226, %dma_start3A_227] : memref<10000x128xf32, #tpu.memory_space<hbm>> -> memref<10000x128xf32, #tpu.memory_space<hbm>>
      tpu.enqueue_indirect_dma source(%dma_start3A_228 : memref<10000x128xf32, #tpu.memory_space<hbm>>) target(%arg12 : memref<128x128xf32, #tpu.memory_space<vmem>>) offsets(%dma_start3A_221 : memref<128xi32, #tpu.memory_space<vmem>>) semaphore(%arg15 : memref<!tpu.dma_semaphore, #tpu.memory_space<semaphore_mem>>)
      %dma_wait3A_229 = arith.constant 0 : i32
      %dma_wait3A_230 = tpu.memref_slice %arg9[%add3A_216, %dma_wait3A_229] : memref<32x128xi32, #tpu.memory_space<vmem>> -> memref<1x128xi32, #tpu.memory_space<vmem>>
      %dma_wait3A_231 = tpu.memref_squeeze %dma_wait3A_230 : memref<1x128xi32, #tpu.memory_space<vmem>> -> memref<128xi32, #tpu.memory_space<vmem>>
      %dma_wait3A_232 = arith.constant 0 : i32
      %dma_wait3A_233 = arith.constant 0 : i32
      %dma_wait3A_234 = tpu.memref_slice %arg2[%arg0, %dma_wait3A_232, %dma_wait3A_233] : memref<2x10000x128xf32, #tpu.memory_space<hbm>> -> memref<1x10000x128xf32, #tpu.memory_space<hbm>>
      %dma_wait3A_235 = tpu.memref_squeeze %dma_wait3A_234 : memref<1x10000x128xf32, #tpu.memory_space<hbm>> -> memref<10000x128xf32, #tpu.memory_space<hbm>>
      %dma_wait3A_236 = arith.constant 0 : i32
      %dma_wait3A_237 = arith.constant 0 : i32
      %dma_wait3A_238 = tpu.memref_slice %dma_wait3A_235[%dma_wait3A_236, %dma_wait3A_237] : memref<10000x128xf32, #tpu.memory_space<hbm>> -> memref<10000x128xf32, #tpu.memory_space<hbm>>
      tpu.wait_indirect_dma semaphore(%arg14 : memref<!tpu.dma_semaphore, #tpu.memory_space<semaphore_mem>>) src(%dma_wait3A_238 : memref<10000x128xf32, #tpu.memory_space<hbm>>) dst(%arg11 : memref<128x128xf32, #tpu.memory_space<vmem>>)
      "tpu.region"() ({
        %run_scoped3A = tpu.sem_alloc : memref<!tpu.dma_semaphore, #tpu.memory_space<semaphore_mem>>
        %dma_start3A_259 = arith.constant 0 : i32
        %dma_start3A_260 = tpu.memref_slice %arg10[%add3A_216, %dma_start3A_259] : memref<32x128xi32, #tpu.memory_space<vmem>> -> memref<1x128xi32, #tpu.memory_space<vmem>>
        %dma_start3A_261 = tpu.memref_squeeze %dma_start3A_260 : memref<1x128xi32, #tpu.memory_space<vmem>> -> memref<128xi32, #tpu.memory_space<vmem>>
        %dma_start3A_262 = arith.constant 0 : i32
        %dma_start3A_263 = arith.constant 0 : i32
        %dma_start3A_264 = tpu.memref_slice %arg13[%dma_start3A_262, %dma_start3A_263] : memref<10112x128xf32, #tpu.memory_space<vmem_shared>> -> memref<10112x128xf32, #tpu.memory_space<vmem_shared>>
        tpu.enqueue_indirect_dma source(%arg11 : memref<128x128xf32, #tpu.memory_space<vmem>>) target(%dma_start3A_264 : memref<10112x128xf32, #tpu.memory_space<vmem_shared>>) offsets(%dma_start3A_261 : memref<128xi32, #tpu.memory_space<vmem>>) semaphore(%run_scoped3A : memref<!tpu.dma_semaphore, #tpu.memory_space<semaphore_mem>>) {add = true}
        %dma_wait3A_265 = arith.constant 0 : i32
        %dma_wait3A_266 = tpu.memref_slice %arg10[%add3A_216, %dma_wait3A_265] : memref<32x128xi32, #tpu.memory_space<vmem>> -> memref<1x128xi32, #tpu.memory_space<vmem>>
        %dma_wait3A_267 = tpu.memref_squeeze %dma_wait3A_266 : memref<1x128xi32, #tpu.memory_space<vmem>> -> memref<128xi32, #tpu.memory_space<vmem>>
        %dma_wait3A_268 = arith.constant 0 : i32
        %dma_wait3A_269 = arith.constant 0 : i32
        %dma_wait3A_270 = tpu.memref_slice %arg13[%dma_wait3A_268, %dma_wait3A_269] : memref<10112x128xf32, #tpu.memory_space<vmem_shared>> -> memref<10112x128xf32, #tpu.memory_space<vmem_shared>>
        tpu.wait_indirect_dma semaphore(%run_scoped3A : memref<!tpu.dma_semaphore, #tpu.memory_space<semaphore_mem>>) src(%arg11 : memref<128x128xf32, #tpu.memory_space<vmem>>) dst(%dma_wait3A_270 : memref<10112x128xf32, #tpu.memory_space<vmem_shared>>)
        tpu.yield
      }) : () -> ()
      %add3A_239 = arith.constant 2 : i32
      %add3A_240 = arith.addi %add3A_216, %add3A_239 : i32
      %lt3A = arith.constant 32 : i32
      %lt3A_241 = arith.cmpi slt, %add3A_240, %lt3A : i32
      %convert_element_type3A_242 = arith.extui %lt3A_241 : i1 to i32
      %cond3A_243 = arith.constant 0 : i32
      %cond3A_244 = arith.cmpi ne, %convert_element_type3A_242, %cond3A_243 : i32
      scf.if %cond3A_244 {
        %add3A_259 = arith.constant 2 : i32
        %add3A_260 = arith.addi %add3A_216, %add3A_259 : i32
        %dma_start3A_261 = arith.constant 0 : i32
        %dma_start3A_262 = tpu.memref_slice %arg9[%add3A_260, %dma_start3A_261] : memref<32x128xi32, #tpu.memory_space<vmem>> -> memref<1x128xi32, #tpu.memory_space<vmem>>
        %dma_start3A_263 = tpu.memref_squeeze %dma_start3A_262 : memref<1x128xi32, #tpu.memory_space<vmem>> -> memref<128xi32, #tpu.memory_space<vmem>>
        %dma_start3A_264 = arith.constant 0 : i32
        %dma_start3A_265 = arith.constant 0 : i32
        %dma_start3A_266 = tpu.memref_slice %arg2[%arg0, %dma_start3A_264, %dma_start3A_265] : memref<2x10000x128xf32, #tpu.memory_space<hbm>> -> memref<1x10000x128xf32, #tpu.memory_space<hbm>>
        %dma_start3A_267 = tpu.memref_squeeze %dma_start3A_266 : memref<1x10000x128xf32, #tpu.memory_space<hbm>> -> memref<10000x128xf32, #tpu.memory_space<hbm>>
        %dma_start3A_268 = arith.constant 0 : i32
        %dma_start3A_269 = arith.constant 0 : i32
        %dma_start3A_270 = tpu.memref_slice %dma_start3A_267[%dma_start3A_268, %dma_start3A_269] : memref<10000x128xf32, #tpu.memory_space<hbm>> -> memref<10000x128xf32, #tpu.memory_space<hbm>>
        tpu.enqueue_indirect_dma source(%dma_start3A_270 : memref<10000x128xf32, #tpu.memory_space<hbm>>) target(%arg11 : memref<128x128xf32, #tpu.memory_space<vmem>>) offsets(%dma_start3A_263 : memref<128xi32, #tpu.memory_space<vmem>>) semaphore(%arg14 : memref<!tpu.dma_semaphore, #tpu.memory_space<semaphore_mem>>)
      } else {
      }
      %add3A_245 = arith.constant 1 : i32
      %add3A_246 = arith.addi %add3A_216, %add3A_245 : i32
      %dma_wait3A_247 = arith.constant 0 : i32
      %dma_wait3A_248 = tpu.memref_slice %arg9[%add3A_246, %dma_wait3A_247] : memref<32x128xi32, #tpu.memory_space<vmem>> -> memref<1x128xi32, #tpu.memory_space<vmem>>
      %dma_wait3A_249 = tpu.memref_squeeze %dma_wait3A_248 : memref<1x128xi32, #tpu.memory_space<vmem>> -> memref<128xi32, #tpu.memory_space<vmem>>
      %dma_wait3A_250 = arith.constant 0 : i32
      %dma_wait3A_251 = arith.constant 0 : i32
      %dma_wait3A_252 = tpu.memref_slice %arg2[%arg0, %dma_wait3A_250, %dma_wait3A_251] : memref<2x10000x128xf32, #tpu.memory_space<hbm>> -> memref<1x10000x128xf32, #tpu.memory_space<hbm>>
      %dma_wait3A_253 = tpu.memref_squeeze %dma_wait3A_252 : memref<1x10000x128xf32, #tpu.memory_space<hbm>> -> memref<10000x128xf32, #tpu.memory_space<hbm>>
      %dma_wait3A_254 = arith.constant 0 : i32
      %dma_wait3A_255 = arith.constant 0 : i32
      %dma_wait3A_256 = tpu.memref_slice %dma_wait3A_253[%dma_wait3A_254, %dma_wait3A_255] : memref<10000x128xf32, #tpu.memory_space<hbm>> -> memref<10000x128xf32, #tpu.memory_space<hbm>>
      tpu.wait_indirect_dma semaphore(%arg15 : memref<!tpu.dma_semaphore, #tpu.memory_space<semaphore_mem>>) src(%dma_wait3A_256 : memref<10000x128xf32, #tpu.memory_space<hbm>>) dst(%arg12 : memref<128x128xf32, #tpu.memory_space<vmem>>)
      %add3A_257 = arith.constant 1 : i32
      %add3A_258 = arith.addi %add3A_216, %add3A_257 : i32
      "tpu.region"() ({
        %run_scoped3A = tpu.sem_alloc : memref<!tpu.dma_semaphore, #tpu.memory_space<semaphore_mem>>
        %dma_start3A_259 = arith.constant 0 : i32
        %dma_start3A_260 = tpu.memref_slice %arg10[%add3A_258, %dma_start3A_259] : memref<32x128xi32, #tpu.memory_space<vmem>> -> memref<1x128xi32, #tpu.memory_space<vmem>>
        %dma_start3A_261 = tpu.memref_squeeze %dma_start3A_260 : memref<1x128xi32, #tpu.memory_space<vmem>> -> memref<128xi32, #tpu.memory_space<vmem>>
        %dma_start3A_262 = arith.constant 0 : i32
        %dma_start3A_263 = arith.constant 0 : i32
        %dma_start3A_264 = tpu.memref_slice %arg13[%dma_start3A_262, %dma_start3A_263] : memref<10112x128xf32, #tpu.memory_space<vmem_shared>> -> memref<10112x128xf32, #tpu.memory_space<vmem_shared>>
        tpu.enqueue_indirect_dma source(%arg12 : memref<128x128xf32, #tpu.memory_space<vmem>>) target(%dma_start3A_264 : memref<10112x128xf32, #tpu.memory_space<vmem_shared>>) offsets(%dma_start3A_261 : memref<128xi32, #tpu.memory_space<vmem>>) semaphore(%run_scoped3A : memref<!tpu.dma_semaphore, #tpu.memory_space<semaphore_mem>>) {add = true}
        %dma_wait3A_265 = arith.constant 0 : i32
        %dma_wait3A_266 = tpu.memref_slice %arg10[%add3A_258, %dma_wait3A_265] : memref<32x128xi32, #tpu.memory_space<vmem>> -> memref<1x128xi32, #tpu.memory_space<vmem>>
        %dma_wait3A_267 = tpu.memref_squeeze %dma_wait3A_266 : memref<1x128xi32, #tpu.memory_space<vmem>> -> memref<128xi32, #tpu.memory_space<vmem>>
        %dma_wait3A_268 = arith.constant 0 : i32
        %dma_wait3A_269 = arith.constant 0 : i32
        %dma_wait3A_270 = tpu.memref_slice %arg13[%dma_wait3A_268, %dma_wait3A_269] : memref<10112x128xf32, #tpu.memory_space<vmem_shared>> -> memref<10112x128xf32, #tpu.memory_space<vmem_shared>>
        tpu.wait_indirect_dma semaphore(%run_scoped3A : memref<!tpu.dma_semaphore, #tpu.memory_space<semaphore_mem>>) src(%arg12 : memref<128x128xf32, #tpu.memory_space<vmem>>) dst(%dma_wait3A_270 : memref<10112x128xf32, #tpu.memory_space<vmem_shared>>)
        tpu.yield
      }) : () -> ()
    }
    %scan3A_77 = arith.constant 16 : i32
    %dma_wait3A_78 = arith.constant 64 : i32
    %dma_wait3A_79 = arith.constant 0 : i32
    %dma_wait3A_80 = tpu.memref_slice %arg3[%arg1, %dma_wait3A_78, %dma_wait3A_79] : memref<16x160x128xi32, #tpu.memory_space<hbm>> -> memref<1x32x128xi32, #tpu.memory_space<hbm>>
    %dma_wait3A_81 = tpu.memref_squeeze %dma_wait3A_80 : memref<1x32x128xi32, #tpu.memory_space<hbm>> -> memref<32x128xi32, #tpu.memory_space<hbm>>
    %dma_wait3A_82 = arith.constant 64 : i32
    %dma_wait3A_83 = arith.constant 0 : i32
    %dma_wait3A_84 = tpu.memref_slice %arg3[%arg1, %dma_wait3A_82, %dma_wait3A_83] : memref<16x160x128xi32, #tpu.memory_space<hbm>> -> memref<1x32x128xi32, #tpu.memory_space<hbm>>
    %dma_wait3A_85 = tpu.memref_squeeze %dma_wait3A_84 : memref<1x32x128xi32, #tpu.memory_space<hbm>> -> memref<32x128xi32, #tpu.memory_space<hbm>>
    tpu.wait_dma2 semaphore(%arg16 : memref<!tpu.dma_semaphore, #tpu.memory_space<semaphore_mem>>) src(%dma_wait3A_85 : memref<32x128xi32, #tpu.memory_space<hbm>>) dst(%arg7 : memref<32x128xi32, #tpu.memory_space<vmem>>)
    %dma_wait3A_86 = arith.constant 64 : i32
    %dma_wait3A_87 = arith.constant 0 : i32
    %dma_wait3A_88 = tpu.memref_slice %arg4[%arg1, %dma_wait3A_86, %dma_wait3A_87] : memref<16x160x128xi32, #tpu.memory_space<hbm>> -> memref<1x32x128xi32, #tpu.memory_space<hbm>>
    %dma_wait3A_89 = tpu.memref_squeeze %dma_wait3A_88 : memref<1x32x128xi32, #tpu.memory_space<hbm>> -> memref<32x128xi32, #tpu.memory_space<hbm>>
    %dma_wait3A_90 = arith.constant 64 : i32
    %dma_wait3A_91 = arith.constant 0 : i32
    %dma_wait3A_92 = tpu.memref_slice %arg4[%arg1, %dma_wait3A_90, %dma_wait3A_91] : memref<16x160x128xi32, #tpu.memory_space<hbm>> -> memref<1x32x128xi32, #tpu.memory_space<hbm>>
    %dma_wait3A_93 = tpu.memref_squeeze %dma_wait3A_92 : memref<1x32x128xi32, #tpu.memory_space<hbm>> -> memref<32x128xi32, #tpu.memory_space<hbm>>
    tpu.wait_dma2 semaphore(%arg16 : memref<!tpu.dma_semaphore, #tpu.memory_space<semaphore_mem>>) src(%dma_wait3A_93 : memref<32x128xi32, #tpu.memory_space<hbm>>) dst(%arg8 : memref<32x128xi32, #tpu.memory_space<vmem>>)
    %dma_start3A_94 = arith.constant 96 : i32
    %dma_start3A_95 = arith.constant 0 : i32
    %dma_start3A_96 = tpu.memref_slice %arg3[%arg1, %dma_start3A_94, %dma_start3A_95] : memref<16x160x128xi32, #tpu.memory_space<hbm>> -> memref<1x32x128xi32, #tpu.memory_space<hbm>>
    %dma_start3A_97 = tpu.memref_squeeze %dma_start3A_96 : memref<1x32x128xi32, #tpu.memory_space<hbm>> -> memref<32x128xi32, #tpu.memory_space<hbm>>
    %dma_start3A_98 = arith.constant 96 : i32
    %dma_start3A_99 = arith.constant 0 : i32
    %dma_start3A_100 = tpu.memref_slice %arg3[%arg1, %dma_start3A_98, %dma_start3A_99] : memref<16x160x128xi32, #tpu.memory_space<hbm>> -> memref<1x32x128xi32, #tpu.memory_space<hbm>>
    %dma_start3A_101 = tpu.memref_squeeze %dma_start3A_100 : memref<1x32x128xi32, #tpu.memory_space<hbm>> -> memref<32x128xi32, #tpu.memory_space<hbm>>
    tpu.enqueue_dma source(%dma_start3A_101 : memref<32x128xi32, #tpu.memory_space<hbm>>) target(%arg9 : memref<32x128xi32, #tpu.memory_space<vmem>>) target_semaphore(%arg16 : memref<!tpu.dma_semaphore, #tpu.memory_space<semaphore_mem>>)
    %dma_start3A_102 = arith.constant 96 : i32
    %dma_start3A_103 = arith.constant 0 : i32
    %dma_start3A_104 = tpu.memref_slice %arg4[%arg1, %dma_start3A_102, %dma_start3A_103] : memref<16x160x128xi32, #tpu.memory_space<hbm>> -> memref<1x32x128xi32, #tpu.memory_space<hbm>>
    %dma_start3A_105 = tpu.memref_squeeze %dma_start3A_104 : memref<1x32x128xi32, #tpu.memory_space<hbm>> -> memref<32x128xi32, #tpu.memory_space<hbm>>
    %dma_start3A_106 = arith.constant 96 : i32
    %dma_start3A_107 = arith.constant 0 : i32
    %dma_start3A_108 = tpu.memref_slice %arg4[%arg1, %dma_start3A_106, %dma_start3A_107] : memref<16x160x128xi32, #tpu.memory_space<hbm>> -> memref<1x32x128xi32, #tpu.memory_space<hbm>>
    %dma_start3A_109 = tpu.memref_squeeze %dma_start3A_108 : memref<1x32x128xi32, #tpu.memory_space<hbm>> -> memref<32x128xi32, #tpu.memory_space<hbm>>
    tpu.enqueue_dma source(%dma_start3A_109 : memref<32x128xi32, #tpu.memory_space<hbm>>) target(%arg10 : memref<32x128xi32, #tpu.memory_space<vmem>>) target_semaphore(%arg16 : memref<!tpu.dma_semaphore, #tpu.memory_space<semaphore_mem>>)
    %dma_start3A_110 = arith.constant 0 : i32
    %dma_start3A_111 = arith.constant 0 : i32
    %dma_start3A_112 = tpu.memref_slice %arg7[%dma_start3A_110, %dma_start3A_111] : memref<32x128xi32, #tpu.memory_space<vmem>> -> memref<1x128xi32, #tpu.memory_space<vmem>>
    %dma_start3A_113 = tpu.memref_squeeze %dma_start3A_112 : memref<1x128xi32, #tpu.memory_space<vmem>> -> memref<128xi32, #tpu.memory_space<vmem>>
    %dma_start3A_114 = arith.constant 0 : i32
    %dma_start3A_115 = arith.constant 0 : i32
    %dma_start3A_116 = tpu.memref_slice %arg2[%arg0, %dma_start3A_114, %dma_start3A_115] : memref<2x10000x128xf32, #tpu.memory_space<hbm>> -> memref<1x10000x128xf32, #tpu.memory_space<hbm>>
    %dma_start3A_117 = tpu.memref_squeeze %dma_start3A_116 : memref<1x10000x128xf32, #tpu.memory_space<hbm>> -> memref<10000x128xf32, #tpu.memory_space<hbm>>
    %dma_start3A_118 = arith.constant 0 : i32
    %dma_start3A_119 = arith.constant 0 : i32
    %dma_start3A_120 = tpu.memref_slice %dma_start3A_117[%dma_start3A_118, %dma_start3A_119] : memref<10000x128xf32, #tpu.memory_space<hbm>> -> memref<10000x128xf32, #tpu.memory_space<hbm>>
    tpu.enqueue_indirect_dma source(%dma_start3A_120 : memref<10000x128xf32, #tpu.memory_space<hbm>>) target(%arg11 : memref<128x128xf32, #tpu.memory_space<vmem>>) offsets(%dma_start3A_113 : memref<128xi32, #tpu.memory_space<vmem>>) semaphore(%arg14 : memref<!tpu.dma_semaphore, #tpu.memory_space<semaphore_mem>>)
    %scan3A_121 = arith.constant 0 : i32
    %scan3A_122 = arith.constant 16 : i32
    %scan3A_123 = arith.addi %scan3A_121, %scan3A_122 : i32
    %scan3A_124 = arith.constant 1 : i32
    scf.for %scan3A_213 = %scan3A_121 to %scan3A_123 step %scan3A_124  : i32 {
      %mul3A_214 = arith.constant 2 : i32
      %mul3A_215 = arith.muli %scan3A_213, %mul3A_214 : i32
      %add3A = arith.constant 0 : i32
      %add3A_216 = arith.addi %add3A, %mul3A_215 : i32
      %add3A_217 = arith.constant 1 : i32
      %add3A_218 = arith.addi %add3A_216, %add3A_217 : i32
      %dma_start3A_219 = arith.constant 0 : i32
      %dma_start3A_220 = tpu.memref_slice %arg7[%add3A_218, %dma_start3A_219] : memref<32x128xi32, #tpu.memory_space<vmem>> -> memref<1x128xi32, #tpu.memory_space<vmem>>
      %dma_start3A_221 = tpu.memref_squeeze %dma_start3A_220 : memref<1x128xi32, #tpu.memory_space<vmem>> -> memref<128xi32, #tpu.memory_space<vmem>>
      %dma_start3A_222 = arith.constant 0 : i32
      %dma_start3A_223 = arith.constant 0 : i32
      %dma_start3A_224 = tpu.memref_slice %arg2[%arg0, %dma_start3A_222, %dma_start3A_223] : memref<2x10000x128xf32, #tpu.memory_space<hbm>> -> memref<1x10000x128xf32, #tpu.memory_space<hbm>>
      %dma_start3A_225 = tpu.memref_squeeze %dma_start3A_224 : memref<1x10000x128xf32, #tpu.memory_space<hbm>> -> memref<10000x128xf32, #tpu.memory_space<hbm>>
      %dma_start3A_226 = arith.constant 0 : i32
      %dma_start3A_227 = arith.constant 0 : i32
      %dma_start3A_228 = tpu.memref_slice %dma_start3A_225[%dma_start3A_226, %dma_start3A_227] : memref<10000x128xf32, #tpu.memory_space<hbm>> -> memref<10000x128xf32, #tpu.memory_space<hbm>>
      tpu.enqueue_indirect_dma source(%dma_start3A_228 : memref<10000x128xf32, #tpu.memory_space<hbm>>) target(%arg12 : memref<128x128xf32, #tpu.memory_space<vmem>>) offsets(%dma_start3A_221 : memref<128xi32, #tpu.memory_space<vmem>>) semaphore(%arg15 : memref<!tpu.dma_semaphore, #tpu.memory_space<semaphore_mem>>)
      %dma_wait3A_229 = arith.constant 0 : i32
      %dma_wait3A_230 = tpu.memref_slice %arg7[%add3A_216, %dma_wait3A_229] : memref<32x128xi32, #tpu.memory_space<vmem>> -> memref<1x128xi32, #tpu.memory_space<vmem>>
      %dma_wait3A_231 = tpu.memref_squeeze %dma_wait3A_230 : memref<1x128xi32, #tpu.memory_space<vmem>> -> memref<128xi32, #tpu.memory_space<vmem>>
      %dma_wait3A_232 = arith.constant 0 : i32
      %dma_wait3A_233 = arith.constant 0 : i32
      %dma_wait3A_234 = tpu.memref_slice %arg2[%arg0, %dma_wait3A_232, %dma_wait3A_233] : memref<2x10000x128xf32, #tpu.memory_space<hbm>> -> memref<1x10000x128xf32, #tpu.memory_space<hbm>>
      %dma_wait3A_235 = tpu.memref_squeeze %dma_wait3A_234 : memref<1x10000x128xf32, #tpu.memory_space<hbm>> -> memref<10000x128xf32, #tpu.memory_space<hbm>>
      %dma_wait3A_236 = arith.constant 0 : i32
      %dma_wait3A_237 = arith.constant 0 : i32
      %dma_wait3A_238 = tpu.memref_slice %dma_wait3A_235[%dma_wait3A_236, %dma_wait3A_237] : memref<10000x128xf32, #tpu.memory_space<hbm>> -> memref<10000x128xf32, #tpu.memory_space<hbm>>
      tpu.wait_indirect_dma semaphore(%arg14 : memref<!tpu.dma_semaphore, #tpu.memory_space<semaphore_mem>>) src(%dma_wait3A_238 : memref<10000x128xf32, #tpu.memory_space<hbm>>) dst(%arg11 : memref<128x128xf32, #tpu.memory_space<vmem>>)
      "tpu.region"() ({
        %run_scoped3A = tpu.sem_alloc : memref<!tpu.dma_semaphore, #tpu.memory_space<semaphore_mem>>
        %dma_start3A_259 = arith.constant 0 : i32
        %dma_start3A_260 = tpu.memref_slice %arg8[%add3A_216, %dma_start3A_259] : memref<32x128xi32, #tpu.memory_space<vmem>> -> memref<1x128xi32, #tpu.memory_space<vmem>>
        %dma_start3A_261 = tpu.memref_squeeze %dma_start3A_260 : memref<1x128xi32, #tpu.memory_space<vmem>> -> memref<128xi32, #tpu.memory_space<vmem>>
        %dma_start3A_262 = arith.constant 0 : i32
        %dma_start3A_263 = arith.constant 0 : i32
        %dma_start3A_264 = tpu.memref_slice %arg13[%dma_start3A_262, %dma_start3A_263] : memref<10112x128xf32, #tpu.memory_space<vmem_shared>> -> memref<10112x128xf32, #tpu.memory_space<vmem_shared>>
        tpu.enqueue_indirect_dma source(%arg11 : memref<128x128xf32, #tpu.memory_space<vmem>>) target(%dma_start3A_264 : memref<10112x128xf32, #tpu.memory_space<vmem_shared>>) offsets(%dma_start3A_261 : memref<128xi32, #tpu.memory_space<vmem>>) semaphore(%run_scoped3A : memref<!tpu.dma_semaphore, #tpu.memory_space<semaphore_mem>>) {add = true}
        %dma_wait3A_265 = arith.constant 0 : i32
        %dma_wait3A_266 = tpu.memref_slice %arg8[%add3A_216, %dma_wait3A_265] : memref<32x128xi32, #tpu.memory_space<vmem>> -> memref<1x128xi32, #tpu.memory_space<vmem>>
        %dma_wait3A_267 = tpu.memref_squeeze %dma_wait3A_266 : memref<1x128xi32, #tpu.memory_space<vmem>> -> memref<128xi32, #tpu.memory_space<vmem>>
        %dma_wait3A_268 = arith.constant 0 : i32
        %dma_wait3A_269 = arith.constant 0 : i32
        %dma_wait3A_270 = tpu.memref_slice %arg13[%dma_wait3A_268, %dma_wait3A_269] : memref<10112x128xf32, #tpu.memory_space<vmem_shared>> -> memref<10112x128xf32, #tpu.memory_space<vmem_shared>>
        tpu.wait_indirect_dma semaphore(%run_scoped3A : memref<!tpu.dma_semaphore, #tpu.memory_space<semaphore_mem>>) src(%arg11 : memref<128x128xf32, #tpu.memory_space<vmem>>) dst(%dma_wait3A_270 : memref<10112x128xf32, #tpu.memory_space<vmem_shared>>)
        tpu.yield
      }) : () -> ()
      %add3A_239 = arith.constant 2 : i32
      %add3A_240 = arith.addi %add3A_216, %add3A_239 : i32
      %lt3A = arith.constant 32 : i32
      %lt3A_241 = arith.cmpi slt, %add3A_240, %lt3A : i32
      %convert_element_type3A_242 = arith.extui %lt3A_241 : i1 to i32
      %cond3A_243 = arith.constant 0 : i32
      %cond3A_244 = arith.cmpi ne, %convert_element_type3A_242, %cond3A_243 : i32
      scf.if %cond3A_244 {
        %add3A_259 = arith.constant 2 : i32
        %add3A_260 = arith.addi %add3A_216, %add3A_259 : i32
        %dma_start3A_261 = arith.constant 0 : i32
        %dma_start3A_262 = tpu.memref_slice %arg7[%add3A_260, %dma_start3A_261] : memref<32x128xi32, #tpu.memory_space<vmem>> -> memref<1x128xi32, #tpu.memory_space<vmem>>
        %dma_start3A_263 = tpu.memref_squeeze %dma_start3A_262 : memref<1x128xi32, #tpu.memory_space<vmem>> -> memref<128xi32, #tpu.memory_space<vmem>>
        %dma_start3A_264 = arith.constant 0 : i32
        %dma_start3A_265 = arith.constant 0 : i32
        %dma_start3A_266 = tpu.memref_slice %arg2[%arg0, %dma_start3A_264, %dma_start3A_265] : memref<2x10000x128xf32, #tpu.memory_space<hbm>> -> memref<1x10000x128xf32, #tpu.memory_space<hbm>>
        %dma_start3A_267 = tpu.memref_squeeze %dma_start3A_266 : memref<1x10000x128xf32, #tpu.memory_space<hbm>> -> memref<10000x128xf32, #tpu.memory_space<hbm>>
        %dma_start3A_268 = arith.constant 0 : i32
        %dma_start3A_269 = arith.constant 0 : i32
        %dma_start3A_270 = tpu.memref_slice %dma_start3A_267[%dma_start3A_268, %dma_start3A_269] : memref<10000x128xf32, #tpu.memory_space<hbm>> -> memref<10000x128xf32, #tpu.memory_space<hbm>>
        tpu.enqueue_indirect_dma source(%dma_start3A_270 : memref<10000x128xf32, #tpu.memory_space<hbm>>) target(%arg11 : memref<128x128xf32, #tpu.memory_space<vmem>>) offsets(%dma_start3A_263 : memref<128xi32, #tpu.memory_space<vmem>>) semaphore(%arg14 : memref<!tpu.dma_semaphore, #tpu.memory_space<semaphore_mem>>)
      } else {
      }
      %add3A_245 = arith.constant 1 : i32
      %add3A_246 = arith.addi %add3A_216, %add3A_245 : i32
      %dma_wait3A_247 = arith.constant 0 : i32
      %dma_wait3A_248 = tpu.memref_slice %arg7[%add3A_246, %dma_wait3A_247] : memref<32x128xi32, #tpu.memory_space<vmem>> -> memref<1x128xi32, #tpu.memory_space<vmem>>
      %dma_wait3A_249 = tpu.memref_squeeze %dma_wait3A_248 : memref<1x128xi32, #tpu.memory_space<vmem>> -> memref<128xi32, #tpu.memory_space<vmem>>
      %dma_wait3A_250 = arith.constant 0 : i32
      %dma_wait3A_251 = arith.constant 0 : i32
      %dma_wait3A_252 = tpu.memref_slice %arg2[%arg0, %dma_wait3A_250, %dma_wait3A_251] : memref<2x10000x128xf32, #tpu.memory_space<hbm>> -> memref<1x10000x128xf32, #tpu.memory_space<hbm>>
      %dma_wait3A_253 = tpu.memref_squeeze %dma_wait3A_252 : memref<1x10000x128xf32, #tpu.memory_space<hbm>> -> memref<10000x128xf32, #tpu.memory_space<hbm>>
      %dma_wait3A_254 = arith.constant 0 : i32
      %dma_wait3A_255 = arith.constant 0 : i32
      %dma_wait3A_256 = tpu.memref_slice %dma_wait3A_253[%dma_wait3A_254, %dma_wait3A_255] : memref<10000x128xf32, #tpu.memory_space<hbm>> -> memref<10000x128xf32, #tpu.memory_space<hbm>>
      tpu.wait_indirect_dma semaphore(%arg15 : memref<!tpu.dma_semaphore, #tpu.memory_space<semaphore_mem>>) src(%dma_wait3A_256 : memref<10000x128xf32, #tpu.memory_space<hbm>>) dst(%arg12 : memref<128x128xf32, #tpu.memory_space<vmem>>)
      %add3A_257 = arith.constant 1 : i32
      %add3A_258 = arith.addi %add3A_216, %add3A_257 : i32
      "tpu.region"() ({
        %run_scoped3A = tpu.sem_alloc : memref<!tpu.dma_semaphore, #tpu.memory_space<semaphore_mem>>
        %dma_start3A_259 = arith.constant 0 : i32
        %dma_start3A_260 = tpu.memref_slice %arg8[%add3A_258, %dma_start3A_259] : memref<32x128xi32, #tpu.memory_space<vmem>> -> memref<1x128xi32, #tpu.memory_space<vmem>>
        %dma_start3A_261 = tpu.memref_squeeze %dma_start3A_260 : memref<1x128xi32, #tpu.memory_space<vmem>> -> memref<128xi32, #tpu.memory_space<vmem>>
        %dma_start3A_262 = arith.constant 0 : i32
        %dma_start3A_263 = arith.constant 0 : i32
        %dma_start3A_264 = tpu.memref_slice %arg13[%dma_start3A_262, %dma_start3A_263] : memref<10112x128xf32, #tpu.memory_space<vmem_shared>> -> memref<10112x128xf32, #tpu.memory_space<vmem_shared>>
        tpu.enqueue_indirect_dma source(%arg12 : memref<128x128xf32, #tpu.memory_space<vmem>>) target(%dma_start3A_264 : memref<10112x128xf32, #tpu.memory_space<vmem_shared>>) offsets(%dma_start3A_261 : memref<128xi32, #tpu.memory_space<vmem>>) semaphore(%run_scoped3A : memref<!tpu.dma_semaphore, #tpu.memory_space<semaphore_mem>>) {add = true}
        %dma_wait3A_265 = arith.constant 0 : i32
        %dma_wait3A_266 = tpu.memref_slice %arg8[%add3A_258, %dma_wait3A_265] : memref<32x128xi32, #tpu.memory_space<vmem>> -> memref<1x128xi32, #tpu.memory_space<vmem>>
        %dma_wait3A_267 = tpu.memref_squeeze %dma_wait3A_266 : memref<1x128xi32, #tpu.memory_space<vmem>> -> memref<128xi32, #tpu.memory_space<vmem>>
        %dma_wait3A_268 = arith.constant 0 : i32
        %dma_wait3A_269 = arith.constant 0 : i32
        %dma_wait3A_270 = tpu.memref_slice %arg13[%dma_wait3A_268, %dma_wait3A_269] : memref<10112x128xf32, #tpu.memory_space<vmem_shared>> -> memref<10112x128xf32, #tpu.memory_space<vmem_shared>>
        tpu.wait_indirect_dma semaphore(%run_scoped3A : memref<!tpu.dma_semaphore, #tpu.memory_space<semaphore_mem>>) src(%arg12 : memref<128x128xf32, #tpu.memory_space<vmem>>) dst(%dma_wait3A_270 : memref<10112x128xf32, #tpu.memory_space<vmem_shared>>)
        tpu.yield
      }) : () -> ()
    }
    %scan3A_125 = arith.constant 16 : i32
    %dma_wait3A_126 = arith.constant 96 : i32
    %dma_wait3A_127 = arith.constant 0 : i32
    %dma_wait3A_128 = tpu.memref_slice %arg3[%arg1, %dma_wait3A_126, %dma_wait3A_127] : memref<16x160x128xi32, #tpu.memory_space<hbm>> -> memref<1x32x128xi32, #tpu.memory_space<hbm>>
    %dma_wait3A_129 = tpu.memref_squeeze %dma_wait3A_128 : memref<1x32x128xi32, #tpu.memory_space<hbm>> -> memref<32x128xi32, #tpu.memory_space<hbm>>
    %dma_wait3A_130 = arith.constant 96 : i32
    %dma_wait3A_131 = arith.constant 0 : i32
    %dma_wait3A_132 = tpu.memref_slice %arg3[%arg1, %dma_wait3A_130, %dma_wait3A_131] : memref<16x160x128xi32, #tpu.memory_space<hbm>> -> memref<1x32x128xi32, #tpu.memory_space<hbm>>
    %dma_wait3A_133 = tpu.memref_squeeze %dma_wait3A_132 : memref<1x32x128xi32, #tpu.memory_space<hbm>> -> memref<32x128xi32, #tpu.memory_space<hbm>>
    tpu.wait_dma2 semaphore(%arg16 : memref<!tpu.dma_semaphore, #tpu.memory_space<semaphore_mem>>) src(%dma_wait3A_133 : memref<32x128xi32, #tpu.memory_space<hbm>>) dst(%arg9 : memref<32x128xi32, #tpu.memory_space<vmem>>)
    %dma_wait3A_134 = arith.constant 96 : i32
    %dma_wait3A_135 = arith.constant 0 : i32
    %dma_wait3A_136 = tpu.memref_slice %arg4[%arg1, %dma_wait3A_134, %dma_wait3A_135] : memref<16x160x128xi32, #tpu.memory_space<hbm>> -> memref<1x32x128xi32, #tpu.memory_space<hbm>>
    %dma_wait3A_137 = tpu.memref_squeeze %dma_wait3A_136 : memref<1x32x128xi32, #tpu.memory_space<hbm>> -> memref<32x128xi32, #tpu.memory_space<hbm>>
    %dma_wait3A_138 = arith.constant 96 : i32
    %dma_wait3A_139 = arith.constant 0 : i32
    %dma_wait3A_140 = tpu.memref_slice %arg4[%arg1, %dma_wait3A_138, %dma_wait3A_139] : memref<16x160x128xi32, #tpu.memory_space<hbm>> -> memref<1x32x128xi32, #tpu.memory_space<hbm>>
    %dma_wait3A_141 = tpu.memref_squeeze %dma_wait3A_140 : memref<1x32x128xi32, #tpu.memory_space<hbm>> -> memref<32x128xi32, #tpu.memory_space<hbm>>
    tpu.wait_dma2 semaphore(%arg16 : memref<!tpu.dma_semaphore, #tpu.memory_space<semaphore_mem>>) src(%dma_wait3A_141 : memref<32x128xi32, #tpu.memory_space<hbm>>) dst(%arg10 : memref<32x128xi32, #tpu.memory_space<vmem>>)
    %dma_start3A_142 = arith.constant 128 : i32
    %dma_start3A_143 = arith.constant 0 : i32
    %dma_start3A_144 = tpu.memref_slice %arg3[%arg1, %dma_start3A_142, %dma_start3A_143] : memref<16x160x128xi32, #tpu.memory_space<hbm>> -> memref<1x32x128xi32, #tpu.memory_space<hbm>>
    %dma_start3A_145 = tpu.memref_squeeze %dma_start3A_144 : memref<1x32x128xi32, #tpu.memory_space<hbm>> -> memref<32x128xi32, #tpu.memory_space<hbm>>
    %dma_start3A_146 = arith.constant 128 : i32
    %dma_start3A_147 = arith.constant 0 : i32
    %dma_start3A_148 = tpu.memref_slice %arg3[%arg1, %dma_start3A_146, %dma_start3A_147] : memref<16x160x128xi32, #tpu.memory_space<hbm>> -> memref<1x32x128xi32, #tpu.memory_space<hbm>>
    %dma_start3A_149 = tpu.memref_squeeze %dma_start3A_148 : memref<1x32x128xi32, #tpu.memory_space<hbm>> -> memref<32x128xi32, #tpu.memory_space<hbm>>
    tpu.enqueue_dma source(%dma_start3A_149 : memref<32x128xi32, #tpu.memory_space<hbm>>) target(%arg7 : memref<32x128xi32, #tpu.memory_space<vmem>>) target_semaphore(%arg16 : memref<!tpu.dma_semaphore, #tpu.memory_space<semaphore_mem>>)
    %dma_start3A_150 = arith.constant 128 : i32
    %dma_start3A_151 = arith.constant 0 : i32
    %dma_start3A_152 = tpu.memref_slice %arg4[%arg1, %dma_start3A_150, %dma_start3A_151] : memref<16x160x128xi32, #tpu.memory_space<hbm>> -> memref<1x32x128xi32, #tpu.memory_space<hbm>>
    %dma_start3A_153 = tpu.memref_squeeze %dma_start3A_152 : memref<1x32x128xi32, #tpu.memory_space<hbm>> -> memref<32x128xi32, #tpu.memory_space<hbm>>
    %dma_start3A_154 = arith.constant 128 : i32
    %dma_start3A_155 = arith.constant 0 : i32
    %dma_start3A_156 = tpu.memref_slice %arg4[%arg1, %dma_start3A_154, %dma_start3A_155] : memref<16x160x128xi32, #tpu.memory_space<hbm>> -> memref<1x32x128xi32, #tpu.memory_space<hbm>>
    %dma_start3A_157 = tpu.memref_squeeze %dma_start3A_156 : memref<1x32x128xi32, #tpu.memory_space<hbm>> -> memref<32x128xi32, #tpu.memory_space<hbm>>
    tpu.enqueue_dma source(%dma_start3A_157 : memref<32x128xi32, #tpu.memory_space<hbm>>) target(%arg8 : memref<32x128xi32, #tpu.memory_space<vmem>>) target_semaphore(%arg16 : memref<!tpu.dma_semaphore, #tpu.memory_space<semaphore_mem>>)
    %dma_start3A_158 = arith.constant 0 : i32
    %dma_start3A_159 = arith.constant 0 : i32
    %dma_start3A_160 = tpu.memref_slice %arg9[%dma_start3A_158, %dma_start3A_159] : memref<32x128xi32, #tpu.memory_space<vmem>> -> memref<1x128xi32, #tpu.memory_space<vmem>>
    %dma_start3A_161 = tpu.memref_squeeze %dma_start3A_160 : memref<1x128xi32, #tpu.memory_space<vmem>> -> memref<128xi32, #tpu.memory_space<vmem>>
    %dma_start3A_162 = arith.constant 0 : i32
    %dma_start3A_163 = arith.constant 0 : i32
    %dma_start3A_164 = tpu.memref_slice %arg2[%arg0, %dma_start3A_162, %dma_start3A_163] : memref<2x10000x128xf32, #tpu.memory_space<hbm>> -> memref<1x10000x128xf32, #tpu.memory_space<hbm>>
    %dma_start3A_165 = tpu.memref_squeeze %dma_start3A_164 : memref<1x10000x128xf32, #tpu.memory_space<hbm>> -> memref<10000x128xf32, #tpu.memory_space<hbm>>
    %dma_start3A_166 = arith.constant 0 : i32
    %dma_start3A_167 = arith.constant 0 : i32
    %dma_start3A_168 = tpu.memref_slice %dma_start3A_165[%dma_start3A_166, %dma_start3A_167] : memref<10000x128xf32, #tpu.memory_space<hbm>> -> memref<10000x128xf32, #tpu.memory_space<hbm>>
    tpu.enqueue_indirect_dma source(%dma_start3A_168 : memref<10000x128xf32, #tpu.memory_space<hbm>>) target(%arg11 : memref<128x128xf32, #tpu.memory_space<vmem>>) offsets(%dma_start3A_161 : memref<128xi32, #tpu.memory_space<vmem>>) semaphore(%arg14 : memref<!tpu.dma_semaphore, #tpu.memory_space<semaphore_mem>>)
    %scan3A_169 = arith.constant 0 : i32
    %scan3A_170 = arith.constant 16 : i32
    %scan3A_171 = arith.addi %scan3A_169, %scan3A_170 : i32
    %scan3A_172 = arith.constant 1 : i32
    scf.for %scan3A_213 = %scan3A_169 to %scan3A_171 step %scan3A_172  : i32 {
      %mul3A_214 = arith.constant 2 : i32
      %mul3A_215 = arith.muli %scan3A_213, %mul3A_214 : i32
      %add3A = arith.constant 0 : i32
      %add3A_216 = arith.addi %add3A, %mul3A_215 : i32
      %add3A_217 = arith.constant 1 : i32
      %add3A_218 = arith.addi %add3A_216, %add3A_217 : i32
      %dma_start3A_219 = arith.constant 0 : i32
      %dma_start3A_220 = tpu.memref_slice %arg9[%add3A_218, %dma_start3A_219] : memref<32x128xi32, #tpu.memory_space<vmem>> -> memref<1x128xi32, #tpu.memory_space<vmem>>
      %dma_start3A_221 = tpu.memref_squeeze %dma_start3A_220 : memref<1x128xi32, #tpu.memory_space<vmem>> -> memref<128xi32, #tpu.memory_space<vmem>>
      %dma_start3A_222 = arith.constant 0 : i32
      %dma_start3A_223 = arith.constant 0 : i32
      %dma_start3A_224 = tpu.memref_slice %arg2[%arg0, %dma_start3A_222, %dma_start3A_223] : memref<2x10000x128xf32, #tpu.memory_space<hbm>> -> memref<1x10000x128xf32, #tpu.memory_space<hbm>>
      %dma_start3A_225 = tpu.memref_squeeze %dma_start3A_224 : memref<1x10000x128xf32, #tpu.memory_space<hbm>> -> memref<10000x128xf32, #tpu.memory_space<hbm>>
      %dma_start3A_226 = arith.constant 0 : i32
      %dma_start3A_227 = arith.constant 0 : i32
      %dma_start3A_228 = tpu.memref_slice %dma_start3A_225[%dma_start3A_226, %dma_start3A_227] : memref<10000x128xf32, #tpu.memory_space<hbm>> -> memref<10000x128xf32, #tpu.memory_space<hbm>>
      tpu.enqueue_indirect_dma source(%dma_start3A_228 : memref<10000x128xf32, #tpu.memory_space<hbm>>) target(%arg12 : memref<128x128xf32, #tpu.memory_space<vmem>>) offsets(%dma_start3A_221 : memref<128xi32, #tpu.memory_space<vmem>>) semaphore(%arg15 : memref<!tpu.dma_semaphore, #tpu.memory_space<semaphore_mem>>)
      %dma_wait3A_229 = arith.constant 0 : i32
      %dma_wait3A_230 = tpu.memref_slice %arg9[%add3A_216, %dma_wait3A_229] : memref<32x128xi32, #tpu.memory_space<vmem>> -> memref<1x128xi32, #tpu.memory_space<vmem>>
      %dma_wait3A_231 = tpu.memref_squeeze %dma_wait3A_230 : memref<1x128xi32, #tpu.memory_space<vmem>> -> memref<128xi32, #tpu.memory_space<vmem>>
      %dma_wait3A_232 = arith.constant 0 : i32
      %dma_wait3A_233 = arith.constant 0 : i32
      %dma_wait3A_234 = tpu.memref_slice %arg2[%arg0, %dma_wait3A_232, %dma_wait3A_233] : memref<2x10000x128xf32, #tpu.memory_space<hbm>> -> memref<1x10000x128xf32, #tpu.memory_space<hbm>>
      %dma_wait3A_235 = tpu.memref_squeeze %dma_wait3A_234 : memref<1x10000x128xf32, #tpu.memory_space<hbm>> -> memref<10000x128xf32, #tpu.memory_space<hbm>>
      %dma_wait3A_236 = arith.constant 0 : i32
      %dma_wait3A_237 = arith.constant 0 : i32
      %dma_wait3A_238 = tpu.memref_slice %dma_wait3A_235[%dma_wait3A_236, %dma_wait3A_237] : memref<10000x128xf32, #tpu.memory_space<hbm>> -> memref<10000x128xf32, #tpu.memory_space<hbm>>
      tpu.wait_indirect_dma semaphore(%arg14 : memref<!tpu.dma_semaphore, #tpu.memory_space<semaphore_mem>>) src(%dma_wait3A_238 : memref<10000x128xf32, #tpu.memory_space<hbm>>) dst(%arg11 : memref<128x128xf32, #tpu.memory_space<vmem>>)
      "tpu.region"() ({
        %run_scoped3A = tpu.sem_alloc : memref<!tpu.dma_semaphore, #tpu.memory_space<semaphore_mem>>
        %dma_start3A_259 = arith.constant 0 : i32
        %dma_start3A_260 = tpu.memref_slice %arg10[%add3A_216, %dma_start3A_259] : memref<32x128xi32, #tpu.memory_space<vmem>> -> memref<1x128xi32, #tpu.memory_space<vmem>>
        %dma_start3A_261 = tpu.memref_squeeze %dma_start3A_260 : memref<1x128xi32, #tpu.memory_space<vmem>> -> memref<128xi32, #tpu.memory_space<vmem>>
        %dma_start3A_262 = arith.constant 0 : i32
        %dma_start3A_263 = arith.constant 0 : i32
        %dma_start3A_264 = tpu.memref_slice %arg13[%dma_start3A_262, %dma_start3A_263] : memref<10112x128xf32, #tpu.memory_space<vmem_shared>> -> memref<10112x128xf32, #tpu.memory_space<vmem_shared>>
        tpu.enqueue_indirect_dma source(%arg11 : memref<128x128xf32, #tpu.memory_space<vmem>>) target(%dma_start3A_264 : memref<10112x128xf32, #tpu.memory_space<vmem_shared>>) offsets(%dma_start3A_261 : memref<128xi32, #tpu.memory_space<vmem>>) semaphore(%run_scoped3A : memref<!tpu.dma_semaphore, #tpu.memory_space<semaphore_mem>>) {add = true}
        %dma_wait3A_265 = arith.constant 0 : i32
        %dma_wait3A_266 = tpu.memref_slice %arg10[%add3A_216, %dma_wait3A_265] : memref<32x128xi32, #tpu.memory_space<vmem>> -> memref<1x128xi32, #tpu.memory_space<vmem>>
        %dma_wait3A_267 = tpu.memref_squeeze %dma_wait3A_266 : memref<1x128xi32, #tpu.memory_space<vmem>> -> memref<128xi32, #tpu.memory_space<vmem>>
        %dma_wait3A_268 = arith.constant 0 : i32
        %dma_wait3A_269 = arith.constant 0 : i32
        %dma_wait3A_270 = tpu.memref_slice %arg13[%dma_wait3A_268, %dma_wait3A_269] : memref<10112x128xf32, #tpu.memory_space<vmem_shared>> -> memref<10112x128xf32, #tpu.memory_space<vmem_shared>>
        tpu.wait_indirect_dma semaphore(%run_scoped3A : memref<!tpu.dma_semaphore, #tpu.memory_space<semaphore_mem>>) src(%arg11 : memref<128x128xf32, #tpu.memory_space<vmem>>) dst(%dma_wait3A_270 : memref<10112x128xf32, #tpu.memory_space<vmem_shared>>)
        tpu.yield
      }) : () -> ()
      %add3A_239 = arith.constant 2 : i32
      %add3A_240 = arith.addi %add3A_216, %add3A_239 : i32
      %lt3A = arith.constant 32 : i32
      %lt3A_241 = arith.cmpi slt, %add3A_240, %lt3A : i32
      %convert_element_type3A_242 = arith.extui %lt3A_241 : i1 to i32
      %cond3A_243 = arith.constant 0 : i32
      %cond3A_244 = arith.cmpi ne, %convert_element_type3A_242, %cond3A_243 : i32
      scf.if %cond3A_244 {
        %add3A_259 = arith.constant 2 : i32
        %add3A_260 = arith.addi %add3A_216, %add3A_259 : i32
        %dma_start3A_261 = arith.constant 0 : i32
        %dma_start3A_262 = tpu.memref_slice %arg9[%add3A_260, %dma_start3A_261] : memref<32x128xi32, #tpu.memory_space<vmem>> -> memref<1x128xi32, #tpu.memory_space<vmem>>
        %dma_start3A_263 = tpu.memref_squeeze %dma_start3A_262 : memref<1x128xi32, #tpu.memory_space<vmem>> -> memref<128xi32, #tpu.memory_space<vmem>>
        %dma_start3A_264 = arith.constant 0 : i32
        %dma_start3A_265 = arith.constant 0 : i32
        %dma_start3A_266 = tpu.memref_slice %arg2[%arg0, %dma_start3A_264, %dma_start3A_265] : memref<2x10000x128xf32, #tpu.memory_space<hbm>> -> memref<1x10000x128xf32, #tpu.memory_space<hbm>>
        %dma_start3A_267 = tpu.memref_squeeze %dma_start3A_266 : memref<1x10000x128xf32, #tpu.memory_space<hbm>> -> memref<10000x128xf32, #tpu.memory_space<hbm>>
        %dma_start3A_268 = arith.constant 0 : i32
        %dma_start3A_269 = arith.constant 0 : i32
        %dma_start3A_270 = tpu.memref_slice %dma_start3A_267[%dma_start3A_268, %dma_start3A_269] : memref<10000x128xf32, #tpu.memory_space<hbm>> -> memref<10000x128xf32, #tpu.memory_space<hbm>>
        tpu.enqueue_indirect_dma source(%dma_start3A_270 : memref<10000x128xf32, #tpu.memory_space<hbm>>) target(%arg11 : memref<128x128xf32, #tpu.memory_space<vmem>>) offsets(%dma_start3A_263 : memref<128xi32, #tpu.memory_space<vmem>>) semaphore(%arg14 : memref<!tpu.dma_semaphore, #tpu.memory_space<semaphore_mem>>)
      } else {
      }
      %add3A_245 = arith.constant 1 : i32
      %add3A_246 = arith.addi %add3A_216, %add3A_245 : i32
      %dma_wait3A_247 = arith.constant 0 : i32
      %dma_wait3A_248 = tpu.memref_slice %arg9[%add3A_246, %dma_wait3A_247] : memref<32x128xi32, #tpu.memory_space<vmem>> -> memref<1x128xi32, #tpu.memory_space<vmem>>
      %dma_wait3A_249 = tpu.memref_squeeze %dma_wait3A_248 : memref<1x128xi32, #tpu.memory_space<vmem>> -> memref<128xi32, #tpu.memory_space<vmem>>
      %dma_wait3A_250 = arith.constant 0 : i32
      %dma_wait3A_251 = arith.constant 0 : i32
      %dma_wait3A_252 = tpu.memref_slice %arg2[%arg0, %dma_wait3A_250, %dma_wait3A_251] : memref<2x10000x128xf32, #tpu.memory_space<hbm>> -> memref<1x10000x128xf32, #tpu.memory_space<hbm>>
      %dma_wait3A_253 = tpu.memref_squeeze %dma_wait3A_252 : memref<1x10000x128xf32, #tpu.memory_space<hbm>> -> memref<10000x128xf32, #tpu.memory_space<hbm>>
      %dma_wait3A_254 = arith.constant 0 : i32
      %dma_wait3A_255 = arith.constant 0 : i32
      %dma_wait3A_256 = tpu.memref_slice %dma_wait3A_253[%dma_wait3A_254, %dma_wait3A_255] : memref<10000x128xf32, #tpu.memory_space<hbm>> -> memref<10000x128xf32, #tpu.memory_space<hbm>>
      tpu.wait_indirect_dma semaphore(%arg15 : memref<!tpu.dma_semaphore, #tpu.memory_space<semaphore_mem>>) src(%dma_wait3A_256 : memref<10000x128xf32, #tpu.memory_space<hbm>>) dst(%arg12 : memref<128x128xf32, #tpu.memory_space<vmem>>)
      %add3A_257 = arith.constant 1 : i32
      %add3A_258 = arith.addi %add3A_216, %add3A_257 : i32
      "tpu.region"() ({
        %run_scoped3A = tpu.sem_alloc : memref<!tpu.dma_semaphore, #tpu.memory_space<semaphore_mem>>
        %dma_start3A_259 = arith.constant 0 : i32
        %dma_start3A_260 = tpu.memref_slice %arg10[%add3A_258, %dma_start3A_259] : memref<32x128xi32, #tpu.memory_space<vmem>> -> memref<1x128xi32, #tpu.memory_space<vmem>>
        %dma_start3A_261 = tpu.memref_squeeze %dma_start3A_260 : memref<1x128xi32, #tpu.memory_space<vmem>> -> memref<128xi32, #tpu.memory_space<vmem>>
        %dma_start3A_262 = arith.constant 0 : i32
        %dma_start3A_263 = arith.constant 0 : i32
        %dma_start3A_264 = tpu.memref_slice %arg13[%dma_start3A_262, %dma_start3A_263] : memref<10112x128xf32, #tpu.memory_space<vmem_shared>> -> memref<10112x128xf32, #tpu.memory_space<vmem_shared>>
        tpu.enqueue_indirect_dma source(%arg12 : memref<128x128xf32, #tpu.memory_space<vmem>>) target(%dma_start3A_264 : memref<10112x128xf32, #tpu.memory_space<vmem_shared>>) offsets(%dma_start3A_261 : memref<128xi32, #tpu.memory_space<vmem>>) semaphore(%run_scoped3A : memref<!tpu.dma_semaphore, #tpu.memory_space<semaphore_mem>>) {add = true}
        %dma_wait3A_265 = arith.constant 0 : i32
        %dma_wait3A_266 = tpu.memref_slice %arg10[%add3A_258, %dma_wait3A_265] : memref<32x128xi32, #tpu.memory_space<vmem>> -> memref<1x128xi32, #tpu.memory_space<vmem>>
        %dma_wait3A_267 = tpu.memref_squeeze %dma_wait3A_266 : memref<1x128xi32, #tpu.memory_space<vmem>> -> memref<128xi32, #tpu.memory_space<vmem>>
        %dma_wait3A_268 = arith.constant 0 : i32
        %dma_wait3A_269 = arith.constant 0 : i32
        %dma_wait3A_270 = tpu.memref_slice %arg13[%dma_wait3A_268, %dma_wait3A_269] : memref<10112x128xf32, #tpu.memory_space<vmem_shared>> -> memref<10112x128xf32, #tpu.memory_space<vmem_shared>>
        tpu.wait_indirect_dma semaphore(%run_scoped3A : memref<!tpu.dma_semaphore, #tpu.memory_space<semaphore_mem>>) src(%arg12 : memref<128x128xf32, #tpu.memory_space<vmem>>) dst(%dma_wait3A_270 : memref<10112x128xf32, #tpu.memory_space<vmem_shared>>)
        tpu.yield
      }) : () -> ()
    }
    %scan3A_173 = arith.constant 16 : i32
    %dma_wait3A_174 = arith.constant 128 : i32
    %dma_wait3A_175 = arith.constant 0 : i32
    %dma_wait3A_176 = tpu.memref_slice %arg3[%arg1, %dma_wait3A_174, %dma_wait3A_175] : memref<16x160x128xi32, #tpu.memory_space<hbm>> -> memref<1x32x128xi32, #tpu.memory_space<hbm>>
    %dma_wait3A_177 = tpu.memref_squeeze %dma_wait3A_176 : memref<1x32x128xi32, #tpu.memory_space<hbm>> -> memref<32x128xi32, #tpu.memory_space<hbm>>
    %dma_wait3A_178 = arith.constant 128 : i32
    %dma_wait3A_179 = arith.constant 0 : i32
    %dma_wait3A_180 = tpu.memref_slice %arg3[%arg1, %dma_wait3A_178, %dma_wait3A_179] : memref<16x160x128xi32, #tpu.memory_space<hbm>> -> memref<1x32x128xi32, #tpu.memory_space<hbm>>
    %dma_wait3A_181 = tpu.memref_squeeze %dma_wait3A_180 : memref<1x32x128xi32, #tpu.memory_space<hbm>> -> memref<32x128xi32, #tpu.memory_space<hbm>>
    tpu.wait_dma2 semaphore(%arg16 : memref<!tpu.dma_semaphore, #tpu.memory_space<semaphore_mem>>) src(%dma_wait3A_181 : memref<32x128xi32, #tpu.memory_space<hbm>>) dst(%arg7 : memref<32x128xi32, #tpu.memory_space<vmem>>)
    %dma_wait3A_182 = arith.constant 128 : i32
    %dma_wait3A_183 = arith.constant 0 : i32
    %dma_wait3A_184 = tpu.memref_slice %arg4[%arg1, %dma_wait3A_182, %dma_wait3A_183] : memref<16x160x128xi32, #tpu.memory_space<hbm>> -> memref<1x32x128xi32, #tpu.memory_space<hbm>>
    %dma_wait3A_185 = tpu.memref_squeeze %dma_wait3A_184 : memref<1x32x128xi32, #tpu.memory_space<hbm>> -> memref<32x128xi32, #tpu.memory_space<hbm>>
    %dma_wait3A_186 = arith.constant 128 : i32
    %dma_wait3A_187 = arith.constant 0 : i32
    %dma_wait3A_188 = tpu.memref_slice %arg4[%arg1, %dma_wait3A_186, %dma_wait3A_187] : memref<16x160x128xi32, #tpu.memory_space<hbm>> -> memref<1x32x128xi32, #tpu.memory_space<hbm>>
    %dma_wait3A_189 = tpu.memref_squeeze %dma_wait3A_188 : memref<1x32x128xi32, #tpu.memory_space<hbm>> -> memref<32x128xi32, #tpu.memory_space<hbm>>
    tpu.wait_dma2 semaphore(%arg16 : memref<!tpu.dma_semaphore, #tpu.memory_space<semaphore_mem>>) src(%dma_wait3A_189 : memref<32x128xi32, #tpu.memory_space<hbm>>) dst(%arg8 : memref<32x128xi32, #tpu.memory_space<vmem>>)
    %dma_start3A_190 = arith.constant 0 : i32
    %dma_start3A_191 = arith.constant 0 : i32
    %dma_start3A_192 = tpu.memref_slice %arg7[%dma_start3A_190, %dma_start3A_191] : memref<32x128xi32, #tpu.memory_space<vmem>> -> memref<1x128xi32, #tpu.memory_space<vmem>>
    %dma_start3A_193 = tpu.memref_squeeze %dma_start3A_192 : memref<1x128xi32, #tpu.memory_space<vmem>> -> memref<128xi32, #tpu.memory_space<vmem>>
    %dma_start3A_194 = arith.constant 0 : i32
    %dma_start3A_195 = arith.constant 0 : i32
    %dma_start3A_196 = tpu.memref_slice %arg2[%arg0, %dma_start3A_194, %dma_start3A_195] : memref<2x10000x128xf32, #tpu.memory_space<hbm>> -> memref<1x10000x128xf32, #tpu.memory_space<hbm>>
    %dma_start3A_197 = tpu.memref_squeeze %dma_start3A_196 : memref<1x10000x128xf32, #tpu.memory_space<hbm>> -> memref<10000x128xf32, #tpu.memory_space<hbm>>
    %dma_start3A_198 = arith.constant 0 : i32
    %dma_start3A_199 = arith.constant 0 : i32
    %dma_start3A_200 = tpu.memref_slice %dma_start3A_197[%dma_start3A_198, %dma_start3A_199] : memref<10000x128xf32, #tpu.memory_space<hbm>> -> memref<10000x128xf32, #tpu.memory_space<hbm>>
    tpu.enqueue_indirect_dma source(%dma_start3A_200 : memref<10000x128xf32, #tpu.memory_space<hbm>>) target(%arg11 : memref<128x128xf32, #tpu.memory_space<vmem>>) offsets(%dma_start3A_193 : memref<128xi32, #tpu.memory_space<vmem>>) semaphore(%arg14 : memref<!tpu.dma_semaphore, #tpu.memory_space<semaphore_mem>>)
    %scan3A_201 = arith.constant 0 : i32
    %scan3A_202 = arith.constant 16 : i32
    %scan3A_203 = arith.addi %scan3A_201, %scan3A_202 : i32
    %scan3A_204 = arith.constant 1 : i32
    scf.for %scan3A_213 = %scan3A_201 to %scan3A_203 step %scan3A_204  : i32 {
      %mul3A_214 = arith.constant 2 : i32
      %mul3A_215 = arith.muli %scan3A_213, %mul3A_214 : i32
      %add3A = arith.constant 0 : i32
      %add3A_216 = arith.addi %add3A, %mul3A_215 : i32
      %add3A_217 = arith.constant 1 : i32
      %add3A_218 = arith.addi %add3A_216, %add3A_217 : i32
      %dma_start3A_219 = arith.constant 0 : i32
      %dma_start3A_220 = tpu.memref_slice %arg7[%add3A_218, %dma_start3A_219] : memref<32x128xi32, #tpu.memory_space<vmem>> -> memref<1x128xi32, #tpu.memory_space<vmem>>
      %dma_start3A_221 = tpu.memref_squeeze %dma_start3A_220 : memref<1x128xi32, #tpu.memory_space<vmem>> -> memref<128xi32, #tpu.memory_space<vmem>>
      %dma_start3A_222 = arith.constant 0 : i32
      %dma_start3A_223 = arith.constant 0 : i32
      %dma_start3A_224 = tpu.memref_slice %arg2[%arg0, %dma_start3A_222, %dma_start3A_223] : memref<2x10000x128xf32, #tpu.memory_space<hbm>> -> memref<1x10000x128xf32, #tpu.memory_space<hbm>>
      %dma_start3A_225 = tpu.memref_squeeze %dma_start3A_224 : memref<1x10000x128xf32, #tpu.memory_space<hbm>> -> memref<10000x128xf32, #tpu.memory_space<hbm>>
      %dma_start3A_226 = arith.constant 0 : i32
      %dma_start3A_227 = arith.constant 0 : i32
      %dma_start3A_228 = tpu.memref_slice %dma_start3A_225[%dma_start3A_226, %dma_start3A_227] : memref<10000x128xf32, #tpu.memory_space<hbm>> -> memref<10000x128xf32, #tpu.memory_space<hbm>>
      tpu.enqueue_indirect_dma source(%dma_start3A_228 : memref<10000x128xf32, #tpu.memory_space<hbm>>) target(%arg12 : memref<128x128xf32, #tpu.memory_space<vmem>>) offsets(%dma_start3A_221 : memref<128xi32, #tpu.memory_space<vmem>>) semaphore(%arg15 : memref<!tpu.dma_semaphore, #tpu.memory_space<semaphore_mem>>)
      %dma_wait3A_229 = arith.constant 0 : i32
      %dma_wait3A_230 = tpu.memref_slice %arg7[%add3A_216, %dma_wait3A_229] : memref<32x128xi32, #tpu.memory_space<vmem>> -> memref<1x128xi32, #tpu.memory_space<vmem>>
      %dma_wait3A_231 = tpu.memref_squeeze %dma_wait3A_230 : memref<1x128xi32, #tpu.memory_space<vmem>> -> memref<128xi32, #tpu.memory_space<vmem>>
      %dma_wait3A_232 = arith.constant 0 : i32
      %dma_wait3A_233 = arith.constant 0 : i32
      %dma_wait3A_234 = tpu.memref_slice %arg2[%arg0, %dma_wait3A_232, %dma_wait3A_233] : memref<2x10000x128xf32, #tpu.memory_space<hbm>> -> memref<1x10000x128xf32, #tpu.memory_space<hbm>>
      %dma_wait3A_235 = tpu.memref_squeeze %dma_wait3A_234 : memref<1x10000x128xf32, #tpu.memory_space<hbm>> -> memref<10000x128xf32, #tpu.memory_space<hbm>>
      %dma_wait3A_236 = arith.constant 0 : i32
      %dma_wait3A_237 = arith.constant 0 : i32
      %dma_wait3A_238 = tpu.memref_slice %dma_wait3A_235[%dma_wait3A_236, %dma_wait3A_237] : memref<10000x128xf32, #tpu.memory_space<hbm>> -> memref<10000x128xf32, #tpu.memory_space<hbm>>
      tpu.wait_indirect_dma semaphore(%arg14 : memref<!tpu.dma_semaphore, #tpu.memory_space<semaphore_mem>>) src(%dma_wait3A_238 : memref<10000x128xf32, #tpu.memory_space<hbm>>) dst(%arg11 : memref<128x128xf32, #tpu.memory_space<vmem>>)
      "tpu.region"() ({
        %run_scoped3A = tpu.sem_alloc : memref<!tpu.dma_semaphore, #tpu.memory_space<semaphore_mem>>
        %dma_start3A_259 = arith.constant 0 : i32
        %dma_start3A_260 = tpu.memref_slice %arg8[%add3A_216, %dma_start3A_259] : memref<32x128xi32, #tpu.memory_space<vmem>> -> memref<1x128xi32, #tpu.memory_space<vmem>>
        %dma_start3A_261 = tpu.memref_squeeze %dma_start3A_260 : memref<1x128xi32, #tpu.memory_space<vmem>> -> memref<128xi32, #tpu.memory_space<vmem>>
        %dma_start3A_262 = arith.constant 0 : i32
        %dma_start3A_263 = arith.constant 0 : i32
        %dma_start3A_264 = tpu.memref_slice %arg13[%dma_start3A_262, %dma_start3A_263] : memref<10112x128xf32, #tpu.memory_space<vmem_shared>> -> memref<10112x128xf32, #tpu.memory_space<vmem_shared>>
        tpu.enqueue_indirect_dma source(%arg11 : memref<128x128xf32, #tpu.memory_space<vmem>>) target(%dma_start3A_264 : memref<10112x128xf32, #tpu.memory_space<vmem_shared>>) offsets(%dma_start3A_261 : memref<128xi32, #tpu.memory_space<vmem>>) semaphore(%run_scoped3A : memref<!tpu.dma_semaphore, #tpu.memory_space<semaphore_mem>>) {add = true}
        %dma_wait3A_265 = arith.constant 0 : i32
        %dma_wait3A_266 = tpu.memref_slice %arg8[%add3A_216, %dma_wait3A_265] : memref<32x128xi32, #tpu.memory_space<vmem>> -> memref<1x128xi32, #tpu.memory_space<vmem>>
        %dma_wait3A_267 = tpu.memref_squeeze %dma_wait3A_266 : memref<1x128xi32, #tpu.memory_space<vmem>> -> memref<128xi32, #tpu.memory_space<vmem>>
        %dma_wait3A_268 = arith.constant 0 : i32
        %dma_wait3A_269 = arith.constant 0 : i32
        %dma_wait3A_270 = tpu.memref_slice %arg13[%dma_wait3A_268, %dma_wait3A_269] : memref<10112x128xf32, #tpu.memory_space<vmem_shared>> -> memref<10112x128xf32, #tpu.memory_space<vmem_shared>>
        tpu.wait_indirect_dma semaphore(%run_scoped3A : memref<!tpu.dma_semaphore, #tpu.memory_space<semaphore_mem>>) src(%arg11 : memref<128x128xf32, #tpu.memory_space<vmem>>) dst(%dma_wait3A_270 : memref<10112x128xf32, #tpu.memory_space<vmem_shared>>)
        tpu.yield
      }) : () -> ()
      %add3A_239 = arith.constant 2 : i32
      %add3A_240 = arith.addi %add3A_216, %add3A_239 : i32
      %lt3A = arith.constant 32 : i32
      %lt3A_241 = arith.cmpi slt, %add3A_240, %lt3A : i32
      %convert_element_type3A_242 = arith.extui %lt3A_241 : i1 to i32
      %cond3A_243 = arith.constant 0 : i32
      %cond3A_244 = arith.cmpi ne, %convert_element_type3A_242, %cond3A_243 : i32
      scf.if %cond3A_244 {
        %add3A_259 = arith.constant 2 : i32
        %add3A_260 = arith.addi %add3A_216, %add3A_259 : i32
        %dma_start3A_261 = arith.constant 0 : i32
        %dma_start3A_262 = tpu.memref_slice %arg7[%add3A_260, %dma_start3A_261] : memref<32x128xi32, #tpu.memory_space<vmem>> -> memref<1x128xi32, #tpu.memory_space<vmem>>
        %dma_start3A_263 = tpu.memref_squeeze %dma_start3A_262 : memref<1x128xi32, #tpu.memory_space<vmem>> -> memref<128xi32, #tpu.memory_space<vmem>>
        %dma_start3A_264 = arith.constant 0 : i32
        %dma_start3A_265 = arith.constant 0 : i32
        %dma_start3A_266 = tpu.memref_slice %arg2[%arg0, %dma_start3A_264, %dma_start3A_265] : memref<2x10000x128xf32, #tpu.memory_space<hbm>> -> memref<1x10000x128xf32, #tpu.memory_space<hbm>>
        %dma_start3A_267 = tpu.memref_squeeze %dma_start3A_266 : memref<1x10000x128xf32, #tpu.memory_space<hbm>> -> memref<10000x128xf32, #tpu.memory_space<hbm>>
        %dma_start3A_268 = arith.constant 0 : i32
        %dma_start3A_269 = arith.constant 0 : i32
        %dma_start3A_270 = tpu.memref_slice %dma_start3A_267[%dma_start3A_268, %dma_start3A_269] : memref<10000x128xf32, #tpu.memory_space<hbm>> -> memref<10000x128xf32, #tpu.memory_space<hbm>>
        tpu.enqueue_indirect_dma source(%dma_start3A_270 : memref<10000x128xf32, #tpu.memory_space<hbm>>) target(%arg11 : memref<128x128xf32, #tpu.memory_space<vmem>>) offsets(%dma_start3A_263 : memref<128xi32, #tpu.memory_space<vmem>>) semaphore(%arg14 : memref<!tpu.dma_semaphore, #tpu.memory_space<semaphore_mem>>)
      } else {
      }
      %add3A_245 = arith.constant 1 : i32
      %add3A_246 = arith.addi %add3A_216, %add3A_245 : i32
      %dma_wait3A_247 = arith.constant 0 : i32
      %dma_wait3A_248 = tpu.memref_slice %arg7[%add3A_246, %dma_wait3A_247] : memref<32x128xi32, #tpu.memory_space<vmem>> -> memref<1x128xi32, #tpu.memory_space<vmem>>
      %dma_wait3A_249 = tpu.memref_squeeze %dma_wait3A_248 : memref<1x128xi32, #tpu.memory_space<vmem>> -> memref<128xi32, #tpu.memory_space<vmem>>
      %dma_wait3A_250 = arith.constant 0 : i32
      %dma_wait3A_251 = arith.constant 0 : i32
      %dma_wait3A_252 = tpu.memref_slice %arg2[%arg0, %dma_wait3A_250, %dma_wait3A_251] : memref<2x10000x128xf32, #tpu.memory_space<hbm>> -> memref<1x10000x128xf32, #tpu.memory_space<hbm>>
      %dma_wait3A_253 = tpu.memref_squeeze %dma_wait3A_252 : memref<1x10000x128xf32, #tpu.memory_space<hbm>> -> memref<10000x128xf32, #tpu.memory_space<hbm>>
      %dma_wait3A_254 = arith.constant 0 : i32
      %dma_wait3A_255 = arith.constant 0 : i32
      %dma_wait3A_256 = tpu.memref_slice %dma_wait3A_253[%dma_wait3A_254, %dma_wait3A_255] : memref<10000x128xf32, #tpu.memory_space<hbm>> -> memref<10000x128xf32, #tpu.memory_space<hbm>>
      tpu.wait_indirect_dma semaphore(%arg15 : memref<!tpu.dma_semaphore, #tpu.memory_space<semaphore_mem>>) src(%dma_wait3A_256 : memref<10000x128xf32, #tpu.memory_space<hbm>>) dst(%arg12 : memref<128x128xf32, #tpu.memory_space<vmem>>)
      %add3A_257 = arith.constant 1 : i32
      %add3A_258 = arith.addi %add3A_216, %add3A_257 : i32
      "tpu.region"() ({
        %run_scoped3A = tpu.sem_alloc : memref<!tpu.dma_semaphore, #tpu.memory_space<semaphore_mem>>
        %dma_start3A_259 = arith.constant 0 : i32
        %dma_start3A_260 = tpu.memref_slice %arg8[%add3A_258, %dma_start3A_259] : memref<32x128xi32, #tpu.memory_space<vmem>> -> memref<1x128xi32, #tpu.memory_space<vmem>>
        %dma_start3A_261 = tpu.memref_squeeze %dma_start3A_260 : memref<1x128xi32, #tpu.memory_space<vmem>> -> memref<128xi32, #tpu.memory_space<vmem>>
        %dma_start3A_262 = arith.constant 0 : i32
        %dma_start3A_263 = arith.constant 0 : i32
        %dma_start3A_264 = tpu.memref_slice %arg13[%dma_start3A_262, %dma_start3A_263] : memref<10112x128xf32, #tpu.memory_space<vmem_shared>> -> memref<10112x128xf32, #tpu.memory_space<vmem_shared>>
        tpu.enqueue_indirect_dma source(%arg12 : memref<128x128xf32, #tpu.memory_space<vmem>>) target(%dma_start3A_264 : memref<10112x128xf32, #tpu.memory_space<vmem_shared>>) offsets(%dma_start3A_261 : memref<128xi32, #tpu.memory_space<vmem>>) semaphore(%run_scoped3A : memref<!tpu.dma_semaphore, #tpu.memory_space<semaphore_mem>>) {add = true}
        %dma_wait3A_265 = arith.constant 0 : i32
        %dma_wait3A_266 = tpu.memref_slice %arg8[%add3A_258, %dma_wait3A_265] : memref<32x128xi32, #tpu.memory_space<vmem>> -> memref<1x128xi32, #tpu.memory_space<vmem>>
        %dma_wait3A_267 = tpu.memref_squeeze %dma_wait3A_266 : memref<1x128xi32, #tpu.memory_space<vmem>> -> memref<128xi32, #tpu.memory_space<vmem>>
        %dma_wait3A_268 = arith.constant 0 : i32
        %dma_wait3A_269 = arith.constant 0 : i32
        %dma_wait3A_270 = tpu.memref_slice %arg13[%dma_wait3A_268, %dma_wait3A_269] : memref<10112x128xf32, #tpu.memory_space<vmem_shared>> -> memref<10112x128xf32, #tpu.memory_space<vmem_shared>>
        tpu.wait_indirect_dma semaphore(%run_scoped3A : memref<!tpu.dma_semaphore, #tpu.memory_space<semaphore_mem>>) src(%arg12 : memref<128x128xf32, #tpu.memory_space<vmem>>) dst(%dma_wait3A_270 : memref<10112x128xf32, #tpu.memory_space<vmem_shared>>)
        tpu.yield
      }) : () -> ()
    }
    %scan3A_205 = arith.constant 16 : i32
    %barrier3A_206 = arith.constant 0 : index
    tpu.barrier barrier_id(%barrier3A_206)
    %mul3A_207 = arith.constant 624 : i32
    %mul3A_208 = arith.muli %arg1, %mul3A_207 : i32
    %mul3A_209 = arith.constant 624 : i32
    %mul3A_210 = arith.muli %arg1, %mul3A_209 : i32
    "tpu.region"() ({
      %run_scoped3A = tpu.sem_alloc : memref<!tpu.dma_semaphore, #tpu.memory_space<semaphore_mem>>
      %dma_start3A_213 = arith.constant 0 : i32
      %dma_start3A_214 = arith.constant 0 : i32
      %dma_start3A_215 = tpu.memref_slice %arg6[%arg0, %dma_start3A_213, %dma_start3A_214] : memref<2x10000x128xf32, #tpu.memory_space<hbm>> -> memref<1x10000x128xf32, #tpu.memory_space<hbm>>
      %dma_start3A_216 = tpu.memref_squeeze %dma_start3A_215 : memref<1x10000x128xf32, #tpu.memory_space<hbm>> -> memref<10000x128xf32, #tpu.memory_space<hbm>>
      %dma_start3A_217 = arith.constant 0 : i32
      %dma_start3A_218 = tpu.memref_slice %dma_start3A_216[%mul3A_210, %dma_start3A_217] : memref<10000x128xf32, #tpu.memory_space<hbm>> -> memref<624x128xf32, #tpu.memory_space<hbm>>
      %dma_start3A_219 = arith.constant 0 : i32
      %dma_start3A_220 = tpu.memref_slice %arg13[%mul3A_208, %dma_start3A_219] : memref<10112x128xf32, #tpu.memory_space<vmem_shared>> -> memref<624x128xf32, #tpu.memory_space<vmem_shared>>
      tpu.enqueue_dma source(%dma_start3A_220 : memref<624x128xf32, #tpu.memory_space<vmem_shared>>) target(%dma_start3A_218 : memref<624x128xf32, #tpu.memory_space<hbm>>) target_semaphore(%run_scoped3A : memref<!tpu.dma_semaphore, #tpu.memory_space<semaphore_mem>>)
      %dma_wait3A_221 = arith.constant 0 : i32
      %dma_wait3A_222 = arith.constant 0 : i32
      %dma_wait3A_223 = tpu.memref_slice %arg6[%arg0, %dma_wait3A_221, %dma_wait3A_222] : memref<2x10000x128xf32, #tpu.memory_space<hbm>> -> memref<1x10000x128xf32, #tpu.memory_space<hbm>>
      %dma_wait3A_224 = tpu.memref_squeeze %dma_wait3A_223 : memref<1x10000x128xf32, #tpu.memory_space<hbm>> -> memref<10000x128xf32, #tpu.memory_space<hbm>>
      %dma_wait3A_225 = arith.constant 0 : i32
      %dma_wait3A_226 = tpu.memref_slice %dma_wait3A_224[%mul3A_210, %dma_wait3A_225] : memref<10000x128xf32, #tpu.memory_space<hbm>> -> memref<624x128xf32, #tpu.memory_space<hbm>>
      %dma_wait3A_227 = arith.constant 0 : i32
      %dma_wait3A_228 = tpu.memref_slice %arg13[%mul3A_208, %dma_wait3A_227] : memref<10112x128xf32, #tpu.memory_space<vmem_shared>> -> memref<624x128xf32, #tpu.memory_space<vmem_shared>>
      tpu.wait_dma2 semaphore(%run_scoped3A : memref<!tpu.dma_semaphore, #tpu.memory_space<semaphore_mem>>) src(%dma_wait3A_228 : memref<624x128xf32, #tpu.memory_space<vmem_shared>>) dst(%dma_wait3A_226 : memref<624x128xf32, #tpu.memory_space<hbm>>)
      tpu.yield
    }) : () -> ()
    %eq3A = arith.constant 0 : i32
    %eq3A_211 = arith.cmpi eq, %arg1, %eq3A : i32
    %convert_element_type3A = arith.extui %eq3A_211 : i1 to i32
    %cond3A = arith.constant 0 : i32
    %cond3A_212 = arith.cmpi ne, %convert_element_type3A, %cond3A : i32
    scf.if %cond3A_212 {
      "tpu.region"() ({
        %run_scoped3A = tpu.sem_alloc : memref<!tpu.dma_semaphore, #tpu.memory_space<semaphore_mem>>
        %dma_start3A_213 = arith.constant 0 : i32
        %dma_start3A_214 = arith.constant 0 : i32
        %dma_start3A_215 = tpu.memref_slice %arg6[%arg0, %dma_start3A_213, %dma_start3A_214] : memref<2x10000x128xf32, #tpu.memory_space<hbm>> -> memref<1x10000x128xf32, #tpu.memory_space<hbm>>
        %dma_start3A_216 = tpu.memref_squeeze %dma_start3A_215 : memref<1x10000x128xf32, #tpu.memory_space<hbm>> -> memref<10000x128xf32, #tpu.memory_space<hbm>>
        %dma_start3A_217 = arith.constant 9984 : i32
        %dma_start3A_218 = arith.constant 0 : i32
        %dma_start3A_219 = tpu.memref_slice %dma_start3A_216[%dma_start3A_217, %dma_start3A_218] : memref<10000x128xf32, #tpu.memory_space<hbm>> -> memref<16x128xf32, #tpu.memory_space<hbm>>
        %dma_start3A_220 = arith.constant 9984 : i32
        %dma_start3A_221 = arith.constant 0 : i32
        %dma_start3A_222 = tpu.memref_slice %arg13[%dma_start3A_220, %dma_start3A_221] : memref<10112x128xf32, #tpu.memory_space<vmem_shared>> -> memref<16x128xf32, #tpu.memory_space<vmem_shared>>
        tpu.enqueue_dma source(%dma_start3A_222 : memref<16x128xf32, #tpu.memory_space<vmem_shared>>) target(%dma_start3A_219 : memref<16x128xf32, #tpu.memory_space<hbm>>) target_semaphore(%run_scoped3A : memref<!tpu.dma_semaphore, #tpu.memory_space<semaphore_mem>>)
        %dma_wait3A_223 = arith.constant 0 : i32
        %dma_wait3A_224 = arith.constant 0 : i32
        %dma_wait3A_225 = tpu.memref_slice %arg6[%arg0, %dma_wait3A_223, %dma_wait3A_224] : memref<2x10000x128xf32, #tpu.memory_space<hbm>> -> memref<1x10000x128xf32, #tpu.memory_space<hbm>>
        %dma_wait3A_226 = tpu.memref_squeeze %dma_wait3A_225 : memref<1x10000x128xf32, #tpu.memory_space<hbm>> -> memref<10000x128xf32, #tpu.memory_space<hbm>>
        %dma_wait3A_227 = arith.constant 9984 : i32
        %dma_wait3A_228 = arith.constant 0 : i32
        %dma_wait3A_229 = tpu.memref_slice %dma_wait3A_226[%dma_wait3A_227, %dma_wait3A_228] : memref<10000x128xf32, #tpu.memory_space<hbm>> -> memref<16x128xf32, #tpu.memory_space<hbm>>
        %dma_wait3A_230 = arith.constant 9984 : i32
        %dma_wait3A_231 = arith.constant 0 : i32
        %dma_wait3A_232 = tpu.memref_slice %arg13[%dma_wait3A_230, %dma_wait3A_231] : memref<10112x128xf32, #tpu.memory_space<vmem_shared>> -> memref<16x128xf32, #tpu.memory_space<vmem_shared>>
        tpu.wait_dma2 semaphore(%run_scoped3A : memref<!tpu.dma_semaphore, #tpu.memory_space<semaphore_mem>>) src(%dma_wait3A_232 : memref<16x128xf32, #tpu.memory_space<vmem_shared>>) dst(%dma_wait3A_229 : memref<16x128xf32, #tpu.memory_space<hbm>>)
        tpu.yield
      }) : () -> ()
    } else {
    }
    return
  }
}

module attributes {stable_mosaic.version = 14 : i64} {
  func.func @_prep_body(%arg0: i32, %arg1: i32, %arg2: memref<1000x128xf32, #tpu.memory_space<vmem>>, %arg3: memref<128x128xf32, #tpu.memory_space<vmem>>, %arg4: memref<1000x1xf32, #tpu.memory_space<vmem>>, %arg5: memref<1x1000x128xf32, #tpu.memory_space<vmem>>, %arg6: memref<1000x128xf32, #tpu.memory_space<vmem>>) attributes {dimension_semantics = [#tpu.dimension_semantics<arbitrary>, #tpu.dimension_semantics<arbitrary>], iteration_bounds = array<i64: 10, 2>, scalar_prefetch = 0 : i64, scratch_operands = 0 : i64, tpu.core_type = #tpu.core_type<tc>, window_params = [{transform_indices = @transform_0, window_bounds = array<i64: 1000, 128>}, {transform_indices = @transform_1, window_bounds = array<i64: 128, 128>}, {transform_indices = @transform_2, window_bounds = array<i64: 1000, 1>}, {transform_indices = @transform_3, window_bounds = array<i64: 1, 1000, 128>}, {transform_indices = @transform_4, window_bounds = array<i64: 1000, 128>}]} {
    %get3A = arith.constant 0 : index
    %get3A_0 = arith.constant 0 : index
    %get3A_1 = vector.load %arg2[%get3A, %get3A_0] : memref<1000x128xf32, #tpu.memory_space<vmem>>, vector<1000x128xf32>
    %get3A_2 = arith.constant 0 : index
    %get3A_3 = arith.constant 0 : index
    %get3A_4 = vector.load %arg3[%get3A_2, %get3A_3] : memref<128x128xf32, #tpu.memory_space<vmem>>, vector<128x128xf32>
    %dot_general3A = arith.constant dense<0.000000e+00> : vector<1000x128xf32>
    %dot_general3A_5 = tpu.matmul %get3A_1, %get3A_4, %dot_general3A {dimension_numbers = #tpu.dot_dimension_numbers<[1], [0], [0], [1], [0, 0, 1, 1], [], []>, transpose_lhs_hint = false} : vector<1000x128xf32>, vector<128x128xf32>, vector<1000x128xf32> -> vector<1000x128xf32>
    %get3A_6 = arith.constant 0 : index
    %get3A_7 = arith.constant 0 : index
    %get3A_8 = vector.load %arg4[%get3A_6, %get3A_7] : memref<1000x1xf32, #tpu.memory_space<vmem>>, vector<1000x1xf32>
    %add3A = arith.constant 1.000000e+00 : f32
    %add3A_9 = vector.broadcast %add3A : f32 to vector<1000x1xf32>
    %add3A_10 = arith.addf %get3A_8, %add3A_9 : vector<1000x1xf32>
    %max3A = arith.constant 1.000000e+00 : f32
    %max3A_11 = vector.broadcast %max3A : f32 to vector<1000x1xf32>
    %max3A_12 = arith.maximumf %add3A_10, %max3A_11 : vector<1000x1xf32>
    %rsqrt3A = math.rsqrt %max3A_12 : vector<1000x1xf32>
    %mul3A = vector.broadcast %rsqrt3A : vector<1000x1xf32> to vector<1000x128xf32>
    %mul3A_13 = arith.mulf %dot_general3A_5, %mul3A : vector<1000x128xf32>
    %swap3A = arith.constant 0 : index
    %swap3A_14 = arith.constant 0 : index
    %swap3A_15 = arith.constant 0 : index
    %swap3A_16 = vector.load %arg5[%swap3A, %swap3A_14, %swap3A_15] : memref<1x1000x128xf32, #tpu.memory_space<vmem>>, vector<1x1000x128xf32>
    %swap3A_17 = vector.shape_cast %swap3A_16 : vector<1x1000x128xf32> to vector<1000x128xf32>
    %swap3A_18 = vector.shape_cast %mul3A_13 : vector<1000x128xf32> to vector<1x1000x128xf32>
    tpu.vector_store %arg5[%swap3A, %swap3A_14, %swap3A_15], %swap3A_18 {strides = array<i32>} : memref<1x1000x128xf32, #tpu.memory_space<vmem>>, vector<1x1000x128xf32>,
    %swap3A_19 = arith.constant 0 : index
    %swap3A_20 = arith.constant 0 : index
    %swap3A_21 = vector.load %arg6[%swap3A_19, %swap3A_20] : memref<1000x128xf32, #tpu.memory_space<vmem>>, vector<1000x128xf32>
    tpu.vector_store %arg6[%swap3A_19, %swap3A_20], %dot_general3A_5 {strides = array<i32>} : memref<1000x128xf32, #tpu.memory_space<vmem>>, vector<1000x128xf32>,
    return
  }
  func.func @transform_0(%arg0: i32, %arg1: i32) -> (i32, i32) {
    %c0_i32 = arith.constant 0 : i32
    %c0_i32_0 = arith.constant 0 : i32
    return %arg0, %c0_i32 : i32, i32
  }
  func.func @transform_1(%arg0: i32, %arg1: i32) -> (i32, i32) {
    %c0_i32 = arith.constant 0 : i32
    %c0_i32_0 = arith.constant 0 : i32
    return %c0_i32, %arg1 : i32, i32
  }
  func.func @transform_2(%arg0: i32, %arg1: i32) -> (i32, i32) {
    %c0_i32 = arith.constant 0 : i32
    %c0_i32_0 = arith.constant 0 : i32
    return %arg0, %c0_i32 : i32, i32
  }
  func.func @transform_3(%arg0: i32, %arg1: i32) -> (i32, i32, i32) {
    %c0_i32 = arith.constant 0 : i32
    %c0_i32_0 = arith.constant 0 : i32
    return %arg1, %arg0, %c0_i32 : i32, i32, i32
  }
  func.func @transform_4(%arg0: i32, %arg1: i32) -> (i32, i32) {
    %c0_i32 = arith.constant 0 : i32
    return %arg0, %arg1 : i32, i32
  }
}

module attributes {stable_mosaic.version = 14 : i64} {
  func.func @_mid_body(%arg0: i32, %arg1: i32, %arg2: memref<2x1000x128xf32, #tpu.memory_space<vmem>>, %arg3: memref<1000x256xf32, #tpu.memory_space<vmem>>, %arg4: memref<1000x1xf32, #tpu.memory_space<vmem>>, %arg5: memref<1x256xf32, #tpu.memory_space<vmem>>, %arg6: memref<256x128xf32, #tpu.memory_space<vmem>>, %arg7: memref<1x1000x128xf32, #tpu.memory_space<vmem>>, %arg8: memref<1000x128xf32, #tpu.memory_space<vmem>>) attributes {dimension_semantics = [#tpu.dimension_semantics<arbitrary>, #tpu.dimension_semantics<arbitrary>], iteration_bounds = array<i64: 10, 2>, scalar_prefetch = 0 : i64, scratch_operands = 0 : i64, tpu.core_type = #tpu.core_type<tc>, window_params = [{transform_indices = @transform_0, window_bounds = array<i64: 2, 1000, 128>}, {transform_indices = @transform_1, window_bounds = array<i64: 1000, 256>}, {transform_indices = @transform_2, window_bounds = array<i64: 1000, 1>}, {pipeline_mode = #tpu.pipeline_mode<synchronous>, transform_indices = @transform_3, window_bounds = array<i64: 1, 256>}, {transform_indices = @transform_4, window_bounds = array<i64: 256, 128>}, {transform_indices = @transform_5, window_bounds = array<i64: 1, 1000, 128>}, {transform_indices = @transform_6, window_bounds = array<i64: 1000, 128>}]} {
    %get3A = arith.constant 0 : index
    %get3A_0 = arith.constant 0 : index
    %get3A_1 = vector.load %arg4[%get3A, %get3A_0] : memref<1000x1xf32, #tpu.memory_space<vmem>>, vector<1000x1xf32>
    %add3A = arith.constant 1.000000e+00 : f32
    %add3A_2 = vector.broadcast %add3A : f32 to vector<1000x1xf32>
    %add3A_3 = arith.addf %get3A_1, %add3A_2 : vector<1000x1xf32>
    %max3A = arith.constant 1.000000e+00 : f32
    %max3A_4 = vector.broadcast %max3A : f32 to vector<1000x1xf32>
    %max3A_5 = arith.maximumf %add3A_3, %max3A_4 : vector<1000x1xf32>
    %rsqrt3A = math.rsqrt %max3A_5 : vector<1000x1xf32>
    %get3A_6 = arith.constant 0 : index
    %get3A_7 = arith.constant 0 : index
    %get3A_8 = arith.constant 0 : index
    %get3A_9 = vector.load %arg2[%get3A_6, %get3A_7, %get3A_8] : memref<2x1000x128xf32, #tpu.memory_space<vmem>>, vector<1x1000x128xf32>
    %get3A_10 = vector.shape_cast %get3A_9 : vector<1x1000x128xf32> to vector<1000x128xf32>
    %get3A_11 = arith.constant 1 : index
    %get3A_12 = arith.constant 0 : index
    %get3A_13 = arith.constant 0 : index
    %get3A_14 = vector.load %arg2[%get3A_11, %get3A_12, %get3A_13] : memref<2x1000x128xf32, #tpu.memory_space<vmem>>, vector<1x1000x128xf32>
    %get3A_15 = vector.shape_cast %get3A_14 : vector<1x1000x128xf32> to vector<1000x128xf32>
    %concatenate3A = tpu.concatenate %get3A_10, %get3A_15 in 1 : vector<1000x128xf32>, vector<1000x128xf32> -> vector<1000x256xf32>
    %mul3A = vector.broadcast %rsqrt3A : vector<1000x1xf32> to vector<1000x256xf32>
    %mul3A_16 = arith.mulf %mul3A, %concatenate3A : vector<1000x256xf32>
    %mul3A_17 = arith.mulf %rsqrt3A, %rsqrt3A : vector<1000x1xf32>
    %get3A_18 = arith.constant 0 : index
    %get3A_19 = arith.constant 0 : index
    %get3A_20 = vector.load %arg3[%get3A_18, %get3A_19] : memref<1000x256xf32, #tpu.memory_space<vmem>>, vector<1000x256xf32>
    %mul3A_21 = vector.broadcast %mul3A_17 : vector<1000x1xf32> to vector<1000x256xf32>
    %mul3A_22 = arith.mulf %mul3A_21, %get3A_20 : vector<1000x256xf32>
    %add3A_23 = arith.addf %mul3A_16, %mul3A_22 : vector<1000x256xf32>
    %get3A_24 = arith.constant 0 : index
    %get3A_25 = arith.constant 0 : index
    %get3A_26 = vector.load %arg5[%get3A_24, %get3A_25] : memref<1x256xf32, #tpu.memory_space<vmem>>, vector<1x256xf32>
    %add3A_27 = vector.broadcast %get3A_26 : vector<1x256xf32> to vector<1000x256xf32>
    %add3A_28 = arith.addf %add3A_23, %add3A_27 : vector<1000x256xf32>
    %max3A_29 = arith.constant 0.000000e+00 : f32
    %max3A_30 = vector.broadcast %max3A_29 : f32 to vector<1000x256xf32>
    %max3A_31 = arith.maximumf %add3A_28, %max3A_30 : vector<1000x256xf32>
    %get3A_32 = arith.constant 0 : index
    %get3A_33 = arith.constant 0 : index
    %get3A_34 = vector.load %arg6[%get3A_32, %get3A_33] : memref<256x128xf32, #tpu.memory_space<vmem>>, vector<256x128xf32>
    %dot_general3A = arith.constant dense<0.000000e+00> : vector<1000x128xf32>
    %dot_general3A_35 = tpu.matmul %max3A_31, %get3A_34, %dot_general3A {dimension_numbers = #tpu.dot_dimension_numbers<[1], [0], [0], [1], [0, 0, 1, 1], [], []>, transpose_lhs_hint = false} : vector<1000x256xf32>, vector<256x128xf32>, vector<1000x128xf32> -> vector<1000x128xf32>
    %mul3A_36 = vector.broadcast %rsqrt3A : vector<1000x1xf32> to vector<1000x128xf32>
    %mul3A_37 = arith.mulf %dot_general3A_35, %mul3A_36 : vector<1000x128xf32>
    %swap3A = arith.constant 0 : index
    %swap3A_38 = arith.constant 0 : index
    %swap3A_39 = arith.constant 0 : index
    %swap3A_40 = vector.load %arg7[%swap3A, %swap3A_38, %swap3A_39] : memref<1x1000x128xf32, #tpu.memory_space<vmem>>, vector<1x1000x128xf32>
    %swap3A_41 = vector.shape_cast %swap3A_40 : vector<1x1000x128xf32> to vector<1000x128xf32>
    %swap3A_42 = vector.shape_cast %mul3A_37 : vector<1000x128xf32> to vector<1x1000x128xf32>
    tpu.vector_store %arg7[%swap3A, %swap3A_38, %swap3A_39], %swap3A_42 {strides = array<i32>} : memref<1x1000x128xf32, #tpu.memory_space<vmem>>, vector<1x1000x128xf32>,
    %swap3A_43 = arith.constant 0 : index
    %swap3A_44 = arith.constant 0 : index
    %swap3A_45 = vector.load %arg8[%swap3A_43, %swap3A_44] : memref<1000x128xf32, #tpu.memory_space<vmem>>, vector<1000x128xf32>
    tpu.vector_store %arg8[%swap3A_43, %swap3A_44], %dot_general3A_35 {strides = array<i32>} : memref<1000x128xf32, #tpu.memory_space<vmem>>, vector<1000x128xf32>,
    return
  }
  func.func @transform_0(%arg0: i32, %arg1: i32) -> (i32, i32, i32) {
    %c0_i32 = arith.constant 0 : i32
    %c0_i32_0 = arith.constant 0 : i32
    %c0_i32_1 = arith.constant 0 : i32
    return %c0_i32, %arg0, %c0_i32_0 : i32, i32, i32
  }
  func.func @transform_1(%arg0: i32, %arg1: i32) -> (i32, i32) {
    %c0_i32 = arith.constant 0 : i32
    %c0_i32_0 = arith.constant 0 : i32
    return %arg0, %c0_i32 : i32, i32
  }
  func.func @transform_2(%arg0: i32, %arg1: i32) -> (i32, i32) {
    %c0_i32 = arith.constant 0 : i32
    %c0_i32_0 = arith.constant 0 : i32
    return %arg0, %c0_i32 : i32, i32
  }
  func.func @transform_3(%arg0: i32, %arg1: i32) -> (i32, i32) {
    %c0_i32 = arith.constant 0 : i32
    %c0_i32_0 = arith.constant 0 : i32
    %c0_i32_1 = arith.constant 0 : i32
    return %c0_i32, %c0_i32_0 : i32, i32
  }
  func.func @transform_4(%arg0: i32, %arg1: i32) -> (i32, i32) {
    %c0_i32 = arith.constant 0 : i32
    %c0_i32_0 = arith.constant 0 : i32
    return %c0_i32, %arg1 : i32, i32
  }
  func.func @transform_5(%arg0: i32, %arg1: i32) -> (i32, i32, i32) {
    %c0_i32 = arith.constant 0 : i32
    %c0_i32_0 = arith.constant 0 : i32
    return %arg1, %arg0, %c0_i32 : i32, i32, i32
  }
  func.func @transform_6(%arg0: i32, %arg1: i32) -> (i32, i32) {
    %c0_i32 = arith.constant 0 : i32
    return %arg0, %arg1 : i32, i32
  }
}

module attributes {stable_mosaic.version = 14 : i64} {
  func.func @_final_body(%arg0: i32, %arg1: memref<2x1000x128xf32, #tpu.memory_space<vmem>>, %arg2: memref<1000x256xf32, #tpu.memory_space<vmem>>, %arg3: memref<1000x1xf32, #tpu.memory_space<vmem>>, %arg4: memref<1x256xf32, #tpu.memory_space<vmem>>, %arg5: memref<256x128xf32, #tpu.memory_space<vmem>>, %arg6: memref<1x128xf32, #tpu.memory_space<vmem>>, %arg7: memref<1x128xf32, #tpu.memory_space<vmem>>) attributes {dimension_semantics = [#tpu.dimension_semantics<arbitrary>], iteration_bounds = array<i64: 10>, scalar_prefetch = 0 : i64, scratch_operands = 0 : i64, tpu.core_type = #tpu.core_type<tc>, window_params = [{transform_indices = @transform_0, window_bounds = array<i64: 2, 1000, 128>}, {transform_indices = @transform_1, window_bounds = array<i64: 1000, 256>}, {transform_indices = @transform_2, window_bounds = array<i64: 1000, 1>}, {pipeline_mode = #tpu.pipeline_mode<synchronous>, transform_indices = @transform_3, window_bounds = array<i64: 1, 256>}, {pipeline_mode = #tpu.pipeline_mode<synchronous>, transform_indices = @transform_4, window_bounds = array<i64: 256, 128>}, {pipeline_mode = #tpu.pipeline_mode<synchronous>, transform_indices = @transform_5, window_bounds = array<i64: 1, 128>}, {pipeline_mode = #tpu.pipeline_mode<synchronous>, transform_indices = @transform_6, window_bounds = array<i64: 1, 128>}]} {
    %get3A = arith.constant 0 : index
    %get3A_0 = arith.constant 0 : index
    %get3A_1 = vector.load %arg3[%get3A, %get3A_0] : memref<1000x1xf32, #tpu.memory_space<vmem>>, vector<1000x1xf32>
    %add3A = arith.constant 1.000000e+00 : f32
    %add3A_2 = vector.broadcast %add3A : f32 to vector<1000x1xf32>
    %add3A_3 = arith.addf %get3A_1, %add3A_2 : vector<1000x1xf32>
    %max3A = arith.constant 1.000000e+00 : f32
    %max3A_4 = vector.broadcast %max3A : f32 to vector<1000x1xf32>
    %max3A_5 = arith.maximumf %add3A_3, %max3A_4 : vector<1000x1xf32>
    %rsqrt3A = math.rsqrt %max3A_5 : vector<1000x1xf32>
    %get3A_6 = arith.constant 0 : index
    %get3A_7 = arith.constant 0 : index
    %get3A_8 = arith.constant 0 : index
    %get3A_9 = vector.load %arg1[%get3A_6, %get3A_7, %get3A_8] : memref<2x1000x128xf32, #tpu.memory_space<vmem>>, vector<1x1000x128xf32>
    %get3A_10 = vector.shape_cast %get3A_9 : vector<1x1000x128xf32> to vector<1000x128xf32>
    %get3A_11 = arith.constant 1 : index
    %get3A_12 = arith.constant 0 : index
    %get3A_13 = arith.constant 0 : index
    %get3A_14 = vector.load %arg1[%get3A_11, %get3A_12, %get3A_13] : memref<2x1000x128xf32, #tpu.memory_space<vmem>>, vector<1x1000x128xf32>
    %get3A_15 = vector.shape_cast %get3A_14 : vector<1x1000x128xf32> to vector<1000x128xf32>
    %concatenate3A = tpu.concatenate %get3A_10, %get3A_15 in 1 : vector<1000x128xf32>, vector<1000x128xf32> -> vector<1000x256xf32>
    %mul3A = vector.broadcast %rsqrt3A : vector<1000x1xf32> to vector<1000x256xf32>
    %mul3A_16 = arith.mulf %mul3A, %concatenate3A : vector<1000x256xf32>
    %mul3A_17 = arith.mulf %rsqrt3A, %rsqrt3A : vector<1000x1xf32>
    %get3A_18 = arith.constant 0 : index
    %get3A_19 = arith.constant 0 : index
    %get3A_20 = vector.load %arg2[%get3A_18, %get3A_19] : memref<1000x256xf32, #tpu.memory_space<vmem>>, vector<1000x256xf32>
    %mul3A_21 = vector.broadcast %mul3A_17 : vector<1000x1xf32> to vector<1000x256xf32>
    %mul3A_22 = arith.mulf %mul3A_21, %get3A_20 : vector<1000x256xf32>
    %add3A_23 = arith.addf %mul3A_16, %mul3A_22 : vector<1000x256xf32>
    %get3A_24 = arith.constant 0 : index
    %get3A_25 = arith.constant 0 : index
    %get3A_26 = vector.load %arg4[%get3A_24, %get3A_25] : memref<1x256xf32, #tpu.memory_space<vmem>>, vector<1x256xf32>
    %add3A_27 = vector.broadcast %get3A_26 : vector<1x256xf32> to vector<1000x256xf32>
    %add3A_28 = arith.addf %add3A_23, %add3A_27 : vector<1000x256xf32>
    %max3A_29 = arith.constant 0.000000e+00 : f32
    %max3A_30 = vector.broadcast %max3A_29 : f32 to vector<1000x256xf32>
    %max3A_31 = arith.maximumf %add3A_28, %max3A_30 : vector<1000x256xf32>
    %get3A_32 = arith.constant 0 : index
    %get3A_33 = arith.constant 0 : index
    %get3A_34 = vector.load %arg5[%get3A_32, %get3A_33] : memref<256x128xf32, #tpu.memory_space<vmem>>, vector<256x128xf32>
    %dot_general3A = arith.constant dense<0.000000e+00> : vector<1000x128xf32>
    %dot_general3A_35 = tpu.matmul %max3A_31, %get3A_34, %dot_general3A {dimension_numbers = #tpu.dot_dimension_numbers<[1], [0], [0], [1], [0, 0, 1, 1], [], []>, transpose_lhs_hint = false} : vector<1000x256xf32>, vector<256x128xf32>, vector<1000x128xf32> -> vector<1000x128xf32>
    %reduce_sum3A = arith.constant dense<0.000000e+00> : vector<128xf32>
    %reduce_sum3A_36 = vector.multi_reduction <add>, %dot_general3A_35, %reduce_sum3A [0] : vector<1000x128xf32> to vector<128xf32>
    %broadcast_in_dim3A = vector.shape_cast %reduce_sum3A_36 : vector<128xf32> to vector<1x128xf32>
    %mul3A_37 = arith.constant 9.99999974E-5 : f32
    %mul3A_38 = vector.broadcast %mul3A_37 : f32 to vector<1x128xf32>
    %mul3A_39 = arith.mulf %broadcast_in_dim3A, %mul3A_38 : vector<1x128xf32>
    %eq3A = arith.constant 0 : i32
    %eq3A_40 = arith.cmpi eq, %arg0, %eq3A : i32
    %convert_element_type3A = arith.extui %eq3A_40 : i1 to i32
    %cond3A = arith.constant 0 : i32
    %cond3A_41 = arith.cmpi ne, %convert_element_type3A, %cond3A : i32
    scf.if %cond3A_41 {
      %get3A_46 = arith.constant 0 : index
      %get3A_47 = arith.constant 0 : index
      %get3A_48 = vector.load %arg6[%get3A_46, %get3A_47] : memref<1x128xf32, #tpu.memory_space<vmem>>, vector<1x128xf32>
      %add3A_49 = arith.addf %get3A_48, %mul3A_39 : vector<1x128xf32>
      %swap3A = arith.constant 0 : index
      %swap3A_50 = arith.constant 0 : index
      %swap3A_51 = vector.load %arg7[%swap3A, %swap3A_50] : memref<1x128xf32, #tpu.memory_space<vmem>>, vector<1x128xf32>
      tpu.vector_store %arg7[%swap3A, %swap3A_50], %add3A_49 {strides = array<i32>} : memref<1x128xf32, #tpu.memory_space<vmem>>, vector<1x128xf32>,
    } else {
    }
    %gt3A = arith.constant 0 : i32
    %gt3A_42 = arith.cmpi sgt, %arg0, %gt3A : i32
    %convert_element_type3A_43 = arith.extui %gt3A_42 : i1 to i32
    %cond3A_44 = arith.constant 0 : i32
    %cond3A_45 = arith.cmpi ne, %convert_element_type3A_43, %cond3A_44 : i32
    scf.if %cond3A_45 {
      %get3A_46 = arith.constant 0 : index
      %get3A_47 = arith.constant 0 : index
      %get3A_48 = vector.load %arg7[%get3A_46, %get3A_47] : memref<1x128xf32, #tpu.memory_space<vmem>>, vector<1x128xf32>
      %add3A_49 = arith.addf %get3A_48, %mul3A_39 : vector<1x128xf32>
      %swap3A = arith.constant 0 : index
      %swap3A_50 = arith.constant 0 : index
      %swap3A_51 = vector.load %arg7[%swap3A, %swap3A_50] : memref<1x128xf32, #tpu.memory_space<vmem>>, vector<1x128xf32>
      tpu.vector_store %arg7[%swap3A, %swap3A_50], %add3A_49 {strides = array<i32>} : memref<1x128xf32, #tpu.memory_space<vmem>>, vector<1x128xf32>,
    } else {
    }
    return
  }
  func.func @transform_0(%arg0: i32) -> (i32, i32, i32) {
    %c0_i32 = arith.constant 0 : i32
    %c0_i32_0 = arith.constant 0 : i32
    %c0_i32_1 = arith.constant 0 : i32
    return %c0_i32, %arg0, %c0_i32_0 : i32, i32, i32
  }
  func.func @transform_1(%arg0: i32) -> (i32, i32) {
    %c0_i32 = arith.constant 0 : i32
    %c0_i32_0 = arith.constant 0 : i32
    return %arg0, %c0_i32 : i32, i32
  }
  func.func @transform_2(%arg0: i32) -> (i32, i32) {
    %c0_i32 = arith.constant 0 : i32
    %c0_i32_0 = arith.constant 0 : i32
    return %arg0, %c0_i32 : i32, i32
  }
  func.func @transform_3(%arg0: i32) -> (i32, i32) {
    %c0_i32 = arith.constant 0 : i32
    %c0_i32_0 = arith.constant 0 : i32
    %c0_i32_1 = arith.constant 0 : i32
    return %c0_i32, %c0_i32_0 : i32, i32
  }
  func.func @transform_4(%arg0: i32) -> (i32, i32) {
    %c0_i32 = arith.constant 0 : i32
    %c0_i32_0 = arith.constant 0 : i32
    %c0_i32_1 = arith.constant 0 : i32
    return %c0_i32, %c0_i32_0 : i32, i32
  }
  func.func @transform_5(%arg0: i32) -> (i32, i32) {
    %c0_i32 = arith.constant 0 : i32
    %c0_i32_0 = arith.constant 0 : i32
    %c0_i32_1 = arith.constant 0 : i32
    return %c0_i32, %c0_i32_0 : i32, i32
  }
  func.func @transform_6(%arg0: i32) -> (i32, i32) {
    %c0_i32 = arith.constant 0 : i32
    %c0_i32_0 = arith.constant 0 : i32
    %c0_i32_1 = arith.constant 0 : i32
    return %c0_i32, %c0_i32_0 : i32, i32
  }
}

</mosaic_0001>

<sc_bundles>
// kernel: kernel.11.cloned.1.call-start
scs
__scs_entry_jumppad:
0x0: {  	(pc) =	sbr.rel $0x88, $3  }
0x1: {  	(tag) =	ssettag $0x0;
	lr =	simm.s32 $0x1  }
0x2: {  	[smem:$0x3F98] =	sst lr;
	_ =	strace $0xD0000000  }
0x3: {  	_ = 	snop  }
0x4: {  	_ = 	snop  }
0x5: {  	_ = 	snop  }
0x6: {  	_ = 	snop  }
0x7: {  	_ = 	snop  }
__scs_overlays_trampoline_lowered:
0x8: {  	[smem:$0x3FA7] =	sst s0  }
0x9: {  	[smem:$0x3FA8] =	sst s1  }
0xa: {  	[smem:$0x3FA9] =	sst s2  }
0xb: {  	[smem:$0x3FAA] =	sst s3  }
0xc: {  	[smem:$0x3FAB] =	sst s4  }
0xd: {  	[smem:$0x3FAC] =	sst s5  }
0xe: {  	[smem:$0x3FAD] =	sst s6  }
0xf: {  	[smem:$0x3FAE] =	sst s7  }
0x10: {  	[smem:$0x3FAF] =	sst s8  }
0x11: {  	[smem:$0x3FB0] =	sst s9;
	s0 =	simm.s32 @!p0 $0x0  }
0x12: {  	s1 =	sld [smem:$0x3F96];
	s0 =	simm.s32 @p0 $0x1  }
0x13: {  	[smem:$0x3FB1] =	sst s0;
	s0 =	simm.s32 @!p1 $0x0  }
0x14: {  	s2 =	sld [smem:$0x3F95];
	s0 =	simm.s32 @p1 $0x1  }
0x15: {  	[smem:$0x3FB2] =	sst s0;
	s0 =	simm.s32 @!p2 $0x0  }
0x16: {  	s3 =	sld [smem:$0x3FDB];
	s0 =	simm.s32 @p2 $0x1  }
0x17: {  	s4 =	simm.s32 $0x1BF5;
	[smem:$0x3FB4] =	sst s0  }
0x18: {  	s0 =	sld [smem:$0x3F97];
	_ =	swait.ge [sflag:s4], $0x0  }
0x19: {  	s7 =	sld [smem:$0x3F98]  }
0x1a: {  	s8 =	sadd.s32 $0xFFFFE003, lr  }
0x1b: {  	s9 =	sadd.s32 $0xFFFFFEF7, lr;
	s5 =	simm.s32 $0xFFFFFFFF;
	p2 =	slt.u32 s8, $0xFFFFF086  }
0x1c: {  	p1 =	slt.u32 s9, $0xF7A;
	s5 =	simm.s32 @!p2 $0x0  }
0x1d: {  	s5 =	simm.s32 @p1 $0x1;
	p0 =	seq.s32 s7, s2  }
0x1e: {  	s7 =	smul.u32 @!p0 $0xF7A, s2;
	p2 =	seq.s32 @!p0 s5, $0x0  }
0x1f: {  	s9 =	smul.u32 $0xF7A, s1;
	s8 =	simm.s32 @!p0 $0x1BF5;
	p2 =	por !p2, p0  }
0x20: {  	[sflag:s8] =	ssyncset.s32 @!p0 $0xFFFFF086;
	s6 =	sadd.s32 @!p0 s3, s7;
	s7 =	simm.s32 @!p0 $0x108  }
0x21: {  	s3 =	sadd.s32 s3, s9;
	s6 =	sadd.s32 @!p0 $0x88, s6;
	s7 =	simm.s32 @p2 $0x1082  }
0x22: {  	[simem:s7], [sflag:s8] =	dma.local @!p0 [hbm:s6], $0xF7A  }
0x23: {  	s9 =	sor.u32 $0xD0000000, s2;
	s6 =	simm.s32 $0x108;
	_ =	swait.ge @!p0 [sflag:s8], $0x0  }
0x24: {  	s3 =	sadd.s32 $0x88, s3;
	s6 =	simm.s32 @!p1 $0x1082;
	[sflag:s4] =	ssyncset.s32 $0xFFFFF086  }
0x25: {  	[simem:s6], [sflag:s4] =	dma.local [hbm:s3], $0xF7A  }
0x26: {  	[smem:$0x3F98] =	sst s1;
	(tag) =	ssettag s2;
	_ =	strace s9  }
0x27: {  	s1 =	sld [smem:$0x3FA8]  }
0x28: {  	s2 =	sld [smem:$0x3FA9]  }
0x29: {  	s4 =	sld [smem:$0x3FAB]  }
0x2a: {  	p0 =	seq.s32 s5, $0x0;
	s5 =	sld [smem:$0x3FAC]  }
0x2b: {  	s6 =	sld [smem:$0x3FAD]  }
0x2c: {  	s7 =	sld [smem:$0x3FAE]  }
0x2d: {  	s3 =	simm.s32 $0x108;
	s8 =	sld [smem:$0x3FAF]  }
0x2e: {  	s3 =	simm.s32 @!p0 $0x1082;
	s9 =	sld [smem:$0x3FB0]  }
0x2f: {  	lr =	sadd.s32 s0, s3;
	s0 =	sld [smem:$0x3FA7]  }
0x30: {  	s3 =	sld [smem:$0x3FAA]  }
0x31: {  	[smem:$0x3FB3] =	sst s10  }
0x32: {  	s10 =	sld [smem:$0x3FB1];
	_ =	sdelay $0x3  }
0x33: {  	p0 =	seq.s32 s10, $0x1;
	s10 =	sld [smem:$0x3FB3];
	_ =	sdelay $0x3  }
0x34: {  	[smem:$0x3FB3] =	sst s10  }
0x35: {  	s10 =	sld [smem:$0x3FB2];
	_ =	sdelay $0x3  }
0x36: {  	p1 =	seq.s32 s10, $0x1;
	s10 =	sld [smem:$0x3FB3];
	_ =	sdelay $0x3  }
0x37: {  	[smem:$0x3FB3] =	sst s10  }
0x38: {  	s10 =	sld [smem:$0x3FB4]  }
0x39: {  	_ = 	snop;
	(pc) =	sbr.ind lr, $3  }
0x3a: {  	_ = 	snop  }
0x3b: {  	_ = 	snop  }
0x3c: {  	p2 =	seq.s32 s10, $0x1;
	s10 =	sld [smem:$0x3FB3]  }
0x3d: {  	_ =	shalt  }
0x3e: {  	_ =	shalt  }
0x3f: {  	_ =	shalt  }
0x40: {  	_ =	shalt  }
0x41: {  	_ =	shalt  }
0x42: {  	_ =	shalt  }
0x43: {  	_ =	shalt  }
0x44: {  	_ =	shalt  }
0x45: {  	_ =	shalt  }
0x46: {  	_ =	shalt  }
0x47: {  	_ =	shalt  }
0x48: {  	_ =	shalt  }
0x49: {  	_ =	shalt  }
0x4a: {  	_ =	shalt  }
0x4b: {  	_ =	shalt  }
0x4c: {  	_ =	shalt  }
0x4d: {  	_ =	shalt  }
0x4e: {  	_ =	shalt  }
0x4f: {  	_ =	shalt  }
0x50: {  	_ =	shalt  }
0x51: {  	_ =	shalt  }
0x52: {  	_ =	shalt  }
0x53: {  	_ =	shalt  }
0x54: {  	_ =	shalt  }
0x55: {  	_ =	shalt  }
0x56: {  	_ =	shalt  }
0x57: {  	_ =	shalt  }
0x58: {  	_ =	shalt  }
0x59: {  	_ =	shalt  }
0x5a: {  	_ =	shalt  }
0x5b: {  	_ =	shalt  }
0x5c: {  	_ =	shalt  }
0x5d: {  	_ =	shalt  }
0x5e: {  	_ =	shalt  }
0x5f: {  	_ =	shalt  }
0x60: {  	_ =	shalt  }
0x61: {  	_ =	shalt  }
0x62: {  	_ =	shalt  }
0x63: {  	_ =	shalt  }
0x64: {  	_ =	shalt  }
0x65: {  	_ =	shalt  }
0x66: {  	_ =	shalt  }
0x67: {  	_ =	shalt  }
0x68: {  	_ =	shalt  }
0x69: {  	_ =	shalt  }
0x6a: {  	_ =	shalt  }
0x6b: {  	_ =	shalt  }
0x6c: {  	_ =	shalt  }
0x6d: {  	_ =	shalt  }
0x6e: {  	_ =	shalt  }
0x6f: {  	_ =	shalt  }
0x70: {  	_ =	shalt  }
0x71: {  	_ =	shalt  }
0x72: {  	_ =	shalt  }
0x73: {  	_ =	shalt  }
0x74: {  	_ =	shalt  }
0x75: {  	_ =	shalt  }
0x76: {  	_ =	shalt  }
0x77: {  	_ =	shalt  }
0x78: {  	_ =	shalt  }
0x79: {  	_ =	shalt  }
0x7a: {  	_ =	shalt  }
0x7b: {  	_ =	shalt  }
0x7c: {  	_ =	shalt  }
0x7d: {  	_ =	shalt  }
0x7e: {  	_ =	shalt  }
0x7f: {  	_ =	shalt  }
0x80: {  	_ =	shalt  }
0x81: {  	_ =	shalt  }
0x82: {  	_ =	shalt  }
0x83: {  	_ =	shalt  }
0x84: {  	_ =	shalt  }
0x85: {  	_ =	shalt  }
0x86: {  	_ =	shalt  }
0x87: {  	_ =	shalt  }
.Lfunc_end0:
.L_simem_size_0:
called_computation.1_lowered:
.L_overlay_start_0:
0x88: {  	s2 =	sld [smem:$0x3FD9]  }
0x89: {  	s3 =	sld [smem:$0x3FFE];
	_ =	sdelay $0x1  }
0x8a: {  	s1 =	srdreg.scid  }
0x8b: {  	s0 =	sand.u32 $0x1, s1  }
0x8c: {  	s16 =	sshll.u32 s0, $0xA;
	s2 =	sadd.s32 s3, s2  }
0x8d: {  	s2 =	sadd.s32 s2, s16  }
0x8e: {  	[smem:$0x3FBF] =	sst s2  }
0x8f: {  	_ = 	snop  }
0x90: {  	(tm) =	ssettm $0x1  }
0x91: {  	s17 =	sld [smem:$0x3FFB];
	_ =	sdelay $0x3  }
0x92: {  	_ =	strace s17  }
0x93: {  	s2 =	sld [smem:$0x3FFC];
	_ =	sdelay $0x3  }
0x94: {  	_ =	strace s2  }
0x95: {  	s2 =	sld [smem:$0x3FFD];
	_ =	sdelay $0x3  }
0x96: {  	_ =	strace s2  }
0x97: {  	_ =	strace $0x8FFFFFFF  }
0x98: {  	s18 =	sld [smem:$0x3FDB];
	_ =	sdelay $0x1  }
0x99: {  	s19 =	simm.s32 $_scs_section_size  }
0x9a: {  	s4 =	simm.s32 $_size__tile_overlayer_lowered;
	s5 =	simm.s32 $_tile_overlayer_lowered  }
0x9b: {  	s22 =	simm.s32 $0x1BFF;
	s21 =	sshll.u32 s5, $0x1;
	s2 =	sadd.s32 s19, s18  }
0x9c: {  	s6 =	simm.s32 $0x0;
	s20 =	sshll.u32 s4, $0x1;
	s4 =	sadd.s32 s21, s2  }
0x9d: {  	[timem:s6], [sflag:s22] =	dma.local [hbm:s4], s20  }
0x9e: {  	_ =	swait.ge [sflag:s22], s20  }
0x9f: {  	s3 =	ssub.s32 $0x0, s20;
	[sflag:s22] =	ssyncset.done $0x0  }
0xa0: {  	[sflag:s22] =	ssyncadd.s32 s3;
	_ =	sdelay $0x1  }
0xa1: {  	s23 =	simm.s32 $0x1B8B  }
0xa2: {  	_ =	swait.ge [sflag:s23], $0x1  }
0xa3: {  	[sflag:s23] =	ssyncset.done $0x0  }
0xa4: {  	s25 =	simm.s32 $0x1B8E;
	s24 =	sld [smem:$0x3FFE];
	[sflag:s23] =	ssyncadd.s32 $0xFFFFFFFF  }
0xa5: {  	s26 =	simm.s32 $execute0_lowered;
	[smem:$0x3FD2] =	sst s25  }
0xa6: {  	s4 =	sshll.u32 s26, $0x1;
	_ =	strace $0x80000049;
	[dreg:$0x1] =	wrdreg $0xFFFFFFFF  }
0xa7: {  	s28 =	simm.s32 $_size_execute0_lowered;
	s2 =	sadd.s32 s2, s4;
	[dreg:$0x0] =	wrdreg $0x0  }
0xa8: {  	s4 =	sshll.u32 s28, $0x1;
	[dreg:$0x2] =	wrdreg s2  }
0xa9: {  	[dreg:$0x3] =	wrdreg s4  }
0xaa: {  	[dreg:$0x4] =	wrdreg $0xC0  }
0xab: {  	_ =	task [dreg:s6], $0x5FFFF  }
0xac: {  	[dreg:$0x1] =	wrdreg $0xFFFFFFFF  }
0xad: {  	[dreg:$0x0] =	wrdreg $0x60  }
0xae: {  	[dreg:$0x2] =	wrdreg s24  }
0xaf: {  	[dreg:$0x3] =	wrdreg $0xC0000  }
0xb0: {  	[dreg:$0x4] =	wrdreg $0x9  }
0xb1: {  	_ =	task.clear_ibuf [dreg:s6], $0x5FFFF;
	_ =	strace $0x90000049  }
0xb2: {  	s29 =	simm.s32 $0x9;
	_ =	strace $0x8000004B  }
0xb3: {  	_ =	swait.ge [sflag:s29], $0x1  }
0xb4: {  	[sflag:s29] =	ssyncadd.s32 $0xFFFFFFFF  }
0xb5: {  	_ =	strace $0x9000004B  }
0xb6: {  	_ =	sfence  }
0xb7: {  	s30 =	sld [smem:$0x0];
	_ =	sdelay $0x2  }
0xb8: {  	s31 =	sshll.u32 s1, $0xD;
	s1 =	sshrl.u32 s1, $0x2  }
0xb9: {  	s3 =	sand.u32 $0x4000, s31;
	s1 =	sadd.s32 s1, s30  }
0xba: {  	s0 =	sor.u32 s3, s0;
	s1 =	sshll.u32 s1, $0x11  }
0xbb: {  	s0 =	sor.u32 s1, s0  }
0xbc: {  	s0 =	sadd.s32 $0x8F2B, s0  }
0xbd: {  	[sflag:s0] =	ssyncadd.remote.s32 $0x1  }
0xbe: {  	_ =	sfence.sel $0xFFFF  }
0xbf: {  	[dreg:$0x0] =	wrdreg $0xFFFFFFFF;
	(pc) =	sbr.abs _section_cstart, $3  }
0xc0: {  	[dreg:$0x1] =	wrdreg $0xFFFFFFFF  }
0xc1: {  	_ =	task.clear_ibuf [dreg:s6], $0x2FFFF;
	_ =	strace $0x9FFFFFFF  }
0xc2: {  	(tm) =	ssettm $0x7FFFFFFF  }
0xc3: {  	_ =	shalt  }
tec
execute0_lowered:
.L_overlay_start_1:
0x0: {  	(tag) =	ssettag $0x1  }
0x1: {  	s0 =	rddreg [dreg:$0x0]  }
0x2: {  	s1 =	rddreg [dreg:$0x1]  }
0x3: {  	s2 =	simm.s32 $0x0;
	s3 =	srdreg.scid;
	s6 =	stileid.u32  }
0x4: {  	s28 =	simm.s32 $0x4000;
	s29 =	simm.s32 $0x8000;
	s30 =	simm.s32 $0x1  }
0x5: {  	s31 =	simm.s32 $0x2;
	[smem:$0x7FF] =	sst s2;
	s8 =	smul.u32 $0x4F000, s6  }
0x6: {  	s3 =	sand.u32 $0x1, s3;
	s5 =	sadd.s32 $0xF400, s0;
	s10 =	smul.u32 $0x5000, s6  }
0x7: {  	s7 =	sadd.s32 $0x2000, s0;
	s9 =	sadd.s32 $0xC200, s0;
	s22 =	smul.u32 $0x4E000, s6  }
0x8: {  	s16 =	sshll.u32 s6, $0x6;
	s26 =	smul.u32 $0x2700, s6;
	p0 =	sne.s32 s6, $0x0  }
0x9: {  	s6 =	simm.s32 $0x3;
	s4 =	smul.u32 $0x27100, s3;
	s3 =	ssub.s32 $0x2, s3  }
0xa: {  	_ =	strace $0x8000004A;
	[dreg:$0x3] =	wrdreg s9;
	s14 =	sshrl.u32 s3, $0x1  }
0xb: {  	s15 =	sshrl.u32 s8, $0x2;
	s10 =	sshrl.u32 s10, $0x3;
	s24 =	sshrl.u32 s22, $0x2  }
0xc: {  	s0 =	sadd.s32 s4, s0;
	s3 =	ssub.s32 s3, s14;
	s8 =	sadd.s32 s15, s1  }
0xd: {  	s4 =	sor.u32 $0x1C04, s16;
	s17 =	sadd.s32 s5, s10;
	s18 =	sadd.s32 $0x200, s10  }
0xe: {  	s11 =	sadd.s32 s7, s10;
	s20 =	sadd.s32 $0x400, s10;
	s21 =	sadd.s32 $0x600, s10  }
0xf: {  	s10 =	sadd.s32 $0x800, s10;
	s25 =	sadd.s32 s24, s1;
	[dreg:$0x4] =	wrdreg s17  }
0x10: {  	[dreg:$0x5] =	wrdreg s11;
	s19 =	sadd.s32 s5, s18;
	s9 =	sadd.s32 s7, s18  }
0x11: {  	s12 =	sadd.s32 s5, s20;
	s11 =	sadd.s32 s7, s20;
	s13 =	sadd.s32 s5, s21  }
0x12: {  	s5 =	sadd.s32 s5, s10;
	s23 =	sadd.s32 s7, s10;
	[dreg:$0x6] =	wrdreg s19  }
0x13: {  	s16 =	sadd.s32 $0xB5800, s0;
	s17 =	smax.u32 s3, $0x1;
	[dreg:$0x7] =	wrdreg s9  }
0x14: {  	s18 =	sshrl.u32 s8, $0x3;
	s20 =	simm.s32 $0x1000;
	[dreg:$0x8] =	wrdreg s12  }
0x15: {  	s24 =	sshrl.u32 s25, $0x3;
	s3 =	simm.s32 $0x1F00;
	[dreg:$0x9] =	wrdreg s11  }
0x16: {  	s8 =	simm.s32 $0x3F00;
	s10 =	simm.s32 $0x3F80;
	[dreg:$0xa] =	wrdreg s13  }
0x17: {  	s9 =	sadd.s32 $0x67600, s0;
	s11 =	sadd.s32 s7, s21;
	[dreg:$0xc] =	wrdreg s5  }
0x18: {  	[dreg:$0xd] =	wrdreg s23;
	s7 =	sadd.s32 $0x138000, s1;
	s19 =	simm.s32 $0x4  }
0x19: {  	s21 =	simm.s32 $0x2000;
	s23 =	sadd.s32 s26, s16;
	s26 =	simm.s32 $0x80  }
0x1a: {  	s0 =	simm.s32 $0xF80;
	s5 =	simm.s32 $0x1F80;
	[dreg:$0xb] =	wrdreg s11  }
0x1b: {  	s25 =	sshrl.u32 @!p0 s7, $0x3;
	s7 =	simm.s32 $0x2F80;
	s11 =	simm.s32 $0x0  }
.LBB2_1:
0x1c: {  	s12 =	rddreg [dreg:$0x3]  }
0x1d: {  	[spmem:s18], [sflag:s4] =	dma.local [hbm:s12], $0x2780  }
0x1e: {  	_ =	swait.ge [sflag:s19], $0x2780  }
0x1f: {  	[sflag:s19] =	ssyncset.done $0x0  }
0x20: {  	[sflag:s19] =	ssyncadd.s32 $0xFFFFD880  }
0x21: {  	[bflag:$0x0] =	sbarrier.arrive $0xFFFF  }
0x22: {  	s13 =	rddreg [dreg:$0x4]  }
0x23: {  	[tilespmem:s2], [sflag:$0x4] =	stream.linear.gather [hbm4b:s13+s2], $0x1000, $0x38;
	[tilespmem:$0x1FC00] =	vst v63  }
0x24: {  	_ =	swait.ge [sflag:s19], $0x1000  }
0x25: {  	[sflag:s19] =	ssyncset.done $0x0  }
0x26: {  	s14 =	rddreg [dreg:$0x5];
	[sflag:s19] =	ssyncadd.s32 $0xFFFFF000  }
0x27: {  	[tilespmem:s20], [sflag:$0x4] =	stream.linear.gather [hbm4b:s14+s2], $0x1000, $0x38;
	[tilespmem:$0x1FC00] =	vst v63  }
0x28: {  	_ =	swait.ge [sflag:s19], $0x1000  }
0x29: {  	[sflag:s19] =	ssyncset.done $0x0  }
0x2a: {  	s15 =	rddreg [dreg:$0x6];
	[sflag:s19] =	ssyncadd.s32 $0xFFFFF000  }
0x2b: {  	[tilespmem:s21], [sflag:$0x3] =	stream.linear.gather [hbm4b:s15+s2], $0x1000, $0x38;
	[tilespmem:$0x1FC00] =	vst v63  }
0x2c: {  	s13 =	simm.s32 $0x3000;
	s22 =	rddreg [dreg:$0x7]  }
0x2d: {  	[tilespmem:s13], [sflag:$0x3] =	stream.linear.gather [hbm4b:s22+s2], $0x1000, $0x38;
	[tilespmem:$0x1FC00] =	vst v63  }
0x2e: {  	_ = 	snop  }
0x2f: {  	[tilespmem:s28], [sflag:$0x1] =	stream.indirect.gather [hbm4b:s9+s26], $0x80, s2, s26, $0xb8;
	[tilespmem:$0x1FC00] =	vst v63  }
0x30: {  	s13 =	simm.s32 $0x80  }
0x31: {  	[tilespmem:s29], [sflag:$0x2] =	stream.indirect.gather [hbm4b:s9+s26], $0x80, s13, s26, $0xb8;
	[tilespmem:$0x1FC00] =	vst v63  }
0x32: {  	_ =	swait.ge [sflag:s30], $0x4000  }
0x33: {  	[sflag:s30] =	ssyncset.done $0x0  }
0x34: {  	s14 =	simm.s32 $0x1000;
	[sflag:s30] =	ssyncadd.s32 $0xFFFFC000  }
0x35: {  	[spmem:s1] =	stream.indirect.scatter.add.f32 [tilespmem:s28], [sflag:$0x4], $0x80, s14, s26, $0xb8;
	[tilespmem:$0x1FC00] =	vst v63  }
0x36: {  	_ =	swait.ge [sflag:s19], $0x4000  }
0x37: {  	[sflag:s19] =	ssyncset.done $0x0  }
0x38: {  	s15 =	simm.s32 $0x100;
	[sflag:s19] =	ssyncadd.s32 $0xFFFFC000  }
0x39: {  	[tilespmem:s28], [sflag:$0x1] =	stream.indirect.gather [hbm4b:s9+s26], $0x80, s15, s26, $0xb8;
	[tilespmem:$0x1FC00] =	vst v63  }
0x3a: {  	_ =	swait.ge [sflag:s31], $0x4000  }
0x3b: {  	[sflag:s31] =	ssyncset.done $0x0  }
0x3c: {  	s22 =	simm.s32 $0x1080;
	[sflag:s31] =	ssyncadd.s32 $0xFFFFC000  }
0x3d: {  	[spmem:s1] =	stream.indirect.scatter.add.f32 [tilespmem:s29], [sflag:$0x4], $0x80, s22, s26, $0xb8;
	[tilespmem:$0x1FC00] =	vst v63  }
0x3e: {  	_ =	swait.ge [sflag:s19], $0x4000  }
0x3f: {  	s12 =	simm.s32 $0x100;
	s13 =	simm.s32 $0x800;
	[sflag:s19] =	ssyncset.done $0x0  }
.LBB2_2:
0x40: {  	s14 =	sadd.s32 $0x80, s12  }
0x41: {  	[sflag:s19] =	ssyncadd.s32 $0xFFFFC000;
	s15 =	smov.u32 s13;
	s22 =	sadd.s32 $0x400, s13  }
0x42: {  	[tilespmem:s29], [sflag:$0x2] =	stream.indirect.gather [hbm4b:s9+s26], $0x80, s14, s26, $0xb8;
	[tilespmem:$0x1FC00] =	vst v63  }
0x43: {  	p1 =	sne.s32 s13, $0x3800;
	_ =	swait.ge [sflag:s30], $0x4000  }
0x44: {  	[sflag:s30] =	ssyncset.done $0x0  }
0x45: {  	s13 =	sadd.s32 $0x1000, s12;
	[sflag:s30] =	ssyncadd.s32 $0xFFFFC000  }
0x46: {  	[spmem:s1] =	stream.indirect.scatter.add.f32 [tilespmem:s28], [sflag:$0x4], $0x80, s13, s26, $0xb8;
	[tilespmem:$0x1FC00] =	vst v63  }
0x47: {  	_ =	swait.ge [sflag:s19], $0x4000  }
0x48: {  	[sflag:s19] =	ssyncset.done $0x0  }
0x49: {  	s13 =	sadd.s32 $0x100, s12;
	[sflag:s19] =	ssyncadd.s32 $0xFFFFC000  }
0x4a: {  	[tilespmem:s28], [sflag:$0x1] =	stream.indirect.gather [hbm4b:s9+s26], $0x80, s13, s26, $0xb8;
	[tilespmem:$0x1FC00] =	vst v63  }
0x4b: {  	_ =	swait.ge [sflag:s31], $0x4000  }
.Ltmp0:
0x4c: {  	[sflag:s31] =	ssyncset.done $0x0;
	(pc) =	sbr.rel @p1 .LBB2_2-.Ltmp0, $4  }
0x4d: {  	s12 =	sadd.s32 $0x1080, s12;
	[sflag:s31] =	ssyncadd.s32 $0xFFFFC000  }
0x4e: {  	[spmem:s1] =	stream.indirect.scatter.add.f32 [tilespmem:s29], [sflag:$0x4], $0x80, s12, s26, $0xb8;
	[tilespmem:$0x1FC00] =	vst v63  }
0x4f: {  	_ =	swait.ge [sflag:s19], $0x4000  }
0x50: {  	s13 =	smov.u32 s22;
	s12 =	sshra.s32 s15, $0x2;
	[sflag:s19] =	ssyncset.done $0x0  }
0x51: {  	s13 =	sadd.s32 $0x80, s12;
	[sflag:s19] =	ssyncadd.s32 $0xFFFFC000  }
0x52: {  	[tilespmem:s29], [sflag:$0x2] =	stream.indirect.gather [hbm4b:s9+s26], $0x80, s13, s26, $0xb8;
	[tilespmem:$0x1FC00] =	vst v63  }
0x53: {  	_ =	swait.ge [sflag:s30], $0x4000  }
0x54: {  	[sflag:s30] =	ssyncset.done $0x0  }
0x55: {  	s15 =	sadd.s32 $0x1000, s12;
	[sflag:s30] =	ssyncadd.s32 $0xFFFFC000  }
0x56: {  	[spmem:s1] =	stream.indirect.scatter.add.f32 [tilespmem:s28], [sflag:$0x4], $0x80, s15, s26, $0xb8;
	[tilespmem:$0x1FC00] =	vst v63  }
0x57: {  	_ =	swait.ge [sflag:s19], $0x4000  }
0x58: {  	[sflag:s19] =	ssyncset.done $0x0  }
0x59: {  	s22 =	sadd.s32 $0x100, s12;
	[sflag:s19] =	ssyncadd.s32 $0xFFFFC000  }
0x5a: {  	[tilespmem:s28], [sflag:$0x1] =	stream.indirect.gather [hbm4b:s9+s26], $0x80, s22, s26, $0xb8;
	[tilespmem:$0x1FC00] =	vst v63  }
0x5b: {  	_ =	swait.ge [sflag:s31], $0x4000  }
0x5c: {  	[sflag:s31] =	ssyncset.done $0x0  }
0x5d: {  	s13 =	sadd.s32 $0x1080, s12;
	[sflag:s31] =	ssyncadd.s32 $0xFFFFC000  }
0x5e: {  	[spmem:s1] =	stream.indirect.scatter.add.f32 [tilespmem:s29], [sflag:$0x4], $0x80, s13, s26, $0xb8;
	[tilespmem:$0x1FC00] =	vst v63  }
0x5f: {  	_ =	swait.ge [sflag:s19], $0x4000  }
0x60: {  	[sflag:s19] =	ssyncset.done $0x0  }
0x61: {  	[sflag:s19] =	ssyncadd.s32 $0xFFFFC000  }
0x62: {  	[tilespmem:s29], [sflag:$0x2] =	stream.indirect.gather [hbm4b:s9+s26], $0x80, s0, s26, $0xb8;
	[tilespmem:$0x1FC00] =	vst v63  }
0x63: {  	_ =	swait.ge [sflag:s30], $0x4000  }
0x64: {  	[sflag:s30] =	ssyncset.done $0x0  }
0x65: {  	[sflag:s30] =	ssyncadd.s32 $0xFFFFC000  }
0x66: {  	[spmem:s1] =	stream.indirect.scatter.add.f32 [tilespmem:s28], [sflag:$0x4], $0x80, s3, s26, $0xb8;
	[tilespmem:$0x1FC00] =	vst v63  }
0x67: {  	_ =	swait.ge [sflag:s19], $0x4000  }
0x68: {  	[sflag:s19] =	ssyncset.done $0x0  }
0x69: {  	[sflag:s19] =	ssyncadd.s32 $0xFFFFC000  }
0x6a: {  	_ =	swait.ge [sflag:s31], $0x4000  }
0x6b: {  	[sflag:s31] =	ssyncset.done $0x0  }
0x6c: {  	[sflag:s31] =	ssyncadd.s32 $0xFFFFC000  }
0x6d: {  	[spmem:s1] =	stream.indirect.scatter.add.f32 [tilespmem:s29], [sflag:$0x4], $0x80, s5, s26, $0xb8;
	[tilespmem:$0x1FC00] =	vst v63  }
0x6e: {  	_ =	swait.ge [sflag:s19], $0x4000  }
0x6f: {  	[sflag:s19] =	ssyncset.done $0x0  }
0x70: {  	[sflag:s19] =	ssyncadd.s32 $0xFFFFC000  }
0x71: {  	_ =	swait.ge [sflag:s6], $0x1000  }
0x72: {  	[sflag:s6] =	ssyncset.done $0x0  }
0x73: {  	[sflag:s6] =	ssyncadd.s32 $0xFFFFF000  }
0x74: {  	_ =	swait.ge [sflag:s6], $0x1000  }
0x75: {  	[sflag:s6] =	ssyncset.done $0x0  }
0x76: {  	s14 =	simm.s32 $0x0;
	s15 =	rddreg [dreg:$0x8];
	[sflag:s6] =	ssyncadd.s32 $0xFFFFF000  }
0x77: {  	[tilespmem:s14], [sflag:$0x3] =	stream.linear.gather [hbm4b:s15+s14], $0x1000, $0x38;
	[tilespmem:$0x1FC00] =	vst v63  }
0x78: {  	s22 =	rddreg [dreg:$0x9]  }
0x79: {  	[tilespmem:s20], [sflag:$0x3] =	stream.linear.gather [hbm4b:s22+s14], $0x1000, $0x38;
	[tilespmem:$0x1FC00] =	vst v63  }
0x7a: {  	_ = 	snop  }
0x7b: {  	[tilespmem:s28], [sflag:$0x1] =	stream.indirect.gather [hbm4b:s9+s26], $0x80, s21, s26, $0xb8;
	[tilespmem:$0x1FC00] =	vst v63  }
0x7c: {  	s13 =	simm.s32 $0x2080  }
0x7d: {  	[tilespmem:s29], [sflag:$0x2] =	stream.indirect.gather [hbm4b:s9+s26], $0x80, s13, s26, $0xb8;
	[tilespmem:$0x1FC00] =	vst v63  }
0x7e: {  	_ =	swait.ge [sflag:s30], $0x4000  }
0x7f: {  	[sflag:s30] =	ssyncset.done $0x0  }
0x80: {  	s14 =	simm.s32 $0x3000;
	[sflag:s30] =	ssyncadd.s32 $0xFFFFC000  }
0x81: {  	[spmem:s1] =	stream.indirect.scatter.add.f32 [tilespmem:s28], [sflag:$0x4], $0x80, s14, s26, $0xb8;
	[tilespmem:$0x1FC00] =	vst v63  }
0x82: {  	_ =	swait.ge [sflag:s19], $0x4000  }
0x83: {  	[sflag:s19] =	ssyncset.done $0x0  }
0x84: {  	s15 =	simm.s32 $0x2100;
	[sflag:s19] =	ssyncadd.s32 $0xFFFFC000  }
0x85: {  	[tilespmem:s28], [sflag:$0x1] =	stream.indirect.gather [hbm4b:s9+s26], $0x80, s15, s26, $0xb8;
	[tilespmem:$0x1FC00] =	vst v63  }
0x86: {  	_ =	swait.ge [sflag:s31], $0x4000  }
0x87: {  	[sflag:s31] =	ssyncset.done $0x0  }
0x88: {  	s22 =	simm.s32 $0x3080;
	[sflag:s31] =	ssyncadd.s32 $0xFFFFC000  }
0x89: {  	[spmem:s1] =	stream.indirect.scatter.add.f32 [tilespmem:s29], [sflag:$0x4], $0x80, s22, s26, $0xb8;
	[tilespmem:$0x1FC00] =	vst v63  }
0x8a: {  	_ =	swait.ge [sflag:s19], $0x4000  }
0x8b: {  	s12 =	simm.s32 $0x100;
	s13 =	simm.s32 $0x800;
	[sflag:s19] =	ssyncset.done $0x0  }
.LBB2_4:
0x8c: {  	s14 =	sadd.s32 $0x2080, s12  }
0x8d: {  	[sflag:s19] =	ssyncadd.s32 $0xFFFFC000;
	s15 =	smov.u32 s13;
	s22 =	sadd.s32 $0x400, s13  }
0x8e: {  	[tilespmem:s29], [sflag:$0x2] =	stream.indirect.gather [hbm4b:s9+s26], $0x80, s14, s26, $0xb8;
	[tilespmem:$0x1FC00] =	vst v63  }
0x8f: {  	p1 =	sne.s32 s13, $0x3800;
	_ =	swait.ge [sflag:s30], $0x4000  }
0x90: {  	[sflag:s30] =	ssyncset.done $0x0  }
0x91: {  	s13 =	sadd.s32 $0x3000, s12;
	[sflag:s30] =	ssyncadd.s32 $0xFFFFC000  }
0x92: {  	[spmem:s1] =	stream.indirect.scatter.add.f32 [tilespmem:s28], [sflag:$0x4], $0x80, s13, s26, $0xb8;
	[tilespmem:$0x1FC00] =	vst v63  }
0x93: {  	_ =	swait.ge [sflag:s19], $0x4000  }
0x94: {  	[sflag:s19] =	ssyncset.done $0x0  }
0x95: {  	s13 =	sadd.s32 $0x2100, s12;
	[sflag:s19] =	ssyncadd.s32 $0xFFFFC000  }
0x96: {  	[tilespmem:s28], [sflag:$0x1] =	stream.indirect.gather [hbm4b:s9+s26], $0x80, s13, s26, $0xb8;
	[tilespmem:$0x1FC00] =	vst v63  }
0x97: {  	_ =	swait.ge [sflag:s31], $0x4000  }
.Ltmp1:
0x98: {  	[sflag:s31] =	ssyncset.done $0x0;
	(pc) =	sbr.rel @p1 .LBB2_4-.Ltmp1, $4  }
0x99: {  	s12 =	sadd.s32 $0x3080, s12;
	[sflag:s31] =	ssyncadd.s32 $0xFFFFC000  }
0x9a: {  	[spmem:s1] =	stream.indirect.scatter.add.f32 [tilespmem:s29], [sflag:$0x4], $0x80, s12, s26, $0xb8;
	[tilespmem:$0x1FC00] =	vst v63  }
0x9b: {  	_ =	swait.ge [sflag:s19], $0x4000  }
0x9c: {  	s13 =	smov.u32 s22;
	s12 =	sshra.s32 s15, $0x2;
	[sflag:s19] =	ssyncset.done $0x0  }
0x9d: {  	s13 =	sadd.s32 $0x2080, s12;
	[sflag:s19] =	ssyncadd.s32 $0xFFFFC000  }
0x9e: {  	[tilespmem:s29], [sflag:$0x2] =	stream.indirect.gather [hbm4b:s9+s26], $0x80, s13, s26, $0xb8;
	[tilespmem:$0x1FC00] =	vst v63  }
0x9f: {  	_ =	swait.ge [sflag:s30], $0x4000  }
0xa0: {  	[sflag:s30] =	ssyncset.done $0x0  }
0xa1: {  	s15 =	sadd.s32 $0x3000, s12;
	[sflag:s30] =	ssyncadd.s32 $0xFFFFC000  }
0xa2: {  	[spmem:s1] =	stream.indirect.scatter.add.f32 [tilespmem:s28], [sflag:$0x4], $0x80, s15, s26, $0xb8;
	[tilespmem:$0x1FC00] =	vst v63  }
0xa3: {  	_ =	swait.ge [sflag:s19], $0x4000  }
0xa4: {  	[sflag:s19] =	ssyncset.done $0x0  }
0xa5: {  	s22 =	sadd.s32 $0x2100, s12;
	[sflag:s19] =	ssyncadd.s32 $0xFFFFC000  }
0xa6: {  	[tilespmem:s28], [sflag:$0x1] =	stream.indirect.gather [hbm4b:s9+s26], $0x80, s22, s26, $0xb8;
	[tilespmem:$0x1FC00] =	vst v63  }
0xa7: {  	_ =	swait.ge [sflag:s31], $0x4000  }
0xa8: {  	[sflag:s31] =	ssyncset.done $0x0  }
0xa9: {  	s14 =	sadd.s32 $0x3080, s12;
	[sflag:s31] =	ssyncadd.s32 $0xFFFFC000  }
0xaa: {  	[spmem:s1] =	stream.indirect.scatter.add.f32 [tilespmem:s29], [sflag:$0x4], $0x80, s14, s26, $0xb8;
	[tilespmem:$0x1FC00] =	vst v63  }
0xab: {  	_ =	swait.ge [sflag:s19], $0x4000  }
0xac: {  	[sflag:s19] =	ssyncset.done $0x0  }
0xad: {  	[sflag:s19] =	ssyncadd.s32 $0xFFFFC000  }
0xae: {  	[tilespmem:s29], [sflag:$0x2] =	stream.indirect.gather [hbm4b:s9+s26], $0x80, s7, s26, $0xb8;
	[tilespmem:$0x1FC00] =	vst v63  }
0xaf: {  	_ =	swait.ge [sflag:s30], $0x4000  }
0xb0: {  	[sflag:s30] =	ssyncset.done $0x0  }
0xb1: {  	[sflag:s30] =	ssyncadd.s32 $0xFFFFC000  }
0xb2: {  	[spmem:s1] =	stream.indirect.scatter.add.f32 [tilespmem:s28], [sflag:$0x4], $0x80, s8, s26, $0xb8;
	[tilespmem:$0x1FC00] =	vst v63  }
0xb3: {  	_ =	swait.ge [sflag:s19], $0x4000  }
0xb4: {  	[sflag:s19] =	ssyncset.done $0x0  }
0xb5: {  	[sflag:s19] =	ssyncadd.s32 $0xFFFFC000  }
0xb6: {  	_ =	swait.ge [sflag:s31], $0x4000  }
0xb7: {  	[sflag:s31] =	ssyncset.done $0x0  }
0xb8: {  	[sflag:s31] =	ssyncadd.s32 $0xFFFFC000  }
0xb9: {  	[spmem:s1] =	stream.indirect.scatter.add.f32 [tilespmem:s29], [sflag:$0x4], $0x80, s10, s26, $0xb8;
	[tilespmem:$0x1FC00] =	vst v63  }
0xba: {  	_ =	swait.ge [sflag:s19], $0x4000  }
0xbb: {  	[sflag:s19] =	ssyncset.done $0x0  }
0xbc: {  	[sflag:s19] =	ssyncadd.s32 $0xFFFFC000  }
0xbd: {  	_ =	swait.ge [sflag:s6], $0x1000  }
0xbe: {  	[sflag:s6] =	ssyncset.done $0x0  }
0xbf: {  	[sflag:s6] =	ssyncadd.s32 $0xFFFFF000  }
0xc0: {  	_ =	swait.ge [sflag:s6], $0x1000  }
0xc1: {  	[sflag:s6] =	ssyncset.done $0x0  }
0xc2: {  	s12 =	simm.s32 $0x0;
	s15 =	rddreg [dreg:$0xa];
	[sflag:s6] =	ssyncadd.s32 $0xFFFFF000  }
0xc3: {  	[tilespmem:s21], [sflag:$0x3] =	stream.linear.gather [hbm4b:s15+s12], $0x1000, $0x38;
	[tilespmem:$0x1FC00] =	vst v63  }
0xc4: {  	s14 =	simm.s32 $0x3000;
	s22 =	rddreg [dreg:$0xb]  }
0xc5: {  	[tilespmem:s14], [sflag:$0x3] =	stream.linear.gather [hbm4b:s22+s12], $0x1000, $0x38;
	[tilespmem:$0x1FC00] =	vst v63  }
0xc6: {  	_ = 	snop  }
0xc7: {  	[tilespmem:s28], [sflag:$0x1] =	stream.indirect.gather [hbm4b:s9+s26], $0x80, s12, s26, $0xb8;
	[tilespmem:$0x1FC00] =	vst v63  }
0xc8: {  	s13 =	simm.s32 $0x80  }
0xc9: {  	[tilespmem:s29], [sflag:$0x2] =	stream.indirect.gather [hbm4b:s9+s26], $0x80, s13, s26, $0xb8;
	[tilespmem:$0x1FC00] =	vst v63  }
0xca: {  	_ =	swait.ge [sflag:s30], $0x4000  }
0xcb: {  	[sflag:s30] =	ssyncset.done $0x0  }
0xcc: {  	s14 =	simm.s32 $0x1000;
	[sflag:s30] =	ssyncadd.s32 $0xFFFFC000  }
0xcd: {  	[spmem:s1] =	stream.indirect.scatter.add.f32 [tilespmem:s28], [sflag:$0x4], $0x80, s14, s26, $0xb8;
	[tilespmem:$0x1FC00] =	vst v63  }
0xce: {  	_ =	swait.ge [sflag:s19], $0x4000  }
0xcf: {  	[sflag:s19] =	ssyncset.done $0x0  }
0xd0: {  	s15 =	simm.s32 $0x100;
	[sflag:s19] =	ssyncadd.s32 $0xFFFFC000  }
0xd1: {  	[tilespmem:s28], [sflag:$0x1] =	stream.indirect.gather [hbm4b:s9+s26], $0x80, s15, s26, $0xb8;
	[tilespmem:$0x1FC00] =	vst v63  }
0xd2: {  	_ =	swait.ge [sflag:s31], $0x4000  }
0xd3: {  	[sflag:s31] =	ssyncset.done $0x0  }
0xd4: {  	s22 =	simm.s32 $0x1080;
	[sflag:s31] =	ssyncadd.s32 $0xFFFFC000  }
0xd5: {  	[spmem:s1] =	stream.indirect.scatter.add.f32 [tilespmem:s29], [sflag:$0x4], $0x80, s22, s26, $0xb8;
	[tilespmem:$0x1FC00] =	vst v63  }
0xd6: {  	_ =	swait.ge [sflag:s19], $0x4000  }
0xd7: {  	s12 =	simm.s32 $0x100;
	s13 =	simm.s32 $0x800;
	[sflag:s19] =	ssyncset.done $0x0  }
.LBB2_6:
0xd8: {  	s14 =	sadd.s32 $0x80, s12  }
0xd9: {  	[sflag:s19] =	ssyncadd.s32 $0xFFFFC000;
	s15 =	smov.u32 s13;
	s22 =	sadd.s32 $0x400, s13  }
0xda: {  	[tilespmem:s29], [sflag:$0x2] =	stream.indirect.gather [hbm4b:s9+s26], $0x80, s14, s26, $0xb8;
	[tilespmem:$0x1FC00] =	vst v63  }
0xdb: {  	p1 =	sne.s32 s13, $0x3800;
	_ =	swait.ge [sflag:s30], $0x4000  }
0xdc: {  	[sflag:s30] =	ssyncset.done $0x0  }
0xdd: {  	s13 =	sadd.s32 $0x1000, s12;
	[sflag:s30] =	ssyncadd.s32 $0xFFFFC000  }
0xde: {  	[spmem:s1] =	stream.indirect.scatter.add.f32 [tilespmem:s28], [sflag:$0x4], $0x80, s13, s26, $0xb8;
	[tilespmem:$0x1FC00] =	vst v63  }
0xdf: {  	_ =	swait.ge [sflag:s19], $0x4000  }
0xe0: {  	[sflag:s19] =	ssyncset.done $0x0  }
0xe1: {  	s13 =	sadd.s32 $0x100, s12;
	[sflag:s19] =	ssyncadd.s32 $0xFFFFC000  }
0xe2: {  	[tilespmem:s28], [sflag:$0x1] =	stream.indirect.gather [hbm4b:s9+s26], $0x80, s13, s26, $0xb8;
	[tilespmem:$0x1FC00] =	vst v63  }
0xe3: {  	_ =	swait.ge [sflag:s31], $0x4000  }
.Ltmp2:
0xe4: {  	[sflag:s31] =	ssyncset.done $0x0;
	(pc) =	sbr.rel @p1 .LBB2_6-.Ltmp2, $4  }
0xe5: {  	s12 =	sadd.s32 $0x1080, s12;
	[sflag:s31] =	ssyncadd.s32 $0xFFFFC000  }
0xe6: {  	[spmem:s1] =	stream.indirect.scatter.add.f32 [tilespmem:s29], [sflag:$0x4], $0x80, s12, s26, $0xb8;
	[tilespmem:$0x1FC00] =	vst v63  }
0xe7: {  	_ =	swait.ge [sflag:s19], $0x4000  }
0xe8: {  	s13 =	smov.u32 s22;
	s12 =	sshra.s32 s15, $0x2;
	[sflag:s19] =	ssyncset.done $0x0  }
0xe9: {  	s13 =	sadd.s32 $0x80, s12;
	[sflag:s19] =	ssyncadd.s32 $0xFFFFC000  }
0xea: {  	[tilespmem:s29], [sflag:$0x2] =	stream.indirect.gather [hbm4b:s9+s26], $0x80, s13, s26, $0xb8;
	[tilespmem:$0x1FC00] =	vst v63  }
0xeb: {  	_ =	swait.ge [sflag:s30], $0x4000  }
0xec: {  	[sflag:s30] =	ssyncset.done $0x0  }
0xed: {  	s15 =	sadd.s32 $0x1000, s12;
	[sflag:s30] =	ssyncadd.s32 $0xFFFFC000  }
0xee: {  	[spmem:s1] =	stream.indirect.scatter.add.f32 [tilespmem:s28], [sflag:$0x4], $0x80, s15, s26, $0xb8;
	[tilespmem:$0x1FC00] =	vst v63  }
0xef: {  	_ =	swait.ge [sflag:s19], $0x4000  }
0xf0: {  	[sflag:s19] =	ssyncset.done $0x0  }
0xf1: {  	s22 =	sadd.s32 $0x100, s12;
	[sflag:s19] =	ssyncadd.s32 $0xFFFFC000  }
0xf2: {  	[tilespmem:s28], [sflag:$0x1] =	stream.indirect.gather [hbm4b:s9+s26], $0x80, s22, s26, $0xb8;
	[tilespmem:$0x1FC00] =	vst v63  }
0xf3: {  	_ =	swait.ge [sflag:s31], $0x4000  }
0xf4: {  	[sflag:s31] =	ssyncset.done $0x0  }
0xf5: {  	s13 =	sadd.s32 $0x1080, s12;
	[sflag:s31] =	ssyncadd.s32 $0xFFFFC000  }
0xf6: {  	[spmem:s1] =	stream.indirect.scatter.add.f32 [tilespmem:s29], [sflag:$0x4], $0x80, s13, s26, $0xb8;
	[tilespmem:$0x1FC00] =	vst v63  }
0xf7: {  	_ =	swait.ge [sflag:s19], $0x4000  }
0xf8: {  	[sflag:s19] =	ssyncset.done $0x0  }
0xf9: {  	[sflag:s19] =	ssyncadd.s32 $0xFFFFC000  }
0xfa: {  	[tilespmem:s29], [sflag:$0x2] =	stream.indirect.gather [hbm4b:s9+s26], $0x80, s0, s26, $0xb8;
	[tilespmem:$0x1FC00] =	vst v63  }
0xfb: {  	_ =	swait.ge [sflag:s30], $0x4000  }
0xfc: {  	[sflag:s30] =	ssyncset.done $0x0  }
0xfd: {  	[sflag:s30] =	ssyncadd.s32 $0xFFFFC000  }
0xfe: {  	[spmem:s1] =	stream.indirect.scatter.add.f32 [tilespmem:s28], [sflag:$0x4], $0x80, s3, s26, $0xb8;
	[tilespmem:$0x1FC00] =	vst v63  }
0xff: {  	_ =	swait.ge [sflag:s19], $0x4000  }
0x100: {  	[sflag:s19] =	ssyncset.done $0x0  }
0x101: {  	[sflag:s19] =	ssyncadd.s32 $0xFFFFC000  }
0x102: {  	_ =	swait.ge [sflag:s31], $0x4000  }
0x103: {  	[sflag:s31] =	ssyncset.done $0x0  }
0x104: {  	[sflag:s31] =	ssyncadd.s32 $0xFFFFC000  }
0x105: {  	[spmem:s1] =	stream.indirect.scatter.add.f32 [tilespmem:s29], [sflag:$0x4], $0x80, s5, s26, $0xb8;
	[tilespmem:$0x1FC00] =	vst v63  }
0x106: {  	_ =	swait.ge [sflag:s19], $0x4000  }
0x107: {  	[sflag:s19] =	ssyncset.done $0x0  }
0x108: {  	[sflag:s19] =	ssyncadd.s32 $0xFFFFC000  }
0x109: {  	_ =	swait.ge [sflag:s6], $0x1000  }
0x10a: {  	[sflag:s6] =	ssyncset.done $0x0  }
0x10b: {  	[sflag:s6] =	ssyncadd.s32 $0xFFFFF000  }
0x10c: {  	_ =	swait.ge [sflag:s6], $0x1000  }
0x10d: {  	[sflag:s6] =	ssyncset.done $0x0  }
0x10e: {  	s14 =	simm.s32 $0x0;
	s15 =	rddreg [dreg:$0xc];
	[sflag:s6] =	ssyncadd.s32 $0xFFFFF000  }
0x10f: {  	[tilespmem:s14], [sflag:$0x3] =	stream.linear.gather [hbm4b:s15+s14], $0x1000, $0x38;
	[tilespmem:$0x1FC00] =	vst v63  }
0x110: {  	s22 =	rddreg [dreg:$0xd]  }
0x111: {  	[tilespmem:s20], [sflag:$0x3] =	stream.linear.gather [hbm4b:s22+s14], $0x1000, $0x38;
	[tilespmem:$0x1FC00] =	vst v63  }
0x112: {  	_ = 	snop  }
0x113: {  	[tilespmem:s28], [sflag:$0x1] =	stream.indirect.gather [hbm4b:s9+s26], $0x80, s21, s26, $0xb8;
	[tilespmem:$0x1FC00] =	vst v63  }
0x114: {  	s13 =	simm.s32 $0x2080  }
0x115: {  	[tilespmem:s29], [sflag:$0x2] =	stream.indirect.gather [hbm4b:s9+s26], $0x80, s13, s26, $0xb8;
	[tilespmem:$0x1FC00] =	vst v63  }
0x116: {  	_ =	swait.ge [sflag:s30], $0x4000  }
0x117: {  	[sflag:s30] =	ssyncset.done $0x0  }
0x118: {  	s14 =	simm.s32 $0x3000;
	[sflag:s30] =	ssyncadd.s32 $0xFFFFC000  }
0x119: {  	[spmem:s1] =	stream.indirect.scatter.add.f32 [tilespmem:s28], [sflag:$0x4], $0x80, s14, s26, $0xb8;
	[tilespmem:$0x1FC00] =	vst v63  }
0x11a: {  	_ =	swait.ge [sflag:s19], $0x4000  }
0x11b: {  	[sflag:s19] =	ssyncset.done $0x0  }
0x11c: {  	s15 =	simm.s32 $0x2100;
	[sflag:s19] =	ssyncadd.s32 $0xFFFFC000  }
0x11d: {  	[tilespmem:s28], [sflag:$0x1] =	stream.indirect.gather [hbm4b:s9+s26], $0x80, s15, s26, $0xb8;
	[tilespmem:$0x1FC00] =	vst v63  }
0x11e: {  	_ =	swait.ge [sflag:s31], $0x4000  }
0x11f: {  	[sflag:s31] =	ssyncset.done $0x0  }
0x120: {  	s22 =	simm.s32 $0x3080;
	[sflag:s31] =	ssyncadd.s32 $0xFFFFC000  }
0x121: {  	[spmem:s1] =	stream.indirect.scatter.add.f32 [tilespmem:s29], [sflag:$0x4], $0x80, s22, s26, $0xb8;
	[tilespmem:$0x1FC00] =	vst v63  }
0x122: {  	_ =	swait.ge [sflag:s19], $0x4000  }
0x123: {  	s12 =	simm.s32 $0x100;
	s13 =	simm.s32 $0x800;
	[sflag:s19] =	ssyncset.done $0x0  }
.LBB2_8:
0x124: {  	s14 =	sadd.s32 $0x2080, s12  }
0x125: {  	[sflag:s19] =	ssyncadd.s32 $0xFFFFC000;
	s15 =	smov.u32 s13;
	s22 =	sadd.s32 $0x400, s13  }
0x126: {  	[tilespmem:s29], [sflag:$0x2] =	stream.indirect.gather [hbm4b:s9+s26], $0x80, s14, s26, $0xb8;
	[tilespmem:$0x1FC00] =	vst v63  }
0x127: {  	p1 =	sne.s32 s13, $0x3800;
	_ =	swait.ge [sflag:s30], $0x4000  }
0x128: {  	[sflag:s30] =	ssyncset.done $0x0  }
0x129: {  	s13 =	sadd.s32 $0x3000, s12;
	[sflag:s30] =	ssyncadd.s32 $0xFFFFC000  }
0x12a: {  	[spmem:s1] =	stream.indirect.scatter.add.f32 [tilespmem:s28], [sflag:$0x4], $0x80, s13, s26, $0xb8;
	[tilespmem:$0x1FC00] =	vst v63  }
0x12b: {  	_ =	swait.ge [sflag:s19], $0x4000  }
0x12c: {  	[sflag:s19] =	ssyncset.done $0x0  }
0x12d: {  	s13 =	sadd.s32 $0x2100, s12;
	[sflag:s19] =	ssyncadd.s32 $0xFFFFC000  }
0x12e: {  	[tilespmem:s28], [sflag:$0x1] =	stream.indirect.gather [hbm4b:s9+s26], $0x80, s13, s26, $0xb8;
	[tilespmem:$0x1FC00] =	vst v63  }
0x12f: {  	_ =	swait.ge [sflag:s31], $0x4000  }
.Ltmp3:
0x130: {  	[sflag:s31] =	ssyncset.done $0x0;
	(pc) =	sbr.rel @p1 .LBB2_8-.Ltmp3, $4  }
0x131: {  	s12 =	sadd.s32 $0x3080, s12;
	[sflag:s31] =	ssyncadd.s32 $0xFFFFC000  }
0x132: {  	[spmem:s1] =	stream.indirect.scatter.add.f32 [tilespmem:s29], [sflag:$0x4], $0x80, s12, s26, $0xb8;
	[tilespmem:$0x1FC00] =	vst v63  }
0x133: {  	_ =	swait.ge [sflag:s19], $0x4000  }
0x134: {  	s13 =	smov.u32 s22;
	s12 =	sshra.s32 s15, $0x2;
	[sflag:s19] =	ssyncset.done $0x0  }
0x135: {  	s13 =	sadd.s32 $0x2080, s12;
	[sflag:s19] =	ssyncadd.s32 $0xFFFFC000  }
0x136: {  	[tilespmem:s29], [sflag:$0x2] =	stream.indirect.gather [hbm4b:s9+s26], $0x80, s13, s26, $0xb8;
	[tilespmem:$0x1FC00] =	vst v63  }
0x137: {  	_ =	swait.ge [sflag:s30], $0x4000  }
0x138: {  	[sflag:s30] =	ssyncset.done $0x0  }
0x139: {  	s22 =	sadd.s32 $0x3000, s12;
	[sflag:s30] =	ssyncadd.s32 $0xFFFFC000  }
0x13a: {  	[spmem:s1] =	stream.indirect.scatter.add.f32 [tilespmem:s28], [sflag:$0x4], $0x80, s22, s26, $0xb8;
	[tilespmem:$0x1FC00] =	vst v63  }
0x13b: {  	_ =	swait.ge [sflag:s19], $0x4000  }
0x13c: {  	[sflag:s19] =	ssyncset.done $0x0  }
0x13d: {  	s14 =	sadd.s32 $0x2100, s12;
	[sflag:s19] =	ssyncadd.s32 $0xFFFFC000  }
0x13e: {  	[tilespmem:s28], [sflag:$0x1] =	stream.indirect.gather [hbm4b:s9+s26], $0x80, s14, s26, $0xb8;
	[tilespmem:$0x1FC00] =	vst v63  }
0x13f: {  	_ =	swait.ge [sflag:s31], $0x4000  }
0x140: {  	[sflag:s31] =	ssyncset.done $0x0  }
0x141: {  	s15 =	sadd.s32 $0x3080, s12;
	[sflag:s31] =	ssyncadd.s32 $0xFFFFC000  }
0x142: {  	[spmem:s1] =	stream.indirect.scatter.add.f32 [tilespmem:s29], [sflag:$0x4], $0x80, s15, s26, $0xb8;
	[tilespmem:$0x1FC00] =	vst v63  }
0x143: {  	_ =	swait.ge [sflag:s19], $0x4000  }
0x144: {  	[sflag:s19] =	ssyncset.done $0x0  }
0x145: {  	[sflag:s19] =	ssyncadd.s32 $0xFFFFC000  }
0x146: {  	[tilespmem:s29], [sflag:$0x2] =	stream.indirect.gather [hbm4b:s9+s26], $0x80, s7, s26, $0xb8;
	[tilespmem:$0x1FC00] =	vst v63  }
0x147: {  	_ =	swait.ge [sflag:s30], $0x4000  }
0x148: {  	[sflag:s30] =	ssyncset.done $0x0  }
0x149: {  	[sflag:s30] =	ssyncadd.s32 $0xFFFFC000  }
0x14a: {  	[spmem:s1] =	stream.indirect.scatter.add.f32 [tilespmem:s28], [sflag:$0x4], $0x80, s8, s26, $0xb8;
	[tilespmem:$0x1FC00] =	vst v63  }
0x14b: {  	_ =	swait.ge [sflag:s19], $0x4000  }
0x14c: {  	[sflag:s19] =	ssyncset.done $0x0  }
0x14d: {  	[sflag:s19] =	ssyncadd.s32 $0xFFFFC000  }
0x14e: {  	_ =	swait.ge [sflag:s31], $0x4000  }
0x14f: {  	[sflag:s31] =	ssyncset.done $0x0  }
0x150: {  	[sflag:s31] =	ssyncadd.s32 $0xFFFFC000  }
0x151: {  	[spmem:s1] =	stream.indirect.scatter.add.f32 [tilespmem:s29], [sflag:$0x4], $0x80, s10, s26, $0xb8;
	[tilespmem:$0x1FC00] =	vst v63  }
0x152: {  	_ =	swait.ge [sflag:s19], $0x4000  }
0x153: {  	[sflag:s19] =	ssyncset.done $0x0  }
0x154: {  	[sflag:s19] =	ssyncadd.s32 $0xFFFFC000  }
0x155: {  	_ =	swait.ge [sflag:s6], $0x1000  }
0x156: {  	[sflag:s6] =	ssyncset.done $0x0  }
0x157: {  	[sflag:s6] =	ssyncadd.s32 $0xFFFFF000  }
0x158: {  	_ =	swait.ge [sflag:s6], $0x1000  }
0x159: {  	[sflag:s6] =	ssyncset.done $0x0  }
0x15a: {  	s22 =	simm.s32 $0x0;
	[sflag:s6] =	ssyncadd.s32 $0xFFFFF000  }
0x15b: {  	[tilespmem:s28], [sflag:$0x1] =	stream.indirect.gather [hbm4b:s9+s26], $0x80, s22, s26, $0xb8;
	[tilespmem:$0x1FC00] =	vst v63  }
0x15c: {  	s13 =	simm.s32 $0x80  }
0x15d: {  	[tilespmem:s29], [sflag:$0x2] =	stream.indirect.gather [hbm4b:s9+s26], $0x80, s13, s26, $0xb8;
	[tilespmem:$0x1FC00] =	vst v63  }
0x15e: {  	_ =	swait.ge [sflag:s30], $0x4000  }
0x15f: {  	[sflag:s30] =	ssyncset.done $0x0  }
0x160: {  	s14 =	simm.s32 $0x1000;
	[sflag:s30] =	ssyncadd.s32 $0xFFFFC000  }
0x161: {  	[spmem:s1] =	stream.indirect.scatter.add.f32 [tilespmem:s28], [sflag:$0x4], $0x80, s14, s26, $0xb8;
	[tilespmem:$0x1FC00] =	vst v63  }
0x162: {  	_ =	swait.ge [sflag:s19], $0x4000  }
0x163: {  	[sflag:s19] =	ssyncset.done $0x0  }
0x164: {  	s15 =	simm.s32 $0x100;
	[sflag:s19] =	ssyncadd.s32 $0xFFFFC000  }
0x165: {  	[tilespmem:s28], [sflag:$0x1] =	stream.indirect.gather [hbm4b:s9+s26], $0x80, s15, s26, $0xb8;
	[tilespmem:$0x1FC00] =	vst v63  }
0x166: {  	_ =	swait.ge [sflag:s31], $0x4000  }
0x167: {  	[sflag:s31] =	ssyncset.done $0x0  }
0x168: {  	s22 =	simm.s32 $0x1080;
	[sflag:s31] =	ssyncadd.s32 $0xFFFFC000  }
0x169: {  	[spmem:s1] =	stream.indirect.scatter.add.f32 [tilespmem:s29], [sflag:$0x4], $0x80, s22, s26, $0xb8;
	[tilespmem:$0x1FC00] =	vst v63  }
0x16a: {  	_ =	swait.ge [sflag:s19], $0x4000  }
0x16b: {  	s12 =	simm.s32 $0x100;
	s13 =	simm.s32 $0x800;
	[sflag:s19] =	ssyncset.done $0x0  }
.LBB2_10:
0x16c: {  	s14 =	sadd.s32 $0x80, s12  }
0x16d: {  	[sflag:s19] =	ssyncadd.s32 $0xFFFFC000;
	s15 =	smov.u32 s13;
	s22 =	sadd.s32 $0x400, s13  }
0x16e: {  	[tilespmem:s29], [sflag:$0x2] =	stream.indirect.gather [hbm4b:s9+s26], $0x80, s14, s26, $0xb8;
	[tilespmem:$0x1FC00] =	vst v63  }
0x16f: {  	p1 =	sne.s32 s13, $0x3800;
	_ =	swait.ge [sflag:s30], $0x4000  }
0x170: {  	[sflag:s30] =	ssyncset.done $0x0  }
0x171: {  	s13 =	sadd.s32 $0x1000, s12;
	[sflag:s30] =	ssyncadd.s32 $0xFFFFC000  }
0x172: {  	[spmem:s1] =	stream.indirect.scatter.add.f32 [tilespmem:s28], [sflag:$0x4], $0x80, s13, s26, $0xb8;
	[tilespmem:$0x1FC00] =	vst v63  }
0x173: {  	_ =	swait.ge [sflag:s19], $0x4000  }
0x174: {  	[sflag:s19] =	ssyncset.done $0x0  }
0x175: {  	s13 =	sadd.s32 $0x100, s12;
	[sflag:s19] =	ssyncadd.s32 $0xFFFFC000  }
0x176: {  	[tilespmem:s28], [sflag:$0x1] =	stream.indirect.gather [hbm4b:s9+s26], $0x80, s13, s26, $0xb8;
	[tilespmem:$0x1FC00] =	vst v63  }
0x177: {  	_ =	swait.ge [sflag:s31], $0x4000  }
.Ltmp4:
0x178: {  	[sflag:s31] =	ssyncset.done $0x0;
	(pc) =	sbr.rel @p1 .LBB2_10-.Ltmp4, $4  }
0x179: {  	s12 =	sadd.s32 $0x1080, s12;
	[sflag:s31] =	ssyncadd.s32 $0xFFFFC000  }
0x17a: {  	[spmem:s1] =	stream.indirect.scatter.add.f32 [tilespmem:s29], [sflag:$0x4], $0x80, s12, s26, $0xb8;
	[tilespmem:$0x1FC00] =	vst v63  }
0x17b: {  	_ =	swait.ge [sflag:s19], $0x4000  }
0x17c: {  	s13 =	smov.u32 s22;
	s12 =	sshra.s32 s15, $0x2;
	[sflag:s19] =	ssyncset.done $0x0  }
0x17d: {  	s13 =	sadd.s32 $0x80, s12;
	[sflag:s19] =	ssyncadd.s32 $0xFFFFC000  }
0x17e: {  	[tilespmem:s29], [sflag:$0x2] =	stream.indirect.gather [hbm4b:s9+s26], $0x80, s13, s26, $0xb8;
	[tilespmem:$0x1FC00] =	vst v63  }
0x17f: {  	_ =	swait.ge [sflag:s30], $0x4000  }
0x180: {  	[sflag:s30] =	ssyncset.done $0x0  }
0x181: {  	s14 =	sadd.s32 $0x1000, s12;
	[sflag:s30] =	ssyncadd.s32 $0xFFFFC000  }
0x182: {  	[spmem:s1] =	stream.indirect.scatter.add.f32 [tilespmem:s28], [sflag:$0x4], $0x80, s14, s26, $0xb8;
	[tilespmem:$0x1FC00] =	vst v63  }
0x183: {  	_ =	swait.ge [sflag:s19], $0x4000  }
0x184: {  	[sflag:s19] =	ssyncset.done $0x0  }
0x185: {  	s15 =	sadd.s32 $0x100, s12;
	[sflag:s19] =	ssyncadd.s32 $0xFFFFC000  }
0x186: {  	[tilespmem:s28], [sflag:$0x1] =	stream.indirect.gather [hbm4b:s9+s26], $0x80, s15, s26, $0xb8;
	[tilespmem:$0x1FC00] =	vst v63  }
0x187: {  	_ =	swait.ge [sflag:s31], $0x4000  }
0x188: {  	[sflag:s31] =	ssyncset.done $0x0  }
0x189: {  	s22 =	sadd.s32 $0x1080, s12;
	[sflag:s31] =	ssyncadd.s32 $0xFFFFC000  }
0x18a: {  	[spmem:s1] =	stream.indirect.scatter.add.f32 [tilespmem:s29], [sflag:$0x4], $0x80, s22, s26, $0xb8;
	[tilespmem:$0x1FC00] =	vst v63  }
0x18b: {  	_ =	swait.ge [sflag:s19], $0x4000  }
0x18c: {  	[sflag:s19] =	ssyncset.done $0x0  }
0x18d: {  	[sflag:s19] =	ssyncadd.s32 $0xFFFFC000  }
0x18e: {  	[tilespmem:s29], [sflag:$0x2] =	stream.indirect.gather [hbm4b:s9+s26], $0x80, s0, s26, $0xb8;
	[tilespmem:$0x1FC00] =	vst v63  }
0x18f: {  	_ =	swait.ge [sflag:s30], $0x4000  }
0x190: {  	[sflag:s30] =	ssyncset.done $0x0  }
0x191: {  	[sflag:s30] =	ssyncadd.s32 $0xFFFFC000  }
0x192: {  	[spmem:s1] =	stream.indirect.scatter.add.f32 [tilespmem:s28], [sflag:$0x4], $0x80, s3, s26, $0xb8;
	[tilespmem:$0x1FC00] =	vst v63  }
0x193: {  	_ =	swait.ge [sflag:s19], $0x4000  }
0x194: {  	[sflag:s19] =	ssyncset.done $0x0  }
0x195: {  	[sflag:s19] =	ssyncadd.s32 $0xFFFFC000  }
0x196: {  	_ =	swait.ge [sflag:s31], $0x4000  }
0x197: {  	[sflag:s31] =	ssyncset.done $0x0  }
0x198: {  	[sflag:s31] =	ssyncadd.s32 $0xFFFFC000  }
0x199: {  	[spmem:s1] =	stream.indirect.scatter.add.f32 [tilespmem:s29], [sflag:$0x4], $0x80, s5, s26, $0xb8;
	[tilespmem:$0x1FC00] =	vst v63  }
0x19a: {  	_ =	swait.ge [sflag:s19], $0x4000  }
0x19b: {  	[sflag:s19] =	ssyncset.done $0x0  }
0x19c: {  	[sflag:s19] =	ssyncadd.s32 $0xFFFFC000  }
0x19d: {  	[bflag:$0x0] =	sbarrier.arrive $0xFFFF  }
0x19e: {  	[hbm:s23], [sflag:s4] =	dma.local [spmem:s24], $0x2700  }
0x19f: {  	_ =	swait.ge [sflag:s19], $0x2700  }
0x1a0: {  	s11 =	sadd.s32 $0x1, s11;
	[sflag:s19] =	ssyncset.done $0x0  }
0x1a1: {  	s12 =	sadd.s32 @!p0 $0x27000, s16;
	p1 =	sne.s32 s11, s17;
	[sflag:s19] =	ssyncadd.s32 $0xFFFFD900  }
0x1a2: {  	[hbm:s12], [sflag:s4] =	dma.local @!p0 [spmem:s25], $0x100  }
.Ltmp5:
0x1a3: {  	_ = 	snop;
	(pc) =	sbr.rel @p1 .LBB2_1-.Ltmp5, $4  }
0x1a4: {  	s12 =	simm.s32 @!p0 $0x4  }
0x1a5: {  	_ =	swait.ge @!p0 [sflag:s12], $0x100  }
0x1a6: {  	[sflag:s12] =	ssyncset.done @!p0 $0x0  }
0x1a7: {  	[sflag:s12] =	ssyncadd.s32 @!p0 $0xFFFFFF00  }
0x1a8: {  	_ =	sfence.sel $0x180000  }
0x1a9: {  	[bflag:$0x0] =	sbarrier.arrive $0xFFFF  }
0x1aa: {  	_ =	strace $0x9000004A  }
0x1ab: {  	[bflag:$0x2] =	sbarrier.arrive $0xFFFF  }
0x1ac: {  	s0 =	rddreg [dreg:$0x2]  }
0x1ad: {  	s0 =	sadd.s32 @!p0 $0x100000, s0  }
0x1ae: {  	[sflag:s0] =	ssyncadd.tile.s32 @!p0 $0x1;
	_ =	shalt  }
.Lfunc_end2:
_tile_overlayer_lowered:
.L_overlay_start_2:
0x1af: {  	(tag) =	ssettag $0x2  }
0x1b0: {  	s0 =	rddreg [dreg:$0x0];
	s2 =	stileid.u32  }
0x1b1: {  	s1 =	rddreg [dreg:$0x1];
	p0 =	sne.s32 s2, $0x0  }
0x1b2: {  	s3 =	rddreg [dreg:$0x2];
	[bflag:$0x3] =	sbarrier.arrive $0xFFFF;
	s2 =	simm.s32 @!p0 $0x1C04  }
0x1b3: {  	[timem:s3], [sflag:s2] =	dma.local @!p0 [hbm:s0], s1  }
0x1b4: {  	s0 =	simm.s32 @!p0 $0x4  }
0x1b5: {  	_ =	swait.ge @!p0 [sflag:s0], s1  }
0x1b6: {  	s1 =	ssub.s32 @!p0 $0x0, s1;
	[sflag:s0] =	ssyncset.done @!p0 $0x0  }
0x1b7: {  	[sflag:s0] =	ssyncadd.s32 @!p0 s1  }
0x1b8: {  	[bflag:$0x3] =	sbarrier.arrive $0xFFFF  }
0x1b9: {  	_ =	shalt  }

// kernel: kernel.14.cloned.1.call-start
scs
__scs_entry_jumppad:
0x0: {  	(pc) =	sbr.rel $0x88, $3  }
0x1: {  	(tag) =	ssettag $0x0;
	lr =	simm.s32 $0x1  }
0x2: {  	[smem:$0x3F98] =	sst lr;
	_ =	strace $0xD0000000  }
0x3: {  	_ = 	snop  }
0x4: {  	_ = 	snop  }
0x5: {  	_ = 	snop  }
0x6: {  	_ = 	snop  }
0x7: {  	_ = 	snop  }
__scs_overlays_trampoline_lowered:
0x8: {  	[smem:$0x3FA7] =	sst s0  }
0x9: {  	[smem:$0x3FA8] =	sst s1  }
0xa: {  	[smem:$0x3FA9] =	sst s2  }
0xb: {  	[smem:$0x3FAA] =	sst s3  }
0xc: {  	[smem:$0x3FAB] =	sst s4  }
0xd: {  	[smem:$0x3FAC] =	sst s5  }
0xe: {  	[smem:$0x3FAD] =	sst s6  }
0xf: {  	[smem:$0x3FAE] =	sst s7  }
0x10: {  	[smem:$0x3FAF] =	sst s8  }
0x11: {  	[smem:$0x3FB0] =	sst s9;
	s0 =	simm.s32 @!p0 $0x0  }
0x12: {  	s1 =	sld [smem:$0x3F96];
	s0 =	simm.s32 @p0 $0x1  }
0x13: {  	[smem:$0x3FB1] =	sst s0;
	s0 =	simm.s32 @!p1 $0x0  }
0x14: {  	s2 =	sld [smem:$0x3F95];
	s0 =	simm.s32 @p1 $0x1  }
0x15: {  	[smem:$0x3FB2] =	sst s0;
	s0 =	simm.s32 @!p2 $0x0  }
0x16: {  	s3 =	sld [smem:$0x3FDB];
	s0 =	simm.s32 @p2 $0x1  }
0x17: {  	s4 =	simm.s32 $0x1BF5;
	[smem:$0x3FB4] =	sst s0  }
0x18: {  	s0 =	sld [smem:$0x3F97];
	_ =	swait.ge [sflag:s4], $0x0  }
0x19: {  	s7 =	sld [smem:$0x3F98]  }
0x1a: {  	s8 =	sadd.s32 $0xFFFFE003, lr  }
0x1b: {  	s9 =	sadd.s32 $0xFFFFFEF7, lr;
	s5 =	simm.s32 $0xFFFFFFFF;
	p2 =	slt.u32 s8, $0xFFFFF086  }
0x1c: {  	p1 =	slt.u32 s9, $0xF7A;
	s5 =	simm.s32 @!p2 $0x0  }
0x1d: {  	s5 =	simm.s32 @p1 $0x1;
	p0 =	seq.s32 s7, s2  }
0x1e: {  	s7 =	smul.u32 @!p0 $0xF7A, s2;
	p2 =	seq.s32 @!p0 s5, $0x0  }
0x1f: {  	s9 =	smul.u32 $0xF7A, s1;
	s8 =	simm.s32 @!p0 $0x1BF5;
	p2 =	por !p2, p0  }
0x20: {  	[sflag:s8] =	ssyncset.s32 @!p0 $0xFFFFF086;
	s6 =	sadd.s32 @!p0 s3, s7;
	s7 =	simm.s32 @!p0 $0x108  }
0x21: {  	s3 =	sadd.s32 s3, s9;
	s6 =	sadd.s32 @!p0 $0x88, s6;
	s7 =	simm.s32 @p2 $0x1082  }
0x22: {  	[simem:s7], [sflag:s8] =	dma.local @!p0 [hbm:s6], $0xF7A  }
0x23: {  	s9 =	sor.u32 $0xD0000000, s2;
	s6 =	simm.s32 $0x108;
	_ =	swait.ge @!p0 [sflag:s8], $0x0  }
0x24: {  	s3 =	sadd.s32 $0x88, s3;
	s6 =	simm.s32 @!p1 $0x1082;
	[sflag:s4] =	ssyncset.s32 $0xFFFFF086  }
0x25: {  	[simem:s6], [sflag:s4] =	dma.local [hbm:s3], $0xF7A  }
0x26: {  	[smem:$0x3F98] =	sst s1;
	(tag) =	ssettag s2;
	_ =	strace s9  }
0x27: {  	s1 =	sld [smem:$0x3FA8]  }
0x28: {  	s2 =	sld [smem:$0x3FA9]  }
0x29: {  	s4 =	sld [smem:$0x3FAB]  }
0x2a: {  	p0 =	seq.s32 s5, $0x0;
	s5 =	sld [smem:$0x3FAC]  }
0x2b: {  	s6 =	sld [smem:$0x3FAD]  }
0x2c: {  	s7 =	sld [smem:$0x3FAE]  }
0x2d: {  	s3 =	simm.s32 $0x108;
	s8 =	sld [smem:$0x3FAF]  }
0x2e: {  	s3 =	simm.s32 @!p0 $0x1082;
	s9 =	sld [smem:$0x3FB0]  }
0x2f: {  	lr =	sadd.s32 s0, s3;
	s0 =	sld [smem:$0x3FA7]  }
0x30: {  	s3 =	sld [smem:$0x3FAA]  }
0x31: {  	[smem:$0x3FB3] =	sst s10  }
0x32: {  	s10 =	sld [smem:$0x3FB1];
	_ =	sdelay $0x3  }
0x33: {  	p0 =	seq.s32 s10, $0x1;
	s10 =	sld [smem:$0x3FB3];
	_ =	sdelay $0x3  }
0x34: {  	[smem:$0x3FB3] =	sst s10  }
0x35: {  	s10 =	sld [smem:$0x3FB2];
	_ =	sdelay $0x3  }
0x36: {  	p1 =	seq.s32 s10, $0x1;
	s10 =	sld [smem:$0x3FB3];
	_ =	sdelay $0x3  }
0x37: {  	[smem:$0x3FB3] =	sst s10  }
0x38: {  	s10 =	sld [smem:$0x3FB4]  }
0x39: {  	_ = 	snop;
	(pc) =	sbr.ind lr, $3  }
0x3a: {  	_ = 	snop  }
0x3b: {  	_ = 	snop  }
0x3c: {  	p2 =	seq.s32 s10, $0x1;
	s10 =	sld [smem:$0x3FB3]  }
0x3d: {  	_ =	shalt  }
0x3e: {  	_ =	shalt  }
0x3f: {  	_ =	shalt  }
0x40: {  	_ =	shalt  }
0x41: {  	_ =	shalt  }
0x42: {  	_ =	shalt  }
0x43: {  	_ =	shalt  }
0x44: {  	_ =	shalt  }
0x45: {  	_ =	shalt  }
0x46: {  	_ =	shalt  }
0x47: {  	_ =	shalt  }
0x48: {  	_ =	shalt  }
0x49: {  	_ =	shalt  }
0x4a: {  	_ =	shalt  }
0x4b: {  	_ =	shalt  }
0x4c: {  	_ =	shalt  }
0x4d: {  	_ =	shalt  }
0x4e: {  	_ =	shalt  }
0x4f: {  	_ =	shalt  }
0x50: {  	_ =	shalt  }
0x51: {  	_ =	shalt  }
0x52: {  	_ =	shalt  }
0x53: {  	_ =	shalt  }
0x54: {  	_ =	shalt  }
0x55: {  	_ =	shalt  }
0x56: {  	_ =	shalt  }
0x57: {  	_ =	shalt  }
0x58: {  	_ =	shalt  }
0x59: {  	_ =	shalt  }
0x5a: {  	_ =	shalt  }
0x5b: {  	_ =	shalt  }
0x5c: {  	_ =	shalt  }
0x5d: {  	_ =	shalt  }
0x5e: {  	_ =	shalt  }
0x5f: {  	_ =	shalt  }
0x60: {  	_ =	shalt  }
0x61: {  	_ =	shalt  }
0x62: {  	_ =	shalt  }
0x63: {  	_ =	shalt  }
0x64: {  	_ =	shalt  }
0x65: {  	_ =	shalt  }
0x66: {  	_ =	shalt  }
0x67: {  	_ =	shalt  }
0x68: {  	_ =	shalt  }
0x69: {  	_ =	shalt  }
0x6a: {  	_ =	shalt  }
0x6b: {  	_ =	shalt  }
0x6c: {  	_ =	shalt  }
0x6d: {  	_ =	shalt  }
0x6e: {  	_ =	shalt  }
0x6f: {  	_ =	shalt  }
0x70: {  	_ =	shalt  }
0x71: {  	_ =	shalt  }
0x72: {  	_ =	shalt  }
0x73: {  	_ =	shalt  }
0x74: {  	_ =	shalt  }
0x75: {  	_ =	shalt  }
0x76: {  	_ =	shalt  }
0x77: {  	_ =	shalt  }
0x78: {  	_ =	shalt  }
0x79: {  	_ =	shalt  }
0x7a: {  	_ =	shalt  }
0x7b: {  	_ =	shalt  }
0x7c: {  	_ =	shalt  }
0x7d: {  	_ =	shalt  }
0x7e: {  	_ =	shalt  }
0x7f: {  	_ =	shalt  }
0x80: {  	_ =	shalt  }
0x81: {  	_ =	shalt  }
0x82: {  	_ =	shalt  }
0x83: {  	_ =	shalt  }
0x84: {  	_ =	shalt  }
0x85: {  	_ =	shalt  }
0x86: {  	_ =	shalt  }
0x87: {  	_ =	shalt  }
.Lfunc_end0:
.L_simem_size_0:
called_computation.2_lowered:
.L_overlay_start_0:
0x88: {  	s2 =	sld [smem:$0x3FD9]  }
0x89: {  	s3 =	sld [smem:$0x3FFE];
	_ =	sdelay $0x1  }
0x8a: {  	s1 =	srdreg.scid  }
0x8b: {  	s0 =	sand.u32 $0x1, s1  }
0x8c: {  	s16 =	sshll.u32 s0, $0xA;
	s2 =	sadd.s32 s3, s2  }
0x8d: {  	s2 =	sadd.s32 s2, s16  }
0x8e: {  	[smem:$0x3FBF] =	sst s2  }
0x8f: {  	_ = 	snop  }
0x90: {  	(tm) =	ssettm $0x1  }
0x91: {  	s17 =	sld [smem:$0x3FFB];
	_ =	sdelay $0x3  }
0x92: {  	_ =	strace s17  }
0x93: {  	s2 =	sld [smem:$0x3FFC];
	_ =	sdelay $0x3  }
0x94: {  	_ =	strace s2  }
0x95: {  	s2 =	sld [smem:$0x3FFD];
	_ =	sdelay $0x3  }
0x96: {  	_ =	strace s2  }
0x97: {  	_ =	strace $0x8FFFFFFF  }
0x98: {  	s18 =	sld [smem:$0x3FDB];
	_ =	sdelay $0x1  }
0x99: {  	s19 =	simm.s32 $_scs_section_size  }
0x9a: {  	s4 =	simm.s32 $_size__tile_overlayer_lowered;
	s5 =	simm.s32 $_tile_overlayer_lowered  }
0x9b: {  	s22 =	simm.s32 $0x1BFF;
	s21 =	sshll.u32 s5, $0x1;
	s2 =	sadd.s32 s19, s18  }
0x9c: {  	s6 =	simm.s32 $0x0;
	s20 =	sshll.u32 s4, $0x1;
	s4 =	sadd.s32 s21, s2  }
0x9d: {  	[timem:s6], [sflag:s22] =	dma.local [hbm:s4], s20  }
0x9e: {  	_ =	swait.ge [sflag:s22], s20  }
0x9f: {  	s3 =	ssub.s32 $0x0, s20;
	[sflag:s22] =	ssyncset.done $0x0  }
0xa0: {  	[sflag:s22] =	ssyncadd.s32 s3;
	_ =	sdelay $0x1  }
0xa1: {  	s23 =	simm.s32 $0x1B8B  }
0xa2: {  	_ =	swait.ge [sflag:s23], $0x1  }
0xa3: {  	[sflag:s23] =	ssyncset.done $0x0  }
0xa4: {  	s25 =	simm.s32 $0x1B8E;
	s24 =	sld [smem:$0x3FFE];
	[sflag:s23] =	ssyncadd.s32 $0xFFFFFFFF  }
0xa5: {  	s26 =	simm.s32 $execute0_lowered;
	[smem:$0x3FD2] =	sst s25  }
0xa6: {  	s4 =	sshll.u32 s26, $0x1;
	_ =	strace $0x8000004C;
	[dreg:$0x1] =	wrdreg $0xFFFFFFFF  }
0xa7: {  	s28 =	simm.s32 $_size_execute0_lowered;
	s2 =	sadd.s32 s2, s4;
	[dreg:$0x0] =	wrdreg $0x0  }
0xa8: {  	s4 =	sshll.u32 s28, $0x1;
	[dreg:$0x2] =	wrdreg s2  }
0xa9: {  	[dreg:$0x3] =	wrdreg s4  }
0xaa: {  	[dreg:$0x4] =	wrdreg $0xC0  }
0xab: {  	_ =	task [dreg:s6], $0x5FFFF  }
0xac: {  	[dreg:$0x1] =	wrdreg $0xFFFFFFFF  }
0xad: {  	[dreg:$0x0] =	wrdreg $0x60  }
0xae: {  	[dreg:$0x2] =	wrdreg s24  }
0xaf: {  	[dreg:$0x3] =	wrdreg $0xC0000  }
0xb0: {  	[dreg:$0x4] =	wrdreg $0x9  }
0xb1: {  	_ =	task.clear_ibuf [dreg:s6], $0x5FFFF;
	_ =	strace $0x9000004C  }
0xb2: {  	s29 =	simm.s32 $0x9;
	_ =	strace $0x8000004E  }
0xb3: {  	_ =	swait.ge [sflag:s29], $0x1  }
0xb4: {  	[sflag:s29] =	ssyncadd.s32 $0xFFFFFFFF  }
0xb5: {  	_ =	strace $0x9000004E  }
0xb6: {  	_ =	sfence  }
0xb7: {  	s30 =	sld [smem:$0x0];
	_ =	sdelay $0x2  }
0xb8: {  	s31 =	sshll.u32 s1, $0xD;
	s1 =	sshrl.u32 s1, $0x2  }
0xb9: {  	s3 =	sand.u32 $0x4000, s31;
	s1 =	sadd.s32 s1, s30  }
0xba: {  	s0 =	sor.u32 s3, s0;
	s1 =	sshll.u32 s1, $0x11  }
0xbb: {  	s0 =	sor.u32 s1, s0  }
0xbc: {  	s0 =	sadd.s32 $0x8F2B, s0  }
0xbd: {  	[sflag:s0] =	ssyncadd.remote.s32 $0x1  }
0xbe: {  	_ =	sfence.sel $0xFFFF  }
0xbf: {  	[dreg:$0x0] =	wrdreg $0xFFFFFFFF;
	(pc) =	sbr.abs _section_cstart, $3  }
0xc0: {  	[dreg:$0x1] =	wrdreg $0xFFFFFFFF  }
0xc1: {  	_ =	task.clear_ibuf [dreg:s6], $0x2FFFF;
	_ =	strace $0x9FFFFFFF  }
0xc2: {  	(tm) =	ssettm $0x7FFFFFFF  }
0xc3: {  	_ =	shalt  }
tec
execute0_lowered:
.L_overlay_start_1:
0x0: {  	(tag) =	ssettag $0x1  }
0x1: {  	s0 =	rddreg [dreg:$0x0]  }
0x2: {  	s1 =	rddreg [dreg:$0x1]  }
0x3: {  	s2 =	simm.s32 $0x0;
	s3 =	srdreg.scid;
	s6 =	stileid.u32  }
0x4: {  	s28 =	simm.s32 $0x4000;
	s29 =	simm.s32 $0x8000;
	s30 =	simm.s32 $0x1  }
0x5: {  	s31 =	simm.s32 $0x2;
	[smem:$0x7FF] =	sst s2;
	s8 =	smul.u32 $0x4F000, s6  }
0x6: {  	s3 =	sand.u32 $0x1, s3;
	s5 =	sadd.s32 $0xF400, s0;
	s10 =	smul.u32 $0x5000, s6  }
0x7: {  	s7 =	sadd.s32 $0x2000, s0;
	s9 =	sadd.s32 $0xC200, s0;
	s22 =	smul.u32 $0x4E000, s6  }
0x8: {  	s16 =	sshll.u32 s6, $0x6;
	s26 =	smul.u32 $0x2700, s6;
	p0 =	sne.s32 s6, $0x0  }
0x9: {  	s6 =	simm.s32 $0x3;
	s4 =	smul.u32 $0x27100, s3;
	s3 =	ssub.s32 $0x2, s3  }
0xa: {  	_ =	strace $0x8000004D;
	[dreg:$0x3] =	wrdreg s9;
	s14 =	sshrl.u32 s3, $0x1  }
0xb: {  	s15 =	sshrl.u32 s8, $0x2;
	s10 =	sshrl.u32 s10, $0x3;
	s24 =	sshrl.u32 s22, $0x2  }
0xc: {  	s0 =	sadd.s32 s4, s0;
	s3 =	ssub.s32 s3, s14;
	s8 =	sadd.s32 s15, s1  }
0xd: {  	s4 =	sor.u32 $0x1C04, s16;
	s17 =	sadd.s32 s5, s10;
	s18 =	sadd.s32 $0x200, s10  }
0xe: {  	s11 =	sadd.s32 s7, s10;
	s20 =	sadd.s32 $0x400, s10;
	s21 =	sadd.s32 $0x600, s10  }
0xf: {  	s10 =	sadd.s32 $0x800, s10;
	s25 =	sadd.s32 s24, s1;
	[dreg:$0x4] =	wrdreg s17  }
0x10: {  	[dreg:$0x5] =	wrdreg s11;
	s19 =	sadd.s32 s5, s18;
	s9 =	sadd.s32 s7, s18  }
0x11: {  	s12 =	sadd.s32 s5, s20;
	s11 =	sadd.s32 s7, s20;
	s13 =	sadd.s32 s5, s21  }
0x12: {  	s5 =	sadd.s32 s5, s10;
	s23 =	sadd.s32 s7, s10;
	[dreg:$0x6] =	wrdreg s19  }
0x13: {  	s16 =	sadd.s32 $0xB5800, s0;
	s17 =	smax.u32 s3, $0x1;
	[dreg:$0x7] =	wrdreg s9  }
0x14: {  	s18 =	sshrl.u32 s8, $0x3;
	s20 =	simm.s32 $0x1000;
	[dreg:$0x8] =	wrdreg s12  }
0x15: {  	s24 =	sshrl.u32 s25, $0x3;
	s3 =	simm.s32 $0x1F00;
	[dreg:$0x9] =	wrdreg s11  }
0x16: {  	s8 =	simm.s32 $0x3F00;
	s10 =	simm.s32 $0x3F80;
	[dreg:$0xa] =	wrdreg s13  }
0x17: {  	s9 =	sadd.s32 $0x19400, s0;
	s11 =	sadd.s32 s7, s21;
	[dreg:$0xc] =	wrdreg s5  }
0x18: {  	[dreg:$0xd] =	wrdreg s23;
	s7 =	sadd.s32 $0x138000, s1;
	s19 =	simm.s32 $0x4  }
0x19: {  	s21 =	simm.s32 $0x2000;
	s23 =	sadd.s32 s26, s16;
	s26 =	simm.s32 $0x80  }
0x1a: {  	s0 =	simm.s32 $0xF80;
	s5 =	simm.s32 $0x1F80;
	[dreg:$0xb] =	wrdreg s11  }
0x1b: {  	s25 =	sshrl.u32 @!p0 s7, $0x3;
	s7 =	simm.s32 $0x2F80;
	s11 =	simm.s32 $0x0  }
.LBB2_1:
0x1c: {  	s12 =	rddreg [dreg:$0x3]  }
0x1d: {  	[spmem:s18], [sflag:s4] =	dma.local [hbm:s12], $0x2780  }
0x1e: {  	_ =	swait.ge [sflag:s19], $0x2780  }
0x1f: {  	[sflag:s19] =	ssyncset.done $0x0  }
0x20: {  	[sflag:s19] =	ssyncadd.s32 $0xFFFFD880  }
0x21: {  	[bflag:$0x0] =	sbarrier.arrive $0xFFFF  }
0x22: {  	s13 =	rddreg [dreg:$0x4]  }
0x23: {  	[tilespmem:s2], [sflag:$0x4] =	stream.linear.gather [hbm4b:s13+s2], $0x1000, $0x38;
	[tilespmem:$0x1FC00] =	vst v63  }
0x24: {  	_ =	swait.ge [sflag:s19], $0x1000  }
0x25: {  	[sflag:s19] =	ssyncset.done $0x0  }
0x26: {  	s14 =	rddreg [dreg:$0x5];
	[sflag:s19] =	ssyncadd.s32 $0xFFFFF000  }
0x27: {  	[tilespmem:s20], [sflag:$0x4] =	stream.linear.gather [hbm4b:s14+s2], $0x1000, $0x38;
	[tilespmem:$0x1FC00] =	vst v63  }
0x28: {  	_ =	swait.ge [sflag:s19], $0x1000  }
0x29: {  	[sflag:s19] =	ssyncset.done $0x0  }
0x2a: {  	s15 =	rddreg [dreg:$0x6];
	[sflag:s19] =	ssyncadd.s32 $0xFFFFF000  }
0x2b: {  	[tilespmem:s21], [sflag:$0x3] =	stream.linear.gather [hbm4b:s15+s2], $0x1000, $0x38;
	[tilespmem:$0x1FC00] =	vst v63  }
0x2c: {  	s13 =	simm.s32 $0x3000;
	s22 =	rddreg [dreg:$0x7]  }
0x2d: {  	[tilespmem:s13], [sflag:$0x3] =	stream.linear.gather [hbm4b:s22+s2], $0x1000, $0x38;
	[tilespmem:$0x1FC00] =	vst v63  }
0x2e: {  	_ = 	snop  }
0x2f: {  	[tilespmem:s28], [sflag:$0x1] =	stream.indirect.gather [hbm4b:s9+s26], $0x80, s2, s26, $0xb8;
	[tilespmem:$0x1FC00] =	vst v63  }
0x30: {  	s13 =	simm.s32 $0x80  }
0x31: {  	[tilespmem:s29], [sflag:$0x2] =	stream.indirect.gather [hbm4b:s9+s26], $0x80, s13, s26, $0xb8;
	[tilespmem:$0x1FC00] =	vst v63  }
0x32: {  	_ =	swait.ge [sflag:s30], $0x4000  }
0x33: {  	[sflag:s30] =	ssyncset.done $0x0  }
0x34: {  	s14 =	simm.s32 $0x1000;
	[sflag:s30] =	ssyncadd.s32 $0xFFFFC000  }
0x35: {  	[spmem:s1] =	stream.indirect.scatter.add.f32 [tilespmem:s28], [sflag:$0x4], $0x80, s14, s26, $0xb8;
	[tilespmem:$0x1FC00] =	vst v63  }
0x36: {  	_ =	swait.ge [sflag:s19], $0x4000  }
0x37: {  	[sflag:s19] =	ssyncset.done $0x0  }
0x38: {  	s15 =	simm.s32 $0x100;
	[sflag:s19] =	ssyncadd.s32 $0xFFFFC000  }
0x39: {  	[tilespmem:s28], [sflag:$0x1] =	stream.indirect.gather [hbm4b:s9+s26], $0x80, s15, s26, $0xb8;
	[tilespmem:$0x1FC00] =	vst v63  }
0x3a: {  	_ =	swait.ge [sflag:s31], $0x4000  }
0x3b: {  	[sflag:s31] =	ssyncset.done $0x0  }
0x3c: {  	s22 =	simm.s32 $0x1080;
	[sflag:s31] =	ssyncadd.s32 $0xFFFFC000  }
0x3d: {  	[spmem:s1] =	stream.indirect.scatter.add.f32 [tilespmem:s29], [sflag:$0x4], $0x80, s22, s26, $0xb8;
	[tilespmem:$0x1FC00] =	vst v63  }
0x3e: {  	_ =	swait.ge [sflag:s19], $0x4000  }
0x3f: {  	s12 =	simm.s32 $0x100;
	s13 =	simm.s32 $0x800;
	[sflag:s19] =	ssyncset.done $0x0  }
.LBB2_2:
0x40: {  	s14 =	sadd.s32 $0x80, s12  }
0x41: {  	[sflag:s19] =	ssyncadd.s32 $0xFFFFC000;
	s15 =	smov.u32 s13;
	s22 =	sadd.s32 $0x400, s13  }
0x42: {  	[tilespmem:s29], [sflag:$0x2] =	stream.indirect.gather [hbm4b:s9+s26], $0x80, s14, s26, $0xb8;
	[tilespmem:$0x1FC00] =	vst v63  }
0x43: {  	p1 =	sne.s32 s13, $0x3800;
	_ =	swait.ge [sflag:s30], $0x4000  }
0x44: {  	[sflag:s30] =	ssyncset.done $0x0  }
0x45: {  	s13 =	sadd.s32 $0x1000, s12;
	[sflag:s30] =	ssyncadd.s32 $0xFFFFC000  }
0x46: {  	[spmem:s1] =	stream.indirect.scatter.add.f32 [tilespmem:s28], [sflag:$0x4], $0x80, s13, s26, $0xb8;
	[tilespmem:$0x1FC00] =	vst v63  }
0x47: {  	_ =	swait.ge [sflag:s19], $0x4000  }
0x48: {  	[sflag:s19] =	ssyncset.done $0x0  }
0x49: {  	s13 =	sadd.s32 $0x100, s12;
	[sflag:s19] =	ssyncadd.s32 $0xFFFFC000  }
0x4a: {  	[tilespmem:s28], [sflag:$0x1] =	stream.indirect.gather [hbm4b:s9+s26], $0x80, s13, s26, $0xb8;
	[tilespmem:$0x1FC00] =	vst v63  }
0x4b: {  	_ =	swait.ge [sflag:s31], $0x4000  }
.Ltmp0:
0x4c: {  	[sflag:s31] =	ssyncset.done $0x0;
	(pc) =	sbr.rel @p1 .LBB2_2-.Ltmp0, $4  }
0x4d: {  	s12 =	sadd.s32 $0x1080, s12;
	[sflag:s31] =	ssyncadd.s32 $0xFFFFC000  }
0x4e: {  	[spmem:s1] =	stream.indirect.scatter.add.f32 [tilespmem:s29], [sflag:$0x4], $0x80, s12, s26, $0xb8;
	[tilespmem:$0x1FC00] =	vst v63  }
0x4f: {  	_ =	swait.ge [sflag:s19], $0x4000  }
0x50: {  	s13 =	smov.u32 s22;
	s12 =	sshra.s32 s15, $0x2;
	[sflag:s19] =	ssyncset.done $0x0  }
0x51: {  	s13 =	sadd.s32 $0x80, s12;
	[sflag:s19] =	ssyncadd.s32 $0xFFFFC000  }
0x52: {  	[tilespmem:s29], [sflag:$0x2] =	stream.indirect.gather [hbm4b:s9+s26], $0x80, s13, s26, $0xb8;
	[tilespmem:$0x1FC00] =	vst v63  }
0x53: {  	_ =	swait.ge [sflag:s30], $0x4000  }
0x54: {  	[sflag:s30] =	ssyncset.done $0x0  }
0x55: {  	s15 =	sadd.s32 $0x1000, s12;
	[sflag:s30] =	ssyncadd.s32 $0xFFFFC000  }
0x56: {  	[spmem:s1] =	stream.indirect.scatter.add.f32 [tilespmem:s28], [sflag:$0x4], $0x80, s15, s26, $0xb8;
	[tilespmem:$0x1FC00] =	vst v63  }
0x57: {  	_ =	swait.ge [sflag:s19], $0x4000  }
0x58: {  	[sflag:s19] =	ssyncset.done $0x0  }
0x59: {  	s22 =	sadd.s32 $0x100, s12;
	[sflag:s19] =	ssyncadd.s32 $0xFFFFC000  }
0x5a: {  	[tilespmem:s28], [sflag:$0x1] =	stream.indirect.gather [hbm4b:s9+s26], $0x80, s22, s26, $0xb8;
	[tilespmem:$0x1FC00] =	vst v63  }
0x5b: {  	_ =	swait.ge [sflag:s31], $0x4000  }
0x5c: {  	[sflag:s31] =	ssyncset.done $0x0  }
0x5d: {  	s13 =	sadd.s32 $0x1080, s12;
	[sflag:s31] =	ssyncadd.s32 $0xFFFFC000  }
0x5e: {  	[spmem:s1] =	stream.indirect.scatter.add.f32 [tilespmem:s29], [sflag:$0x4], $0x80, s13, s26, $0xb8;
	[tilespmem:$0x1FC00] =	vst v63  }
0x5f: {  	_ =	swait.ge [sflag:s19], $0x4000  }
0x60: {  	[sflag:s19] =	ssyncset.done $0x0  }
0x61: {  	[sflag:s19] =	ssyncadd.s32 $0xFFFFC000  }
0x62: {  	[tilespmem:s29], [sflag:$0x2] =	stream.indirect.gather [hbm4b:s9+s26], $0x80, s0, s26, $0xb8;
	[tilespmem:$0x1FC00] =	vst v63  }
0x63: {  	_ =	swait.ge [sflag:s30], $0x4000  }
0x64: {  	[sflag:s30] =	ssyncset.done $0x0  }
0x65: {  	[sflag:s30] =	ssyncadd.s32 $0xFFFFC000  }
0x66: {  	[spmem:s1] =	stream.indirect.scatter.add.f32 [tilespmem:s28], [sflag:$0x4], $0x80, s3, s26, $0xb8;
	[tilespmem:$0x1FC00] =	vst v63  }
0x67: {  	_ =	swait.ge [sflag:s19], $0x4000  }
0x68: {  	[sflag:s19] =	ssyncset.done $0x0  }
0x69: {  	[sflag:s19] =	ssyncadd.s32 $0xFFFFC000  }
0x6a: {  	_ =	swait.ge [sflag:s31], $0x4000  }
0x6b: {  	[sflag:s31] =	ssyncset.done $0x0  }
0x6c: {  	[sflag:s31] =	ssyncadd.s32 $0xFFFFC000  }
0x6d: {  	[spmem:s1] =	stream.indirect.scatter.add.f32 [tilespmem:s29], [sflag:$0x4], $0x80, s5, s26, $0xb8;
	[tilespmem:$0x1FC00] =	vst v63  }
0x6e: {  	_ =	swait.ge [sflag:s19], $0x4000  }
0x6f: {  	[sflag:s19] =	ssyncset.done $0x0  }
0x70: {  	[sflag:s19] =	ssyncadd.s32 $0xFFFFC000  }
0x71: {  	_ =	swait.ge [sflag:s6], $0x1000  }
0x72: {  	[sflag:s6] =	ssyncset.done $0x0  }
0x73: {  	[sflag:s6] =	ssyncadd.s32 $0xFFFFF000  }
0x74: {  	_ =	swait.ge [sflag:s6], $0x1000  }
0x75: {  	[sflag:s6] =	ssyncset.done $0x0  }
0x76: {  	s14 =	simm.s32 $0x0;
	s15 =	rddreg [dreg:$0x8];
	[sflag:s6] =	ssyncadd.s32 $0xFFFFF000  }
0x77: {  	[tilespmem:s14], [sflag:$0x3] =	stream.linear.gather [hbm4b:s15+s14], $0x1000, $0x38;
	[tilespmem:$0x1FC00] =	vst v63  }
0x78: {  	s22 =	rddreg [dreg:$0x9]  }
0x79: {  	[tilespmem:s20], [sflag:$0x3] =	stream.linear.gather [hbm4b:s22+s14], $0x1000, $0x38;
	[tilespmem:$0x1FC00] =	vst v63  }
0x7a: {  	_ = 	snop  }
0x7b: {  	[tilespmem:s28], [sflag:$0x1] =	stream.indirect.gather [hbm4b:s9+s26], $0x80, s21, s26, $0xb8;
	[tilespmem:$0x1FC00] =	vst v63  }
0x7c: {  	s13 =	simm.s32 $0x2080  }
0x7d: {  	[tilespmem:s29], [sflag:$0x2] =	stream.indirect.gather [hbm4b:s9+s26], $0x80, s13, s26, $0xb8;
	[tilespmem:$0x1FC00] =	vst v63  }
0x7e: {  	_ =	swait.ge [sflag:s30], $0x4000  }
0x7f: {  	[sflag:s30] =	ssyncset.done $0x0  }
0x80: {  	s14 =	simm.s32 $0x3000;
	[sflag:s30] =	ssyncadd.s32 $0xFFFFC000  }
0x81: {  	[spmem:s1] =	stream.indirect.scatter.add.f32 [tilespmem:s28], [sflag:$0x4], $0x80, s14, s26, $0xb8;
	[tilespmem:$0x1FC00] =	vst v63  }
0x82: {  	_ =	swait.ge [sflag:s19], $0x4000  }
0x83: {  	[sflag:s19] =	ssyncset.done $0x0  }
0x84: {  	s15 =	simm.s32 $0x2100;
	[sflag:s19] =	ssyncadd.s32 $0xFFFFC000  }
0x85: {  	[tilespmem:s28], [sflag:$0x1] =	stream.indirect.gather [hbm4b:s9+s26], $0x80, s15, s26, $0xb8;
	[tilespmem:$0x1FC00] =	vst v63  }
0x86: {  	_ =	swait.ge [sflag:s31], $0x4000  }
0x87: {  	[sflag:s31] =	ssyncset.done $0x0  }
0x88: {  	s22 =	simm.s32 $0x3080;
	[sflag:s31] =	ssyncadd.s32 $0xFFFFC000  }
0x89: {  	[spmem:s1] =	stream.indirect.scatter.add.f32 [tilespmem:s29], [sflag:$0x4], $0x80, s22, s26, $0xb8;
	[tilespmem:$0x1FC00] =	vst v63  }
0x8a: {  	_ =	swait.ge [sflag:s19], $0x4000  }
0x8b: {  	s12 =	simm.s32 $0x100;
	s13 =	simm.s32 $0x800;
	[sflag:s19] =	ssyncset.done $0x0  }
.LBB2_4:
0x8c: {  	s14 =	sadd.s32 $0x2080, s12  }
0x8d: {  	[sflag:s19] =	ssyncadd.s32 $0xFFFFC000;
	s15 =	smov.u32 s13;
	s22 =	sadd.s32 $0x400, s13  }
0x8e: {  	[tilespmem:s29], [sflag:$0x2] =	stream.indirect.gather [hbm4b:s9+s26], $0x80, s14, s26, $0xb8;
	[tilespmem:$0x1FC00] =	vst v63  }
0x8f: {  	p1 =	sne.s32 s13, $0x3800;
	_ =	swait.ge [sflag:s30], $0x4000  }
0x90: {  	[sflag:s30] =	ssyncset.done $0x0  }
0x91: {  	s13 =	sadd.s32 $0x3000, s12;
	[sflag:s30] =	ssyncadd.s32 $0xFFFFC000  }
0x92: {  	[spmem:s1] =	stream.indirect.scatter.add.f32 [tilespmem:s28], [sflag:$0x4], $0x80, s13, s26, $0xb8;
	[tilespmem:$0x1FC00] =	vst v63  }
0x93: {  	_ =	swait.ge [sflag:s19], $0x4000  }
0x94: {  	[sflag:s19] =	ssyncset.done $0x0  }
0x95: {  	s13 =	sadd.s32 $0x2100, s12;
	[sflag:s19] =	ssyncadd.s32 $0xFFFFC000  }
0x96: {  	[tilespmem:s28], [sflag:$0x1] =	stream.indirect.gather [hbm4b:s9+s26], $0x80, s13, s26, $0xb8;
	[tilespmem:$0x1FC00] =	vst v63  }
0x97: {  	_ =	swait.ge [sflag:s31], $0x4000  }
.Ltmp1:
0x98: {  	[sflag:s31] =	ssyncset.done $0x0;
	(pc) =	sbr.rel @p1 .LBB2_4-.Ltmp1, $4  }
0x99: {  	s12 =	sadd.s32 $0x3080, s12;
	[sflag:s31] =	ssyncadd.s32 $0xFFFFC000  }
0x9a: {  	[spmem:s1] =	stream.indirect.scatter.add.f32 [tilespmem:s29], [sflag:$0x4], $0x80, s12, s26, $0xb8;
	[tilespmem:$0x1FC00] =	vst v63  }
0x9b: {  	_ =	swait.ge [sflag:s19], $0x4000  }
0x9c: {  	s13 =	smov.u32 s22;
	s12 =	sshra.s32 s15, $0x2;
	[sflag:s19] =	ssyncset.done $0x0  }
0x9d: {  	s13 =	sadd.s32 $0x2080, s12;
	[sflag:s19] =	ssyncadd.s32 $0xFFFFC000  }
0x9e: {  	[tilespmem:s29], [sflag:$0x2] =	stream.indirect.gather [hbm4b:s9+s26], $0x80, s13, s26, $0xb8;
	[tilespmem:$0x1FC00] =	vst v63  }
0x9f: {  	_ =	swait.ge [sflag:s30], $0x4000  }
0xa0: {  	[sflag:s30] =	ssyncset.done $0x0  }
0xa1: {  	s15 =	sadd.s32 $0x3000, s12;
	[sflag:s30] =	ssyncadd.s32 $0xFFFFC000  }
0xa2: {  	[spmem:s1] =	stream.indirect.scatter.add.f32 [tilespmem:s28], [sflag:$0x4], $0x80, s15, s26, $0xb8;
	[tilespmem:$0x1FC00] =	vst v63  }
0xa3: {  	_ =	swait.ge [sflag:s19], $0x4000  }
0xa4: {  	[sflag:s19] =	ssyncset.done $0x0  }
0xa5: {  	s22 =	sadd.s32 $0x2100, s12;
	[sflag:s19] =	ssyncadd.s32 $0xFFFFC000  }
0xa6: {  	[tilespmem:s28], [sflag:$0x1] =	stream.indirect.gather [hbm4b:s9+s26], $0x80, s22, s26, $0xb8;
	[tilespmem:$0x1FC00] =	vst v63  }
0xa7: {  	_ =	swait.ge [sflag:s31], $0x4000  }
0xa8: {  	[sflag:s31] =	ssyncset.done $0x0  }
0xa9: {  	s14 =	sadd.s32 $0x3080, s12;
	[sflag:s31] =	ssyncadd.s32 $0xFFFFC000  }
0xaa: {  	[spmem:s1] =	stream.indirect.scatter.add.f32 [tilespmem:s29], [sflag:$0x4], $0x80, s14, s26, $0xb8;
	[tilespmem:$0x1FC00] =	vst v63  }
0xab: {  	_ =	swait.ge [sflag:s19], $0x4000  }
0xac: {  	[sflag:s19] =	ssyncset.done $0x0  }
0xad: {  	[sflag:s19] =	ssyncadd.s32 $0xFFFFC000  }
0xae: {  	[tilespmem:s29], [sflag:$0x2] =	stream.indirect.gather [hbm4b:s9+s26], $0x80, s7, s26, $0xb8;
	[tilespmem:$0x1FC00] =	vst v63  }
0xaf: {  	_ =	swait.ge [sflag:s30], $0x4000  }
0xb0: {  	[sflag:s30] =	ssyncset.done $0x0  }
0xb1: {  	[sflag:s30] =	ssyncadd.s32 $0xFFFFC000  }
0xb2: {  	[spmem:s1] =	stream.indirect.scatter.add.f32 [tilespmem:s28], [sflag:$0x4], $0x80, s8, s26, $0xb8;
	[tilespmem:$0x1FC00] =	vst v63  }
0xb3: {  	_ =	swait.ge [sflag:s19], $0x4000  }
0xb4: {  	[sflag:s19] =	ssyncset.done $0x0  }
0xb5: {  	[sflag:s19] =	ssyncadd.s32 $0xFFFFC000  }
0xb6: {  	_ =	swait.ge [sflag:s31], $0x4000  }
0xb7: {  	[sflag:s31] =	ssyncset.done $0x0  }
0xb8: {  	[sflag:s31] =	ssyncadd.s32 $0xFFFFC000  }
0xb9: {  	[spmem:s1] =	stream.indirect.scatter.add.f32 [tilespmem:s29], [sflag:$0x4], $0x80, s10, s26, $0xb8;
	[tilespmem:$0x1FC00] =	vst v63  }
0xba: {  	_ =	swait.ge [sflag:s19], $0x4000  }
0xbb: {  	[sflag:s19] =	ssyncset.done $0x0  }
0xbc: {  	[sflag:s19] =	ssyncadd.s32 $0xFFFFC000  }
0xbd: {  	_ =	swait.ge [sflag:s6], $0x1000  }
0xbe: {  	[sflag:s6] =	ssyncset.done $0x0  }
0xbf: {  	[sflag:s6] =	ssyncadd.s32 $0xFFFFF000  }
0xc0: {  	_ =	swait.ge [sflag:s6], $0x1000  }
0xc1: {  	[sflag:s6] =	ssyncset.done $0x0  }
0xc2: {  	s12 =	simm.s32 $0x0;
	s15 =	rddreg [dreg:$0xa];
	[sflag:s6] =	ssyncadd.s32 $0xFFFFF000  }
0xc3: {  	[tilespmem:s21], [sflag:$0x3] =	stream.linear.gather [hbm4b:s15+s12], $0x1000, $0x38;
	[tilespmem:$0x1FC00] =	vst v63  }
0xc4: {  	s14 =	simm.s32 $0x3000;
	s22 =	rddreg [dreg:$0xb]  }
0xc5: {  	[tilespmem:s14], [sflag:$0x3] =	stream.linear.gather [hbm4b:s22+s12], $0x1000, $0x38;
	[tilespmem:$0x1FC00] =	vst v63  }
0xc6: {  	_ = 	snop  }
0xc7: {  	[tilespmem:s28], [sflag:$0x1] =	stream.indirect.gather [hbm4b:s9+s26], $0x80, s12, s26, $0xb8;
	[tilespmem:$0x1FC00] =	vst v63  }
0xc8: {  	s13 =	simm.s32 $0x80  }
0xc9: {  	[tilespmem:s29], [sflag:$0x2] =	stream.indirect.gather [hbm4b:s9+s26], $0x80, s13, s26, $0xb8;
	[tilespmem:$0x1FC00] =	vst v63  }
0xca: {  	_ =	swait.ge [sflag:s30], $0x4000  }
0xcb: {  	[sflag:s30] =	ssyncset.done $0x0  }
0xcc: {  	s14 =	simm.s32 $0x1000;
	[sflag:s30] =	ssyncadd.s32 $0xFFFFC000  }
0xcd: {  	[spmem:s1] =	stream.indirect.scatter.add.f32 [tilespmem:s28], [sflag:$0x4], $0x80, s14, s26, $0xb8;
	[tilespmem:$0x1FC00] =	vst v63  }
0xce: {  	_ =	swait.ge [sflag:s19], $0x4000  }
0xcf: {  	[sflag:s19] =	ssyncset.done $0x0  }
0xd0: {  	s15 =	simm.s32 $0x100;
	[sflag:s19] =	ssyncadd.s32 $0xFFFFC000  }
0xd1: {  	[tilespmem:s28], [sflag:$0x1] =	stream.indirect.gather [hbm4b:s9+s26], $0x80, s15, s26, $0xb8;
	[tilespmem:$0x1FC00] =	vst v63  }
0xd2: {  	_ =	swait.ge [sflag:s31], $0x4000  }
0xd3: {  	[sflag:s31] =	ssyncset.done $0x0  }
0xd4: {  	s22 =	simm.s32 $0x1080;
	[sflag:s31] =	ssyncadd.s32 $0xFFFFC000  }
0xd5: {  	[spmem:s1] =	stream.indirect.scatter.add.f32 [tilespmem:s29], [sflag:$0x4], $0x80, s22, s26, $0xb8;
	[tilespmem:$0x1FC00] =	vst v63  }
0xd6: {  	_ =	swait.ge [sflag:s19], $0x4000  }
0xd7: {  	s12 =	simm.s32 $0x100;
	s13 =	simm.s32 $0x800;
	[sflag:s19] =	ssyncset.done $0x0  }
.LBB2_6:
0xd8: {  	s14 =	sadd.s32 $0x80, s12  }
0xd9: {  	[sflag:s19] =	ssyncadd.s32 $0xFFFFC000;
	s15 =	smov.u32 s13;
	s22 =	sadd.s32 $0x400, s13  }
0xda: {  	[tilespmem:s29], [sflag:$0x2] =	stream.indirect.gather [hbm4b:s9+s26], $0x80, s14, s26, $0xb8;
	[tilespmem:$0x1FC00] =	vst v63  }
0xdb: {  	p1 =	sne.s32 s13, $0x3800;
	_ =	swait.ge [sflag:s30], $0x4000  }
0xdc: {  	[sflag:s30] =	ssyncset.done $0x0  }
0xdd: {  	s13 =	sadd.s32 $0x1000, s12;
	[sflag:s30] =	ssyncadd.s32 $0xFFFFC000  }
0xde: {  	[spmem:s1] =	stream.indirect.scatter.add.f32 [tilespmem:s28], [sflag:$0x4], $0x80, s13, s26, $0xb8;
	[tilespmem:$0x1FC00] =	vst v63  }
0xdf: {  	_ =	swait.ge [sflag:s19], $0x4000  }
0xe0: {  	[sflag:s19] =	ssyncset.done $0x0  }
0xe1: {  	s13 =	sadd.s32 $0x100, s12;
	[sflag:s19] =	ssyncadd.s32 $0xFFFFC000  }
0xe2: {  	[tilespmem:s28], [sflag:$0x1] =	stream.indirect.gather [hbm4b:s9+s26], $0x80, s13, s26, $0xb8;
	[tilespmem:$0x1FC00] =	vst v63  }
0xe3: {  	_ =	swait.ge [sflag:s31], $0x4000  }
.Ltmp2:
0xe4: {  	[sflag:s31] =	ssyncset.done $0x0;
	(pc) =	sbr.rel @p1 .LBB2_6-.Ltmp2, $4  }
0xe5: {  	s12 =	sadd.s32 $0x1080, s12;
	[sflag:s31] =	ssyncadd.s32 $0xFFFFC000  }
0xe6: {  	[spmem:s1] =	stream.indirect.scatter.add.f32 [tilespmem:s29], [sflag:$0x4], $0x80, s12, s26, $0xb8;
	[tilespmem:$0x1FC00] =	vst v63  }
0xe7: {  	_ =	swait.ge [sflag:s19], $0x4000  }
0xe8: {  	s13 =	smov.u32 s22;
	s12 =	sshra.s32 s15, $0x2;
	[sflag:s19] =	ssyncset.done $0x0  }
0xe9: {  	s13 =	sadd.s32 $0x80, s12;
	[sflag:s19] =	ssyncadd.s32 $0xFFFFC000  }
0xea: {  	[tilespmem:s29], [sflag:$0x2] =	stream.indirect.gather [hbm4b:s9+s26], $0x80, s13, s26, $0xb8;
	[tilespmem:$0x1FC00] =	vst v63  }
0xeb: {  	_ =	swait.ge [sflag:s30], $0x4000  }
0xec: {  	[sflag:s30] =	ssyncset.done $0x0  }
0xed: {  	s15 =	sadd.s32 $0x1000, s12;
	[sflag:s30] =	ssyncadd.s32 $0xFFFFC000  }
0xee: {  	[spmem:s1] =	stream.indirect.scatter.add.f32 [tilespmem:s28], [sflag:$0x4], $0x80, s15, s26, $0xb8;
	[tilespmem:$0x1FC00] =	vst v63  }
0xef: {  	_ =	swait.ge [sflag:s19], $0x4000  }
0xf0: {  	[sflag:s19] =	ssyncset.done $0x0  }
0xf1: {  	s22 =	sadd.s32 $0x100, s12;
	[sflag:s19] =	ssyncadd.s32 $0xFFFFC000  }
0xf2: {  	[tilespmem:s28], [sflag:$0x1] =	stream.indirect.gather [hbm4b:s9+s26], $0x80, s22, s26, $0xb8;
	[tilespmem:$0x1FC00] =	vst v63  }
0xf3: {  	_ =	swait.ge [sflag:s31], $0x4000  }
0xf4: {  	[sflag:s31] =	ssyncset.done $0x0  }
0xf5: {  	s13 =	sadd.s32 $0x1080, s12;
	[sflag:s31] =	ssyncadd.s32 $0xFFFFC000  }
0xf6: {  	[spmem:s1] =	stream.indirect.scatter.add.f32 [tilespmem:s29], [sflag:$0x4], $0x80, s13, s26, $0xb8;
	[tilespmem:$0x1FC00] =	vst v63  }
0xf7: {  	_ =	swait.ge [sflag:s19], $0x4000  }
0xf8: {  	[sflag:s19] =	ssyncset.done $0x0  }
0xf9: {  	[sflag:s19] =	ssyncadd.s32 $0xFFFFC000  }
0xfa: {  	[tilespmem:s29], [sflag:$0x2] =	stream.indirect.gather [hbm4b:s9+s26], $0x80, s0, s26, $0xb8;
	[tilespmem:$0x1FC00] =	vst v63  }
0xfb: {  	_ =	swait.ge [sflag:s30], $0x4000  }
0xfc: {  	[sflag:s30] =	ssyncset.done $0x0  }
0xfd: {  	[sflag:s30] =	ssyncadd.s32 $0xFFFFC000  }
0xfe: {  	[spmem:s1] =	stream.indirect.scatter.add.f32 [tilespmem:s28], [sflag:$0x4], $0x80, s3, s26, $0xb8;
	[tilespmem:$0x1FC00] =	vst v63  }
0xff: {  	_ =	swait.ge [sflag:s19], $0x4000  }
0x100: {  	[sflag:s19] =	ssyncset.done $0x0  }
0x101: {  	[sflag:s19] =	ssyncadd.s32 $0xFFFFC000  }
0x102: {  	_ =	swait.ge [sflag:s31], $0x4000  }
0x103: {  	[sflag:s31] =	ssyncset.done $0x0  }
0x104: {  	[sflag:s31] =	ssyncadd.s32 $0xFFFFC000  }
0x105: {  	[spmem:s1] =	stream.indirect.scatter.add.f32 [tilespmem:s29], [sflag:$0x4], $0x80, s5, s26, $0xb8;
	[tilespmem:$0x1FC00] =	vst v63  }
0x106: {  	_ =	swait.ge [sflag:s19], $0x4000  }
0x107: {  	[sflag:s19] =	ssyncset.done $0x0  }
0x108: {  	[sflag:s19] =	ssyncadd.s32 $0xFFFFC000  }
0x109: {  	_ =	swait.ge [sflag:s6], $0x1000  }
0x10a: {  	[sflag:s6] =	ssyncset.done $0x0  }
0x10b: {  	[sflag:s6] =	ssyncadd.s32 $0xFFFFF000  }
0x10c: {  	_ =	swait.ge [sflag:s6], $0x1000  }
0x10d: {  	[sflag:s6] =	ssyncset.done $0x0  }
0x10e: {  	s14 =	simm.s32 $0x0;
	s15 =	rddreg [dreg:$0xc];
	[sflag:s6] =	ssyncadd.s32 $0xFFFFF000  }
0x10f: {  	[tilespmem:s14], [sflag:$0x3] =	stream.linear.gather [hbm4b:s15+s14], $0x1000, $0x38;
	[tilespmem:$0x1FC00] =	vst v63  }
0x110: {  	s22 =	rddreg [dreg:$0xd]  }
0x111: {  	[tilespmem:s20], [sflag:$0x3] =	stream.linear.gather [hbm4b:s22+s14], $0x1000, $0x38;
	[tilespmem:$0x1FC00] =	vst v63  }
0x112: {  	_ = 	snop  }
0x113: {  	[tilespmem:s28], [sflag:$0x1] =	stream.indirect.gather [hbm4b:s9+s26], $0x80, s21, s26, $0xb8;
	[tilespmem:$0x1FC00] =	vst v63  }
0x114: {  	s13 =	simm.s32 $0x2080  }
0x115: {  	[tilespmem:s29], [sflag:$0x2] =	stream.indirect.gather [hbm4b:s9+s26], $0x80, s13, s26, $0xb8;
	[tilespmem:$0x1FC00] =	vst v63  }
0x116: {  	_ =	swait.ge [sflag:s30], $0x4000  }
0x117: {  	[sflag:s30] =	ssyncset.done $0x0  }
0x118: {  	s14 =	simm.s32 $0x3000;
	[sflag:s30] =	ssyncadd.s32 $0xFFFFC000  }
0x119: {  	[spmem:s1] =	stream.indirect.scatter.add.f32 [tilespmem:s28], [sflag:$0x4], $0x80, s14, s26, $0xb8;
	[tilespmem:$0x1FC00] =	vst v63  }
0x11a: {  	_ =	swait.ge [sflag:s19], $0x4000  }
0x11b: {  	[sflag:s19] =	ssyncset.done $0x0  }
0x11c: {  	s15 =	simm.s32 $0x2100;
	[sflag:s19] =	ssyncadd.s32 $0xFFFFC000  }
0x11d: {  	[tilespmem:s28], [sflag:$0x1] =	stream.indirect.gather [hbm4b:s9+s26], $0x80, s15, s26, $0xb8;
	[tilespmem:$0x1FC00] =	vst v63  }
0x11e: {  	_ =	swait.ge [sflag:s31], $0x4000  }
0x11f: {  	[sflag:s31] =	ssyncset.done $0x0  }
0x120: {  	s22 =	simm.s32 $0x3080;
	[sflag:s31] =	ssyncadd.s32 $0xFFFFC000  }
0x121: {  	[spmem:s1] =	stream.indirect.scatter.add.f32 [tilespmem:s29], [sflag:$0x4], $0x80, s22, s26, $0xb8;
	[tilespmem:$0x1FC00] =	vst v63  }
0x122: {  	_ =	swait.ge [sflag:s19], $0x4000  }
0x123: {  	s12 =	simm.s32 $0x100;
	s13 =	simm.s32 $0x800;
	[sflag:s19] =	ssyncset.done $0x0  }
.LBB2_8:
0x124: {  	s14 =	sadd.s32 $0x2080, s12  }
0x125: {  	[sflag:s19] =	ssyncadd.s32 $0xFFFFC000;
	s15 =	smov.u32 s13;
	s22 =	sadd.s32 $0x400, s13  }
0x126: {  	[tilespmem:s29], [sflag:$0x2] =	stream.indirect.gather [hbm4b:s9+s26], $0x80, s14, s26, $0xb8;
	[tilespmem:$0x1FC00] =	vst v63  }
0x127: {  	p1 =	sne.s32 s13, $0x3800;
	_ =	swait.ge [sflag:s30], $0x4000  }
0x128: {  	[sflag:s30] =	ssyncset.done $0x0  }
0x129: {  	s13 =	sadd.s32 $0x3000, s12;
	[sflag:s30] =	ssyncadd.s32 $0xFFFFC000  }
0x12a: {  	[spmem:s1] =	stream.indirect.scatter.add.f32 [tilespmem:s28], [sflag:$0x4], $0x80, s13, s26, $0xb8;
	[tilespmem:$0x1FC00] =	vst v63  }
0x12b: {  	_ =	swait.ge [sflag:s19], $0x4000  }
0x12c: {  	[sflag:s19] =	ssyncset.done $0x0  }
0x12d: {  	s13 =	sadd.s32 $0x2100, s12;
	[sflag:s19] =	ssyncadd.s32 $0xFFFFC000  }
0x12e: {  	[tilespmem:s28], [sflag:$0x1] =	stream.indirect.gather [hbm4b:s9+s26], $0x80, s13, s26, $0xb8;
	[tilespmem:$0x1FC00] =	vst v63  }
0x12f: {  	_ =	swait.ge [sflag:s31], $0x4000  }
.Ltmp3:
0x130: {  	[sflag:s31] =	ssyncset.done $0x0;
	(pc) =	sbr.rel @p1 .LBB2_8-.Ltmp3, $4  }
0x131: {  	s12 =	sadd.s32 $0x3080, s12;
	[sflag:s31] =	ssyncadd.s32 $0xFFFFC000  }
0x132: {  	[spmem:s1] =	stream.indirect.scatter.add.f32 [tilespmem:s29], [sflag:$0x4], $0x80, s12, s26, $0xb8;
	[tilespmem:$0x1FC00] =	vst v63  }
0x133: {  	_ =	swait.ge [sflag:s19], $0x4000  }
0x134: {  	s13 =	smov.u32 s22;
	s12 =	sshra.s32 s15, $0x2;
	[sflag:s19] =	ssyncset.done $0x0  }
0x135: {  	s13 =	sadd.s32 $0x2080, s12;
	[sflag:s19] =	ssyncadd.s32 $0xFFFFC000  }
0x136: {  	[tilespmem:s29], [sflag:$0x2] =	stream.indirect.gather [hbm4b:s9+s26], $0x80, s13, s26, $0xb8;
	[tilespmem:$0x1FC00] =	vst v63  }
0x137: {  	_ =	swait.ge [sflag:s30], $0x4000  }
0x138: {  	[sflag:s30] =	ssyncset.done $0x0  }
0x139: {  	s22 =	sadd.s32 $0x3000, s12;
	[sflag:s30] =	ssyncadd.s32 $0xFFFFC000  }
0x13a: {  	[spmem:s1] =	stream.indirect.scatter.add.f32 [tilespmem:s28], [sflag:$0x4], $0x80, s22, s26, $0xb8;
	[tilespmem:$0x1FC00] =	vst v63  }
0x13b: {  	_ =	swait.ge [sflag:s19], $0x4000  }
0x13c: {  	[sflag:s19] =	ssyncset.done $0x0  }
0x13d: {  	s14 =	sadd.s32 $0x2100, s12;
	[sflag:s19] =	ssyncadd.s32 $0xFFFFC000  }
0x13e: {  	[tilespmem:s28], [sflag:$0x1] =	stream.indirect.gather [hbm4b:s9+s26], $0x80, s14, s26, $0xb8;
	[tilespmem:$0x1FC00] =	vst v63  }
0x13f: {  	_ =	swait.ge [sflag:s31], $0x4000  }
0x140: {  	[sflag:s31] =	ssyncset.done $0x0  }
0x141: {  	s15 =	sadd.s32 $0x3080, s12;
	[sflag:s31] =	ssyncadd.s32 $0xFFFFC000  }
0x142: {  	[spmem:s1] =	stream.indirect.scatter.add.f32 [tilespmem:s29], [sflag:$0x4], $0x80, s15, s26, $0xb8;
	[tilespmem:$0x1FC00] =	vst v63  }
0x143: {  	_ =	swait.ge [sflag:s19], $0x4000  }
0x144: {  	[sflag:s19] =	ssyncset.done $0x0  }
0x145: {  	[sflag:s19] =	ssyncadd.s32 $0xFFFFC000  }
0x146: {  	[tilespmem:s29], [sflag:$0x2] =	stream.indirect.gather [hbm4b:s9+s26], $0x80, s7, s26, $0xb8;
	[tilespmem:$0x1FC00] =	vst v63  }
0x147: {  	_ =	swait.ge [sflag:s30], $0x4000  }
0x148: {  	[sflag:s30] =	ssyncset.done $0x0  }
0x149: {  	[sflag:s30] =	ssyncadd.s32 $0xFFFFC000  }
0x14a: {  	[spmem:s1] =	stream.indirect.scatter.add.f32 [tilespmem:s28], [sflag:$0x4], $0x80, s8, s26, $0xb8;
	[tilespmem:$0x1FC00] =	vst v63  }
0x14b: {  	_ =	swait.ge [sflag:s19], $0x4000  }
0x14c: {  	[sflag:s19] =	ssyncset.done $0x0  }
0x14d: {  	[sflag:s19] =	ssyncadd.s32 $0xFFFFC000  }
0x14e: {  	_ =	swait.ge [sflag:s31], $0x4000  }
0x14f: {  	[sflag:s31] =	ssyncset.done $0x0  }
0x150: {  	[sflag:s31] =	ssyncadd.s32 $0xFFFFC000  }
0x151: {  	[spmem:s1] =	stream.indirect.scatter.add.f32 [tilespmem:s29], [sflag:$0x4], $0x80, s10, s26, $0xb8;
	[tilespmem:$0x1FC00] =	vst v63  }
0x152: {  	_ =	swait.ge [sflag:s19], $0x4000  }
0x153: {  	[sflag:s19] =	ssyncset.done $0x0  }
0x154: {  	[sflag:s19] =	ssyncadd.s32 $0xFFFFC000  }
0x155: {  	_ =	swait.ge [sflag:s6], $0x1000  }
0x156: {  	[sflag:s6] =	ssyncset.done $0x0  }
0x157: {  	[sflag:s6] =	ssyncadd.s32 $0xFFFFF000  }
0x158: {  	_ =	swait.ge [sflag:s6], $0x1000  }
0x159: {  	[sflag:s6] =	ssyncset.done $0x0  }
0x15a: {  	s22 =	simm.s32 $0x0;
	[sflag:s6] =	ssyncadd.s32 $0xFFFFF000  }
0x15b: {  	[tilespmem:s28], [sflag:$0x1] =	stream.indirect.gather [hbm4b:s9+s26], $0x80, s22, s26, $0xb8;
	[tilespmem:$0x1FC00] =	vst v63  }
0x15c: {  	s13 =	simm.s32 $0x80  }
0x15d: {  	[tilespmem:s29], [sflag:$0x2] =	stream.indirect.gather [hbm4b:s9+s26], $0x80, s13, s26, $0xb8;
	[tilespmem:$0x1FC00] =	vst v63  }
0x15e: {  	_ =	swait.ge [sflag:s30], $0x4000  }
0x15f: {  	[sflag:s30] =	ssyncset.done $0x0  }
0x160: {  	s14 =	simm.s32 $0x1000;
	[sflag:s30] =	ssyncadd.s32 $0xFFFFC000  }
0x161: {  	[spmem:s1] =	stream.indirect.scatter.add.f32 [tilespmem:s28], [sflag:$0x4], $0x80, s14, s26, $0xb8;
	[tilespmem:$0x1FC00] =	vst v63  }
0x162: {  	_ =	swait.ge [sflag:s19], $0x4000  }
0x163: {  	[sflag:s19] =	ssyncset.done $0x0  }
0x164: {  	s15 =	simm.s32 $0x100;
	[sflag:s19] =	ssyncadd.s32 $0xFFFFC000  }
0x165: {  	[tilespmem:s28], [sflag:$0x1] =	stream.indirect.gather [hbm4b:s9+s26], $0x80, s15, s26, $0xb8;
	[tilespmem:$0x1FC00] =	vst v63  }
0x166: {  	_ =	swait.ge [sflag:s31], $0x4000  }
0x167: {  	[sflag:s31] =	ssyncset.done $0x0  }
0x168: {  	s22 =	simm.s32 $0x1080;
	[sflag:s31] =	ssyncadd.s32 $0xFFFFC000  }
0x169: {  	[spmem:s1] =	stream.indirect.scatter.add.f32 [tilespmem:s29], [sflag:$0x4], $0x80, s22, s26, $0xb8;
	[tilespmem:$0x1FC00] =	vst v63  }
0x16a: {  	_ =	swait.ge [sflag:s19], $0x4000  }
0x16b: {  	s12 =	simm.s32 $0x100;
	s13 =	simm.s32 $0x800;
	[sflag:s19] =	ssyncset.done $0x0  }
.LBB2_10:
0x16c: {  	s14 =	sadd.s32 $0x80, s12  }
0x16d: {  	[sflag:s19] =	ssyncadd.s32 $0xFFFFC000;
	s15 =	smov.u32 s13;
	s22 =	sadd.s32 $0x400, s13  }
0x16e: {  	[tilespmem:s29], [sflag:$0x2] =	stream.indirect.gather [hbm4b:s9+s26], $0x80, s14, s26, $0xb8;
	[tilespmem:$0x1FC00] =	vst v63  }
0x16f: {  	p1 =	sne.s32 s13, $0x3800;
	_ =	swait.ge [sflag:s30], $0x4000  }
0x170: {  	[sflag:s30] =	ssyncset.done $0x0  }
0x171: {  	s13 =	sadd.s32 $0x1000, s12;
	[sflag:s30] =	ssyncadd.s32 $0xFFFFC000  }
0x172: {  	[spmem:s1] =	stream.indirect.scatter.add.f32 [tilespmem:s28], [sflag:$0x4], $0x80, s13, s26, $0xb8;
	[tilespmem:$0x1FC00] =	vst v63  }
0x173: {  	_ =	swait.ge [sflag:s19], $0x4000  }
0x174: {  	[sflag:s19] =	ssyncset.done $0x0  }
0x175: {  	s13 =	sadd.s32 $0x100, s12;
	[sflag:s19] =	ssyncadd.s32 $0xFFFFC000  }
0x176: {  	[tilespmem:s28], [sflag:$0x1] =	stream.indirect.gather [hbm4b:s9+s26], $0x80, s13, s26, $0xb8;
	[tilespmem:$0x1FC00] =	vst v63  }
0x177: {  	_ =	swait.ge [sflag:s31], $0x4000  }
.Ltmp4:
0x178: {  	[sflag:s31] =	ssyncset.done $0x0;
	(pc) =	sbr.rel @p1 .LBB2_10-.Ltmp4, $4  }
0x179: {  	s12 =	sadd.s32 $0x1080, s12;
	[sflag:s31] =	ssyncadd.s32 $0xFFFFC000  }
0x17a: {  	[spmem:s1] =	stream.indirect.scatter.add.f32 [tilespmem:s29], [sflag:$0x4], $0x80, s12, s26, $0xb8;
	[tilespmem:$0x1FC00] =	vst v63  }
0x17b: {  	_ =	swait.ge [sflag:s19], $0x4000  }
0x17c: {  	s13 =	smov.u32 s22;
	s12 =	sshra.s32 s15, $0x2;
	[sflag:s19] =	ssyncset.done $0x0  }
0x17d: {  	s13 =	sadd.s32 $0x80, s12;
	[sflag:s19] =	ssyncadd.s32 $0xFFFFC000  }
0x17e: {  	[tilespmem:s29], [sflag:$0x2] =	stream.indirect.gather [hbm4b:s9+s26], $0x80, s13, s26, $0xb8;
	[tilespmem:$0x1FC00] =	vst v63  }
0x17f: {  	_ =	swait.ge [sflag:s30], $0x4000  }
0x180: {  	[sflag:s30] =	ssyncset.done $0x0  }
0x181: {  	s14 =	sadd.s32 $0x1000, s12;
	[sflag:s30] =	ssyncadd.s32 $0xFFFFC000  }
0x182: {  	[spmem:s1] =	stream.indirect.scatter.add.f32 [tilespmem:s28], [sflag:$0x4], $0x80, s14, s26, $0xb8;
	[tilespmem:$0x1FC00] =	vst v63  }
0x183: {  	_ =	swait.ge [sflag:s19], $0x4000  }
0x184: {  	[sflag:s19] =	ssyncset.done $0x0  }
0x185: {  	s15 =	sadd.s32 $0x100, s12;
	[sflag:s19] =	ssyncadd.s32 $0xFFFFC000  }
0x186: {  	[tilespmem:s28], [sflag:$0x1] =	stream.indirect.gather [hbm4b:s9+s26], $0x80, s15, s26, $0xb8;
	[tilespmem:$0x1FC00] =	vst v63  }
0x187: {  	_ =	swait.ge [sflag:s31], $0x4000  }
0x188: {  	[sflag:s31] =	ssyncset.done $0x0  }
0x189: {  	s22 =	sadd.s32 $0x1080, s12;
	[sflag:s31] =	ssyncadd.s32 $0xFFFFC000  }
0x18a: {  	[spmem:s1] =	stream.indirect.scatter.add.f32 [tilespmem:s29], [sflag:$0x4], $0x80, s22, s26, $0xb8;
	[tilespmem:$0x1FC00] =	vst v63  }
0x18b: {  	_ =	swait.ge [sflag:s19], $0x4000  }
0x18c: {  	[sflag:s19] =	ssyncset.done $0x0  }
0x18d: {  	[sflag:s19] =	ssyncadd.s32 $0xFFFFC000  }
0x18e: {  	[tilespmem:s29], [sflag:$0x2] =	stream.indirect.gather [hbm4b:s9+s26], $0x80, s0, s26, $0xb8;
	[tilespmem:$0x1FC00] =	vst v63  }
0x18f: {  	_ =	swait.ge [sflag:s30], $0x4000  }
0x190: {  	[sflag:s30] =	ssyncset.done $0x0  }
0x191: {  	[sflag:s30] =	ssyncadd.s32 $0xFFFFC000  }
0x192: {  	[spmem:s1] =	stream.indirect.scatter.add.f32 [tilespmem:s28], [sflag:$0x4], $0x80, s3, s26, $0xb8;
	[tilespmem:$0x1FC00] =	vst v63  }
0x193: {  	_ =	swait.ge [sflag:s19], $0x4000  }
0x194: {  	[sflag:s19] =	ssyncset.done $0x0  }
0x195: {  	[sflag:s19] =	ssyncadd.s32 $0xFFFFC000  }
0x196: {  	_ =	swait.ge [sflag:s31], $0x4000  }
0x197: {  	[sflag:s31] =	ssyncset.done $0x0  }
0x198: {  	[sflag:s31] =	ssyncadd.s32 $0xFFFFC000  }
0x199: {  	[spmem:s1] =	stream.indirect.scatter.add.f32 [tilespmem:s29], [sflag:$0x4], $0x80, s5, s26, $0xb8;
	[tilespmem:$0x1FC00] =	vst v63  }
0x19a: {  	_ =	swait.ge [sflag:s19], $0x4000  }
0x19b: {  	[sflag:s19] =	ssyncset.done $0x0  }
0x19c: {  	[sflag:s19] =	ssyncadd.s32 $0xFFFFC000  }
0x19d: {  	[bflag:$0x0] =	sbarrier.arrive $0xFFFF  }
0x19e: {  	[hbm:s23], [sflag:s4] =	dma.local [spmem:s24], $0x2700  }
0x19f: {  	_ =	swait.ge [sflag:s19], $0x2700  }
0x1a0: {  	s11 =	sadd.s32 $0x1, s11;
	[sflag:s19] =	ssyncset.done $0x0  }
0x1a1: {  	s12 =	sadd.s32 @!p0 $0x27000, s16;
	p1 =	sne.s32 s11, s17;
	[sflag:s19] =	ssyncadd.s32 $0xFFFFD900  }
0x1a2: {  	[hbm:s12], [sflag:s4] =	dma.local @!p0 [spmem:s25], $0x100  }
.Ltmp5:
0x1a3: {  	_ = 	snop;
	(pc) =	sbr.rel @p1 .LBB2_1-.Ltmp5, $4  }
0x1a4: {  	s12 =	simm.s32 @!p0 $0x4  }
0x1a5: {  	_ =	swait.ge @!p0 [sflag:s12], $0x100  }
0x1a6: {  	[sflag:s12] =	ssyncset.done @!p0 $0x0  }
0x1a7: {  	[sflag:s12] =	ssyncadd.s32 @!p0 $0xFFFFFF00  }
0x1a8: {  	_ =	sfence.sel $0x180000  }
0x1a9: {  	[bflag:$0x0] =	sbarrier.arrive $0xFFFF  }
0x1aa: {  	_ =	strace $0x9000004D  }
0x1ab: {  	[bflag:$0x2] =	sbarrier.arrive $0xFFFF  }
0x1ac: {  	s0 =	rddreg [dreg:$0x2]  }
0x1ad: {  	s0 =	sadd.s32 @!p0 $0x100000, s0  }
0x1ae: {  	[sflag:s0] =	ssyncadd.tile.s32 @!p0 $0x1;
	_ =	shalt  }
.Lfunc_end2:
_tile_overlayer_lowered:
.L_overlay_start_2:
0x1af: {  	(tag) =	ssettag $0x2  }
0x1b0: {  	s0 =	rddreg [dreg:$0x0];
	s2 =	stileid.u32  }
0x1b1: {  	s1 =	rddreg [dreg:$0x1];
	p0 =	sne.s32 s2, $0x0  }
0x1b2: {  	s3 =	rddreg [dreg:$0x2];
	[bflag:$0x3] =	sbarrier.arrive $0xFFFF;
	s2 =	simm.s32 @!p0 $0x1C04  }
0x1b3: {  	[timem:s3], [sflag:s2] =	dma.local @!p0 [hbm:s0], s1  }
0x1b4: {  	s0 =	simm.s32 @!p0 $0x4  }
0x1b5: {  	_ =	swait.ge @!p0 [sflag:s0], s1  }
0x1b6: {  	s1 =	ssub.s32 @!p0 $0x0, s1;
	[sflag:s0] =	ssyncset.done @!p0 $0x0  }
0x1b7: {  	[sflag:s0] =	ssyncadd.s32 @!p0 s1  }
0x1b8: {  	[bflag:$0x3] =	sbarrier.arrive $0xFFFF  }
0x1b9: {  	_ =	shalt  }

// kernel: kernel.8.cloned.1.call-start
scs
__scs_entry_jumppad:
0x0: {  	(pc) =	sbr.rel $0x88, $3  }
0x1: {  	(tag) =	ssettag $0x0;
	lr =	simm.s32 $0x1  }
0x2: {  	[smem:$0x3F98] =	sst lr;
	_ =	strace $0xD0000000  }
0x3: {  	_ = 	snop  }
0x4: {  	_ = 	snop  }
0x5: {  	_ = 	snop  }
0x6: {  	_ = 	snop  }
0x7: {  	_ = 	snop  }
__scs_overlays_trampoline_lowered:
0x8: {  	[smem:$0x3FA7] =	sst s0  }
0x9: {  	[smem:$0x3FA8] =	sst s1  }
0xa: {  	[smem:$0x3FA9] =	sst s2  }
0xb: {  	[smem:$0x3FAA] =	sst s3  }
0xc: {  	[smem:$0x3FAB] =	sst s4  }
0xd: {  	[smem:$0x3FAC] =	sst s5  }
0xe: {  	[smem:$0x3FAD] =	sst s6  }
0xf: {  	[smem:$0x3FAE] =	sst s7  }
0x10: {  	[smem:$0x3FAF] =	sst s8  }
0x11: {  	[smem:$0x3FB0] =	sst s9;
	s0 =	simm.s32 @!p0 $0x0  }
0x12: {  	s1 =	sld [smem:$0x3F96];
	s0 =	simm.s32 @p0 $0x1  }
0x13: {  	[smem:$0x3FB1] =	sst s0;
	s0 =	simm.s32 @!p1 $0x0  }
0x14: {  	s2 =	sld [smem:$0x3F95];
	s0 =	simm.s32 @p1 $0x1  }
0x15: {  	[smem:$0x3FB2] =	sst s0;
	s0 =	simm.s32 @!p2 $0x0  }
0x16: {  	s3 =	sld [smem:$0x3FDB];
	s0 =	simm.s32 @p2 $0x1  }
0x17: {  	s4 =	simm.s32 $0x1BF5;
	[smem:$0x3FB4] =	sst s0  }
0x18: {  	s0 =	sld [smem:$0x3F97];
	_ =	swait.ge [sflag:s4], $0x0  }
0x19: {  	s7 =	sld [smem:$0x3F98]  }
0x1a: {  	s8 =	sadd.s32 $0xFFFFE003, lr  }
0x1b: {  	s9 =	sadd.s32 $0xFFFFFEF7, lr;
	s5 =	simm.s32 $0xFFFFFFFF;
	p2 =	slt.u32 s8, $0xFFFFF086  }
0x1c: {  	p1 =	slt.u32 s9, $0xF7A;
	s5 =	simm.s32 @!p2 $0x0  }
0x1d: {  	s5 =	simm.s32 @p1 $0x1;
	p0 =	seq.s32 s7, s2  }
0x1e: {  	s7 =	smul.u32 @!p0 $0xF7A, s2;
	p2 =	seq.s32 @!p0 s5, $0x0  }
0x1f: {  	s9 =	smul.u32 $0xF7A, s1;
	s8 =	simm.s32 @!p0 $0x1BF5;
	p2 =	por !p2, p0  }
0x20: {  	[sflag:s8] =	ssyncset.s32 @!p0 $0xFFFFF086;
	s6 =	sadd.s32 @!p0 s3, s7;
	s7 =	simm.s32 @!p0 $0x108  }
0x21: {  	s3 =	sadd.s32 s3, s9;
	s6 =	sadd.s32 @!p0 $0x88, s6;
	s7 =	simm.s32 @p2 $0x1082  }
0x22: {  	[simem:s7], [sflag:s8] =	dma.local @!p0 [hbm:s6], $0xF7A  }
0x23: {  	s9 =	sor.u32 $0xD0000000, s2;
	s6 =	simm.s32 $0x108;
	_ =	swait.ge @!p0 [sflag:s8], $0x0  }
0x24: {  	s3 =	sadd.s32 $0x88, s3;
	s6 =	simm.s32 @!p1 $0x1082;
	[sflag:s4] =	ssyncset.s32 $0xFFFFF086  }
0x25: {  	[simem:s6], [sflag:s4] =	dma.local [hbm:s3], $0xF7A  }
0x26: {  	[smem:$0x3F98] =	sst s1;
	(tag) =	ssettag s2;
	_ =	strace s9  }
0x27: {  	s1 =	sld [smem:$0x3FA8]  }
0x28: {  	s2 =	sld [smem:$0x3FA9]  }
0x29: {  	s4 =	sld [smem:$0x3FAB]  }
0x2a: {  	p0 =	seq.s32 s5, $0x0;
	s5 =	sld [smem:$0x3FAC]  }
0x2b: {  	s6 =	sld [smem:$0x3FAD]  }
0x2c: {  	s7 =	sld [smem:$0x3FAE]  }
0x2d: {  	s3 =	simm.s32 $0x108;
	s8 =	sld [smem:$0x3FAF]  }
0x2e: {  	s3 =	simm.s32 @!p0 $0x1082;
	s9 =	sld [smem:$0x3FB0]  }
0x2f: {  	lr =	sadd.s32 s0, s3;
	s0 =	sld [smem:$0x3FA7]  }
0x30: {  	s3 =	sld [smem:$0x3FAA]  }
0x31: {  	[smem:$0x3FB3] =	sst s10  }
0x32: {  	s10 =	sld [smem:$0x3FB1];
	_ =	sdelay $0x3  }
0x33: {  	p0 =	seq.s32 s10, $0x1;
	s10 =	sld [smem:$0x3FB3];
	_ =	sdelay $0x3  }
0x34: {  	[smem:$0x3FB3] =	sst s10  }
0x35: {  	s10 =	sld [smem:$0x3FB2];
	_ =	sdelay $0x3  }
0x36: {  	p1 =	seq.s32 s10, $0x1;
	s10 =	sld [smem:$0x3FB3];
	_ =	sdelay $0x3  }
0x37: {  	[smem:$0x3FB3] =	sst s10  }
0x38: {  	s10 =	sld [smem:$0x3FB4]  }
0x39: {  	_ = 	snop;
	(pc) =	sbr.ind lr, $3  }
0x3a: {  	_ = 	snop  }
0x3b: {  	_ = 	snop  }
0x3c: {  	p2 =	seq.s32 s10, $0x1;
	s10 =	sld [smem:$0x3FB3]  }
0x3d: {  	_ =	shalt  }
0x3e: {  	_ =	shalt  }
0x3f: {  	_ =	shalt  }
0x40: {  	_ =	shalt  }
0x41: {  	_ =	shalt  }
0x42: {  	_ =	shalt  }
0x43: {  	_ =	shalt  }
0x44: {  	_ =	shalt  }
0x45: {  	_ =	shalt  }
0x46: {  	_ =	shalt  }
0x47: {  	_ =	shalt  }
0x48: {  	_ =	shalt  }
0x49: {  	_ =	shalt  }
0x4a: {  	_ =	shalt  }
0x4b: {  	_ =	shalt  }
0x4c: {  	_ =	shalt  }
0x4d: {  	_ =	shalt  }
0x4e: {  	_ =	shalt  }
0x4f: {  	_ =	shalt  }
0x50: {  	_ =	shalt  }
0x51: {  	_ =	shalt  }
0x52: {  	_ =	shalt  }
0x53: {  	_ =	shalt  }
0x54: {  	_ =	shalt  }
0x55: {  	_ =	shalt  }
0x56: {  	_ =	shalt  }
0x57: {  	_ =	shalt  }
0x58: {  	_ =	shalt  }
0x59: {  	_ =	shalt  }
0x5a: {  	_ =	shalt  }
0x5b: {  	_ =	shalt  }
0x5c: {  	_ =	shalt  }
0x5d: {  	_ =	shalt  }
0x5e: {  	_ =	shalt  }
0x5f: {  	_ =	shalt  }
0x60: {  	_ =	shalt  }
0x61: {  	_ =	shalt  }
0x62: {  	_ =	shalt  }
0x63: {  	_ =	shalt  }
0x64: {  	_ =	shalt  }
0x65: {  	_ =	shalt  }
0x66: {  	_ =	shalt  }
0x67: {  	_ =	shalt  }
0x68: {  	_ =	shalt  }
0x69: {  	_ =	shalt  }
0x6a: {  	_ =	shalt  }
0x6b: {  	_ =	shalt  }
0x6c: {  	_ =	shalt  }
0x6d: {  	_ =	shalt  }
0x6e: {  	_ =	shalt  }
0x6f: {  	_ =	shalt  }
0x70: {  	_ =	shalt  }
0x71: {  	_ =	shalt  }
0x72: {  	_ =	shalt  }
0x73: {  	_ =	shalt  }
0x74: {  	_ =	shalt  }
0x75: {  	_ =	shalt  }
0x76: {  	_ =	shalt  }
0x77: {  	_ =	shalt  }
0x78: {  	_ =	shalt  }
0x79: {  	_ =	shalt  }
0x7a: {  	_ =	shalt  }
0x7b: {  	_ =	shalt  }
0x7c: {  	_ =	shalt  }
0x7d: {  	_ =	shalt  }
0x7e: {  	_ =	shalt  }
0x7f: {  	_ =	shalt  }
0x80: {  	_ =	shalt  }
0x81: {  	_ =	shalt  }
0x82: {  	_ =	shalt  }
0x83: {  	_ =	shalt  }
0x84: {  	_ =	shalt  }
0x85: {  	_ =	shalt  }
0x86: {  	_ =	shalt  }
0x87: {  	_ =	shalt  }
.Lfunc_end0:
.L_simem_size_0:
called_computation_lowered:
.L_overlay_start_0:
0x88: {  	s2 =	sld [smem:$0x3FD9]  }
0x89: {  	s3 =	sld [smem:$0x3FFE];
	_ =	sdelay $0x1  }
0x8a: {  	s1 =	srdreg.scid  }
0x8b: {  	s0 =	sand.u32 $0x1, s1  }
0x8c: {  	s16 =	sshll.u32 s0, $0xA;
	s2 =	sadd.s32 s3, s2  }
0x8d: {  	s2 =	sadd.s32 s2, s16  }
0x8e: {  	[smem:$0x3FBF] =	sst s2  }
0x8f: {  	_ = 	snop  }
0x90: {  	(tm) =	ssettm $0x1  }
0x91: {  	s17 =	sld [smem:$0x3FFB];
	_ =	sdelay $0x3  }
0x92: {  	_ =	strace s17  }
0x93: {  	s2 =	sld [smem:$0x3FFC];
	_ =	sdelay $0x3  }
0x94: {  	_ =	strace s2  }
0x95: {  	s2 =	sld [smem:$0x3FFD];
	_ =	sdelay $0x3  }
0x96: {  	_ =	strace s2  }
0x97: {  	_ =	strace $0x8FFFFFFF  }
0x98: {  	s18 =	sld [smem:$0x3FDB];
	_ =	sdelay $0x1  }
0x99: {  	s19 =	simm.s32 $_scs_section_size  }
0x9a: {  	s4 =	simm.s32 $_size__tile_overlayer_lowered;
	s5 =	simm.s32 $_tile_overlayer_lowered  }
0x9b: {  	s22 =	simm.s32 $0x1BFF;
	s21 =	sshll.u32 s5, $0x1;
	s2 =	sadd.s32 s19, s18  }
0x9c: {  	s6 =	simm.s32 $0x0;
	s20 =	sshll.u32 s4, $0x1;
	s4 =	sadd.s32 s21, s2  }
0x9d: {  	[timem:s6], [sflag:s22] =	dma.local [hbm:s4], s20  }
0x9e: {  	_ =	swait.ge [sflag:s22], s20  }
0x9f: {  	s3 =	ssub.s32 $0x0, s20;
	[sflag:s22] =	ssyncset.done $0x0  }
0xa0: {  	[sflag:s22] =	ssyncadd.s32 s3;
	_ =	sdelay $0x1  }
0xa1: {  	s23 =	simm.s32 $0x1B8B  }
0xa2: {  	_ =	swait.ge [sflag:s23], $0x1  }
0xa3: {  	[sflag:s23] =	ssyncset.done $0x0  }
0xa4: {  	s25 =	simm.s32 $0x1B8E;
	s24 =	sld [smem:$0x3FFE];
	[sflag:s23] =	ssyncadd.s32 $0xFFFFFFFF  }
0xa5: {  	s26 =	simm.s32 $execute0_lowered;
	[smem:$0x3FD2] =	sst s25  }
0xa6: {  	s4 =	sshll.u32 s26, $0x1;
	_ =	strace $0x80000046;
	[dreg:$0x1] =	wrdreg $0xFFFFFFFF  }
0xa7: {  	s28 =	simm.s32 $_size_execute0_lowered;
	s2 =	sadd.s32 s2, s4;
	[dreg:$0x0] =	wrdreg $0x0  }
0xa8: {  	s4 =	sshll.u32 s28, $0x1;
	[dreg:$0x2] =	wrdreg s2  }
0xa9: {  	[dreg:$0x3] =	wrdreg s4  }
0xaa: {  	[dreg:$0x4] =	wrdreg $0xC0  }
0xab: {  	_ =	task [dreg:s6], $0x5FFFF  }
0xac: {  	[dreg:$0x1] =	wrdreg $0xFFFFFFFF  }
0xad: {  	[dreg:$0x0] =	wrdreg $0x60  }
0xae: {  	[dreg:$0x2] =	wrdreg s24  }
0xaf: {  	[dreg:$0x3] =	wrdreg $0x50800  }
0xb0: {  	[dreg:$0x4] =	wrdreg $0x9  }
0xb1: {  	_ =	task.clear_ibuf [dreg:s6], $0x5FFFF;
	_ =	strace $0x90000046  }
0xb2: {  	s29 =	simm.s32 $0x9;
	_ =	strace $0x80000048  }
0xb3: {  	_ =	swait.ge [sflag:s29], $0x1  }
0xb4: {  	[sflag:s29] =	ssyncadd.s32 $0xFFFFFFFF  }
0xb5: {  	_ =	strace $0x90000048  }
0xb6: {  	_ =	sfence  }
0xb7: {  	s30 =	sld [smem:$0x0];
	_ =	sdelay $0x2  }
0xb8: {  	s31 =	sshll.u32 s1, $0xD;
	s1 =	sshrl.u32 s1, $0x2  }
0xb9: {  	s3 =	sand.u32 $0x4000, s31;
	s1 =	sadd.s32 s1, s30  }
0xba: {  	s0 =	sor.u32 s3, s0;
	s1 =	sshll.u32 s1, $0x11  }
0xbb: {  	s0 =	sor.u32 s1, s0  }
0xbc: {  	s0 =	sadd.s32 $0x8F2B, s0  }
0xbd: {  	[sflag:s0] =	ssyncadd.remote.s32 $0x1  }
0xbe: {  	_ =	sfence.sel $0xFFFF  }
0xbf: {  	[dreg:$0x0] =	wrdreg $0xFFFFFFFF;
	(pc) =	sbr.abs _section_cstart, $3  }
0xc0: {  	[dreg:$0x1] =	wrdreg $0xFFFFFFFF  }
0xc1: {  	_ =	task.clear_ibuf [dreg:s6], $0x2FFFF;
	_ =	strace $0x9FFFFFFF  }
0xc2: {  	(tm) =	ssettm $0x7FFFFFFF  }
0xc3: {  	_ =	shalt  }
tec
execute0_lowered:
.L_overlay_start_1:
0x0: {  	(tag) =	ssettag $0x1  }
0x1: {  	s6 =	rddreg [dreg:$0x0];
	s0 =	srdreg.scid  }
0x2: {  	s1 =	rddreg [dreg:$0x1];
	s9 =	stileid.u32  }
0x3: {  	s2 =	simm.s32 $0x0;
	s12 =	simm.s32 $0x50;
	s13 =	simm.s32 $0x0  }
0x4: {  	s4 =	sand.u32 $0x1, s0;
	s0 =	rddreg [dreg:$0x2];
	s5 =	sshrl.u32 s9, $0x1  }
0x5: {  	s30 =	sand.u32 $0x1, s9;
	[smem:$0x7FF] =	sst s2;
	s3 =	sshll.u32 s4, $0x3  }
0x6: {  	p0 =	seq.s32 s30, $0x1;
	_ =	strace $0x80000047;
	s31 =	smul.u32 $0x500, s4  }
0x7: {  	s8 =	ssub.s32 $0x2, s4;
	s4 =	sadd.s32 $0xC000, s6;
	s3 =	sor.u32 s5, s3  }
0x8: {  	s5 =	simm.s32 $0x2800;
	s11 =	sshrl.u32 s8, $0x1;
	s7 =	smul.u32 $0x5000, s3  }
0x9: {  	s5 =	simm.s32 @!p0 $0x0;
	s3 =	simm.s32 $0x2800;
	s8 =	ssub.s32 s8, s11  }
0xa: {  	p0 =	sne.s32 s9, $0x0;
	s9 =	simm.s32 $0x1;
	s5 =	sadd.s32 s5, s7  }
0xb: {  	s8 =	smax.u32 s8, $0x1;
	s7 =	sadd.s32 s31, s6;
	s5 =	sshrl.u32 s5, $0x3  }
0xc: {  	s11 =	sshrl.u32 @!p0 s1, $0x3;
	s7 =	sadd.s32 $0xEA00, s7;
	s10 =	sadd.s32 s5, s6  }
0xd: {  	v0 =	vimm.f32 $0.0e+00;
	v1 =	vimm.f32 $1.000000000e+00;
	s5 =	sadd.s32 $0xC200, s6;
	s6 =	sadd.s32 $0x2000, s10;
	s10 =	simm.s32 $0x5000  }
.LBB2_1:
0xe: {  	s14 =	simm.s32 $0x0;
	s15 =	simm.s32 $0x200  }
.LBB2_2:
0xf: {  	p1 =	sne.s32 s15, $0x9E00;
	[tilespmem:s14+$0x2870] =	vst v0  }
0x10: {  	[tilespmem:s14+$0x2800] =	vst v0  }
0x11: {  	[tilespmem:s14+$0x2810] =	vst v0  }
.Ltmp0:
0x12: {  	[tilespmem:s14+$0x2820] =	vst v0;
	(pc) =	sbr.rel @p1 .LBB2_2-.Ltmp0, $4  }
0x13: {  	[tilespmem:s14+$0x2830] =	vst v0  }
0x14: {  	[tilespmem:s14+$0x2840] =	vst v0  }
0x15: {  	[tilespmem:s14+$0x2850] =	vst v0  }
0x16: {  	[tilespmem:s14+$0x2860] =	vst v0;
	s14 =	sshra.s32 s15, $0x2;
	s15 =	sadd.s32 $0x200, s15  }
0x17: {  	[tilespmem:s14+$0x2870] =	vst v0  }
0x18: {  	[tilespmem:s14+$0x2800] =	vst v0  }
0x19: {  	[tilespmem:s14+$0x2810] =	vst v0  }
0x1a: {  	[tilespmem:s14+$0x2820] =	vst v0  }
0x1b: {  	[tilespmem:s14+$0x2830] =	vst v0  }
0x1c: {  	[tilespmem:s14+$0x2840] =	vst v0  }
0x1d: {  	[tilespmem:s14+$0x2850] =	vst v0  }
0x1e: {  	[tilespmem:s14+$0x2860] =	vst v0  }
0x1f: {  	[tilespmem:s2], [sflag:$0x1] =	stream.linear.gather [hbm4b:s6+s2], $0x2800, $0x38;
	[tilespmem:$0x5300] =	vst v63  }
0x20: {  	_ =	swait.ge [sflag:s9], $0x2800  }
0x21: {  	[sflag:s9] =	ssyncset.done $0x0  }
0x22: {  	[sflag:s9] =	ssyncadd.s32 $0xFFFFD800  }
0x23: {  	[tilespmem:s10], [sflag:$0x1] =	stream.linear.gather [hbm4b:s4+s2], $0x80, $0x38;
	[tilespmem:$0x5300] =	vst v63  }
0x24: {  	_ =	swait.ge [sflag:s9], $0x80  }
0x25: {  	[sflag:s9] =	ssyncset.done $0x0  }
0x26: {  	s14 =	simm.s32 @!p0 $0x1C01;
	[sflag:s9] =	ssyncadd.s32 $0xFFFFFF80  }
0x27: {  	[spmem:s11], [sflag:s14] =	dma.local @!p0 [hbm:s5], $0x500  }
0x28: {  	s14 =	simm.s32 @!p0 $0x1  }
0x29: {  	_ =	swait.ge @!p0 [sflag:s14], $0x500  }
0x2a: {  	[sflag:s14] =	ssyncset.done @!p0 $0x0  }
0x2b: {  	[sflag:s14] =	ssyncadd.s32 @!p0 $0xFFFFFB00;
	s14 =	simm.s32 $0x0  }
.LBB2_4:
0x2c: {  	s15 =	sshra.s32 s14, $0x2  }
0x2d: {  	v2 =	vld [tilespmem:s15+$0x0];
	_ =	sdelay $0x7  }
0x2e: {  	[tilespmem:v2+s3+$0x0] =	vst.idx.add.f32.msk $0xffff, v1  }
0x2f: {  	v2 =	vld [tilespmem:s15+$0x10];
	_ =	sdelay $0x7  }
0x30: {  	[tilespmem:v2+s3+$0x0] =	vst.idx.add.f32.msk $0xffff, v1  }
0x31: {  	v2 =	vld [tilespmem:s15+$0x20];
	_ =	sdelay $0x7  }
0x32: {  	[tilespmem:v2+s3+$0x0] =	vst.idx.add.f32.msk $0xffff, v1  }
0x33: {  	v2 =	vld [tilespmem:s15+$0x30];
	_ =	sdelay $0x7  }
0x34: {  	[tilespmem:v2+s3+$0x0] =	vst.idx.add.f32.msk $0xffff, v1  }
0x35: {  	v2 =	vld [tilespmem:s15+$0x40];
	_ =	sdelay $0x7  }
0x36: {  	[tilespmem:v2+s3+$0x0] =	vst.idx.add.f32.msk $0xffff, v1  }
0x37: {  	v2 =	vld [tilespmem:s15+$0x50];
	_ =	sdelay $0x7  }
0x38: {  	[tilespmem:v2+s3+$0x0] =	vst.idx.add.f32.msk $0xffff, v1  }
0x39: {  	v2 =	vld [tilespmem:s15+$0x60];
	_ =	sdelay $0x7  }
0x3a: {  	[tilespmem:v2+s3+$0x0] =	vst.idx.add.f32.msk $0xffff, v1  }
0x3b: {  	v2 =	vld [tilespmem:s15+$0x70];
	_ =	sdelay $0x2  }
0x3c: {  	p1 =	sne.s32 s14, $0x9E00  }
.Ltmp1:
0x3d: {  	_ = 	snop;
	(pc) =	sbr.rel @p1 .LBB2_4-.Ltmp1, $2  }
0x3e: {  	_ =	sdelay $0x2  }
0x3f: {  	s14 =	sadd.s32 $0x200, s14;
	[tilespmem:v2+s3+$0x0] =	vst.idx.add.f32.msk $0xffff, v1  }
0x40: {  	[bflag:$0x0] =	sbarrier.arrive $0xFFFF  }
0x41: {  	[spmem:s1] =	stream.indirect.scatter.add.f32 [tilespmem:s3], [sflag:$0x1], $0x80, s10, s12, $0xb8;
	[tilespmem:$0x5300] =	vst v63  }
0x42: {  	_ =	swait.ge [sflag:s9], $0x2800  }
0x43: {  	[sflag:s9] =	ssyncset.done $0x0  }
0x44: {  	s13 =	sadd.s32 $0x1, s13;
	[sflag:s9] =	ssyncadd.s32 $0xFFFFD800  }
0x45: {  	s14 =	simm.s32 @!p0 $0x1C01;
	p1 =	sne.s32 s13, s8;
	[bflag:$0x0] =	sbarrier.arrive $0xFFFF  }
0x46: {  	[hbm:s7], [sflag:s14] =	dma.local @!p0 [spmem:s11], $0x500  }
.Ltmp2:
0x47: {  	_ = 	snop;
	(pc) =	sbr.rel @p1 .LBB2_1-.Ltmp2, $4  }
0x48: {  	s14 =	simm.s32 @!p0 $0x1  }
0x49: {  	_ =	swait.ge @!p0 [sflag:s14], $0x500  }
0x4a: {  	[sflag:s14] =	ssyncset.done @!p0 $0x0  }
0x4b: {  	[sflag:s14] =	ssyncadd.s32 @!p0 $0xFFFFFB00  }
0x4c: {  	_ =	sfence.sel $0x180000  }
0x4d: {  	[bflag:$0x0] =	sbarrier.arrive $0xFFFF  }
0x4e: {  	_ =	strace $0x90000047  }
0x4f: {  	s0 =	sadd.s32 @!p0 $0x100000, s0;
	[bflag:$0x2] =	sbarrier.arrive $0xFFFF  }
0x50: {  	[sflag:s0] =	ssyncadd.tile.s32 @!p0 $0x1;
	_ =	shalt  }
.Lfunc_end2:
_tile_overlayer_lowered:
.L_overlay_start_2:
0x51: {  	(tag) =	ssettag $0x2  }
0x52: {  	s0 =	rddreg [dreg:$0x0];
	s2 =	stileid.u32  }
0x53: {  	s1 =	rddreg [dreg:$0x1];
	p0 =	sne.s32 s2, $0x0  }
0x54: {  	s3 =	rddreg [dreg:$0x2];
	[bflag:$0x3] =	sbarrier.arrive $0xFFFF;
	s2 =	simm.s32 @!p0 $0x1C01  }
0x55: {  	[timem:s3], [sflag:s2] =	dma.local @!p0 [hbm:s0], s1  }
0x56: {  	s0 =	simm.s32 @!p0 $0x1  }
0x57: {  	_ =	swait.ge @!p0 [sflag:s0], s1  }
0x58: {  	s1 =	ssub.s32 @!p0 $0x0, s1;
	[sflag:s0] =	ssyncset.done @!p0 $0x0  }
0x59: {  	[sflag:s0] =	ssyncadd.s32 @!p0 s1  }
0x5a: {  	[bflag:$0x3] =	sbarrier.arrive $0xFFFF  }
0x5b: {  	_ =	shalt  }

</sc_bundles>
